<compile_context>
chip_gen: v7x
topology: tpu7x:2x2x1
jax: 0.10.2.dev20260603
libtpu: 0.0.44.dev20260713+nightly
codegen_flags: <defaults>
</compile_context>

<pallas_src>
import functools

import jax
import jax.numpy as jnp
from jax import lax
from jax.experimental import pallas as pl
from jax.experimental.pallas import tpu as pltpu
from jax.experimental.pallas import tpu_sc as plsc

_N = 20000
_NP = 20480
_ROWS = _NP // 128
_RADIUS = 1.0
_OCC = 0.5
_BIG_I = 2**30
_INF = float("inf")

_NX, _NY, _NZ = 20, 10, 10
_NCELL = _NX * _NY * _NZ
_NOFFS = 2048

_K = 12
_NSUB = 16
_TPW = _NP // _NSUB
_BLK = 256


def _bcast(x):
    return jnp.full((16,), x)


def _ifloor(v):
    i = v.astype(jnp.int32)
    return i - (i.astype(jnp.float32) > v).astype(jnp.int32)


def _sc_match_body(
    spx_h, spy_h, spz_h, spp_h, offs_h, tx_h, ty_h, tz_h,
    od2_h, opp_h, otk_h,
    vpx, vpy, vpz, vpp, voffs, vtx, vty, vtz,
    vcd2, vcidx, vcnt, vod2, vopp, votk,
    scd2, scidx, scnt,
):
    cid = lax.axis_index("c")
    sid = lax.axis_index("s")
    lane = lax.broadcasted_iota(jnp.int32, (16,), 0)

    def cell_ranges(txs, tys, tzs):
        ixs = _ifloor(txs)
        xlo = jnp.maximum(ixs - 1, 0)
        xhi = jnp.minimum(ixs + 1, _NX - 1)
        ylo = jnp.clip(_ifloor((tys - 1.0) * 0.5), 0, _NY - 1)
        yhi = jnp.clip(_ifloor((tys + 1.0) * 0.5), 0, _NY - 1)
        zlo = jnp.clip(_ifloor((tzs - 1.0) * 0.5), 0, _NZ - 1)
        zhi = jnp.clip(_ifloor((tzs + 1.0) * 0.5), 0, _NZ - 1)
        return xlo, xhi, ylo, yhi, zlo, zhi

    def run_bounds(yc, zc, xlo, xhi, enable):
        rowb = _NX * yc + (_NX * _NY) * zc
        start = jnp.min(plsc.load_gather(voffs, [_bcast(rowb + xlo)]))
        end = jnp.min(plsc.load_gather(voffs, [_bcast(rowb + xhi + 1)]))
        end = jnp.where(enable, end, start)
        return start, end

    def gather_d2(cidx, msk, txv, tyv, tzv, a2v):
        gpp = plsc.load_gather(vpp, [cidx], mask=msk)
        gx = plsc.load_gather(vpx, [cidx], mask=msk)
        gy = plsc.load_gather(vpy, [cidx], mask=msk)
        gz = plsc.load_gather(vpz, [cidx], mask=msk)
        gb2 = gx * gx + gy * gy + gz * gz
        d2 = a2v + gb2 - 2.0 * (gx * txv + gy * tyv + gz * tzv)
        ok = msk & (gpp >= _OCC) & (d2 <= _RADIUS * _RADIUS)
        return d2, ok

    def minscan(txs, tys, tzs, txv, tyv, tzv, a2v):
        xlo, xhi, ylo, yhi, zlo, zhi = cell_ranges(txs, tys, tzs)
        yok = yhi > ylo
        zok = zhi > zlo

        def scan_run(carry, yc, zc, enable):
            start, end = run_bounds(yc, zc, xlo, xhi, enable)
            nch = (end - start + 15) // 16

            def cstep(t, c2):
                bd2, bidx = c2
                cidx = start + t * 16 + lane
                msk = cidx < end
                d2, ok = gather_d2(cidx, msk, txv, tyv, tzv, a2v)
                d2w = jnp.where(ok, d2, jnp.float32(_INF))
                better = (d2w < bd2) | ((d2w == bd2) & (cidx < bidx))
                return (jnp.where(better, d2w, bd2),
                        jnp.where(better, cidx, bidx))

            return lax.fori_loop(0, nch, cstep, carry)

        t_ = jnp.bool_(True)
        carry = (_bcast(jnp.float32(_INF)), _bcast(jnp.int32(_BIG_I)))
        carry = scan_run(carry, ylo, zlo, t_)
        carry = scan_run(carry, yhi, zlo, yok)
        carry = scan_run(carry, ylo, zhi, zok)
        carry = scan_run(carry, yhi, zhi, yok & zok)
        bd2, bidx = carry
        m = jnp.min(bd2)
        j = jnp.min(jnp.where(bd2 == m, bidx, jnp.int32(_BIG_I)))
        return m, j

    def load_true_block(base):
        sl = pl.ds(base, _BLK)
        pltpu.sync_copy(tx_h.at[sl], vtx)
        pltpu.sync_copy(ty_h.at[sl], vty)
        pltpu.sync_copy(tz_h.at[sl], vtz)

    lanec = jnp.minimum(lane, _K - 1)

    @pl.when(cid == 0)
    def _phase_a():
        pltpu.sync_copy(spx_h, vpx)
        pltpu.sync_copy(spy_h, vpy)
        pltpu.sync_copy(spz_h, vpz)
        pltpu.sync_copy(spp_h, vpp)
        pltpu.sync_copy(offs_h, voffs)
        nocc = jnp.min(plsc.load_gather(voffs, [_bcast(_NOFFS - 1)]))

        def a_block(blk, _):
            base = sid * _TPW + blk * _BLK

            @pl.when(base < nocc)
            def _():
                a_block_body(blk, base)
            return 0

        def a_block_body(blk, base):
            load_true_block(base)

            def init_step(t, _):
                plsc.store_scatter(
                    vcd2, [t * 16 + lane], _bcast(jnp.float32(_INF)))
                plsc.store_scatter(vcidx, [t * 16 + lane], _bcast(0))
                return 0

            lax.fori_loop(0, _BLK * _K // 16, init_step, 0)

            def collect_step(k, _):
                kv = _bcast(k)
                txv = plsc.load_gather(vtx, [kv])
                tyv = plsc.load_gather(vty, [kv])
                tzv = plsc.load_gather(vtz, [kv])
                txs = jnp.min(txv)
                tys = jnp.min(tyv)
                tzs = jnp.min(tzv)
                occ = (base + k) < nocc
                a2v = txv * txv + tyv * tyv + tzv * tzv
                xlo, xhi, ylo, yhi, zlo, zhi = cell_ranges(txs, tys, tzs)
                yok = yhi > ylo
                zok = zhi > zlo
                bbase = k * _K

                def coll_run(nfill, yc, zc, enable):
                    start, end = run_bounds(yc, zc, xlo, xhi, enable)
                    nch = (end - start + 15) // 16

                    def cstep(t, nf):
                        cidx = start + t * 16 + lane
                        msk = cidx < end
                        d2, ok = gather_d2(cidx, msk, txv, tyv, tzv, a2v)
                        oki = ok.astype(jnp.int32)
                        pos = nf + plsc.cumsum(oki) - 1
                        smask = ok & (pos < _K)
                        plsc.store_scatter(vcd2, [bbase + pos], d2,
                                           mask=smask)
                        plsc.store_scatter(vcidx, [bbase + pos], cidx,
                                           mask=smask)
                        return nf + jnp.sum(oki)

                    return lax.fori_loop(0, nch, cstep, nfill)

                nfill = jnp.int32(0)
                nfill = coll_run(nfill, ylo, zlo, occ)
                nfill = coll_run(nfill, yhi, zlo, occ & yok)
                nfill = coll_run(nfill, ylo, zhi, occ & zok)
                nfill = coll_run(nfill, yhi, zhi, occ & yok & zok)
                plsc.store_scatter(vcnt, [kv], _bcast(nfill),
                                   mask=lane == 0)
                return 0

            lax.fori_loop(0, _BLK, collect_step, 0)
            gbase = sid * _TPW + blk * _BLK
            pltpu.sync_copy(vcd2, scd2.at[pl.ds(gbase * _K, _BLK * _K)])
            pltpu.sync_copy(vcidx, scidx.at[pl.ds(gbase * _K, _BLK * _K)])
            pltpu.sync_copy(vcnt, scnt.at[pl.ds(gbase, _BLK)])
            return 0

        lax.fori_loop(0, _TPW // _BLK, a_block, 0)

    plsc.subcore_barrier()

    @pl.when((cid == 0) & (sid == 0))
    def _phase_b():
        nocc = jnp.min(plsc.load_gather(voffs, [_bcast(_NOFFS - 1)]))

        def b_block(ch, _):
            @pl.when(ch * _BLK < nocc)
            def _():
                b_block_body(ch)
            return 0

        def b_block_body(ch):
            csl = pl.ds(ch * _BLK, _BLK)
            pltpu.sync_copy(scd2.at[pl.ds(ch * _BLK * _K, _BLK * _K)], vcd2)
            pltpu.sync_copy(scidx.at[pl.ds(ch * _BLK * _K, _BLK * _K)],
                            vcidx)
            pltpu.sync_copy(scnt.at[csl], vcnt)
            load_true_block(ch * _BLK)

            def b_step(k, _):
                kv = _bcast(k)

                def occ_work():
                    cnts = jnp.min(plsc.load_gather(vcnt, [kv]))
                    cd2v = plsc.load_gather(vcd2, [k * _K + lanec])
                    cidxv = plsc.load_gather(vcidx, [k * _K + lanec])
                    gpp = plsc.load_gather(vpp, [cidxv])
                    avail = gpp >= _OCC
                    d2w = jnp.where(avail, cd2v, jnp.float32(_INF))

                    def quick():
                        m0 = jnp.min(d2w)
                        tie = d2w == m0
                        j0 = jnp.min(
                            jnp.where(tie, cidxv, jnp.int32(_BIG_I)))
                        pj = jnp.max(
                            jnp.where(tie & (cidxv == j0), gpp,
                                      jnp.float32(-_INF)))
                        return m0, j0, pj

                    def fb():
                        txv = plsc.load_gather(vtx, [kv])
                        tyv = plsc.load_gather(vty, [kv])
                        tzv = plsc.load_gather(vtz, [kv])
                        a2v = txv * txv + tyv * tyv + tzv * tzv
                        m, j = minscan(
                            jnp.min(txv), jnp.min(tyv), jnp.min(tzv),
                            txv, tyv, tzv, a2v)
                        jvf = _bcast(jnp.where(m < jnp.float32(_INF), j, 0))
                        pj = jnp.max(plsc.load_gather(vpp, [jvf]))
                        return m, j, pj

                    m, j, ppjs = lax.cond(cnts > _K, fb, quick)
                    anyv = m < jnp.float32(_INF)
                    jv = _bcast(jnp.where(anyv, j, 0))
                    lane0 = lane == 0
                    av = _bcast(anyv)
                    plsc.store_scatter(vpp, [jv], _bcast(ppjs - 2.0),
                                       mask=lane0 & av)
                    plsc.store_scatter(vod2, [kv],
                                       _bcast(jnp.where(anyv, m, 0.0)),
                                       mask=lane0 & av)
                    plsc.store_scatter(vopp, [kv],
                                       _bcast(jnp.where(anyv, ppjs, 0.0)),
                                       mask=lane0 & av)
                    plsc.store_scatter(votk, [kv], _bcast(jnp.float32(1.0)),
                                       mask=lane0 & av)

                pl.when(ch * _BLK + k < nocc)(occ_work)
                return 0

            lax.fori_loop(0, _BLK, b_step, 0)
            pltpu.sync_copy(vod2, od2_h.at[csl])
            pltpu.sync_copy(vopp, opp_h.at[csl])
            pltpu.sync_copy(votk, otk_h.at[csl])

        lax.fori_loop(0, _NP // _BLK, b_block, 0)


def _sc_match(spx, spy, spz, spp, offs, tcx, tcy, tcz):
    mesh = plsc.VectorSubcoreMesh(core_axis_name="c", subcore_axis_name="s")
    f = pl.kernel(
        _sc_match_body,
        out_type=(
            jax.ShapeDtypeStruct((_NP,), jnp.float32),
            jax.ShapeDtypeStruct((_NP,), jnp.float32),
            jax.ShapeDtypeStruct((_NP,), jnp.float32),
        ),
        mesh=mesh,
        compiler_params=pltpu.CompilerParams(needs_layout_passes=False),
        scratch_types=(
            pltpu.VMEM((_NP,), jnp.float32),
            pltpu.VMEM((_NP,), jnp.float32),
            pltpu.VMEM((_NP,), jnp.float32),
            pltpu.VMEM((_NP,), jnp.float32),
            pltpu.VMEM((_NOFFS,), jnp.int32),
            pltpu.VMEM((_BLK,), jnp.float32),
            pltpu.VMEM((_BLK,), jnp.float32),
            pltpu.VMEM((_BLK,), jnp.float32),
            pltpu.VMEM((_BLK * _K,), jnp.float32),
            pltpu.VMEM((_BLK * _K,), jnp.int32),
            pltpu.VMEM((_BLK,), jnp.int32),
            pltpu.VMEM((_BLK,), jnp.float32),
            pltpu.VMEM((_BLK,), jnp.float32),
            pltpu.VMEM((_BLK,), jnp.float32),
            pltpu.VMEM_SHARED((_NP * _K,), jnp.float32),
            pltpu.VMEM_SHARED((_NP * _K,), jnp.int32),
            pltpu.VMEM_SHARED((_NP,), jnp.int32),
        ),
    )
    return f(spx, spy, spz, spp, offs, tcx, tcy, tcz)


def _loss_body(od2_ref, opp_ref, otk_ref, tcp_ref, vm_ref, tp_ref, out_ref):
    vm = vm_ref[...] > 0.0
    zero = jnp.float32(0.0)
    od2 = jnp.where(vm, od2_ref[...], zero)
    opp = jnp.where(vm, opp_ref[...], zero)
    otk = jnp.where(vm, otk_ref[...], zero)
    tcp = jnp.where(vm, tcp_ref[...], zero)
    tp = tp_ref[...]
    nm = jnp.sum(otk)
    sumd = jnp.sum(otk * jnp.sqrt(od2))
    dp = tcp - opp
    sump = jnp.sum(otk * dp * dp)
    nto = jnp.sum(jnp.where(tp >= _OCC, 1.0, 0.0))
    unm = nto - nm
    nan = jnp.float32(jnp.nan)
    mean_d = jnp.where(nm > 0, sumd / nm, nan)
    mean_p = jnp.where(nm > 0, sump / nm, nan)
    loss = mean_d + _RADIUS * 10.0 * unm + mean_p + unm
    out_ref[...] = jnp.broadcast_to(loss, (8, 128))


def kernel(pred_cloud, true_cloud):
    pred_cloud = pred_cloud.astype(jnp.float32)
    true_cloud = true_cloud.astype(jnp.float32)

    ppad = jnp.full((_NP - _N, 4), 0.0, jnp.float32).at[:, 3].set(-1.0)
    pc = jnp.concatenate([pred_cloud, ppad], axis=0)
    tc = jnp.concatenate([true_cloud, ppad], axis=0)

    px, py, pz, pp = pc[:, 0], pc[:, 1], pc[:, 2], pc[:, 3]
    ix = jnp.clip(jnp.floor(px).astype(jnp.int32), 0, _NX - 1)
    iy = jnp.clip(jnp.floor(py * 0.5).astype(jnp.int32), 0, _NY - 1)
    iz = jnp.clip(jnp.floor(pz * 0.5).astype(jnp.int32), 0, _NZ - 1)
    cell = ix + _NX * iy + (_NX * _NY) * iz
    cell = jnp.where(jnp.arange(_NP) < _N, cell, _NCELL)
    order = jnp.argsort(cell, stable=True)
    spx, spy, spz, spp = px[order], py[order], pz[order], pp[order]
    counts = jnp.zeros((_NOFFS - 1,), jnp.int32).at[cell].add(1)
    offs = jnp.concatenate(
        [jnp.zeros((1,), jnp.int32), jnp.cumsum(counts)]
    ).astype(jnp.int32)

    tx, ty, tz, tp = tc[:, 0], tc[:, 1], tc[:, 2], tc[:, 3]

    occm = tp >= _OCC
    nocc = jnp.sum(occm.astype(jnp.int32))
    cpos = jnp.cumsum(occm.astype(jnp.int32)) - 1
    tocc = jnp.zeros((_NP,), jnp.int32).at[
        jnp.where(occm, cpos, _NP)
    ].set(jnp.arange(_NP, dtype=jnp.int32), mode="drop")
    tcx, tcy, tcz, tcp = tx[tocc], ty[tocc], tz[tocc], tp[tocc]
    offs = offs.at[_NOFFS - 1].set(nocc)
    vm = (jnp.arange(_NP, dtype=jnp.int32) < nocc).astype(jnp.float32)

    od2, opp, otk = _sc_match(spx, spy, spz, spp, offs, tcx, tcy, tcz)

    out = pl.pallas_call(
        _loss_body,
        out_shape=jax.ShapeDtypeStruct((8, 128), jnp.float32),
    )(
        od2.reshape(_ROWS, 128),
        opp.reshape(_ROWS, 128),
        otk.reshape(_ROWS, 128),
        tcp.reshape(_ROWS, 128),
        vm.reshape(_ROWS, 128),
        tp.reshape(_ROWS, 128),
    )
    return out[0, 0]

# --- scband reference (transcript-rebuilt; emitter-appended) ---
"""Pipeline reference for scband-spatial-prob-loss-52510270161367 (READ-ONLY COPY).

The authoritative reference and input builder live on the scoring server;
editing this copy changes nothing except your own understanding.
"""

import jax, jax.numpy as jnp
import numpy as np

OCC_THR = 0.5
RADIUS = 1.0
N = 20000
SCALE = 20.0


def _greedy_match(true_xyz, pred_xyz, max_distance):
    # numpy greedy matching, faithful to the torch loop (indices are integer
    # outputs, non-differentiable, so host computation is exact).
    true_xyz = np.asarray(true_xyz, dtype=np.float32)
    pred_xyz = np.asarray(pred_xyz, dtype=np.float32)
    a2 = np.sum(true_xyz * true_xyz, axis=1)[:, None]
    b2 = np.sum(pred_xyz * pred_xyz, axis=1)[None, :]
    d2 = a2 + b2 - 2.0 * (true_xyz @ pred_xyz.T)
    dists = np.sqrt(np.maximum(d2, 0.0))
    valid_mask = dists <= max_distance
    dists = np.where(valid_mask, dists, np.inf).astype(np.float32)
    mt, mp = [], []
    for i in range(dists.shape[0]):
        if valid_mask[i].any():
            j = int(np.argmin(dists[i]))
            if np.isfinite(dists[i, j]):
                mt.append(i)
                mp.append(j)
                dists[:, j] = np.inf
    return np.asarray(mt, dtype=np.int64), np.asarray(mp, dtype=np.int64)


def setup_inputs(seed: int = 0) -> dict:
    key = jax.random.key(seed)
    k1, k2, k3, k4 = jax.random.split(key, 4)
    pred_xyz = jax.random.uniform(k1, (N, 3), dtype=jnp.float32) * SCALE
    pred_p = jax.random.uniform(k2, (N, 1), dtype=jnp.float32)
    true_xyz = jax.random.uniform(k3, (N, 3), dtype=jnp.float32) * SCALE
    true_p = jax.random.uniform(k4, (N, 1), dtype=jnp.float32)
    pred_cloud = jnp.concatenate([pred_xyz, pred_p], axis=1)
    true_cloud = jnp.concatenate([true_xyz, true_p], axis=1)
    return {"pred_cloud": pred_cloud, "true_cloud": true_cloud}


def reference(pred_cloud, true_cloud):
    n_pred = pred_cloud.shape[0]
    n_true = true_cloud.shape[0]
    pred_xyz = pred_cloud[:, :3]
    true_xyz = true_cloud[:, :3]
    pred_occ = pred_cloud[:, 3] >= OCC_THR
    true_occ = true_cloud[:, 3] >= OCC_THR

    a2 = jnp.sum(true_xyz * true_xyz, axis=1)
    b2 = jnp.sum(pred_xyz * pred_xyz, axis=1)

    def body(i, state):
        used, match_j = state
        row_d2 = a2[i] + b2 - 2.0 * jnp.dot(
            pred_xyz, true_xyz[i], precision=jax.lax.Precision.HIGHEST
        )
        row = jnp.sqrt(jnp.maximum(row_d2, 0.0))
        valid = pred_occ & (~used) & (row <= RADIUS)
        row_inf = jnp.where(valid, row, jnp.inf)
        j = jnp.argmin(row_inf)
        take = true_occ[i] & jnp.any(valid)
        used = used.at[j].set(used[j] | take)
        match_j = match_j.at[i].set(jnp.where(take, j.astype(jnp.int32), -1))
        return used, match_j

    used0 = jnp.zeros((n_pred,), dtype=bool)
    mj0 = jnp.full((n_true,), -1, dtype=jnp.int32)
    used, match_j = jax.lax.fori_loop(0, n_true, body, (used0, mj0))

    matched = match_j >= 0
    num_matched = jnp.sum(matched)
    num_true_occ = jnp.sum(true_occ)
    num_unmatched = num_true_occ - num_matched

    jj = jnp.where(matched, match_j, 0)
    matched_d = jnp.linalg.norm(true_xyz - pred_xyz[jj], axis=-1)
    prob_sq = (true_cloud[:, 3] - pred_cloud[jj, 3]) ** 2

    pos = jnp.cumsum(matched.astype(jnp.int32)) - 1
    pos = jnp.where(matched, pos, n_true)
    d_comp = jnp.zeros((n_true,), dtype=jnp.float32).at[pos].set(
        jnp.where(matched, matched_d, 0.0), mode="drop"
    )
    p_comp = jnp.zeros((n_true,), dtype=jnp.float32).at[pos].set(
        jnp.where(matched, prob_sq, 0.0), mode="drop"
    )
    nm = num_matched.astype(jnp.float32)
    mean_d = jnp.sum(d_comp) / nm
    mean_p = jnp.sum(p_comp) / nm
    nan = jnp.float32(float("nan"))
    spatial_error = jnp.where(num_matched > 0, mean_d, nan) + RADIUS * 10.0 * num_unmatched
    prob_error = jnp.where(num_matched > 0, mean_p, nan) + num_unmatched
    return spatial_error + prob_error

if __name__ == "__main__":
    import jax
    _d = setup_inputs()
    print(jax.jit(kernel)(*tuple(_d.values())))

</pallas_src>

<mosaic_0001>
#map = affine_map<(d0, d1) -> (0)>
module attributes {stable_mosaic.version = 14 : i64} {
  func.func @_sc_match_body(%arg0: i32, %arg1: i32, %arg2: memref<20480xf32, #tpu.memory_space<hbm>>, %arg3: memref<20480xf32, #tpu.memory_space<hbm>>, %arg4: memref<20480xf32, #tpu.memory_space<hbm>>, %arg5: memref<20480xf32, #tpu.memory_space<hbm>>, %arg6: memref<2048xi32, #tpu.memory_space<hbm>>, %arg7: memref<20480xf32, #tpu.memory_space<hbm>>, %arg8: memref<20480xf32, #tpu.memory_space<hbm>>, %arg9: memref<20480xf32, #tpu.memory_space<hbm>>, %arg10: memref<20480xf32, #tpu.memory_space<hbm>>, %arg11: memref<20480xf32, #tpu.memory_space<hbm>>, %arg12: memref<20480xf32, #tpu.memory_space<hbm>>, %arg13: memref<20480xf32, #tpu.memory_space<vmem>>, %arg14: memref<20480xf32, #tpu.memory_space<vmem>>, %arg15: memref<20480xf32, #tpu.memory_space<vmem>>, %arg16: memref<20480xf32, #tpu.memory_space<vmem>>, %arg17: memref<2048xi32, #tpu.memory_space<vmem>>, %arg18: memref<256xf32, #tpu.memory_space<vmem>>, %arg19: memref<256xf32, #tpu.memory_space<vmem>>, %arg20: memref<256xf32, #tpu.memory_space<vmem>>, %arg21: memref<3072xf32, #tpu.memory_space<vmem>>, %arg22: memref<3072xi32, #tpu.memory_space<vmem>>, %arg23: memref<256xi32, #tpu.memory_space<vmem>>, %arg24: memref<256xf32, #tpu.memory_space<vmem>>, %arg25: memref<256xf32, #tpu.memory_space<vmem>>, %arg26: memref<256xf32, #tpu.memory_space<vmem>>, %arg27: memref<245760xf32, #tpu.memory_space<vmem_shared>>, %arg28: memref<245760xi32, #tpu.memory_space<vmem_shared>>, %arg29: memref<20480xi32, #tpu.memory_space<vmem_shared>>) attributes {dimension_semantics = [#tpu.dimension_semantics<core_parallel>, #tpu.dimension_semantics<subcore_parallel>], iteration_bounds = array<i64: 2, 16>, scalar_prefetch = 0 : i64, scratch_operands = 17 : i64, tpu.core_type = #tpu.core_type<sc_vector_subcore>, window_params = [{transform_indices = #map}, {transform_indices = #map}, {transform_indices = #map}, {transform_indices = #map}, {transform_indices = #map}, {transform_indices = #map}, {transform_indices = #map}, {transform_indices = #map}, {transform_indices = #map}, {transform_indices = #map}, {transform_indices = #map}]} {
    %iota3A = tpu.iota {dimensions = array<i32: 0>} : vector<16xi32>
    %min3A = arith.constant 11 : i32
    %min3A_0 = vector.broadcast %min3A : i32 to vector<16xi32>
    %min3A_1 = arith.minsi %iota3A, %min3A_0 : vector<16xi32>
    %eq3A = arith.constant 0 : i32
    %eq3A_2 = arith.cmpi eq, %arg0, %eq3A : i32
    %convert_element_type3A = arith.extui %eq3A_2 : i1 to i32
    %cond3A = arith.constant 0 : i32
    %cond3A_3 = arith.cmpi ne, %convert_element_type3A, %cond3A : i32
    scf.if %cond3A_3 {
      "tpu.region"() ({
        %run_scoped3A = tpu.sem_alloc : memref<!tpu.dma_semaphore, #tpu.memory_space<semaphore_mem>>
        tpu.enqueue_dma source(%arg2 : memref<20480xf32, #tpu.memory_space<hbm>>) target(%arg13 : memref<20480xf32, #tpu.memory_space<vmem>>) target_semaphore(%run_scoped3A : memref<!tpu.dma_semaphore, #tpu.memory_space<semaphore_mem>>)
        tpu.wait_dma2 semaphore(%run_scoped3A : memref<!tpu.dma_semaphore, #tpu.memory_space<semaphore_mem>>) src(%arg2 : memref<20480xf32, #tpu.memory_space<hbm>>) dst(%arg13 : memref<20480xf32, #tpu.memory_space<vmem>>)
        tpu.yield
      }) : () -> ()
      "tpu.region"() ({
        %run_scoped3A = tpu.sem_alloc : memref<!tpu.dma_semaphore, #tpu.memory_space<semaphore_mem>>
        tpu.enqueue_dma source(%arg3 : memref<20480xf32, #tpu.memory_space<hbm>>) target(%arg14 : memref<20480xf32, #tpu.memory_space<vmem>>) target_semaphore(%run_scoped3A : memref<!tpu.dma_semaphore, #tpu.memory_space<semaphore_mem>>)
        tpu.wait_dma2 semaphore(%run_scoped3A : memref<!tpu.dma_semaphore, #tpu.memory_space<semaphore_mem>>) src(%arg3 : memref<20480xf32, #tpu.memory_space<hbm>>) dst(%arg14 : memref<20480xf32, #tpu.memory_space<vmem>>)
        tpu.yield
      }) : () -> ()
      "tpu.region"() ({
        %run_scoped3A = tpu.sem_alloc : memref<!tpu.dma_semaphore, #tpu.memory_space<semaphore_mem>>
        tpu.enqueue_dma source(%arg4 : memref<20480xf32, #tpu.memory_space<hbm>>) target(%arg15 : memref<20480xf32, #tpu.memory_space<vmem>>) target_semaphore(%run_scoped3A : memref<!tpu.dma_semaphore, #tpu.memory_space<semaphore_mem>>)
        tpu.wait_dma2 semaphore(%run_scoped3A : memref<!tpu.dma_semaphore, #tpu.memory_space<semaphore_mem>>) src(%arg4 : memref<20480xf32, #tpu.memory_space<hbm>>) dst(%arg15 : memref<20480xf32, #tpu.memory_space<vmem>>)
        tpu.yield
      }) : () -> ()
      "tpu.region"() ({
        %run_scoped3A = tpu.sem_alloc : memref<!tpu.dma_semaphore, #tpu.memory_space<semaphore_mem>>
        tpu.enqueue_dma source(%arg5 : memref<20480xf32, #tpu.memory_space<hbm>>) target(%arg16 : memref<20480xf32, #tpu.memory_space<vmem>>) target_semaphore(%run_scoped3A : memref<!tpu.dma_semaphore, #tpu.memory_space<semaphore_mem>>)
        tpu.wait_dma2 semaphore(%run_scoped3A : memref<!tpu.dma_semaphore, #tpu.memory_space<semaphore_mem>>) src(%arg5 : memref<20480xf32, #tpu.memory_space<hbm>>) dst(%arg16 : memref<20480xf32, #tpu.memory_space<vmem>>)
        tpu.yield
      }) : () -> ()
      "tpu.region"() ({
        %run_scoped3A = tpu.sem_alloc : memref<!tpu.dma_semaphore, #tpu.memory_space<semaphore_mem>>
        tpu.enqueue_dma source(%arg6 : memref<2048xi32, #tpu.memory_space<hbm>>) target(%arg17 : memref<2048xi32, #tpu.memory_space<vmem>>) target_semaphore(%run_scoped3A : memref<!tpu.dma_semaphore, #tpu.memory_space<semaphore_mem>>)
        tpu.wait_dma2 semaphore(%run_scoped3A : memref<!tpu.dma_semaphore, #tpu.memory_space<semaphore_mem>>) src(%arg6 : memref<2048xi32, #tpu.memory_space<hbm>>) dst(%arg17 : memref<2048xi32, #tpu.memory_space<vmem>>)
        tpu.yield
      }) : () -> ()
      %broadcast_in_dim3A = arith.constant 2047 : i32
      %broadcast_in_dim3A_11 = vector.broadcast %broadcast_in_dim3A : i32 to vector<16xi32>
      %gather3A = tpu.vector_load_idx %arg17[%broadcast_in_dim3A_11] : memref<2048xi32, #tpu.memory_space<vmem>>[vector<16xi32>], vector<16xi32>,
      %reduce_min3A = arith.constant true
      %reduce_min3A_12 = vector.broadcast %reduce_min3A : i1 to vector<16xi1>
      %reduce_min3A_13 = arith.constant -2147483648 : i32
      %reduce_min3A_14 = vector.broadcast %reduce_min3A_13 : i32 to vector<16xi32>
      %reduce_min3A_15 = arith.xori %gather3A, %reduce_min3A_14 : vector<16xi32>
      %reduce_min3A_16 = tpu.scan <min>, %reduce_min3A_15 masked %reduce_min3A_12 : vector<16xi32>, vector<16xi1> -> vector<16xi32>
      %reduce_min3A_17 = arith.xori %reduce_min3A_16, %reduce_min3A_14 : vector<16xi32>
      %reduce_min3A_18 = vector.extract %reduce_min3A_17[15] : i32 from vector<16xi32>
      %scan3A = arith.constant 0 : i32
      %scan3A_19 = arith.constant 0 : i32
      %scan3A_20 = arith.constant 5 : i32
      %scan3A_21 = arith.addi %scan3A_19, %scan3A_20 : i32
      %scan3A_22 = arith.constant 1 : i32
      %scan3A_23 = scf.for %scan3A_25 = %scan3A_19 to %scan3A_21 step %scan3A_22 iter_args(%scan3A_26 = %scan3A) -> (i32)  : i32 {
        %mul3A = arith.constant 1280 : i32
        %mul3A_27 = arith.muli %arg1, %mul3A : i32
        %mul3A_28 = arith.constant 256 : i32
        %mul3A_29 = arith.muli %scan3A_25, %mul3A_28 : i32
        %add3A = arith.addi %mul3A_27, %mul3A_29 : i32
        %lt3A = arith.cmpi slt, %add3A, %reduce_min3A_18 : i32
        %convert_element_type3A_30 = arith.extui %lt3A : i1 to i32
        %cond3A_31 = arith.constant 0 : i32
        %cond3A_32 = arith.cmpi ne, %convert_element_type3A_30, %cond3A_31 : i32
        scf.if %cond3A_32 {
          "tpu.region"() ({
            %run_scoped3A = tpu.sem_alloc : memref<!tpu.dma_semaphore, #tpu.memory_space<semaphore_mem>>
            %dma_start3A = tpu.memref_slice %arg7[%add3A] : memref<20480xf32, #tpu.memory_space<hbm>> -> memref<256xf32, #tpu.memory_space<hbm>>
            %dma_start3A_57 = tpu.memref_slice %arg7[%add3A] : memref<20480xf32, #tpu.memory_space<hbm>> -> memref<256xf32, #tpu.memory_space<hbm>>
            tpu.enqueue_dma source(%dma_start3A_57 : memref<256xf32, #tpu.memory_space<hbm>>) target(%arg18 : memref<256xf32, #tpu.memory_space<vmem>>) target_semaphore(%run_scoped3A : memref<!tpu.dma_semaphore, #tpu.memory_space<semaphore_mem>>)
            %dma_wait3A = tpu.memref_slice %arg7[%add3A] : memref<20480xf32, #tpu.memory_space<hbm>> -> memref<256xf32, #tpu.memory_space<hbm>>
            %dma_wait3A_58 = tpu.memref_slice %arg7[%add3A] : memref<20480xf32, #tpu.memory_space<hbm>> -> memref<256xf32, #tpu.memory_space<hbm>>
            tpu.wait_dma2 semaphore(%run_scoped3A : memref<!tpu.dma_semaphore, #tpu.memory_space<semaphore_mem>>) src(%dma_wait3A_58 : memref<256xf32, #tpu.memory_space<hbm>>) dst(%arg18 : memref<256xf32, #tpu.memory_space<vmem>>)
            tpu.yield
          }) : () -> ()
          "tpu.region"() ({
            %run_scoped3A = tpu.sem_alloc : memref<!tpu.dma_semaphore, #tpu.memory_space<semaphore_mem>>
            %dma_start3A = tpu.memref_slice %arg8[%add3A] : memref<20480xf32, #tpu.memory_space<hbm>> -> memref<256xf32, #tpu.memory_space<hbm>>
            %dma_start3A_57 = tpu.memref_slice %arg8[%add3A] : memref<20480xf32, #tpu.memory_space<hbm>> -> memref<256xf32, #tpu.memory_space<hbm>>
            tpu.enqueue_dma source(%dma_start3A_57 : memref<256xf32, #tpu.memory_space<hbm>>) target(%arg19 : memref<256xf32, #tpu.memory_space<vmem>>) target_semaphore(%run_scoped3A : memref<!tpu.dma_semaphore, #tpu.memory_space<semaphore_mem>>)
            %dma_wait3A = tpu.memref_slice %arg8[%add3A] : memref<20480xf32, #tpu.memory_space<hbm>> -> memref<256xf32, #tpu.memory_space<hbm>>
            %dma_wait3A_58 = tpu.memref_slice %arg8[%add3A] : memref<20480xf32, #tpu.memory_space<hbm>> -> memref<256xf32, #tpu.memory_space<hbm>>
            tpu.wait_dma2 semaphore(%run_scoped3A : memref<!tpu.dma_semaphore, #tpu.memory_space<semaphore_mem>>) src(%dma_wait3A_58 : memref<256xf32, #tpu.memory_space<hbm>>) dst(%arg19 : memref<256xf32, #tpu.memory_space<vmem>>)
            tpu.yield
          }) : () -> ()
          "tpu.region"() ({
            %run_scoped3A = tpu.sem_alloc : memref<!tpu.dma_semaphore, #tpu.memory_space<semaphore_mem>>
            %dma_start3A = tpu.memref_slice %arg9[%add3A] : memref<20480xf32, #tpu.memory_space<hbm>> -> memref<256xf32, #tpu.memory_space<hbm>>
            %dma_start3A_57 = tpu.memref_slice %arg9[%add3A] : memref<20480xf32, #tpu.memory_space<hbm>> -> memref<256xf32, #tpu.memory_space<hbm>>
            tpu.enqueue_dma source(%dma_start3A_57 : memref<256xf32, #tpu.memory_space<hbm>>) target(%arg20 : memref<256xf32, #tpu.memory_space<vmem>>) target_semaphore(%run_scoped3A : memref<!tpu.dma_semaphore, #tpu.memory_space<semaphore_mem>>)
            %dma_wait3A = tpu.memref_slice %arg9[%add3A] : memref<20480xf32, #tpu.memory_space<hbm>> -> memref<256xf32, #tpu.memory_space<hbm>>
            %dma_wait3A_58 = tpu.memref_slice %arg9[%add3A] : memref<20480xf32, #tpu.memory_space<hbm>> -> memref<256xf32, #tpu.memory_space<hbm>>
            tpu.wait_dma2 semaphore(%run_scoped3A : memref<!tpu.dma_semaphore, #tpu.memory_space<semaphore_mem>>) src(%dma_wait3A_58 : memref<256xf32, #tpu.memory_space<hbm>>) dst(%arg20 : memref<256xf32, #tpu.memory_space<vmem>>)
            tpu.yield
          }) : () -> ()
          %scan3A_34 = arith.constant 0 : i32
          %scan3A_35 = arith.constant 0 : i32
          %scan3A_36 = arith.constant 192 : i32
          %scan3A_37 = arith.addi %scan3A_35, %scan3A_36 : i32
          %scan3A_38 = arith.constant 1 : i32
          %scan3A_39 = scf.for %scan3A_57 = %scan3A_35 to %scan3A_37 step %scan3A_38 iter_args(%scan3A_58 = %scan3A_34) -> (i32)  : i32 {
            %mul3A_59 = arith.constant 16 : i32
            %mul3A_60 = arith.muli %scan3A_57, %mul3A_59 : i32
            %add3A_61 = vector.broadcast %mul3A_60 : i32 to vector<16xi32>
            %add3A_62 = arith.addi %add3A_61, %iota3A : vector<16xi32>
            %broadcast_in_dim3A_63 = arith.constant 0x7F800000 : f32
            %broadcast_in_dim3A_64 = vector.broadcast %broadcast_in_dim3A_63 : f32 to vector<16xf32>
            tpu.vector_store_idx %arg21[%add3A_62], %broadcast_in_dim3A_64 : memref<3072xf32, #tpu.memory_space<vmem>>[vector<16xi32>], vector<16xf32>,
            %mul3A_65 = arith.constant 16 : i32
            %mul3A_66 = arith.muli %scan3A_57, %mul3A_65 : i32
            %add3A_67 = vector.broadcast %mul3A_66 : i32 to vector<16xi32>
            %add3A_68 = arith.addi %add3A_67, %iota3A : vector<16xi32>
            %broadcast_in_dim3A_69 = arith.constant 0 : i32
            %broadcast_in_dim3A_70 = vector.broadcast %broadcast_in_dim3A_69 : i32 to vector<16xi32>
            tpu.vector_store_idx %arg22[%add3A_68], %broadcast_in_dim3A_70 : memref<3072xi32, #tpu.memory_space<vmem>>[vector<16xi32>], vector<16xi32>,
            %scan3A_71 = arith.constant 0 : i32
            scf.yield %scan3A_71 : i32
          }
          %scan3A_40 = arith.constant 192 : i32
          %scan3A_41 = arith.constant 0 : i32
          %scan3A_42 = arith.constant 0 : i32
          %scan3A_43 = arith.constant 256 : i32
          %scan3A_44 = arith.addi %scan3A_42, %scan3A_43 : i32
          %scan3A_45 = arith.constant 1 : i32
          %scan3A_46 = scf.for %scan3A_57 = %scan3A_42 to %scan3A_44 step %scan3A_45 iter_args(%scan3A_58 = %scan3A_41) -> (i32)  : i32 {
            %broadcast_in_dim3A_59 = vector.broadcast %scan3A_57 : i32 to vector<16xi32>
            %gather3A_60 = tpu.vector_load_idx %arg18[%broadcast_in_dim3A_59] : memref<256xf32, #tpu.memory_space<vmem>>[vector<16xi32>], vector<16xf32>,
            %gather3A_61 = tpu.vector_load_idx %arg19[%broadcast_in_dim3A_59] : memref<256xf32, #tpu.memory_space<vmem>>[vector<16xi32>], vector<16xf32>,
            %gather3A_62 = tpu.vector_load_idx %arg20[%broadcast_in_dim3A_59] : memref<256xf32, #tpu.memory_space<vmem>>[vector<16xi32>], vector<16xf32>,
            %reduce_min3A_63 = arith.constant true
            %reduce_min3A_64 = vector.broadcast %reduce_min3A_63 : i1 to vector<16xi1>
            %reduce_min3A_65 = tpu.scan <min>, %gather3A_60 masked %reduce_min3A_64 : vector<16xf32>, vector<16xi1> -> vector<16xf32>
            %reduce_min3A_66 = vector.extract %reduce_min3A_65[15] : f32 from vector<16xf32>
            %reduce_min3A_67 = arith.constant true
            %reduce_min3A_68 = vector.broadcast %reduce_min3A_67 : i1 to vector<16xi1>
            %reduce_min3A_69 = tpu.scan <min>, %gather3A_61 masked %reduce_min3A_68 : vector<16xf32>, vector<16xi1> -> vector<16xf32>
            %reduce_min3A_70 = vector.extract %reduce_min3A_69[15] : f32 from vector<16xf32>
            %reduce_min3A_71 = arith.constant true
            %reduce_min3A_72 = vector.broadcast %reduce_min3A_71 : i1 to vector<16xi1>
            %reduce_min3A_73 = tpu.scan <min>, %gather3A_62 masked %reduce_min3A_72 : vector<16xf32>, vector<16xi1> -> vector<16xf32>
            %reduce_min3A_74 = vector.extract %reduce_min3A_73[15] : f32 from vector<16xf32>
            %add3A_75 = arith.addi %add3A, %scan3A_57 : i32
            %lt3A_76 = arith.cmpi slt, %add3A_75, %reduce_min3A_18 : i32
            %mul3A_77 = arith.mulf %gather3A_60, %gather3A_60 : vector<16xf32>
            %mul3A_78 = arith.mulf %gather3A_61, %gather3A_61 : vector<16xf32>
            %add3A_79 = arith.addf %mul3A_77, %mul3A_78 : vector<16xf32>
            %mul3A_80 = arith.mulf %gather3A_62, %gather3A_62 : vector<16xf32>
            %add3A_81 = arith.addf %add3A_79, %mul3A_80 : vector<16xf32>
            %convert_element_type3A_82 = arith.fptosi %reduce_min3A_66 : f32 to i32
            %convert_element_type3A_83 = arith.sitofp %convert_element_type3A_82 : i32 to f32
            %gt3A = arith.cmpf ogt, %convert_element_type3A_83, %reduce_min3A_66 : f32
            %convert_element_type3A_84 = arith.extui %gt3A : i1 to i32
            %sub3A = arith.subi %convert_element_type3A_82, %convert_element_type3A_84 : i32
            %sub3A_85 = arith.constant 1 : i32
            %sub3A_86 = arith.subi %sub3A, %sub3A_85 : i32
            %max3A = arith.constant 0 : i32
            %max3A_87 = arith.maxsi %sub3A_86, %max3A : i32
            %add3A_88 = arith.constant 1 : i32
            %add3A_89 = arith.addi %sub3A, %add3A_88 : i32
            %min3A_90 = arith.constant 19 : i32
            %min3A_91 = arith.minsi %add3A_89, %min3A_90 : i32
            %sub3A_92 = arith.constant 1.000000e+00 : f32
            %sub3A_93 = arith.subf %reduce_min3A_70, %sub3A_92 : f32
            %mul3A_94 = arith.constant 5.000000e-01 : f32
            %mul3A_95 = arith.mulf %sub3A_93, %mul3A_94 : f32
            %convert_element_type3A_96 = arith.fptosi %mul3A_95 : f32 to i32
            %convert_element_type3A_97 = arith.sitofp %convert_element_type3A_96 : i32 to f32
            %gt3A_98 = arith.cmpf ogt, %convert_element_type3A_97, %mul3A_95 : f32
            %convert_element_type3A_99 = arith.extui %gt3A_98 : i1 to i32
            %sub3A_100 = arith.subi %convert_element_type3A_96, %convert_element_type3A_99 : i32
            %jit3A = arith.constant 0 : i32
            %jit3A_101 = arith.constant 9 : i32
            %max3A_102 = arith.maxsi %jit3A, %sub3A_100 : i32
            %min3A_103 = arith.minsi %jit3A_101, %max3A_102 : i32
            %add3A_104 = arith.constant 1.000000e+00 : f32
            %add3A_105 = arith.addf %reduce_min3A_70, %add3A_104 : f32
            %mul3A_106 = arith.constant 5.000000e-01 : f32
            %mul3A_107 = arith.mulf %add3A_105, %mul3A_106 : f32
            %convert_element_type3A_108 = arith.fptosi %mul3A_107 : f32 to i32
            %convert_element_type3A_109 = arith.sitofp %convert_element_type3A_108 : i32 to f32
            %gt3A_110 = arith.cmpf ogt, %convert_element_type3A_109, %mul3A_107 : f32
            %convert_element_type3A_111 = arith.extui %gt3A_110 : i1 to i32
            %sub3A_112 = arith.subi %convert_element_type3A_108, %convert_element_type3A_111 : i32
            %jit3A_113 = arith.constant 0 : i32
            %jit3A_114 = arith.constant 9 : i32
            %max3A_115 = arith.maxsi %jit3A_113, %sub3A_112 : i32
            %min3A_116 = arith.minsi %jit3A_114, %max3A_115 : i32
            %sub3A_117 = arith.constant 1.000000e+00 : f32
            %sub3A_118 = arith.subf %reduce_min3A_74, %sub3A_117 : f32
            %mul3A_119 = arith.constant 5.000000e-01 : f32
            %mul3A_120 = arith.mulf %sub3A_118, %mul3A_119 : f32
            %convert_element_type3A_121 = arith.fptosi %mul3A_120 : f32 to i32
            %convert_element_type3A_122 = arith.sitofp %convert_element_type3A_121 : i32 to f32
            %gt3A_123 = arith.cmpf ogt, %convert_element_type3A_122, %mul3A_120 : f32
            %convert_element_type3A_124 = arith.extui %gt3A_123 : i1 to i32
            %sub3A_125 = arith.subi %convert_element_type3A_121, %convert_element_type3A_124 : i32
            %jit3A_126 = arith.constant 0 : i32
            %jit3A_127 = arith.constant 9 : i32
            %max3A_128 = arith.maxsi %jit3A_126, %sub3A_125 : i32
            %min3A_129 = arith.minsi %jit3A_127, %max3A_128 : i32
            %add3A_130 = arith.constant 1.000000e+00 : f32
            %add3A_131 = arith.addf %reduce_min3A_74, %add3A_130 : f32
            %mul3A_132 = arith.constant 5.000000e-01 : f32
            %mul3A_133 = arith.mulf %add3A_131, %mul3A_132 : f32
            %convert_element_type3A_134 = arith.fptosi %mul3A_133 : f32 to i32
            %convert_element_type3A_135 = arith.sitofp %convert_element_type3A_134 : i32 to f32
            %gt3A_136 = arith.cmpf ogt, %convert_element_type3A_135, %mul3A_133 : f32
            %convert_element_type3A_137 = arith.extui %gt3A_136 : i1 to i32
            %sub3A_138 = arith.subi %convert_element_type3A_134, %convert_element_type3A_137 : i32
            %jit3A_139 = arith.constant 0 : i32
            %jit3A_140 = arith.constant 9 : i32
            %max3A_141 = arith.maxsi %jit3A_139, %sub3A_138 : i32
            %min3A_142 = arith.minsi %jit3A_140, %max3A_141 : i32
            %gt3A_143 = arith.cmpi sgt, %min3A_116, %min3A_103 : i32
            %gt3A_144 = arith.cmpi sgt, %min3A_142, %min3A_129 : i32
            %mul3A_145 = arith.constant 12 : i32
            %mul3A_146 = arith.muli %scan3A_57, %mul3A_145 : i32
            %mul3A_147 = arith.constant 20 : i32
            %mul3A_148 = arith.muli %mul3A_147, %min3A_103 : i32
            %mul3A_149 = arith.constant 200 : i32
            %mul3A_150 = arith.muli %mul3A_149, %min3A_129 : i32
            %add3A_151 = arith.addi %mul3A_148, %mul3A_150 : i32
            %add3A_152 = arith.addi %add3A_151, %max3A_87 : i32
            %broadcast_in_dim3A_153 = vector.broadcast %add3A_152 : i32 to vector<16xi32>
            %gather3A_154 = tpu.vector_load_idx %arg17[%broadcast_in_dim3A_153] : memref<2048xi32, #tpu.memory_space<vmem>>[vector<16xi32>], vector<16xi32>,
            %reduce_min3A_155 = arith.constant true
            %reduce_min3A_156 = vector.broadcast %reduce_min3A_155 : i1 to vector<16xi1>
            %reduce_min3A_157 = arith.constant -2147483648 : i32
            %reduce_min3A_158 = vector.broadcast %reduce_min3A_157 : i32 to vector<16xi32>
            %reduce_min3A_159 = arith.xori %gather3A_154, %reduce_min3A_158 : vector<16xi32>
            %reduce_min3A_160 = tpu.scan <min>, %reduce_min3A_159 masked %reduce_min3A_156 : vector<16xi32>, vector<16xi1> -> vector<16xi32>
            %reduce_min3A_161 = arith.xori %reduce_min3A_160, %reduce_min3A_158 : vector<16xi32>
            %reduce_min3A_162 = vector.extract %reduce_min3A_161[15] : i32 from vector<16xi32>
            %add3A_163 = arith.addi %add3A_151, %min3A_91 : i32
            %add3A_164 = arith.constant 1 : i32
            %add3A_165 = arith.addi %add3A_163, %add3A_164 : i32
            %broadcast_in_dim3A_166 = vector.broadcast %add3A_165 : i32 to vector<16xi32>
            %gather3A_167 = tpu.vector_load_idx %arg17[%broadcast_in_dim3A_166] : memref<2048xi32, #tpu.memory_space<vmem>>[vector<16xi32>], vector<16xi32>,
            %reduce_min3A_168 = arith.constant true
            %reduce_min3A_169 = vector.broadcast %reduce_min3A_168 : i1 to vector<16xi1>
            %reduce_min3A_170 = arith.constant -2147483648 : i32
            %reduce_min3A_171 = vector.broadcast %reduce_min3A_170 : i32 to vector<16xi32>
            %reduce_min3A_172 = arith.xori %gather3A_167, %reduce_min3A_171 : vector<16xi32>
            %reduce_min3A_173 = tpu.scan <min>, %reduce_min3A_172 masked %reduce_min3A_169 : vector<16xi32>, vector<16xi1> -> vector<16xi32>
            %reduce_min3A_174 = arith.xori %reduce_min3A_173, %reduce_min3A_171 : vector<16xi32>
            %reduce_min3A_175 = vector.extract %reduce_min3A_174[15] : i32 from vector<16xi32>
            %select_n3A = arith.select %lt3A_76, %reduce_min3A_175, %reduce_min3A_162 : i32
            %sub3A_176 = arith.subi %select_n3A, %reduce_min3A_162 : i32
            %add3A_177 = arith.constant 15 : i32
            %add3A_178 = arith.addi %sub3A_176, %add3A_177 : i32
            %jit3A_179 = arith.constant 16 : i32
            %div3A = arith.divsi %add3A_178, %jit3A_179 : i32
            %sign3A = arith.constant 0 : i32
            %sign3A_180 = arith.cmpi sgt, %add3A_178, %sign3A : i32
            %sign3A_181 = arith.extui %sign3A_180 : i1 to i32
            %sign3A_182 = arith.constant 0 : i32
            %sign3A_183 = arith.cmpi slt, %add3A_178, %sign3A_182 : i32
            %sign3A_184 = arith.extui %sign3A_183 : i1 to i32
            %sign3A_185 = arith.subi %sign3A_181, %sign3A_184 : i32
            %sign3A_186 = arith.constant 0 : i32
            %sign3A_187 = arith.cmpi sgt, %jit3A_179, %sign3A_186 : i32
            %sign3A_188 = arith.extui %sign3A_187 : i1 to i32
            %sign3A_189 = arith.constant 0 : i32
            %sign3A_190 = arith.cmpi slt, %jit3A_179, %sign3A_189 : i32
            %sign3A_191 = arith.extui %sign3A_190 : i1 to i32
            %sign3A_192 = arith.subi %sign3A_188, %sign3A_191 : i32
            %ne3A = arith.cmpi ne, %sign3A_185, %sign3A_192 : i32
            %rem3A = arith.remsi %add3A_178, %jit3A_179 : i32
            %ne3A_193 = arith.constant 0 : i32
            %ne3A_194 = arith.cmpi ne, %rem3A, %ne3A_193 : i32
            %and3A_195 = arith.andi %ne3A, %ne3A_194 : i1
            %sub3A_196 = arith.constant 1 : i32
            %sub3A_197 = arith.subi %div3A, %sub3A_196 : i32
            %select_n3A_198 = arith.select %and3A_195, %sub3A_197, %div3A : i32
            %while3A = arith.constant 0 : i32
            %while3A_199 = arith.constant 0 : i32
            %while3A_200 = arith.subi %select_n3A_198, %while3A : i32
            %while3A_201 = arith.addi %while3A, %while3A_200 : i32
            %while3A_202 = arith.constant 1 : i32
            %while3A_203 = arith.divsi %while3A_200, %while3A_202 : i32
            %while3A_204 = arith.muli %while3A_203, %while3A_202 : i32
            %while3A_205 = arith.addi %while3A, %while3A_204 : i32
            %while3A_206 = arith.constant 1 : i32
            %while3A_207 = scf.for %while3A_423 = %while3A to %while3A_205 step %while3A_206 iter_args(%while3A_424 = %while3A_199) -> (i32)  : i32 {
              %mul3A_425 = arith.constant 16 : i32
              %mul3A_426 = arith.muli %while3A_423, %mul3A_425 : i32
              %add3A_427 = arith.addi %reduce_min3A_162, %mul3A_426 : i32
              %add3A_428 = vector.broadcast %add3A_427 : i32 to vector<16xi32>
              %add3A_429 = arith.addi %add3A_428, %iota3A : vector<16xi32>
              %lt3A_430 = vector.broadcast %select_n3A : i32 to vector<16xi32>
              %lt3A_431 = arith.cmpi slt, %add3A_429, %lt3A_430 : vector<16xi32>
              %gather3A_432 = tpu.vector_load_idx %arg16[%add3A_429] masked %lt3A_431 : memref<20480xf32, #tpu.memory_space<vmem>>[vector<16xi32>], vector<16xf32>, vector<16xi1>
              %gather3A_433 = tpu.vector_load_idx %arg13[%add3A_429] masked %lt3A_431 : memref<20480xf32, #tpu.memory_space<vmem>>[vector<16xi32>], vector<16xf32>, vector<16xi1>
              %gather3A_434 = tpu.vector_load_idx %arg14[%add3A_429] masked %lt3A_431 : memref<20480xf32, #tpu.memory_space<vmem>>[vector<16xi32>], vector<16xf32>, vector<16xi1>
              %gather3A_435 = tpu.vector_load_idx %arg15[%add3A_429] masked %lt3A_431 : memref<20480xf32, #tpu.memory_space<vmem>>[vector<16xi32>], vector<16xf32>, vector<16xi1>
              %mul3A_436 = arith.mulf %gather3A_433, %gather3A_433 : vector<16xf32>
              %mul3A_437 = arith.mulf %gather3A_434, %gather3A_434 : vector<16xf32>
              %add3A_438 = arith.addf %mul3A_436, %mul3A_437 : vector<16xf32>
              %mul3A_439 = arith.mulf %gather3A_435, %gather3A_435 : vector<16xf32>
              %add3A_440 = arith.addf %add3A_438, %mul3A_439 : vector<16xf32>
              %add3A_441 = arith.addf %add3A_81, %add3A_440 : vector<16xf32>
              %mul3A_442 = arith.mulf %gather3A_433, %gather3A_60 : vector<16xf32>
              %mul3A_443 = arith.mulf %gather3A_434, %gather3A_61 : vector<16xf32>
              %add3A_444 = arith.addf %mul3A_442, %mul3A_443 : vector<16xf32>
              %mul3A_445 = arith.mulf %gather3A_435, %gather3A_62 : vector<16xf32>
              %add3A_446 = arith.addf %add3A_444, %mul3A_445 : vector<16xf32>
              %mul3A_447 = arith.constant 2.000000e+00 : f32
              %mul3A_448 = vector.broadcast %mul3A_447 : f32 to vector<16xf32>
              %mul3A_449 = arith.mulf %mul3A_448, %add3A_446 : vector<16xf32>
              %sub3A_450 = arith.subf %add3A_441, %mul3A_449 : vector<16xf32>
              %ge3A = arith.constant 5.000000e-01 : f32
              %ge3A_451 = vector.broadcast %ge3A : f32 to vector<16xf32>
              %ge3A_452 = arith.cmpf oge, %gather3A_432, %ge3A_451 : vector<16xf32>
              %and3A_453 = arith.andi %lt3A_431, %ge3A_452 : vector<16xi1>
              %le3A = arith.constant 1.000000e+00 : f32
              %le3A_454 = vector.broadcast %le3A : f32 to vector<16xf32>
              %le3A_455 = arith.cmpf ole, %sub3A_450, %le3A_454 : vector<16xf32>
              %and3A_456 = arith.andi %and3A_453, %le3A_455 : vector<16xi1>
              %convert_element_type3A_457 = arith.extui %and3A_456 : vector<16xi1> to vector<16xi32>
              %broadcast_in_dim3A_458 = arith.constant true
              %broadcast_in_dim3A_459 = vector.broadcast %broadcast_in_dim3A_458 : i1 to vector<16xi1>
              %masked_cumsum3A = tpu.scan <sum>, %convert_element_type3A_457 masked %broadcast_in_dim3A_459 : vector<16xi32>, vector<16xi1> -> vector<16xi32>
              %add3A_460 = vector.broadcast %while3A_424 : i32 to vector<16xi32>
              %add3A_461 = arith.addi %add3A_460, %masked_cumsum3A : vector<16xi32>
              %sub3A_462 = arith.constant 1 : i32
              %sub3A_463 = vector.broadcast %sub3A_462 : i32 to vector<16xi32>
              %sub3A_464 = arith.subi %add3A_461, %sub3A_463 : vector<16xi32>
              %lt3A_465 = arith.constant 12 : i32
              %lt3A_466 = vector.broadcast %lt3A_465 : i32 to vector<16xi32>
              %lt3A_467 = arith.cmpi slt, %sub3A_464, %lt3A_466 : vector<16xi32>
              %and3A_468 = arith.andi %and3A_456, %lt3A_467 : vector<16xi1>
              %add3A_469 = vector.broadcast %mul3A_146 : i32 to vector<16xi32>
              %add3A_470 = arith.addi %add3A_469, %sub3A_464 : vector<16xi32>
              tpu.vector_store_idx %arg21[%add3A_470], %sub3A_450 masked %and3A_468 : memref<3072xf32, #tpu.memory_space<vmem>>[vector<16xi32>], vector<16xf32>, vector<16xi1>
              %add3A_471 = vector.broadcast %mul3A_146 : i32 to vector<16xi32>
              %add3A_472 = arith.addi %add3A_471, %sub3A_464 : vector<16xi32>
              tpu.vector_store_idx %arg22[%add3A_472], %add3A_429 masked %and3A_468 : memref<3072xi32, #tpu.memory_space<vmem>>[vector<16xi32>], vector<16xi32>, vector<16xi1>
              %reduce_sum3A = arith.constant true
              %reduce_sum3A_473 = vector.broadcast %reduce_sum3A : i1 to vector<16xi1>
              %reduce_sum3A_474 = tpu.scan <sum>, %convert_element_type3A_457 masked %reduce_sum3A_473 : vector<16xi32>, vector<16xi1> -> vector<16xi32>
              %reduce_sum3A_475 = vector.extract %reduce_sum3A_474[15] : i32 from vector<16xi32>
              %add3A_476 = arith.addi %while3A_424, %reduce_sum3A_475 : i32
              scf.yield %add3A_476 : i32
            }
            %while3A_208 = arith.constant 1 : i32
            %while3A_209 = scf.for %while3A_423 = %while3A_205 to %while3A_201 step %while3A_208 iter_args(%while3A_424 = %while3A_207) -> (i32)  : i32 {
              %mul3A_425 = arith.constant 16 : i32
              %mul3A_426 = arith.muli %while3A_423, %mul3A_425 : i32
              %add3A_427 = arith.addi %reduce_min3A_162, %mul3A_426 : i32
              %add3A_428 = vector.broadcast %add3A_427 : i32 to vector<16xi32>
              %add3A_429 = arith.addi %add3A_428, %iota3A : vector<16xi32>
              %lt3A_430 = vector.broadcast %select_n3A : i32 to vector<16xi32>
              %lt3A_431 = arith.cmpi slt, %add3A_429, %lt3A_430 : vector<16xi32>
              %gather3A_432 = tpu.vector_load_idx %arg16[%add3A_429] masked %lt3A_431 : memref<20480xf32, #tpu.memory_space<vmem>>[vector<16xi32>], vector<16xf32>, vector<16xi1>
              %gather3A_433 = tpu.vector_load_idx %arg13[%add3A_429] masked %lt3A_431 : memref<20480xf32, #tpu.memory_space<vmem>>[vector<16xi32>], vector<16xf32>, vector<16xi1>
              %gather3A_434 = tpu.vector_load_idx %arg14[%add3A_429] masked %lt3A_431 : memref<20480xf32, #tpu.memory_space<vmem>>[vector<16xi32>], vector<16xf32>, vector<16xi1>
              %gather3A_435 = tpu.vector_load_idx %arg15[%add3A_429] masked %lt3A_431 : memref<20480xf32, #tpu.memory_space<vmem>>[vector<16xi32>], vector<16xf32>, vector<16xi1>
              %mul3A_436 = arith.mulf %gather3A_433, %gather3A_433 : vector<16xf32>
              %mul3A_437 = arith.mulf %gather3A_434, %gather3A_434 : vector<16xf32>
              %add3A_438 = arith.addf %mul3A_436, %mul3A_437 : vector<16xf32>
              %mul3A_439 = arith.mulf %gather3A_435, %gather3A_435 : vector<16xf32>
              %add3A_440 = arith.addf %add3A_438, %mul3A_439 : vector<16xf32>
              %add3A_441 = arith.addf %add3A_81, %add3A_440 : vector<16xf32>
              %mul3A_442 = arith.mulf %gather3A_433, %gather3A_60 : vector<16xf32>
              %mul3A_443 = arith.mulf %gather3A_434, %gather3A_61 : vector<16xf32>
              %add3A_444 = arith.addf %mul3A_442, %mul3A_443 : vector<16xf32>
              %mul3A_445 = arith.mulf %gather3A_435, %gather3A_62 : vector<16xf32>
              %add3A_446 = arith.addf %add3A_444, %mul3A_445 : vector<16xf32>
              %mul3A_447 = arith.constant 2.000000e+00 : f32
              %mul3A_448 = vector.broadcast %mul3A_447 : f32 to vector<16xf32>
              %mul3A_449 = arith.mulf %mul3A_448, %add3A_446 : vector<16xf32>
              %sub3A_450 = arith.subf %add3A_441, %mul3A_449 : vector<16xf32>
              %ge3A = arith.constant 5.000000e-01 : f32
              %ge3A_451 = vector.broadcast %ge3A : f32 to vector<16xf32>
              %ge3A_452 = arith.cmpf oge, %gather3A_432, %ge3A_451 : vector<16xf32>
              %and3A_453 = arith.andi %lt3A_431, %ge3A_452 : vector<16xi1>
              %le3A = arith.constant 1.000000e+00 : f32
              %le3A_454 = vector.broadcast %le3A : f32 to vector<16xf32>
              %le3A_455 = arith.cmpf ole, %sub3A_450, %le3A_454 : vector<16xf32>
              %and3A_456 = arith.andi %and3A_453, %le3A_455 : vector<16xi1>
              %convert_element_type3A_457 = arith.extui %and3A_456 : vector<16xi1> to vector<16xi32>
              %broadcast_in_dim3A_458 = arith.constant true
              %broadcast_in_dim3A_459 = vector.broadcast %broadcast_in_dim3A_458 : i1 to vector<16xi1>
              %masked_cumsum3A = tpu.scan <sum>, %convert_element_type3A_457 masked %broadcast_in_dim3A_459 : vector<16xi32>, vector<16xi1> -> vector<16xi32>
              %add3A_460 = vector.broadcast %while3A_424 : i32 to vector<16xi32>
              %add3A_461 = arith.addi %add3A_460, %masked_cumsum3A : vector<16xi32>
              %sub3A_462 = arith.constant 1 : i32
              %sub3A_463 = vector.broadcast %sub3A_462 : i32 to vector<16xi32>
              %sub3A_464 = arith.subi %add3A_461, %sub3A_463 : vector<16xi32>
              %lt3A_465 = arith.constant 12 : i32
              %lt3A_466 = vector.broadcast %lt3A_465 : i32 to vector<16xi32>
              %lt3A_467 = arith.cmpi slt, %sub3A_464, %lt3A_466 : vector<16xi32>
              %and3A_468 = arith.andi %and3A_456, %lt3A_467 : vector<16xi1>
              %add3A_469 = vector.broadcast %mul3A_146 : i32 to vector<16xi32>
              %add3A_470 = arith.addi %add3A_469, %sub3A_464 : vector<16xi32>
              tpu.vector_store_idx %arg21[%add3A_470], %sub3A_450 masked %and3A_468 : memref<3072xf32, #tpu.memory_space<vmem>>[vector<16xi32>], vector<16xf32>, vector<16xi1>
              %add3A_471 = vector.broadcast %mul3A_146 : i32 to vector<16xi32>
              %add3A_472 = arith.addi %add3A_471, %sub3A_464 : vector<16xi32>
              tpu.vector_store_idx %arg22[%add3A_472], %add3A_429 masked %and3A_468 : memref<3072xi32, #tpu.memory_space<vmem>>[vector<16xi32>], vector<16xi32>, vector<16xi1>
              %reduce_sum3A = arith.constant true
              %reduce_sum3A_473 = vector.broadcast %reduce_sum3A : i1 to vector<16xi1>
              %reduce_sum3A_474 = tpu.scan <sum>, %convert_element_type3A_457 masked %reduce_sum3A_473 : vector<16xi32>, vector<16xi1> -> vector<16xi32>
              %reduce_sum3A_475 = vector.extract %reduce_sum3A_474[15] : i32 from vector<16xi32>
              %add3A_476 = arith.addi %while3A_424, %reduce_sum3A_475 : i32
              scf.yield %add3A_476 : i32
            }
            %and3A_210 = arith.andi %lt3A_76, %gt3A_143 : i1
            %mul3A_211 = arith.constant 20 : i32
            %mul3A_212 = arith.muli %mul3A_211, %min3A_116 : i32
            %mul3A_213 = arith.constant 200 : i32
            %mul3A_214 = arith.muli %mul3A_213, %min3A_129 : i32
            %add3A_215 = arith.addi %mul3A_212, %mul3A_214 : i32
            %add3A_216 = arith.addi %add3A_215, %max3A_87 : i32
            %broadcast_in_dim3A_217 = vector.broadcast %add3A_216 : i32 to vector<16xi32>
            %gather3A_218 = tpu.vector_load_idx %arg17[%broadcast_in_dim3A_217] : memref<2048xi32, #tpu.memory_space<vmem>>[vector<16xi32>], vector<16xi32>,
            %reduce_min3A_219 = arith.constant true
            %reduce_min3A_220 = vector.broadcast %reduce_min3A_219 : i1 to vector<16xi1>
            %reduce_min3A_221 = arith.constant -2147483648 : i32
            %reduce_min3A_222 = vector.broadcast %reduce_min3A_221 : i32 to vector<16xi32>
            %reduce_min3A_223 = arith.xori %gather3A_218, %reduce_min3A_222 : vector<16xi32>
            %reduce_min3A_224 = tpu.scan <min>, %reduce_min3A_223 masked %reduce_min3A_220 : vector<16xi32>, vector<16xi1> -> vector<16xi32>
            %reduce_min3A_225 = arith.xori %reduce_min3A_224, %reduce_min3A_222 : vector<16xi32>
            %reduce_min3A_226 = vector.extract %reduce_min3A_225[15] : i32 from vector<16xi32>
            %add3A_227 = arith.addi %add3A_215, %min3A_91 : i32
            %add3A_228 = arith.constant 1 : i32
            %add3A_229 = arith.addi %add3A_227, %add3A_228 : i32
            %broadcast_in_dim3A_230 = vector.broadcast %add3A_229 : i32 to vector<16xi32>
            %gather3A_231 = tpu.vector_load_idx %arg17[%broadcast_in_dim3A_230] : memref<2048xi32, #tpu.memory_space<vmem>>[vector<16xi32>], vector<16xi32>,
            %reduce_min3A_232 = arith.constant true
            %reduce_min3A_233 = vector.broadcast %reduce_min3A_232 : i1 to vector<16xi1>
            %reduce_min3A_234 = arith.constant -2147483648 : i32
            %reduce_min3A_235 = vector.broadcast %reduce_min3A_234 : i32 to vector<16xi32>
            %reduce_min3A_236 = arith.xori %gather3A_231, %reduce_min3A_235 : vector<16xi32>
            %reduce_min3A_237 = tpu.scan <min>, %reduce_min3A_236 masked %reduce_min3A_233 : vector<16xi32>, vector<16xi1> -> vector<16xi32>
            %reduce_min3A_238 = arith.xori %reduce_min3A_237, %reduce_min3A_235 : vector<16xi32>
            %reduce_min3A_239 = vector.extract %reduce_min3A_238[15] : i32 from vector<16xi32>
            %select_n3A_240 = arith.select %and3A_210, %reduce_min3A_239, %reduce_min3A_226 : i32
            %sub3A_241 = arith.subi %select_n3A_240, %reduce_min3A_226 : i32
            %add3A_242 = arith.constant 15 : i32
            %add3A_243 = arith.addi %sub3A_241, %add3A_242 : i32
            %jit3A_244 = arith.constant 16 : i32
            %div3A_245 = arith.divsi %add3A_243, %jit3A_244 : i32
            %sign3A_246 = arith.constant 0 : i32
            %sign3A_247 = arith.cmpi sgt, %add3A_243, %sign3A_246 : i32
            %sign3A_248 = arith.extui %sign3A_247 : i1 to i32
            %sign3A_249 = arith.constant 0 : i32
            %sign3A_250 = arith.cmpi slt, %add3A_243, %sign3A_249 : i32
            %sign3A_251 = arith.extui %sign3A_250 : i1 to i32
            %sign3A_252 = arith.subi %sign3A_248, %sign3A_251 : i32
            %sign3A_253 = arith.constant 0 : i32
            %sign3A_254 = arith.cmpi sgt, %jit3A_244, %sign3A_253 : i32
            %sign3A_255 = arith.extui %sign3A_254 : i1 to i32
            %sign3A_256 = arith.constant 0 : i32
            %sign3A_257 = arith.cmpi slt, %jit3A_244, %sign3A_256 : i32
            %sign3A_258 = arith.extui %sign3A_257 : i1 to i32
            %sign3A_259 = arith.subi %sign3A_255, %sign3A_258 : i32
            %ne3A_260 = arith.cmpi ne, %sign3A_252, %sign3A_259 : i32
            %rem3A_261 = arith.remsi %add3A_243, %jit3A_244 : i32
            %ne3A_262 = arith.constant 0 : i32
            %ne3A_263 = arith.cmpi ne, %rem3A_261, %ne3A_262 : i32
            %and3A_264 = arith.andi %ne3A_260, %ne3A_263 : i1
            %sub3A_265 = arith.constant 1 : i32
            %sub3A_266 = arith.subi %div3A_245, %sub3A_265 : i32
            %select_n3A_267 = arith.select %and3A_264, %sub3A_266, %div3A_245 : i32
            %while3A_268 = arith.constant 0 : i32
            %while3A_269 = arith.subi %select_n3A_267, %while3A_268 : i32
            %while3A_270 = arith.addi %while3A_268, %while3A_269 : i32
            %while3A_271 = arith.constant 1 : i32
            %while3A_272 = arith.divsi %while3A_269, %while3A_271 : i32
            %while3A_273 = arith.muli %while3A_272, %while3A_271 : i32
            %while3A_274 = arith.addi %while3A_268, %while3A_273 : i32
            %while3A_275 = arith.constant 1 : i32
            %while3A_276 = scf.for %while3A_423 = %while3A_268 to %while3A_274 step %while3A_275 iter_args(%while3A_424 = %while3A_209) -> (i32)  : i32 {
              %mul3A_425 = arith.constant 16 : i32
              %mul3A_426 = arith.muli %while3A_423, %mul3A_425 : i32
              %add3A_427 = arith.addi %reduce_min3A_226, %mul3A_426 : i32
              %add3A_428 = vector.broadcast %add3A_427 : i32 to vector<16xi32>
              %add3A_429 = arith.addi %add3A_428, %iota3A : vector<16xi32>
              %lt3A_430 = vector.broadcast %select_n3A_240 : i32 to vector<16xi32>
              %lt3A_431 = arith.cmpi slt, %add3A_429, %lt3A_430 : vector<16xi32>
              %gather3A_432 = tpu.vector_load_idx %arg16[%add3A_429] masked %lt3A_431 : memref<20480xf32, #tpu.memory_space<vmem>>[vector<16xi32>], vector<16xf32>, vector<16xi1>
              %gather3A_433 = tpu.vector_load_idx %arg13[%add3A_429] masked %lt3A_431 : memref<20480xf32, #tpu.memory_space<vmem>>[vector<16xi32>], vector<16xf32>, vector<16xi1>
              %gather3A_434 = tpu.vector_load_idx %arg14[%add3A_429] masked %lt3A_431 : memref<20480xf32, #tpu.memory_space<vmem>>[vector<16xi32>], vector<16xf32>, vector<16xi1>
              %gather3A_435 = tpu.vector_load_idx %arg15[%add3A_429] masked %lt3A_431 : memref<20480xf32, #tpu.memory_space<vmem>>[vector<16xi32>], vector<16xf32>, vector<16xi1>
              %mul3A_436 = arith.mulf %gather3A_433, %gather3A_433 : vector<16xf32>
              %mul3A_437 = arith.mulf %gather3A_434, %gather3A_434 : vector<16xf32>
              %add3A_438 = arith.addf %mul3A_436, %mul3A_437 : vector<16xf32>
              %mul3A_439 = arith.mulf %gather3A_435, %gather3A_435 : vector<16xf32>
              %add3A_440 = arith.addf %add3A_438, %mul3A_439 : vector<16xf32>
              %add3A_441 = arith.addf %add3A_81, %add3A_440 : vector<16xf32>
              %mul3A_442 = arith.mulf %gather3A_433, %gather3A_60 : vector<16xf32>
              %mul3A_443 = arith.mulf %gather3A_434, %gather3A_61 : vector<16xf32>
              %add3A_444 = arith.addf %mul3A_442, %mul3A_443 : vector<16xf32>
              %mul3A_445 = arith.mulf %gather3A_435, %gather3A_62 : vector<16xf32>
              %add3A_446 = arith.addf %add3A_444, %mul3A_445 : vector<16xf32>
              %mul3A_447 = arith.constant 2.000000e+00 : f32
              %mul3A_448 = vector.broadcast %mul3A_447 : f32 to vector<16xf32>
              %mul3A_449 = arith.mulf %mul3A_448, %add3A_446 : vector<16xf32>
              %sub3A_450 = arith.subf %add3A_441, %mul3A_449 : vector<16xf32>
              %ge3A = arith.constant 5.000000e-01 : f32
              %ge3A_451 = vector.broadcast %ge3A : f32 to vector<16xf32>
              %ge3A_452 = arith.cmpf oge, %gather3A_432, %ge3A_451 : vector<16xf32>
              %and3A_453 = arith.andi %lt3A_431, %ge3A_452 : vector<16xi1>
              %le3A = arith.constant 1.000000e+00 : f32
              %le3A_454 = vector.broadcast %le3A : f32 to vector<16xf32>
              %le3A_455 = arith.cmpf ole, %sub3A_450, %le3A_454 : vector<16xf32>
              %and3A_456 = arith.andi %and3A_453, %le3A_455 : vector<16xi1>
              %convert_element_type3A_457 = arith.extui %and3A_456 : vector<16xi1> to vector<16xi32>
              %broadcast_in_dim3A_458 = arith.constant true
              %broadcast_in_dim3A_459 = vector.broadcast %broadcast_in_dim3A_458 : i1 to vector<16xi1>
              %masked_cumsum3A = tpu.scan <sum>, %convert_element_type3A_457 masked %broadcast_in_dim3A_459 : vector<16xi32>, vector<16xi1> -> vector<16xi32>
              %add3A_460 = vector.broadcast %while3A_424 : i32 to vector<16xi32>
              %add3A_461 = arith.addi %add3A_460, %masked_cumsum3A : vector<16xi32>
              %sub3A_462 = arith.constant 1 : i32
              %sub3A_463 = vector.broadcast %sub3A_462 : i32 to vector<16xi32>
              %sub3A_464 = arith.subi %add3A_461, %sub3A_463 : vector<16xi32>
              %lt3A_465 = arith.constant 12 : i32
              %lt3A_466 = vector.broadcast %lt3A_465 : i32 to vector<16xi32>
              %lt3A_467 = arith.cmpi slt, %sub3A_464, %lt3A_466 : vector<16xi32>
              %and3A_468 = arith.andi %and3A_456, %lt3A_467 : vector<16xi1>
              %add3A_469 = vector.broadcast %mul3A_146 : i32 to vector<16xi32>
              %add3A_470 = arith.addi %add3A_469, %sub3A_464 : vector<16xi32>
              tpu.vector_store_idx %arg21[%add3A_470], %sub3A_450 masked %and3A_468 : memref<3072xf32, #tpu.memory_space<vmem>>[vector<16xi32>], vector<16xf32>, vector<16xi1>
              %add3A_471 = vector.broadcast %mul3A_146 : i32 to vector<16xi32>
              %add3A_472 = arith.addi %add3A_471, %sub3A_464 : vector<16xi32>
              tpu.vector_store_idx %arg22[%add3A_472], %add3A_429 masked %and3A_468 : memref<3072xi32, #tpu.memory_space<vmem>>[vector<16xi32>], vector<16xi32>, vector<16xi1>
              %reduce_sum3A = arith.constant true
              %reduce_sum3A_473 = vector.broadcast %reduce_sum3A : i1 to vector<16xi1>
              %reduce_sum3A_474 = tpu.scan <sum>, %convert_element_type3A_457 masked %reduce_sum3A_473 : vector<16xi32>, vector<16xi1> -> vector<16xi32>
              %reduce_sum3A_475 = vector.extract %reduce_sum3A_474[15] : i32 from vector<16xi32>
              %add3A_476 = arith.addi %while3A_424, %reduce_sum3A_475 : i32
              scf.yield %add3A_476 : i32
            }
            %while3A_277 = arith.constant 1 : i32
            %while3A_278 = scf.for %while3A_423 = %while3A_274 to %while3A_270 step %while3A_277 iter_args(%while3A_424 = %while3A_276) -> (i32)  : i32 {
              %mul3A_425 = arith.constant 16 : i32
              %mul3A_426 = arith.muli %while3A_423, %mul3A_425 : i32
              %add3A_427 = arith.addi %reduce_min3A_226, %mul3A_426 : i32
              %add3A_428 = vector.broadcast %add3A_427 : i32 to vector<16xi32>
              %add3A_429 = arith.addi %add3A_428, %iota3A : vector<16xi32>
              %lt3A_430 = vector.broadcast %select_n3A_240 : i32 to vector<16xi32>
              %lt3A_431 = arith.cmpi slt, %add3A_429, %lt3A_430 : vector<16xi32>
              %gather3A_432 = tpu.vector_load_idx %arg16[%add3A_429] masked %lt3A_431 : memref<20480xf32, #tpu.memory_space<vmem>>[vector<16xi32>], vector<16xf32>, vector<16xi1>
              %gather3A_433 = tpu.vector_load_idx %arg13[%add3A_429] masked %lt3A_431 : memref<20480xf32, #tpu.memory_space<vmem>>[vector<16xi32>], vector<16xf32>, vector<16xi1>
              %gather3A_434 = tpu.vector_load_idx %arg14[%add3A_429] masked %lt3A_431 : memref<20480xf32, #tpu.memory_space<vmem>>[vector<16xi32>], vector<16xf32>, vector<16xi1>
              %gather3A_435 = tpu.vector_load_idx %arg15[%add3A_429] masked %lt3A_431 : memref<20480xf32, #tpu.memory_space<vmem>>[vector<16xi32>], vector<16xf32>, vector<16xi1>
              %mul3A_436 = arith.mulf %gather3A_433, %gather3A_433 : vector<16xf32>
              %mul3A_437 = arith.mulf %gather3A_434, %gather3A_434 : vector<16xf32>
              %add3A_438 = arith.addf %mul3A_436, %mul3A_437 : vector<16xf32>
              %mul3A_439 = arith.mulf %gather3A_435, %gather3A_435 : vector<16xf32>
              %add3A_440 = arith.addf %add3A_438, %mul3A_439 : vector<16xf32>
              %add3A_441 = arith.addf %add3A_81, %add3A_440 : vector<16xf32>
              %mul3A_442 = arith.mulf %gather3A_433, %gather3A_60 : vector<16xf32>
              %mul3A_443 = arith.mulf %gather3A_434, %gather3A_61 : vector<16xf32>
              %add3A_444 = arith.addf %mul3A_442, %mul3A_443 : vector<16xf32>
              %mul3A_445 = arith.mulf %gather3A_435, %gather3A_62 : vector<16xf32>
              %add3A_446 = arith.addf %add3A_444, %mul3A_445 : vector<16xf32>
              %mul3A_447 = arith.constant 2.000000e+00 : f32
              %mul3A_448 = vector.broadcast %mul3A_447 : f32 to vector<16xf32>
              %mul3A_449 = arith.mulf %mul3A_448, %add3A_446 : vector<16xf32>
              %sub3A_450 = arith.subf %add3A_441, %mul3A_449 : vector<16xf32>
              %ge3A = arith.constant 5.000000e-01 : f32
              %ge3A_451 = vector.broadcast %ge3A : f32 to vector<16xf32>
              %ge3A_452 = arith.cmpf oge, %gather3A_432, %ge3A_451 : vector<16xf32>
              %and3A_453 = arith.andi %lt3A_431, %ge3A_452 : vector<16xi1>
              %le3A = arith.constant 1.000000e+00 : f32
              %le3A_454 = vector.broadcast %le3A : f32 to vector<16xf32>
              %le3A_455 = arith.cmpf ole, %sub3A_450, %le3A_454 : vector<16xf32>
              %and3A_456 = arith.andi %and3A_453, %le3A_455 : vector<16xi1>
              %convert_element_type3A_457 = arith.extui %and3A_456 : vector<16xi1> to vector<16xi32>
              %broadcast_in_dim3A_458 = arith.constant true
              %broadcast_in_dim3A_459 = vector.broadcast %broadcast_in_dim3A_458 : i1 to vector<16xi1>
              %masked_cumsum3A = tpu.scan <sum>, %convert_element_type3A_457 masked %broadcast_in_dim3A_459 : vector<16xi32>, vector<16xi1> -> vector<16xi32>
              %add3A_460 = vector.broadcast %while3A_424 : i32 to vector<16xi32>
              %add3A_461 = arith.addi %add3A_460, %masked_cumsum3A : vector<16xi32>
              %sub3A_462 = arith.constant 1 : i32
              %sub3A_463 = vector.broadcast %sub3A_462 : i32 to vector<16xi32>
              %sub3A_464 = arith.subi %add3A_461, %sub3A_463 : vector<16xi32>
              %lt3A_465 = arith.constant 12 : i32
              %lt3A_466 = vector.broadcast %lt3A_465 : i32 to vector<16xi32>
              %lt3A_467 = arith.cmpi slt, %sub3A_464, %lt3A_466 : vector<16xi32>
              %and3A_468 = arith.andi %and3A_456, %lt3A_467 : vector<16xi1>
              %add3A_469 = vector.broadcast %mul3A_146 : i32 to vector<16xi32>
              %add3A_470 = arith.addi %add3A_469, %sub3A_464 : vector<16xi32>
              tpu.vector_store_idx %arg21[%add3A_470], %sub3A_450 masked %and3A_468 : memref<3072xf32, #tpu.memory_space<vmem>>[vector<16xi32>], vector<16xf32>, vector<16xi1>
              %add3A_471 = vector.broadcast %mul3A_146 : i32 to vector<16xi32>
              %add3A_472 = arith.addi %add3A_471, %sub3A_464 : vector<16xi32>
              tpu.vector_store_idx %arg22[%add3A_472], %add3A_429 masked %and3A_468 : memref<3072xi32, #tpu.memory_space<vmem>>[vector<16xi32>], vector<16xi32>, vector<16xi1>
              %reduce_sum3A = arith.constant true
              %reduce_sum3A_473 = vector.broadcast %reduce_sum3A : i1 to vector<16xi1>
              %reduce_sum3A_474 = tpu.scan <sum>, %convert_element_type3A_457 masked %reduce_sum3A_473 : vector<16xi32>, vector<16xi1> -> vector<16xi32>
              %reduce_sum3A_475 = vector.extract %reduce_sum3A_474[15] : i32 from vector<16xi32>
              %add3A_476 = arith.addi %while3A_424, %reduce_sum3A_475 : i32
              scf.yield %add3A_476 : i32
            }
            %and3A_279 = arith.andi %lt3A_76, %gt3A_144 : i1
            %mul3A_280 = arith.constant 20 : i32
            %mul3A_281 = arith.muli %mul3A_280, %min3A_103 : i32
            %mul3A_282 = arith.constant 200 : i32
            %mul3A_283 = arith.muli %mul3A_282, %min3A_142 : i32
            %add3A_284 = arith.addi %mul3A_281, %mul3A_283 : i32
            %add3A_285 = arith.addi %add3A_284, %max3A_87 : i32
            %broadcast_in_dim3A_286 = vector.broadcast %add3A_285 : i32 to vector<16xi32>
            %gather3A_287 = tpu.vector_load_idx %arg17[%broadcast_in_dim3A_286] : memref<2048xi32, #tpu.memory_space<vmem>>[vector<16xi32>], vector<16xi32>,
            %reduce_min3A_288 = arith.constant true
            %reduce_min3A_289 = vector.broadcast %reduce_min3A_288 : i1 to vector<16xi1>
            %reduce_min3A_290 = arith.constant -2147483648 : i32
            %reduce_min3A_291 = vector.broadcast %reduce_min3A_290 : i32 to vector<16xi32>
            %reduce_min3A_292 = arith.xori %gather3A_287, %reduce_min3A_291 : vector<16xi32>
            %reduce_min3A_293 = tpu.scan <min>, %reduce_min3A_292 masked %reduce_min3A_289 : vector<16xi32>, vector<16xi1> -> vector<16xi32>
            %reduce_min3A_294 = arith.xori %reduce_min3A_293, %reduce_min3A_291 : vector<16xi32>
            %reduce_min3A_295 = vector.extract %reduce_min3A_294[15] : i32 from vector<16xi32>
            %add3A_296 = arith.addi %add3A_284, %min3A_91 : i32
            %add3A_297 = arith.constant 1 : i32
            %add3A_298 = arith.addi %add3A_296, %add3A_297 : i32
            %broadcast_in_dim3A_299 = vector.broadcast %add3A_298 : i32 to vector<16xi32>
            %gather3A_300 = tpu.vector_load_idx %arg17[%broadcast_in_dim3A_299] : memref<2048xi32, #tpu.memory_space<vmem>>[vector<16xi32>], vector<16xi32>,
            %reduce_min3A_301 = arith.constant true
            %reduce_min3A_302 = vector.broadcast %reduce_min3A_301 : i1 to vector<16xi1>
            %reduce_min3A_303 = arith.constant -2147483648 : i32
            %reduce_min3A_304 = vector.broadcast %reduce_min3A_303 : i32 to vector<16xi32>
            %reduce_min3A_305 = arith.xori %gather3A_300, %reduce_min3A_304 : vector<16xi32>
            %reduce_min3A_306 = tpu.scan <min>, %reduce_min3A_305 masked %reduce_min3A_302 : vector<16xi32>, vector<16xi1> -> vector<16xi32>
            %reduce_min3A_307 = arith.xori %reduce_min3A_306, %reduce_min3A_304 : vector<16xi32>
            %reduce_min3A_308 = vector.extract %reduce_min3A_307[15] : i32 from vector<16xi32>
            %select_n3A_309 = arith.select %and3A_279, %reduce_min3A_308, %reduce_min3A_295 : i32
            %sub3A_310 = arith.subi %select_n3A_309, %reduce_min3A_295 : i32
            %add3A_311 = arith.constant 15 : i32
            %add3A_312 = arith.addi %sub3A_310, %add3A_311 : i32
            %jit3A_313 = arith.constant 16 : i32
            %div3A_314 = arith.divsi %add3A_312, %jit3A_313 : i32
            %sign3A_315 = arith.constant 0 : i32
            %sign3A_316 = arith.cmpi sgt, %add3A_312, %sign3A_315 : i32
            %sign3A_317 = arith.extui %sign3A_316 : i1 to i32
            %sign3A_318 = arith.constant 0 : i32
            %sign3A_319 = arith.cmpi slt, %add3A_312, %sign3A_318 : i32
            %sign3A_320 = arith.extui %sign3A_319 : i1 to i32
            %sign3A_321 = arith.subi %sign3A_317, %sign3A_320 : i32
            %sign3A_322 = arith.constant 0 : i32
            %sign3A_323 = arith.cmpi sgt, %jit3A_313, %sign3A_322 : i32
            %sign3A_324 = arith.extui %sign3A_323 : i1 to i32
            %sign3A_325 = arith.constant 0 : i32
            %sign3A_326 = arith.cmpi slt, %jit3A_313, %sign3A_325 : i32
            %sign3A_327 = arith.extui %sign3A_326 : i1 to i32
            %sign3A_328 = arith.subi %sign3A_324, %sign3A_327 : i32
            %ne3A_329 = arith.cmpi ne, %sign3A_321, %sign3A_328 : i32
            %rem3A_330 = arith.remsi %add3A_312, %jit3A_313 : i32
            %ne3A_331 = arith.constant 0 : i32
            %ne3A_332 = arith.cmpi ne, %rem3A_330, %ne3A_331 : i32
            %and3A_333 = arith.andi %ne3A_329, %ne3A_332 : i1
            %sub3A_334 = arith.constant 1 : i32
            %sub3A_335 = arith.subi %div3A_314, %sub3A_334 : i32
            %select_n3A_336 = arith.select %and3A_333, %sub3A_335, %div3A_314 : i32
            %while3A_337 = arith.constant 0 : i32
            %while3A_338 = arith.subi %select_n3A_336, %while3A_337 : i32
            %while3A_339 = arith.addi %while3A_337, %while3A_338 : i32
            %while3A_340 = arith.constant 1 : i32
            %while3A_341 = arith.divsi %while3A_338, %while3A_340 : i32
            %while3A_342 = arith.muli %while3A_341, %while3A_340 : i32
            %while3A_343 = arith.addi %while3A_337, %while3A_342 : i32
            %while3A_344 = arith.constant 1 : i32
            %while3A_345 = scf.for %while3A_423 = %while3A_337 to %while3A_343 step %while3A_344 iter_args(%while3A_424 = %while3A_278) -> (i32)  : i32 {
              %mul3A_425 = arith.constant 16 : i32
              %mul3A_426 = arith.muli %while3A_423, %mul3A_425 : i32
              %add3A_427 = arith.addi %reduce_min3A_295, %mul3A_426 : i32
              %add3A_428 = vector.broadcast %add3A_427 : i32 to vector<16xi32>
              %add3A_429 = arith.addi %add3A_428, %iota3A : vector<16xi32>
              %lt3A_430 = vector.broadcast %select_n3A_309 : i32 to vector<16xi32>
              %lt3A_431 = arith.cmpi slt, %add3A_429, %lt3A_430 : vector<16xi32>
              %gather3A_432 = tpu.vector_load_idx %arg16[%add3A_429] masked %lt3A_431 : memref<20480xf32, #tpu.memory_space<vmem>>[vector<16xi32>], vector<16xf32>, vector<16xi1>
              %gather3A_433 = tpu.vector_load_idx %arg13[%add3A_429] masked %lt3A_431 : memref<20480xf32, #tpu.memory_space<vmem>>[vector<16xi32>], vector<16xf32>, vector<16xi1>
              %gather3A_434 = tpu.vector_load_idx %arg14[%add3A_429] masked %lt3A_431 : memref<20480xf32, #tpu.memory_space<vmem>>[vector<16xi32>], vector<16xf32>, vector<16xi1>
              %gather3A_435 = tpu.vector_load_idx %arg15[%add3A_429] masked %lt3A_431 : memref<20480xf32, #tpu.memory_space<vmem>>[vector<16xi32>], vector<16xf32>, vector<16xi1>
              %mul3A_436 = arith.mulf %gather3A_433, %gather3A_433 : vector<16xf32>
              %mul3A_437 = arith.mulf %gather3A_434, %gather3A_434 : vector<16xf32>
              %add3A_438 = arith.addf %mul3A_436, %mul3A_437 : vector<16xf32>
              %mul3A_439 = arith.mulf %gather3A_435, %gather3A_435 : vector<16xf32>
              %add3A_440 = arith.addf %add3A_438, %mul3A_439 : vector<16xf32>
              %add3A_441 = arith.addf %add3A_81, %add3A_440 : vector<16xf32>
              %mul3A_442 = arith.mulf %gather3A_433, %gather3A_60 : vector<16xf32>
              %mul3A_443 = arith.mulf %gather3A_434, %gather3A_61 : vector<16xf32>
              %add3A_444 = arith.addf %mul3A_442, %mul3A_443 : vector<16xf32>
              %mul3A_445 = arith.mulf %gather3A_435, %gather3A_62 : vector<16xf32>
              %add3A_446 = arith.addf %add3A_444, %mul3A_445 : vector<16xf32>
              %mul3A_447 = arith.constant 2.000000e+00 : f32
              %mul3A_448 = vector.broadcast %mul3A_447 : f32 to vector<16xf32>
              %mul3A_449 = arith.mulf %mul3A_448, %add3A_446 : vector<16xf32>
              %sub3A_450 = arith.subf %add3A_441, %mul3A_449 : vector<16xf32>
              %ge3A = arith.constant 5.000000e-01 : f32
              %ge3A_451 = vector.broadcast %ge3A : f32 to vector<16xf32>
              %ge3A_452 = arith.cmpf oge, %gather3A_432, %ge3A_451 : vector<16xf32>
              %and3A_453 = arith.andi %lt3A_431, %ge3A_452 : vector<16xi1>
              %le3A = arith.constant 1.000000e+00 : f32
              %le3A_454 = vector.broadcast %le3A : f32 to vector<16xf32>
              %le3A_455 = arith.cmpf ole, %sub3A_450, %le3A_454 : vector<16xf32>
              %and3A_456 = arith.andi %and3A_453, %le3A_455 : vector<16xi1>
              %convert_element_type3A_457 = arith.extui %and3A_456 : vector<16xi1> to vector<16xi32>
              %broadcast_in_dim3A_458 = arith.constant true
              %broadcast_in_dim3A_459 = vector.broadcast %broadcast_in_dim3A_458 : i1 to vector<16xi1>
              %masked_cumsum3A = tpu.scan <sum>, %convert_element_type3A_457 masked %broadcast_in_dim3A_459 : vector<16xi32>, vector<16xi1> -> vector<16xi32>
              %add3A_460 = vector.broadcast %while3A_424 : i32 to vector<16xi32>
              %add3A_461 = arith.addi %add3A_460, %masked_cumsum3A : vector<16xi32>
              %sub3A_462 = arith.constant 1 : i32
              %sub3A_463 = vector.broadcast %sub3A_462 : i32 to vector<16xi32>
              %sub3A_464 = arith.subi %add3A_461, %sub3A_463 : vector<16xi32>
              %lt3A_465 = arith.constant 12 : i32
              %lt3A_466 = vector.broadcast %lt3A_465 : i32 to vector<16xi32>
              %lt3A_467 = arith.cmpi slt, %sub3A_464, %lt3A_466 : vector<16xi32>
              %and3A_468 = arith.andi %and3A_456, %lt3A_467 : vector<16xi1>
              %add3A_469 = vector.broadcast %mul3A_146 : i32 to vector<16xi32>
              %add3A_470 = arith.addi %add3A_469, %sub3A_464 : vector<16xi32>
              tpu.vector_store_idx %arg21[%add3A_470], %sub3A_450 masked %and3A_468 : memref<3072xf32, #tpu.memory_space<vmem>>[vector<16xi32>], vector<16xf32>, vector<16xi1>
              %add3A_471 = vector.broadcast %mul3A_146 : i32 to vector<16xi32>
              %add3A_472 = arith.addi %add3A_471, %sub3A_464 : vector<16xi32>
              tpu.vector_store_idx %arg22[%add3A_472], %add3A_429 masked %and3A_468 : memref<3072xi32, #tpu.memory_space<vmem>>[vector<16xi32>], vector<16xi32>, vector<16xi1>
              %reduce_sum3A = arith.constant true
              %reduce_sum3A_473 = vector.broadcast %reduce_sum3A : i1 to vector<16xi1>
              %reduce_sum3A_474 = tpu.scan <sum>, %convert_element_type3A_457 masked %reduce_sum3A_473 : vector<16xi32>, vector<16xi1> -> vector<16xi32>
              %reduce_sum3A_475 = vector.extract %reduce_sum3A_474[15] : i32 from vector<16xi32>
              %add3A_476 = arith.addi %while3A_424, %reduce_sum3A_475 : i32
              scf.yield %add3A_476 : i32
            }
            %while3A_346 = arith.constant 1 : i32
            %while3A_347 = scf.for %while3A_423 = %while3A_343 to %while3A_339 step %while3A_346 iter_args(%while3A_424 = %while3A_345) -> (i32)  : i32 {
              %mul3A_425 = arith.constant 16 : i32
              %mul3A_426 = arith.muli %while3A_423, %mul3A_425 : i32
              %add3A_427 = arith.addi %reduce_min3A_295, %mul3A_426 : i32
              %add3A_428 = vector.broadcast %add3A_427 : i32 to vector<16xi32>
              %add3A_429 = arith.addi %add3A_428, %iota3A : vector<16xi32>
              %lt3A_430 = vector.broadcast %select_n3A_309 : i32 to vector<16xi32>
              %lt3A_431 = arith.cmpi slt, %add3A_429, %lt3A_430 : vector<16xi32>
              %gather3A_432 = tpu.vector_load_idx %arg16[%add3A_429] masked %lt3A_431 : memref<20480xf32, #tpu.memory_space<vmem>>[vector<16xi32>], vector<16xf32>, vector<16xi1>
              %gather3A_433 = tpu.vector_load_idx %arg13[%add3A_429] masked %lt3A_431 : memref<20480xf32, #tpu.memory_space<vmem>>[vector<16xi32>], vector<16xf32>, vector<16xi1>
              %gather3A_434 = tpu.vector_load_idx %arg14[%add3A_429] masked %lt3A_431 : memref<20480xf32, #tpu.memory_space<vmem>>[vector<16xi32>], vector<16xf32>, vector<16xi1>
              %gather3A_435 = tpu.vector_load_idx %arg15[%add3A_429] masked %lt3A_431 : memref<20480xf32, #tpu.memory_space<vmem>>[vector<16xi32>], vector<16xf32>, vector<16xi1>
              %mul3A_436 = arith.mulf %gather3A_433, %gather3A_433 : vector<16xf32>
              %mul3A_437 = arith.mulf %gather3A_434, %gather3A_434 : vector<16xf32>
              %add3A_438 = arith.addf %mul3A_436, %mul3A_437 : vector<16xf32>
              %mul3A_439 = arith.mulf %gather3A_435, %gather3A_435 : vector<16xf32>
              %add3A_440 = arith.addf %add3A_438, %mul3A_439 : vector<16xf32>
              %add3A_441 = arith.addf %add3A_81, %add3A_440 : vector<16xf32>
              %mul3A_442 = arith.mulf %gather3A_433, %gather3A_60 : vector<16xf32>
              %mul3A_443 = arith.mulf %gather3A_434, %gather3A_61 : vector<16xf32>
              %add3A_444 = arith.addf %mul3A_442, %mul3A_443 : vector<16xf32>
              %mul3A_445 = arith.mulf %gather3A_435, %gather3A_62 : vector<16xf32>
              %add3A_446 = arith.addf %add3A_444, %mul3A_445 : vector<16xf32>
              %mul3A_447 = arith.constant 2.000000e+00 : f32
              %mul3A_448 = vector.broadcast %mul3A_447 : f32 to vector<16xf32>
              %mul3A_449 = arith.mulf %mul3A_448, %add3A_446 : vector<16xf32>
              %sub3A_450 = arith.subf %add3A_441, %mul3A_449 : vector<16xf32>
              %ge3A = arith.constant 5.000000e-01 : f32
              %ge3A_451 = vector.broadcast %ge3A : f32 to vector<16xf32>
              %ge3A_452 = arith.cmpf oge, %gather3A_432, %ge3A_451 : vector<16xf32>
              %and3A_453 = arith.andi %lt3A_431, %ge3A_452 : vector<16xi1>
              %le3A = arith.constant 1.000000e+00 : f32
              %le3A_454 = vector.broadcast %le3A : f32 to vector<16xf32>
              %le3A_455 = arith.cmpf ole, %sub3A_450, %le3A_454 : vector<16xf32>
              %and3A_456 = arith.andi %and3A_453, %le3A_455 : vector<16xi1>
              %convert_element_type3A_457 = arith.extui %and3A_456 : vector<16xi1> to vector<16xi32>
              %broadcast_in_dim3A_458 = arith.constant true
              %broadcast_in_dim3A_459 = vector.broadcast %broadcast_in_dim3A_458 : i1 to vector<16xi1>
              %masked_cumsum3A = tpu.scan <sum>, %convert_element_type3A_457 masked %broadcast_in_dim3A_459 : vector<16xi32>, vector<16xi1> -> vector<16xi32>
              %add3A_460 = vector.broadcast %while3A_424 : i32 to vector<16xi32>
              %add3A_461 = arith.addi %add3A_460, %masked_cumsum3A : vector<16xi32>
              %sub3A_462 = arith.constant 1 : i32
              %sub3A_463 = vector.broadcast %sub3A_462 : i32 to vector<16xi32>
              %sub3A_464 = arith.subi %add3A_461, %sub3A_463 : vector<16xi32>
              %lt3A_465 = arith.constant 12 : i32
              %lt3A_466 = vector.broadcast %lt3A_465 : i32 to vector<16xi32>
              %lt3A_467 = arith.cmpi slt, %sub3A_464, %lt3A_466 : vector<16xi32>
              %and3A_468 = arith.andi %and3A_456, %lt3A_467 : vector<16xi1>
              %add3A_469 = vector.broadcast %mul3A_146 : i32 to vector<16xi32>
              %add3A_470 = arith.addi %add3A_469, %sub3A_464 : vector<16xi32>
              tpu.vector_store_idx %arg21[%add3A_470], %sub3A_450 masked %and3A_468 : memref<3072xf32, #tpu.memory_space<vmem>>[vector<16xi32>], vector<16xf32>, vector<16xi1>
              %add3A_471 = vector.broadcast %mul3A_146 : i32 to vector<16xi32>
              %add3A_472 = arith.addi %add3A_471, %sub3A_464 : vector<16xi32>
              tpu.vector_store_idx %arg22[%add3A_472], %add3A_429 masked %and3A_468 : memref<3072xi32, #tpu.memory_space<vmem>>[vector<16xi32>], vector<16xi32>, vector<16xi1>
              %reduce_sum3A = arith.constant true
              %reduce_sum3A_473 = vector.broadcast %reduce_sum3A : i1 to vector<16xi1>
              %reduce_sum3A_474 = tpu.scan <sum>, %convert_element_type3A_457 masked %reduce_sum3A_473 : vector<16xi32>, vector<16xi1> -> vector<16xi32>
              %reduce_sum3A_475 = vector.extract %reduce_sum3A_474[15] : i32 from vector<16xi32>
              %add3A_476 = arith.addi %while3A_424, %reduce_sum3A_475 : i32
              scf.yield %add3A_476 : i32
            }
            %and3A_348 = arith.andi %lt3A_76, %gt3A_143 : i1
            %and3A_349 = arith.andi %and3A_348, %gt3A_144 : i1
            %mul3A_350 = arith.constant 20 : i32
            %mul3A_351 = arith.muli %mul3A_350, %min3A_116 : i32
            %mul3A_352 = arith.constant 200 : i32
            %mul3A_353 = arith.muli %mul3A_352, %min3A_142 : i32
            %add3A_354 = arith.addi %mul3A_351, %mul3A_353 : i32
            %add3A_355 = arith.addi %add3A_354, %max3A_87 : i32
            %broadcast_in_dim3A_356 = vector.broadcast %add3A_355 : i32 to vector<16xi32>
            %gather3A_357 = tpu.vector_load_idx %arg17[%broadcast_in_dim3A_356] : memref<2048xi32, #tpu.memory_space<vmem>>[vector<16xi32>], vector<16xi32>,
            %reduce_min3A_358 = arith.constant true
            %reduce_min3A_359 = vector.broadcast %reduce_min3A_358 : i1 to vector<16xi1>
            %reduce_min3A_360 = arith.constant -2147483648 : i32
            %reduce_min3A_361 = vector.broadcast %reduce_min3A_360 : i32 to vector<16xi32>
            %reduce_min3A_362 = arith.xori %gather3A_357, %reduce_min3A_361 : vector<16xi32>
            %reduce_min3A_363 = tpu.scan <min>, %reduce_min3A_362 masked %reduce_min3A_359 : vector<16xi32>, vector<16xi1> -> vector<16xi32>
            %reduce_min3A_364 = arith.xori %reduce_min3A_363, %reduce_min3A_361 : vector<16xi32>
            %reduce_min3A_365 = vector.extract %reduce_min3A_364[15] : i32 from vector<16xi32>
            %add3A_366 = arith.addi %add3A_354, %min3A_91 : i32
            %add3A_367 = arith.constant 1 : i32
            %add3A_368 = arith.addi %add3A_366, %add3A_367 : i32
            %broadcast_in_dim3A_369 = vector.broadcast %add3A_368 : i32 to vector<16xi32>
            %gather3A_370 = tpu.vector_load_idx %arg17[%broadcast_in_dim3A_369] : memref<2048xi32, #tpu.memory_space<vmem>>[vector<16xi32>], vector<16xi32>,
            %reduce_min3A_371 = arith.constant true
            %reduce_min3A_372 = vector.broadcast %reduce_min3A_371 : i1 to vector<16xi1>
            %reduce_min3A_373 = arith.constant -2147483648 : i32
            %reduce_min3A_374 = vector.broadcast %reduce_min3A_373 : i32 to vector<16xi32>
            %reduce_min3A_375 = arith.xori %gather3A_370, %reduce_min3A_374 : vector<16xi32>
            %reduce_min3A_376 = tpu.scan <min>, %reduce_min3A_375 masked %reduce_min3A_372 : vector<16xi32>, vector<16xi1> -> vector<16xi32>
            %reduce_min3A_377 = arith.xori %reduce_min3A_376, %reduce_min3A_374 : vector<16xi32>
            %reduce_min3A_378 = vector.extract %reduce_min3A_377[15] : i32 from vector<16xi32>
            %select_n3A_379 = arith.select %and3A_349, %reduce_min3A_378, %reduce_min3A_365 : i32
            %sub3A_380 = arith.subi %select_n3A_379, %reduce_min3A_365 : i32
            %add3A_381 = arith.constant 15 : i32
            %add3A_382 = arith.addi %sub3A_380, %add3A_381 : i32
            %jit3A_383 = arith.constant 16 : i32
            %div3A_384 = arith.divsi %add3A_382, %jit3A_383 : i32
            %sign3A_385 = arith.constant 0 : i32
            %sign3A_386 = arith.cmpi sgt, %add3A_382, %sign3A_385 : i32
            %sign3A_387 = arith.extui %sign3A_386 : i1 to i32
            %sign3A_388 = arith.constant 0 : i32
            %sign3A_389 = arith.cmpi slt, %add3A_382, %sign3A_388 : i32
            %sign3A_390 = arith.extui %sign3A_389 : i1 to i32
            %sign3A_391 = arith.subi %sign3A_387, %sign3A_390 : i32
            %sign3A_392 = arith.constant 0 : i32
            %sign3A_393 = arith.cmpi sgt, %jit3A_383, %sign3A_392 : i32
            %sign3A_394 = arith.extui %sign3A_393 : i1 to i32
            %sign3A_395 = arith.constant 0 : i32
            %sign3A_396 = arith.cmpi slt, %jit3A_383, %sign3A_395 : i32
            %sign3A_397 = arith.extui %sign3A_396 : i1 to i32
            %sign3A_398 = arith.subi %sign3A_394, %sign3A_397 : i32
            %ne3A_399 = arith.cmpi ne, %sign3A_391, %sign3A_398 : i32
            %rem3A_400 = arith.remsi %add3A_382, %jit3A_383 : i32
            %ne3A_401 = arith.constant 0 : i32
            %ne3A_402 = arith.cmpi ne, %rem3A_400, %ne3A_401 : i32
            %and3A_403 = arith.andi %ne3A_399, %ne3A_402 : i1
            %sub3A_404 = arith.constant 1 : i32
            %sub3A_405 = arith.subi %div3A_384, %sub3A_404 : i32
            %select_n3A_406 = arith.select %and3A_403, %sub3A_405, %div3A_384 : i32
            %while3A_407 = arith.constant 0 : i32
            %while3A_408 = arith.subi %select_n3A_406, %while3A_407 : i32
            %while3A_409 = arith.addi %while3A_407, %while3A_408 : i32
            %while3A_410 = arith.constant 1 : i32
            %while3A_411 = arith.divsi %while3A_408, %while3A_410 : i32
            %while3A_412 = arith.muli %while3A_411, %while3A_410 : i32
            %while3A_413 = arith.addi %while3A_407, %while3A_412 : i32
            %while3A_414 = arith.constant 1 : i32
            %while3A_415 = scf.for %while3A_423 = %while3A_407 to %while3A_413 step %while3A_414 iter_args(%while3A_424 = %while3A_347) -> (i32)  : i32 {
              %mul3A_425 = arith.constant 16 : i32
              %mul3A_426 = arith.muli %while3A_423, %mul3A_425 : i32
              %add3A_427 = arith.addi %reduce_min3A_365, %mul3A_426 : i32
              %add3A_428 = vector.broadcast %add3A_427 : i32 to vector<16xi32>
              %add3A_429 = arith.addi %add3A_428, %iota3A : vector<16xi32>
              %lt3A_430 = vector.broadcast %select_n3A_379 : i32 to vector<16xi32>
              %lt3A_431 = arith.cmpi slt, %add3A_429, %lt3A_430 : vector<16xi32>
              %gather3A_432 = tpu.vector_load_idx %arg16[%add3A_429] masked %lt3A_431 : memref<20480xf32, #tpu.memory_space<vmem>>[vector<16xi32>], vector<16xf32>, vector<16xi1>
              %gather3A_433 = tpu.vector_load_idx %arg13[%add3A_429] masked %lt3A_431 : memref<20480xf32, #tpu.memory_space<vmem>>[vector<16xi32>], vector<16xf32>, vector<16xi1>
              %gather3A_434 = tpu.vector_load_idx %arg14[%add3A_429] masked %lt3A_431 : memref<20480xf32, #tpu.memory_space<vmem>>[vector<16xi32>], vector<16xf32>, vector<16xi1>
              %gather3A_435 = tpu.vector_load_idx %arg15[%add3A_429] masked %lt3A_431 : memref<20480xf32, #tpu.memory_space<vmem>>[vector<16xi32>], vector<16xf32>, vector<16xi1>
              %mul3A_436 = arith.mulf %gather3A_433, %gather3A_433 : vector<16xf32>
              %mul3A_437 = arith.mulf %gather3A_434, %gather3A_434 : vector<16xf32>
              %add3A_438 = arith.addf %mul3A_436, %mul3A_437 : vector<16xf32>
              %mul3A_439 = arith.mulf %gather3A_435, %gather3A_435 : vector<16xf32>
              %add3A_440 = arith.addf %add3A_438, %mul3A_439 : vector<16xf32>
              %add3A_441 = arith.addf %add3A_81, %add3A_440 : vector<16xf32>
              %mul3A_442 = arith.mulf %gather3A_433, %gather3A_60 : vector<16xf32>
              %mul3A_443 = arith.mulf %gather3A_434, %gather3A_61 : vector<16xf32>
              %add3A_444 = arith.addf %mul3A_442, %mul3A_443 : vector<16xf32>
              %mul3A_445 = arith.mulf %gather3A_435, %gather3A_62 : vector<16xf32>
              %add3A_446 = arith.addf %add3A_444, %mul3A_445 : vector<16xf32>
              %mul3A_447 = arith.constant 2.000000e+00 : f32
              %mul3A_448 = vector.broadcast %mul3A_447 : f32 to vector<16xf32>
              %mul3A_449 = arith.mulf %mul3A_448, %add3A_446 : vector<16xf32>
              %sub3A_450 = arith.subf %add3A_441, %mul3A_449 : vector<16xf32>
              %ge3A = arith.constant 5.000000e-01 : f32
              %ge3A_451 = vector.broadcast %ge3A : f32 to vector<16xf32>
              %ge3A_452 = arith.cmpf oge, %gather3A_432, %ge3A_451 : vector<16xf32>
              %and3A_453 = arith.andi %lt3A_431, %ge3A_452 : vector<16xi1>
              %le3A = arith.constant 1.000000e+00 : f32
              %le3A_454 = vector.broadcast %le3A : f32 to vector<16xf32>
              %le3A_455 = arith.cmpf ole, %sub3A_450, %le3A_454 : vector<16xf32>
              %and3A_456 = arith.andi %and3A_453, %le3A_455 : vector<16xi1>
              %convert_element_type3A_457 = arith.extui %and3A_456 : vector<16xi1> to vector<16xi32>
              %broadcast_in_dim3A_458 = arith.constant true
              %broadcast_in_dim3A_459 = vector.broadcast %broadcast_in_dim3A_458 : i1 to vector<16xi1>
              %masked_cumsum3A = tpu.scan <sum>, %convert_element_type3A_457 masked %broadcast_in_dim3A_459 : vector<16xi32>, vector<16xi1> -> vector<16xi32>
              %add3A_460 = vector.broadcast %while3A_424 : i32 to vector<16xi32>
              %add3A_461 = arith.addi %add3A_460, %masked_cumsum3A : vector<16xi32>
              %sub3A_462 = arith.constant 1 : i32
              %sub3A_463 = vector.broadcast %sub3A_462 : i32 to vector<16xi32>
              %sub3A_464 = arith.subi %add3A_461, %sub3A_463 : vector<16xi32>
              %lt3A_465 = arith.constant 12 : i32
              %lt3A_466 = vector.broadcast %lt3A_465 : i32 to vector<16xi32>
              %lt3A_467 = arith.cmpi slt, %sub3A_464, %lt3A_466 : vector<16xi32>
              %and3A_468 = arith.andi %and3A_456, %lt3A_467 : vector<16xi1>
              %add3A_469 = vector.broadcast %mul3A_146 : i32 to vector<16xi32>
              %add3A_470 = arith.addi %add3A_469, %sub3A_464 : vector<16xi32>
              tpu.vector_store_idx %arg21[%add3A_470], %sub3A_450 masked %and3A_468 : memref<3072xf32, #tpu.memory_space<vmem>>[vector<16xi32>], vector<16xf32>, vector<16xi1>
              %add3A_471 = vector.broadcast %mul3A_146 : i32 to vector<16xi32>
              %add3A_472 = arith.addi %add3A_471, %sub3A_464 : vector<16xi32>
              tpu.vector_store_idx %arg22[%add3A_472], %add3A_429 masked %and3A_468 : memref<3072xi32, #tpu.memory_space<vmem>>[vector<16xi32>], vector<16xi32>, vector<16xi1>
              %reduce_sum3A = arith.constant true
              %reduce_sum3A_473 = vector.broadcast %reduce_sum3A : i1 to vector<16xi1>
              %reduce_sum3A_474 = tpu.scan <sum>, %convert_element_type3A_457 masked %reduce_sum3A_473 : vector<16xi32>, vector<16xi1> -> vector<16xi32>
              %reduce_sum3A_475 = vector.extract %reduce_sum3A_474[15] : i32 from vector<16xi32>
              %add3A_476 = arith.addi %while3A_424, %reduce_sum3A_475 : i32
              scf.yield %add3A_476 : i32
            }
            %while3A_416 = arith.constant 1 : i32
            %while3A_417 = scf.for %while3A_423 = %while3A_413 to %while3A_409 step %while3A_416 iter_args(%while3A_424 = %while3A_415) -> (i32)  : i32 {
              %mul3A_425 = arith.constant 16 : i32
              %mul3A_426 = arith.muli %while3A_423, %mul3A_425 : i32
              %add3A_427 = arith.addi %reduce_min3A_365, %mul3A_426 : i32
              %add3A_428 = vector.broadcast %add3A_427 : i32 to vector<16xi32>
              %add3A_429 = arith.addi %add3A_428, %iota3A : vector<16xi32>
              %lt3A_430 = vector.broadcast %select_n3A_379 : i32 to vector<16xi32>
              %lt3A_431 = arith.cmpi slt, %add3A_429, %lt3A_430 : vector<16xi32>
              %gather3A_432 = tpu.vector_load_idx %arg16[%add3A_429] masked %lt3A_431 : memref<20480xf32, #tpu.memory_space<vmem>>[vector<16xi32>], vector<16xf32>, vector<16xi1>
              %gather3A_433 = tpu.vector_load_idx %arg13[%add3A_429] masked %lt3A_431 : memref<20480xf32, #tpu.memory_space<vmem>>[vector<16xi32>], vector<16xf32>, vector<16xi1>
              %gather3A_434 = tpu.vector_load_idx %arg14[%add3A_429] masked %lt3A_431 : memref<20480xf32, #tpu.memory_space<vmem>>[vector<16xi32>], vector<16xf32>, vector<16xi1>
              %gather3A_435 = tpu.vector_load_idx %arg15[%add3A_429] masked %lt3A_431 : memref<20480xf32, #tpu.memory_space<vmem>>[vector<16xi32>], vector<16xf32>, vector<16xi1>
              %mul3A_436 = arith.mulf %gather3A_433, %gather3A_433 : vector<16xf32>
              %mul3A_437 = arith.mulf %gather3A_434, %gather3A_434 : vector<16xf32>
              %add3A_438 = arith.addf %mul3A_436, %mul3A_437 : vector<16xf32>
              %mul3A_439 = arith.mulf %gather3A_435, %gather3A_435 : vector<16xf32>
              %add3A_440 = arith.addf %add3A_438, %mul3A_439 : vector<16xf32>
              %add3A_441 = arith.addf %add3A_81, %add3A_440 : vector<16xf32>
              %mul3A_442 = arith.mulf %gather3A_433, %gather3A_60 : vector<16xf32>
              %mul3A_443 = arith.mulf %gather3A_434, %gather3A_61 : vector<16xf32>
              %add3A_444 = arith.addf %mul3A_442, %mul3A_443 : vector<16xf32>
              %mul3A_445 = arith.mulf %gather3A_435, %gather3A_62 : vector<16xf32>
              %add3A_446 = arith.addf %add3A_444, %mul3A_445 : vector<16xf32>
              %mul3A_447 = arith.constant 2.000000e+00 : f32
              %mul3A_448 = vector.broadcast %mul3A_447 : f32 to vector<16xf32>
              %mul3A_449 = arith.mulf %mul3A_448, %add3A_446 : vector<16xf32>
              %sub3A_450 = arith.subf %add3A_441, %mul3A_449 : vector<16xf32>
              %ge3A = arith.constant 5.000000e-01 : f32
              %ge3A_451 = vector.broadcast %ge3A : f32 to vector<16xf32>
              %ge3A_452 = arith.cmpf oge, %gather3A_432, %ge3A_451 : vector<16xf32>
              %and3A_453 = arith.andi %lt3A_431, %ge3A_452 : vector<16xi1>
              %le3A = arith.constant 1.000000e+00 : f32
              %le3A_454 = vector.broadcast %le3A : f32 to vector<16xf32>
              %le3A_455 = arith.cmpf ole, %sub3A_450, %le3A_454 : vector<16xf32>
              %and3A_456 = arith.andi %and3A_453, %le3A_455 : vector<16xi1>
              %convert_element_type3A_457 = arith.extui %and3A_456 : vector<16xi1> to vector<16xi32>
              %broadcast_in_dim3A_458 = arith.constant true
              %broadcast_in_dim3A_459 = vector.broadcast %broadcast_in_dim3A_458 : i1 to vector<16xi1>
              %masked_cumsum3A = tpu.scan <sum>, %convert_element_type3A_457 masked %broadcast_in_dim3A_459 : vector<16xi32>, vector<16xi1> -> vector<16xi32>
              %add3A_460 = vector.broadcast %while3A_424 : i32 to vector<16xi32>
              %add3A_461 = arith.addi %add3A_460, %masked_cumsum3A : vector<16xi32>
              %sub3A_462 = arith.constant 1 : i32
              %sub3A_463 = vector.broadcast %sub3A_462 : i32 to vector<16xi32>
              %sub3A_464 = arith.subi %add3A_461, %sub3A_463 : vector<16xi32>
              %lt3A_465 = arith.constant 12 : i32
              %lt3A_466 = vector.broadcast %lt3A_465 : i32 to vector<16xi32>
              %lt3A_467 = arith.cmpi slt, %sub3A_464, %lt3A_466 : vector<16xi32>
              %and3A_468 = arith.andi %and3A_456, %lt3A_467 : vector<16xi1>
              %add3A_469 = vector.broadcast %mul3A_146 : i32 to vector<16xi32>
              %add3A_470 = arith.addi %add3A_469, %sub3A_464 : vector<16xi32>
              tpu.vector_store_idx %arg21[%add3A_470], %sub3A_450 masked %and3A_468 : memref<3072xf32, #tpu.memory_space<vmem>>[vector<16xi32>], vector<16xf32>, vector<16xi1>
              %add3A_471 = vector.broadcast %mul3A_146 : i32 to vector<16xi32>
              %add3A_472 = arith.addi %add3A_471, %sub3A_464 : vector<16xi32>
              tpu.vector_store_idx %arg22[%add3A_472], %add3A_429 masked %and3A_468 : memref<3072xi32, #tpu.memory_space<vmem>>[vector<16xi32>], vector<16xi32>, vector<16xi1>
              %reduce_sum3A = arith.constant true
              %reduce_sum3A_473 = vector.broadcast %reduce_sum3A : i1 to vector<16xi1>
              %reduce_sum3A_474 = tpu.scan <sum>, %convert_element_type3A_457 masked %reduce_sum3A_473 : vector<16xi32>, vector<16xi1> -> vector<16xi32>
              %reduce_sum3A_475 = vector.extract %reduce_sum3A_474[15] : i32 from vector<16xi32>
              %add3A_476 = arith.addi %while3A_424, %reduce_sum3A_475 : i32
              scf.yield %add3A_476 : i32
            }
            %broadcast_in_dim3A_418 = vector.broadcast %while3A_417 : i32 to vector<16xi32>
            %eq3A_419 = arith.constant 0 : i32
            %eq3A_420 = vector.broadcast %eq3A_419 : i32 to vector<16xi32>
            %eq3A_421 = arith.cmpi eq, %iota3A, %eq3A_420 : vector<16xi32>
            tpu.vector_store_idx %arg23[%broadcast_in_dim3A_59], %broadcast_in_dim3A_418 masked %eq3A_421 : memref<256xi32, #tpu.memory_space<vmem>>[vector<16xi32>], vector<16xi32>, vector<16xi1>
            %scan3A_422 = arith.constant 0 : i32
            scf.yield %scan3A_422 : i32
          }
          %scan3A_47 = arith.constant 256 : i32
          %mul3A_48 = arith.constant 1280 : i32
          %mul3A_49 = arith.muli %arg1, %mul3A_48 : i32
          %mul3A_50 = arith.constant 256 : i32
          %mul3A_51 = arith.muli %scan3A_25, %mul3A_50 : i32
          %add3A_52 = arith.addi %mul3A_49, %mul3A_51 : i32
          %mul3A_53 = arith.constant 12 : i32
          %mul3A_54 = arith.muli %add3A_52, %mul3A_53 : i32
          "tpu.region"() ({
            %run_scoped3A = tpu.sem_alloc : memref<!tpu.dma_semaphore, #tpu.memory_space<semaphore_mem>>
            %dma_start3A = tpu.memref_slice %arg27[%mul3A_54] : memref<245760xf32, #tpu.memory_space<vmem_shared>> -> memref<3072xf32, #tpu.memory_space<vmem_shared>>
            %dma_start3A_57 = tpu.memref_slice %arg27[%mul3A_54] : memref<245760xf32, #tpu.memory_space<vmem_shared>> -> memref<3072xf32, #tpu.memory_space<vmem_shared>>
            tpu.enqueue_dma source(%arg21 : memref<3072xf32, #tpu.memory_space<vmem>>) target(%dma_start3A_57 : memref<3072xf32, #tpu.memory_space<vmem_shared>>) target_semaphore(%run_scoped3A : memref<!tpu.dma_semaphore, #tpu.memory_space<semaphore_mem>>)
            %dma_wait3A = tpu.memref_slice %arg27[%mul3A_54] : memref<245760xf32, #tpu.memory_space<vmem_shared>> -> memref<3072xf32, #tpu.memory_space<vmem_shared>>
            %dma_wait3A_58 = tpu.memref_slice %arg27[%mul3A_54] : memref<245760xf32, #tpu.memory_space<vmem_shared>> -> memref<3072xf32, #tpu.memory_space<vmem_shared>>
            tpu.wait_dma2 semaphore(%run_scoped3A : memref<!tpu.dma_semaphore, #tpu.memory_space<semaphore_mem>>) src(%arg21 : memref<3072xf32, #tpu.memory_space<vmem>>) dst(%dma_wait3A_58 : memref<3072xf32, #tpu.memory_space<vmem_shared>>)
            tpu.yield
          }) : () -> ()
          %mul3A_55 = arith.constant 12 : i32
          %mul3A_56 = arith.muli %add3A_52, %mul3A_55 : i32
          "tpu.region"() ({
            %run_scoped3A = tpu.sem_alloc : memref<!tpu.dma_semaphore, #tpu.memory_space<semaphore_mem>>
            %dma_start3A = tpu.memref_slice %arg28[%mul3A_56] : memref<245760xi32, #tpu.memory_space<vmem_shared>> -> memref<3072xi32, #tpu.memory_space<vmem_shared>>
            %dma_start3A_57 = tpu.memref_slice %arg28[%mul3A_56] : memref<245760xi32, #tpu.memory_space<vmem_shared>> -> memref<3072xi32, #tpu.memory_space<vmem_shared>>
            tpu.enqueue_dma source(%arg22 : memref<3072xi32, #tpu.memory_space<vmem>>) target(%dma_start3A_57 : memref<3072xi32, #tpu.memory_space<vmem_shared>>) target_semaphore(%run_scoped3A : memref<!tpu.dma_semaphore, #tpu.memory_space<semaphore_mem>>)
            %dma_wait3A = tpu.memref_slice %arg28[%mul3A_56] : memref<245760xi32, #tpu.memory_space<vmem_shared>> -> memref<3072xi32, #tpu.memory_space<vmem_shared>>
            %dma_wait3A_58 = tpu.memref_slice %arg28[%mul3A_56] : memref<245760xi32, #tpu.memory_space<vmem_shared>> -> memref<3072xi32, #tpu.memory_space<vmem_shared>>
            tpu.wait_dma2 semaphore(%run_scoped3A : memref<!tpu.dma_semaphore, #tpu.memory_space<semaphore_mem>>) src(%arg22 : memref<3072xi32, #tpu.memory_space<vmem>>) dst(%dma_wait3A_58 : memref<3072xi32, #tpu.memory_space<vmem_shared>>)
            tpu.yield
          }) : () -> ()
          "tpu.region"() ({
            %run_scoped3A = tpu.sem_alloc : memref<!tpu.dma_semaphore, #tpu.memory_space<semaphore_mem>>
            %dma_start3A = tpu.memref_slice %arg29[%add3A_52] : memref<20480xi32, #tpu.memory_space<vmem_shared>> -> memref<256xi32, #tpu.memory_space<vmem_shared>>
            %dma_start3A_57 = tpu.memref_slice %arg29[%add3A_52] : memref<20480xi32, #tpu.memory_space<vmem_shared>> -> memref<256xi32, #tpu.memory_space<vmem_shared>>
            tpu.enqueue_dma source(%arg23 : memref<256xi32, #tpu.memory_space<vmem>>) target(%dma_start3A_57 : memref<256xi32, #tpu.memory_space<vmem_shared>>) target_semaphore(%run_scoped3A : memref<!tpu.dma_semaphore, #tpu.memory_space<semaphore_mem>>)
            %dma_wait3A = tpu.memref_slice %arg29[%add3A_52] : memref<20480xi32, #tpu.memory_space<vmem_shared>> -> memref<256xi32, #tpu.memory_space<vmem_shared>>
            %dma_wait3A_58 = tpu.memref_slice %arg29[%add3A_52] : memref<20480xi32, #tpu.memory_space<vmem_shared>> -> memref<256xi32, #tpu.memory_space<vmem_shared>>
            tpu.wait_dma2 semaphore(%run_scoped3A : memref<!tpu.dma_semaphore, #tpu.memory_space<semaphore_mem>>) src(%arg23 : memref<256xi32, #tpu.memory_space<vmem>>) dst(%dma_wait3A_58 : memref<256xi32, #tpu.memory_space<vmem_shared>>)
            tpu.yield
          }) : () -> ()
        } else {
        }
        %scan3A_33 = arith.constant 0 : i32
        scf.yield %scan3A_33 : i32
      }
      %scan3A_24 = arith.constant 5 : i32
    } else {
    }
    %barrier3A = arith.constant 0 : index
    tpu.barrier barrier_id(%barrier3A)
    %eq3A_4 = arith.constant 0 : i32
    %eq3A_5 = arith.cmpi eq, %arg0, %eq3A_4 : i32
    %eq3A_6 = arith.constant 0 : i32
    %eq3A_7 = arith.cmpi eq, %arg1, %eq3A_6 : i32
    %and3A = arith.andi %eq3A_5, %eq3A_7 : i1
    %convert_element_type3A_8 = arith.extui %and3A : i1 to i32
    %cond3A_9 = arith.constant 0 : i32
    %cond3A_10 = arith.cmpi ne, %convert_element_type3A_8, %cond3A_9 : i32
    scf.if %cond3A_10 {
      %broadcast_in_dim3A = arith.constant 2047 : i32
      %broadcast_in_dim3A_11 = vector.broadcast %broadcast_in_dim3A : i32 to vector<16xi32>
      %gather3A = tpu.vector_load_idx %arg17[%broadcast_in_dim3A_11] : memref<2048xi32, #tpu.memory_space<vmem>>[vector<16xi32>], vector<16xi32>,
      %reduce_min3A = arith.constant true
      %reduce_min3A_12 = vector.broadcast %reduce_min3A : i1 to vector<16xi1>
      %reduce_min3A_13 = arith.constant -2147483648 : i32
      %reduce_min3A_14 = vector.broadcast %reduce_min3A_13 : i32 to vector<16xi32>
      %reduce_min3A_15 = arith.xori %gather3A, %reduce_min3A_14 : vector<16xi32>
      %reduce_min3A_16 = tpu.scan <min>, %reduce_min3A_15 masked %reduce_min3A_12 : vector<16xi32>, vector<16xi1> -> vector<16xi32>
      %reduce_min3A_17 = arith.xori %reduce_min3A_16, %reduce_min3A_14 : vector<16xi32>
      %reduce_min3A_18 = vector.extract %reduce_min3A_17[15] : i32 from vector<16xi32>
      %scan3A = arith.constant 0 : i32
      %scan3A_19 = arith.constant 0 : i32
      %scan3A_20 = arith.constant 80 : i32
      %scan3A_21 = arith.addi %scan3A_19, %scan3A_20 : i32
      %scan3A_22 = arith.constant 1 : i32
      %scan3A_23 = scf.for %scan3A_25 = %scan3A_19 to %scan3A_21 step %scan3A_22 iter_args(%scan3A_26 = %scan3A) -> (i32)  : i32 {
        %mul3A = arith.constant 256 : i32
        %mul3A_27 = arith.muli %scan3A_25, %mul3A : i32
        %lt3A = arith.cmpi slt, %mul3A_27, %reduce_min3A_18 : i32
        %convert_element_type3A_28 = arith.extui %lt3A : i1 to i32
        %cond3A_29 = arith.constant 0 : i32
        %cond3A_30 = arith.cmpi ne, %convert_element_type3A_28, %cond3A_29 : i32
        scf.if %cond3A_30 {
          %mul3A_32 = arith.constant 256 : i32
          %mul3A_33 = arith.muli %scan3A_25, %mul3A_32 : i32
          %mul3A_34 = arith.constant 256 : i32
          %mul3A_35 = arith.muli %scan3A_25, %mul3A_34 : i32
          %mul3A_36 = arith.constant 12 : i32
          %mul3A_37 = arith.muli %mul3A_35, %mul3A_36 : i32
          "tpu.region"() ({
            %run_scoped3A = tpu.sem_alloc : memref<!tpu.dma_semaphore, #tpu.memory_space<semaphore_mem>>
            %dma_start3A = tpu.memref_slice %arg27[%mul3A_37] : memref<245760xf32, #tpu.memory_space<vmem_shared>> -> memref<3072xf32, #tpu.memory_space<vmem_shared>>
            %dma_start3A_51 = tpu.memref_slice %arg27[%mul3A_37] : memref<245760xf32, #tpu.memory_space<vmem_shared>> -> memref<3072xf32, #tpu.memory_space<vmem_shared>>
            tpu.enqueue_dma source(%dma_start3A_51 : memref<3072xf32, #tpu.memory_space<vmem_shared>>) target(%arg21 : memref<3072xf32, #tpu.memory_space<vmem>>) target_semaphore(%run_scoped3A : memref<!tpu.dma_semaphore, #tpu.memory_space<semaphore_mem>>)
            %dma_wait3A = tpu.memref_slice %arg27[%mul3A_37] : memref<245760xf32, #tpu.memory_space<vmem_shared>> -> memref<3072xf32, #tpu.memory_space<vmem_shared>>
            %dma_wait3A_52 = tpu.memref_slice %arg27[%mul3A_37] : memref<245760xf32, #tpu.memory_space<vmem_shared>> -> memref<3072xf32, #tpu.memory_space<vmem_shared>>
            tpu.wait_dma2 semaphore(%run_scoped3A : memref<!tpu.dma_semaphore, #tpu.memory_space<semaphore_mem>>) src(%dma_wait3A_52 : memref<3072xf32, #tpu.memory_space<vmem_shared>>) dst(%arg21 : memref<3072xf32, #tpu.memory_space<vmem>>)
            tpu.yield
          }) : () -> ()
          %mul3A_38 = arith.constant 256 : i32
          %mul3A_39 = arith.muli %scan3A_25, %mul3A_38 : i32
          %mul3A_40 = arith.constant 12 : i32
          %mul3A_41 = arith.muli %mul3A_39, %mul3A_40 : i32
          "tpu.region"() ({
            %run_scoped3A = tpu.sem_alloc : memref<!tpu.dma_semaphore, #tpu.memory_space<semaphore_mem>>
            %dma_start3A = tpu.memref_slice %arg28[%mul3A_41] : memref<245760xi32, #tpu.memory_space<vmem_shared>> -> memref<3072xi32, #tpu.memory_space<vmem_shared>>
            %dma_start3A_51 = tpu.memref_slice %arg28[%mul3A_41] : memref<245760xi32, #tpu.memory_space<vmem_shared>> -> memref<3072xi32, #tpu.memory_space<vmem_shared>>
            tpu.enqueue_dma source(%dma_start3A_51 : memref<3072xi32, #tpu.memory_space<vmem_shared>>) target(%arg22 : memref<3072xi32, #tpu.memory_space<vmem>>) target_semaphore(%run_scoped3A : memref<!tpu.dma_semaphore, #tpu.memory_space<semaphore_mem>>)
            %dma_wait3A = tpu.memref_slice %arg28[%mul3A_41] : memref<245760xi32, #tpu.memory_space<vmem_shared>> -> memref<3072xi32, #tpu.memory_space<vmem_shared>>
            %dma_wait3A_52 = tpu.memref_slice %arg28[%mul3A_41] : memref<245760xi32, #tpu.memory_space<vmem_shared>> -> memref<3072xi32, #tpu.memory_space<vmem_shared>>
            tpu.wait_dma2 semaphore(%run_scoped3A : memref<!tpu.dma_semaphore, #tpu.memory_space<semaphore_mem>>) src(%dma_wait3A_52 : memref<3072xi32, #tpu.memory_space<vmem_shared>>) dst(%arg22 : memref<3072xi32, #tpu.memory_space<vmem>>)
            tpu.yield
          }) : () -> ()
          "tpu.region"() ({
            %run_scoped3A = tpu.sem_alloc : memref<!tpu.dma_semaphore, #tpu.memory_space<semaphore_mem>>
            %dma_start3A = tpu.memref_slice %arg29[%mul3A_33] : memref<20480xi32, #tpu.memory_space<vmem_shared>> -> memref<256xi32, #tpu.memory_space<vmem_shared>>
            %dma_start3A_51 = tpu.memref_slice %arg29[%mul3A_33] : memref<20480xi32, #tpu.memory_space<vmem_shared>> -> memref<256xi32, #tpu.memory_space<vmem_shared>>
            tpu.enqueue_dma source(%dma_start3A_51 : memref<256xi32, #tpu.memory_space<vmem_shared>>) target(%arg23 : memref<256xi32, #tpu.memory_space<vmem>>) target_semaphore(%run_scoped3A : memref<!tpu.dma_semaphore, #tpu.memory_space<semaphore_mem>>)
            %dma_wait3A = tpu.memref_slice %arg29[%mul3A_33] : memref<20480xi32, #tpu.memory_space<vmem_shared>> -> memref<256xi32, #tpu.memory_space<vmem_shared>>
            %dma_wait3A_52 = tpu.memref_slice %arg29[%mul3A_33] : memref<20480xi32, #tpu.memory_space<vmem_shared>> -> memref<256xi32, #tpu.memory_space<vmem_shared>>
            tpu.wait_dma2 semaphore(%run_scoped3A : memref<!tpu.dma_semaphore, #tpu.memory_space<semaphore_mem>>) src(%dma_wait3A_52 : memref<256xi32, #tpu.memory_space<vmem_shared>>) dst(%arg23 : memref<256xi32, #tpu.memory_space<vmem>>)
            tpu.yield
          }) : () -> ()
          %mul3A_42 = arith.constant 256 : i32
          %mul3A_43 = arith.muli %scan3A_25, %mul3A_42 : i32
          "tpu.region"() ({
            %run_scoped3A = tpu.sem_alloc : memref<!tpu.dma_semaphore, #tpu.memory_space<semaphore_mem>>
            %dma_start3A = tpu.memref_slice %arg7[%mul3A_43] : memref<20480xf32, #tpu.memory_space<hbm>> -> memref<256xf32, #tpu.memory_space<hbm>>
            %dma_start3A_51 = tpu.memref_slice %arg7[%mul3A_43] : memref<20480xf32, #tpu.memory_space<hbm>> -> memref<256xf32, #tpu.memory_space<hbm>>
            tpu.enqueue_dma source(%dma_start3A_51 : memref<256xf32, #tpu.memory_space<hbm>>) target(%arg18 : memref<256xf32, #tpu.memory_space<vmem>>) target_semaphore(%run_scoped3A : memref<!tpu.dma_semaphore, #tpu.memory_space<semaphore_mem>>)
            %dma_wait3A = tpu.memref_slice %arg7[%mul3A_43] : memref<20480xf32, #tpu.memory_space<hbm>> -> memref<256xf32, #tpu.memory_space<hbm>>
            %dma_wait3A_52 = tpu.memref_slice %arg7[%mul3A_43] : memref<20480xf32, #tpu.memory_space<hbm>> -> memref<256xf32, #tpu.memory_space<hbm>>
            tpu.wait_dma2 semaphore(%run_scoped3A : memref<!tpu.dma_semaphore, #tpu.memory_space<semaphore_mem>>) src(%dma_wait3A_52 : memref<256xf32, #tpu.memory_space<hbm>>) dst(%arg18 : memref<256xf32, #tpu.memory_space<vmem>>)
            tpu.yield
          }) : () -> ()
          "tpu.region"() ({
            %run_scoped3A = tpu.sem_alloc : memref<!tpu.dma_semaphore, #tpu.memory_space<semaphore_mem>>
            %dma_start3A = tpu.memref_slice %arg8[%mul3A_43] : memref<20480xf32, #tpu.memory_space<hbm>> -> memref<256xf32, #tpu.memory_space<hbm>>
            %dma_start3A_51 = tpu.memref_slice %arg8[%mul3A_43] : memref<20480xf32, #tpu.memory_space<hbm>> -> memref<256xf32, #tpu.memory_space<hbm>>
            tpu.enqueue_dma source(%dma_start3A_51 : memref<256xf32, #tpu.memory_space<hbm>>) target(%arg19 : memref<256xf32, #tpu.memory_space<vmem>>) target_semaphore(%run_scoped3A : memref<!tpu.dma_semaphore, #tpu.memory_space<semaphore_mem>>)
            %dma_wait3A = tpu.memref_slice %arg8[%mul3A_43] : memref<20480xf32, #tpu.memory_space<hbm>> -> memref<256xf32, #tpu.memory_space<hbm>>
            %dma_wait3A_52 = tpu.memref_slice %arg8[%mul3A_43] : memref<20480xf32, #tpu.memory_space<hbm>> -> memref<256xf32, #tpu.memory_space<hbm>>
            tpu.wait_dma2 semaphore(%run_scoped3A : memref<!tpu.dma_semaphore, #tpu.memory_space<semaphore_mem>>) src(%dma_wait3A_52 : memref<256xf32, #tpu.memory_space<hbm>>) dst(%arg19 : memref<256xf32, #tpu.memory_space<vmem>>)
            tpu.yield
          }) : () -> ()
          "tpu.region"() ({
            %run_scoped3A = tpu.sem_alloc : memref<!tpu.dma_semaphore, #tpu.memory_space<semaphore_mem>>
            %dma_start3A = tpu.memref_slice %arg9[%mul3A_43] : memref<20480xf32, #tpu.memory_space<hbm>> -> memref<256xf32, #tpu.memory_space<hbm>>
            %dma_start3A_51 = tpu.memref_slice %arg9[%mul3A_43] : memref<20480xf32, #tpu.memory_space<hbm>> -> memref<256xf32, #tpu.memory_space<hbm>>
            tpu.enqueue_dma source(%dma_start3A_51 : memref<256xf32, #tpu.memory_space<hbm>>) target(%arg20 : memref<256xf32, #tpu.memory_space<vmem>>) target_semaphore(%run_scoped3A : memref<!tpu.dma_semaphore, #tpu.memory_space<semaphore_mem>>)
            %dma_wait3A = tpu.memref_slice %arg9[%mul3A_43] : memref<20480xf32, #tpu.memory_space<hbm>> -> memref<256xf32, #tpu.memory_space<hbm>>
            %dma_wait3A_52 = tpu.memref_slice %arg9[%mul3A_43] : memref<20480xf32, #tpu.memory_space<hbm>> -> memref<256xf32, #tpu.memory_space<hbm>>
            tpu.wait_dma2 semaphore(%run_scoped3A : memref<!tpu.dma_semaphore, #tpu.memory_space<semaphore_mem>>) src(%dma_wait3A_52 : memref<256xf32, #tpu.memory_space<hbm>>) dst(%arg20 : memref<256xf32, #tpu.memory_space<vmem>>)
            tpu.yield
          }) : () -> ()
          %scan3A_44 = arith.constant 0 : i32
          %scan3A_45 = arith.constant 0 : i32
          %scan3A_46 = arith.constant 256 : i32
          %scan3A_47 = arith.addi %scan3A_45, %scan3A_46 : i32
          %scan3A_48 = arith.constant 1 : i32
          %scan3A_49 = scf.for %scan3A_51 = %scan3A_45 to %scan3A_47 step %scan3A_48 iter_args(%scan3A_52 = %scan3A_44) -> (i32)  : i32 {
            %broadcast_in_dim3A_53 = vector.broadcast %scan3A_51 : i32 to vector<16xi32>
            %mul3A_54 = arith.constant 256 : i32
            %mul3A_55 = arith.muli %scan3A_25, %mul3A_54 : i32
            %add3A = arith.addi %mul3A_55, %scan3A_51 : i32
            %lt3A_56 = arith.cmpi slt, %add3A, %reduce_min3A_18 : i32
            %convert_element_type3A_57 = arith.extui %lt3A_56 : i1 to i32
            %cond3A_58 = arith.constant 0 : i32
            %cond3A_59 = arith.cmpi ne, %convert_element_type3A_57, %cond3A_58 : i32
            scf.if %cond3A_59 {
              %gather3A_61 = tpu.vector_load_idx %arg23[%broadcast_in_dim3A_53] : memref<256xi32, #tpu.memory_space<vmem>>[vector<16xi32>], vector<16xi32>,
              %reduce_min3A_62 = arith.constant true
              %reduce_min3A_63 = vector.broadcast %reduce_min3A_62 : i1 to vector<16xi1>
              %reduce_min3A_64 = arith.constant -2147483648 : i32
              %reduce_min3A_65 = vector.broadcast %reduce_min3A_64 : i32 to vector<16xi32>
              %reduce_min3A_66 = arith.xori %gather3A_61, %reduce_min3A_65 : vector<16xi32>
              %reduce_min3A_67 = tpu.scan <min>, %reduce_min3A_66 masked %reduce_min3A_63 : vector<16xi32>, vector<16xi1> -> vector<16xi32>
              %reduce_min3A_68 = arith.xori %reduce_min3A_67, %reduce_min3A_65 : vector<16xi32>
              %reduce_min3A_69 = vector.extract %reduce_min3A_68[15] : i32 from vector<16xi32>
              %mul3A_70 = arith.constant 12 : i32
              %mul3A_71 = arith.muli %scan3A_51, %mul3A_70 : i32
              %add3A_72 = vector.broadcast %mul3A_71 : i32 to vector<16xi32>
              %add3A_73 = arith.addi %add3A_72, %min3A_1 : vector<16xi32>
              %gather3A_74 = tpu.vector_load_idx %arg21[%add3A_73] : memref<3072xf32, #tpu.memory_space<vmem>>[vector<16xi32>], vector<16xf32>,
              %mul3A_75 = arith.constant 12 : i32
              %mul3A_76 = arith.muli %scan3A_51, %mul3A_75 : i32
              %add3A_77 = vector.broadcast %mul3A_76 : i32 to vector<16xi32>
              %add3A_78 = arith.addi %add3A_77, %min3A_1 : vector<16xi32>
              %gather3A_79 = tpu.vector_load_idx %arg22[%add3A_78] : memref<3072xi32, #tpu.memory_space<vmem>>[vector<16xi32>], vector<16xi32>,
              %gather3A_80 = tpu.vector_load_idx %arg16[%gather3A_79] : memref<20480xf32, #tpu.memory_space<vmem>>[vector<16xi32>], vector<16xf32>,
              %ge3A = arith.constant 5.000000e-01 : f32
              %ge3A_81 = vector.broadcast %ge3A : f32 to vector<16xf32>
              %ge3A_82 = arith.cmpf oge, %gather3A_80, %ge3A_81 : vector<16xf32>
              %jit3A = arith.constant 0x7F800000 : f32
              %broadcast_in_dim3A_83 = vector.broadcast %jit3A : f32 to vector<16xf32>
              %select_n3A = arith.select %ge3A_82, %gather3A_74, %broadcast_in_dim3A_83 : vector<16xi1>, vector<16xf32>
              %gt3A = arith.constant 12 : i32
              %gt3A_84 = arith.cmpi sgt, %reduce_min3A_69, %gt3A : i32
              %convert_element_type3A_85 = arith.extui %gt3A_84 : i1 to i32
              %cond3A_86 = arith.constant 0 : i32
              %cond3A_87 = arith.cmpi ne, %convert_element_type3A_85, %cond3A_86 : i32
              %cond3A_88:3 = scf.if %cond3A_87 -> (f32, i32, f32) {
                %gather3A_112 = tpu.vector_load_idx %arg18[%broadcast_in_dim3A_53] : memref<256xf32, #tpu.memory_space<vmem>>[vector<16xi32>], vector<16xf32>,
                %gather3A_113 = tpu.vector_load_idx %arg19[%broadcast_in_dim3A_53] : memref<256xf32, #tpu.memory_space<vmem>>[vector<16xi32>], vector<16xf32>,
                %gather3A_114 = tpu.vector_load_idx %arg20[%broadcast_in_dim3A_53] : memref<256xf32, #tpu.memory_space<vmem>>[vector<16xi32>], vector<16xf32>,
                %mul3A_115 = arith.mulf %gather3A_112, %gather3A_112 : vector<16xf32>
                %mul3A_116 = arith.mulf %gather3A_113, %gather3A_113 : vector<16xf32>
                %add3A_117 = arith.addf %mul3A_115, %mul3A_116 : vector<16xf32>
                %mul3A_118 = arith.mulf %gather3A_114, %gather3A_114 : vector<16xf32>
                %add3A_119 = arith.addf %add3A_117, %mul3A_118 : vector<16xf32>
                %reduce_min3A_120 = arith.constant true
                %reduce_min3A_121 = vector.broadcast %reduce_min3A_120 : i1 to vector<16xi1>
                %reduce_min3A_122 = tpu.scan <min>, %gather3A_112 masked %reduce_min3A_121 : vector<16xf32>, vector<16xi1> -> vector<16xf32>
                %reduce_min3A_123 = vector.extract %reduce_min3A_122[15] : f32 from vector<16xf32>
                %reduce_min3A_124 = arith.constant true
                %reduce_min3A_125 = vector.broadcast %reduce_min3A_124 : i1 to vector<16xi1>
                %reduce_min3A_126 = tpu.scan <min>, %gather3A_113 masked %reduce_min3A_125 : vector<16xf32>, vector<16xi1> -> vector<16xf32>
                %reduce_min3A_127 = vector.extract %reduce_min3A_126[15] : f32 from vector<16xf32>
                %reduce_min3A_128 = arith.constant true
                %reduce_min3A_129 = vector.broadcast %reduce_min3A_128 : i1 to vector<16xi1>
                %reduce_min3A_130 = tpu.scan <min>, %gather3A_114 masked %reduce_min3A_129 : vector<16xf32>, vector<16xi1> -> vector<16xf32>
                %reduce_min3A_131 = vector.extract %reduce_min3A_130[15] : f32 from vector<16xf32>
                %convert_element_type3A_132 = arith.fptosi %reduce_min3A_123 : f32 to i32
                %convert_element_type3A_133 = arith.sitofp %convert_element_type3A_132 : i32 to f32
                %gt3A_134 = arith.cmpf ogt, %convert_element_type3A_133, %reduce_min3A_123 : f32
                %convert_element_type3A_135 = arith.extui %gt3A_134 : i1 to i32
                %sub3A_136 = arith.subi %convert_element_type3A_132, %convert_element_type3A_135 : i32
                %sub3A_137 = arith.constant 1 : i32
                %sub3A_138 = arith.subi %sub3A_136, %sub3A_137 : i32
                %max3A = arith.constant 0 : i32
                %max3A_139 = arith.maxsi %sub3A_138, %max3A : i32
                %add3A_140 = arith.constant 1 : i32
                %add3A_141 = arith.addi %sub3A_136, %add3A_140 : i32
                %min3A_142 = arith.constant 19 : i32
                %min3A_143 = arith.minsi %add3A_141, %min3A_142 : i32
                %sub3A_144 = arith.constant 1.000000e+00 : f32
                %sub3A_145 = arith.subf %reduce_min3A_127, %sub3A_144 : f32
                %mul3A_146 = arith.constant 5.000000e-01 : f32
                %mul3A_147 = arith.mulf %sub3A_145, %mul3A_146 : f32
                %convert_element_type3A_148 = arith.fptosi %mul3A_147 : f32 to i32
                %convert_element_type3A_149 = arith.sitofp %convert_element_type3A_148 : i32 to f32
                %gt3A_150 = arith.cmpf ogt, %convert_element_type3A_149, %mul3A_147 : f32
                %convert_element_type3A_151 = arith.extui %gt3A_150 : i1 to i32
                %sub3A_152 = arith.subi %convert_element_type3A_148, %convert_element_type3A_151 : i32
                %jit3A_153 = arith.constant 0 : i32
                %jit3A_154 = arith.constant 9 : i32
                %max3A_155 = arith.maxsi %jit3A_153, %sub3A_152 : i32
                %min3A_156 = arith.minsi %jit3A_154, %max3A_155 : i32
                %add3A_157 = arith.constant 1.000000e+00 : f32
                %add3A_158 = arith.addf %reduce_min3A_127, %add3A_157 : f32
                %mul3A_159 = arith.constant 5.000000e-01 : f32
                %mul3A_160 = arith.mulf %add3A_158, %mul3A_159 : f32
                %convert_element_type3A_161 = arith.fptosi %mul3A_160 : f32 to i32
                %convert_element_type3A_162 = arith.sitofp %convert_element_type3A_161 : i32 to f32
                %gt3A_163 = arith.cmpf ogt, %convert_element_type3A_162, %mul3A_160 : f32
                %convert_element_type3A_164 = arith.extui %gt3A_163 : i1 to i32
                %sub3A_165 = arith.subi %convert_element_type3A_161, %convert_element_type3A_164 : i32
                %jit3A_166 = arith.constant 0 : i32
                %jit3A_167 = arith.constant 9 : i32
                %max3A_168 = arith.maxsi %jit3A_166, %sub3A_165 : i32
                %min3A_169 = arith.minsi %jit3A_167, %max3A_168 : i32
                %sub3A_170 = arith.constant 1.000000e+00 : f32
                %sub3A_171 = arith.subf %reduce_min3A_131, %sub3A_170 : f32
                %mul3A_172 = arith.constant 5.000000e-01 : f32
                %mul3A_173 = arith.mulf %sub3A_171, %mul3A_172 : f32
                %convert_element_type3A_174 = arith.fptosi %mul3A_173 : f32 to i32
                %convert_element_type3A_175 = arith.sitofp %convert_element_type3A_174 : i32 to f32
                %gt3A_176 = arith.cmpf ogt, %convert_element_type3A_175, %mul3A_173 : f32
                %convert_element_type3A_177 = arith.extui %gt3A_176 : i1 to i32
                %sub3A_178 = arith.subi %convert_element_type3A_174, %convert_element_type3A_177 : i32
                %jit3A_179 = arith.constant 0 : i32
                %jit3A_180 = arith.constant 9 : i32
                %max3A_181 = arith.maxsi %jit3A_179, %sub3A_178 : i32
                %min3A_182 = arith.minsi %jit3A_180, %max3A_181 : i32
                %add3A_183 = arith.constant 1.000000e+00 : f32
                %add3A_184 = arith.addf %reduce_min3A_131, %add3A_183 : f32
                %mul3A_185 = arith.constant 5.000000e-01 : f32
                %mul3A_186 = arith.mulf %add3A_184, %mul3A_185 : f32
                %convert_element_type3A_187 = arith.fptosi %mul3A_186 : f32 to i32
                %convert_element_type3A_188 = arith.sitofp %convert_element_type3A_187 : i32 to f32
                %gt3A_189 = arith.cmpf ogt, %convert_element_type3A_188, %mul3A_186 : f32
                %convert_element_type3A_190 = arith.extui %gt3A_189 : i1 to i32
                %sub3A_191 = arith.subi %convert_element_type3A_187, %convert_element_type3A_190 : i32
                %jit3A_192 = arith.constant 0 : i32
                %jit3A_193 = arith.constant 9 : i32
                %max3A_194 = arith.maxsi %jit3A_192, %sub3A_191 : i32
                %min3A_195 = arith.minsi %jit3A_193, %max3A_194 : i32
                %gt3A_196 = arith.cmpi sgt, %min3A_169, %min3A_156 : i32
                %gt3A_197 = arith.cmpi sgt, %min3A_195, %min3A_182 : i32
                %broadcast_in_dim3A_198 = arith.constant 0x7F800000 : f32
                %broadcast_in_dim3A_199 = vector.broadcast %broadcast_in_dim3A_198 : f32 to vector<16xf32>
                %broadcast_in_dim3A_200 = arith.constant 1073741824 : i32
                %broadcast_in_dim3A_201 = vector.broadcast %broadcast_in_dim3A_200 : i32 to vector<16xi32>
                %mul3A_202 = arith.constant 20 : i32
                %mul3A_203 = arith.muli %mul3A_202, %min3A_156 : i32
                %mul3A_204 = arith.constant 200 : i32
                %mul3A_205 = arith.muli %mul3A_204, %min3A_182 : i32
                %add3A_206 = arith.addi %mul3A_203, %mul3A_205 : i32
                %add3A_207 = arith.addi %add3A_206, %max3A_139 : i32
                %broadcast_in_dim3A_208 = vector.broadcast %add3A_207 : i32 to vector<16xi32>
                %gather3A_209 = tpu.vector_load_idx %arg17[%broadcast_in_dim3A_208] : memref<2048xi32, #tpu.memory_space<vmem>>[vector<16xi32>], vector<16xi32>,
                %reduce_min3A_210 = arith.constant true
                %reduce_min3A_211 = vector.broadcast %reduce_min3A_210 : i1 to vector<16xi1>
                %reduce_min3A_212 = arith.constant -2147483648 : i32
                %reduce_min3A_213 = vector.broadcast %reduce_min3A_212 : i32 to vector<16xi32>
                %reduce_min3A_214 = arith.xori %gather3A_209, %reduce_min3A_213 : vector<16xi32>
                %reduce_min3A_215 = tpu.scan <min>, %reduce_min3A_214 masked %reduce_min3A_211 : vector<16xi32>, vector<16xi1> -> vector<16xi32>
                %reduce_min3A_216 = arith.xori %reduce_min3A_215, %reduce_min3A_213 : vector<16xi32>
                %reduce_min3A_217 = vector.extract %reduce_min3A_216[15] : i32 from vector<16xi32>
                %add3A_218 = arith.addi %add3A_206, %min3A_143 : i32
                %add3A_219 = arith.constant 1 : i32
                %add3A_220 = arith.addi %add3A_218, %add3A_219 : i32
                %broadcast_in_dim3A_221 = vector.broadcast %add3A_220 : i32 to vector<16xi32>
                %gather3A_222 = tpu.vector_load_idx %arg17[%broadcast_in_dim3A_221] : memref<2048xi32, #tpu.memory_space<vmem>>[vector<16xi32>], vector<16xi32>,
                %reduce_min3A_223 = arith.constant true
                %reduce_min3A_224 = vector.broadcast %reduce_min3A_223 : i1 to vector<16xi1>
                %reduce_min3A_225 = arith.constant -2147483648 : i32
                %reduce_min3A_226 = vector.broadcast %reduce_min3A_225 : i32 to vector<16xi32>
                %reduce_min3A_227 = arith.xori %gather3A_222, %reduce_min3A_226 : vector<16xi32>
                %reduce_min3A_228 = tpu.scan <min>, %reduce_min3A_227 masked %reduce_min3A_224 : vector<16xi32>, vector<16xi1> -> vector<16xi32>
                %reduce_min3A_229 = arith.xori %reduce_min3A_228, %reduce_min3A_226 : vector<16xi32>
                %reduce_min3A_230 = vector.extract %reduce_min3A_229[15] : i32 from vector<16xi32>
                %jit3A_231 = arith.constant true
                %select_n3A_232 = arith.select %jit3A_231, %reduce_min3A_230, %reduce_min3A_217 : i32
                %sub3A_233 = arith.subi %select_n3A_232, %reduce_min3A_217 : i32
                %add3A_234 = arith.constant 15 : i32
                %add3A_235 = arith.addi %sub3A_233, %add3A_234 : i32
                %jit3A_236 = arith.constant 16 : i32
                %div3A = arith.divsi %add3A_235, %jit3A_236 : i32
                %sign3A = arith.constant 0 : i32
                %sign3A_237 = arith.cmpi sgt, %add3A_235, %sign3A : i32
                %sign3A_238 = arith.extui %sign3A_237 : i1 to i32
                %sign3A_239 = arith.constant 0 : i32
                %sign3A_240 = arith.cmpi slt, %add3A_235, %sign3A_239 : i32
                %sign3A_241 = arith.extui %sign3A_240 : i1 to i32
                %sign3A_242 = arith.subi %sign3A_238, %sign3A_241 : i32
                %sign3A_243 = arith.constant 0 : i32
                %sign3A_244 = arith.cmpi sgt, %jit3A_236, %sign3A_243 : i32
                %sign3A_245 = arith.extui %sign3A_244 : i1 to i32
                %sign3A_246 = arith.constant 0 : i32
                %sign3A_247 = arith.cmpi slt, %jit3A_236, %sign3A_246 : i32
                %sign3A_248 = arith.extui %sign3A_247 : i1 to i32
                %sign3A_249 = arith.subi %sign3A_245, %sign3A_248 : i32
                %ne3A = arith.cmpi ne, %sign3A_242, %sign3A_249 : i32
                %rem3A = arith.remsi %add3A_235, %jit3A_236 : i32
                %ne3A_250 = arith.constant 0 : i32
                %ne3A_251 = arith.cmpi ne, %rem3A, %ne3A_250 : i32
                %and3A_252 = arith.andi %ne3A, %ne3A_251 : i1
                %sub3A_253 = arith.constant 1 : i32
                %sub3A_254 = arith.subi %div3A, %sub3A_253 : i32
                %select_n3A_255 = arith.select %and3A_252, %sub3A_254, %div3A : i32
                %while3A = arith.constant 0 : i32
                %while3A_256 = arith.subi %select_n3A_255, %while3A : i32
                %while3A_257 = arith.addi %while3A, %while3A_256 : i32
                %while3A_258 = arith.constant 1 : i32
                %while3A_259 = arith.divsi %while3A_256, %while3A_258 : i32
                %while3A_260 = arith.muli %while3A_259, %while3A_258 : i32
                %while3A_261 = arith.addi %while3A, %while3A_260 : i32
                %while3A_262 = arith.constant 1 : i32
                %while3A_263:2 = scf.for %while3A_497 = %while3A to %while3A_261 step %while3A_262 iter_args(%while3A_498 = %broadcast_in_dim3A_199, %while3A_499 = %broadcast_in_dim3A_201) -> (vector<16xf32>, vector<16xi32>)  : i32 {
                  %mul3A_500 = arith.constant 16 : i32
                  %mul3A_501 = arith.muli %while3A_497, %mul3A_500 : i32
                  %add3A_502 = arith.addi %reduce_min3A_217, %mul3A_501 : i32
                  %add3A_503 = vector.broadcast %add3A_502 : i32 to vector<16xi32>
                  %add3A_504 = arith.addi %add3A_503, %iota3A : vector<16xi32>
                  %lt3A_505 = vector.broadcast %select_n3A_232 : i32 to vector<16xi32>
                  %lt3A_506 = arith.cmpi slt, %add3A_504, %lt3A_505 : vector<16xi32>
                  %gather3A_507 = tpu.vector_load_idx %arg16[%add3A_504] masked %lt3A_506 : memref<20480xf32, #tpu.memory_space<vmem>>[vector<16xi32>], vector<16xf32>, vector<16xi1>
                  %gather3A_508 = tpu.vector_load_idx %arg13[%add3A_504] masked %lt3A_506 : memref<20480xf32, #tpu.memory_space<vmem>>[vector<16xi32>], vector<16xf32>, vector<16xi1>
                  %gather3A_509 = tpu.vector_load_idx %arg14[%add3A_504] masked %lt3A_506 : memref<20480xf32, #tpu.memory_space<vmem>>[vector<16xi32>], vector<16xf32>, vector<16xi1>
                  %gather3A_510 = tpu.vector_load_idx %arg15[%add3A_504] masked %lt3A_506 : memref<20480xf32, #tpu.memory_space<vmem>>[vector<16xi32>], vector<16xf32>, vector<16xi1>
                  %mul3A_511 = arith.mulf %gather3A_508, %gather3A_508 : vector<16xf32>
                  %mul3A_512 = arith.mulf %gather3A_509, %gather3A_509 : vector<16xf32>
                  %add3A_513 = arith.addf %mul3A_511, %mul3A_512 : vector<16xf32>
                  %mul3A_514 = arith.mulf %gather3A_510, %gather3A_510 : vector<16xf32>
                  %add3A_515 = arith.addf %add3A_513, %mul3A_514 : vector<16xf32>
                  %add3A_516 = arith.addf %add3A_119, %add3A_515 : vector<16xf32>
                  %mul3A_517 = arith.mulf %gather3A_508, %gather3A_112 : vector<16xf32>
                  %mul3A_518 = arith.mulf %gather3A_509, %gather3A_113 : vector<16xf32>
                  %add3A_519 = arith.addf %mul3A_517, %mul3A_518 : vector<16xf32>
                  %mul3A_520 = arith.mulf %gather3A_510, %gather3A_114 : vector<16xf32>
                  %add3A_521 = arith.addf %add3A_519, %mul3A_520 : vector<16xf32>
                  %mul3A_522 = arith.constant 2.000000e+00 : f32
                  %mul3A_523 = vector.broadcast %mul3A_522 : f32 to vector<16xf32>
                  %mul3A_524 = arith.mulf %mul3A_523, %add3A_521 : vector<16xf32>
                  %sub3A_525 = arith.subf %add3A_516, %mul3A_524 : vector<16xf32>
                  %ge3A_526 = arith.constant 5.000000e-01 : f32
                  %ge3A_527 = vector.broadcast %ge3A_526 : f32 to vector<16xf32>
                  %ge3A_528 = arith.cmpf oge, %gather3A_507, %ge3A_527 : vector<16xf32>
                  %and3A_529 = arith.andi %lt3A_506, %ge3A_528 : vector<16xi1>
                  %le3A = arith.constant 1.000000e+00 : f32
                  %le3A_530 = vector.broadcast %le3A : f32 to vector<16xf32>
                  %le3A_531 = arith.cmpf ole, %sub3A_525, %le3A_530 : vector<16xf32>
                  %and3A_532 = arith.andi %and3A_529, %le3A_531 : vector<16xi1>
                  %jit3A_533 = arith.constant 0x7F800000 : f32
                  %broadcast_in_dim3A_534 = vector.broadcast %jit3A_533 : f32 to vector<16xf32>
                  %select_n3A_535 = arith.select %and3A_532, %sub3A_525, %broadcast_in_dim3A_534 : vector<16xi1>, vector<16xf32>
                  %lt3A_536 = arith.cmpf olt, %select_n3A_535, %while3A_498 : vector<16xf32>
                  %eq3A_537 = arith.cmpf oeq, %select_n3A_535, %while3A_498 : vector<16xf32>
                  %lt3A_538 = arith.cmpi slt, %add3A_504, %while3A_499 : vector<16xi32>
                  %and3A_539 = arith.andi %eq3A_537, %lt3A_538 : vector<16xi1>
                  %or3A = arith.ori %lt3A_536, %and3A_539 : vector<16xi1>
                  %select_n3A_540 = arith.select %or3A, %select_n3A_535, %while3A_498 : vector<16xi1>, vector<16xf32>
                  %select_n3A_541 = arith.select %or3A, %add3A_504, %while3A_499 : vector<16xi1>, vector<16xi32>
                  scf.yield %select_n3A_540, %select_n3A_541 : vector<16xf32>, vector<16xi32>
                }
                %while3A_264 = arith.constant 1 : i32
                %while3A_265:2 = scf.for %while3A_497 = %while3A_261 to %while3A_257 step %while3A_264 iter_args(%while3A_498 = %while3A_263#0, %while3A_499 = %while3A_263#1) -> (vector<16xf32>, vector<16xi32>)  : i32 {
                  %mul3A_500 = arith.constant 16 : i32
                  %mul3A_501 = arith.muli %while3A_497, %mul3A_500 : i32
                  %add3A_502 = arith.addi %reduce_min3A_217, %mul3A_501 : i32
                  %add3A_503 = vector.broadcast %add3A_502 : i32 to vector<16xi32>
                  %add3A_504 = arith.addi %add3A_503, %iota3A : vector<16xi32>
                  %lt3A_505 = vector.broadcast %select_n3A_232 : i32 to vector<16xi32>
                  %lt3A_506 = arith.cmpi slt, %add3A_504, %lt3A_505 : vector<16xi32>
                  %gather3A_507 = tpu.vector_load_idx %arg16[%add3A_504] masked %lt3A_506 : memref<20480xf32, #tpu.memory_space<vmem>>[vector<16xi32>], vector<16xf32>, vector<16xi1>
                  %gather3A_508 = tpu.vector_load_idx %arg13[%add3A_504] masked %lt3A_506 : memref<20480xf32, #tpu.memory_space<vmem>>[vector<16xi32>], vector<16xf32>, vector<16xi1>
                  %gather3A_509 = tpu.vector_load_idx %arg14[%add3A_504] masked %lt3A_506 : memref<20480xf32, #tpu.memory_space<vmem>>[vector<16xi32>], vector<16xf32>, vector<16xi1>
                  %gather3A_510 = tpu.vector_load_idx %arg15[%add3A_504] masked %lt3A_506 : memref<20480xf32, #tpu.memory_space<vmem>>[vector<16xi32>], vector<16xf32>, vector<16xi1>
                  %mul3A_511 = arith.mulf %gather3A_508, %gather3A_508 : vector<16xf32>
                  %mul3A_512 = arith.mulf %gather3A_509, %gather3A_509 : vector<16xf32>
                  %add3A_513 = arith.addf %mul3A_511, %mul3A_512 : vector<16xf32>
                  %mul3A_514 = arith.mulf %gather3A_510, %gather3A_510 : vector<16xf32>
                  %add3A_515 = arith.addf %add3A_513, %mul3A_514 : vector<16xf32>
                  %add3A_516 = arith.addf %add3A_119, %add3A_515 : vector<16xf32>
                  %mul3A_517 = arith.mulf %gather3A_508, %gather3A_112 : vector<16xf32>
                  %mul3A_518 = arith.mulf %gather3A_509, %gather3A_113 : vector<16xf32>
                  %add3A_519 = arith.addf %mul3A_517, %mul3A_518 : vector<16xf32>
                  %mul3A_520 = arith.mulf %gather3A_510, %gather3A_114 : vector<16xf32>
                  %add3A_521 = arith.addf %add3A_519, %mul3A_520 : vector<16xf32>
                  %mul3A_522 = arith.constant 2.000000e+00 : f32
                  %mul3A_523 = vector.broadcast %mul3A_522 : f32 to vector<16xf32>
                  %mul3A_524 = arith.mulf %mul3A_523, %add3A_521 : vector<16xf32>
                  %sub3A_525 = arith.subf %add3A_516, %mul3A_524 : vector<16xf32>
                  %ge3A_526 = arith.constant 5.000000e-01 : f32
                  %ge3A_527 = vector.broadcast %ge3A_526 : f32 to vector<16xf32>
                  %ge3A_528 = arith.cmpf oge, %gather3A_507, %ge3A_527 : vector<16xf32>
                  %and3A_529 = arith.andi %lt3A_506, %ge3A_528 : vector<16xi1>
                  %le3A = arith.constant 1.000000e+00 : f32
                  %le3A_530 = vector.broadcast %le3A : f32 to vector<16xf32>
                  %le3A_531 = arith.cmpf ole, %sub3A_525, %le3A_530 : vector<16xf32>
                  %and3A_532 = arith.andi %and3A_529, %le3A_531 : vector<16xi1>
                  %jit3A_533 = arith.constant 0x7F800000 : f32
                  %broadcast_in_dim3A_534 = vector.broadcast %jit3A_533 : f32 to vector<16xf32>
                  %select_n3A_535 = arith.select %and3A_532, %sub3A_525, %broadcast_in_dim3A_534 : vector<16xi1>, vector<16xf32>
                  %lt3A_536 = arith.cmpf olt, %select_n3A_535, %while3A_498 : vector<16xf32>
                  %eq3A_537 = arith.cmpf oeq, %select_n3A_535, %while3A_498 : vector<16xf32>
                  %lt3A_538 = arith.cmpi slt, %add3A_504, %while3A_499 : vector<16xi32>
                  %and3A_539 = arith.andi %eq3A_537, %lt3A_538 : vector<16xi1>
                  %or3A = arith.ori %lt3A_536, %and3A_539 : vector<16xi1>
                  %select_n3A_540 = arith.select %or3A, %select_n3A_535, %while3A_498 : vector<16xi1>, vector<16xf32>
                  %select_n3A_541 = arith.select %or3A, %add3A_504, %while3A_499 : vector<16xi1>, vector<16xi32>
                  scf.yield %select_n3A_540, %select_n3A_541 : vector<16xf32>, vector<16xi32>
                }
                %mul3A_266 = arith.constant 20 : i32
                %mul3A_267 = arith.muli %mul3A_266, %min3A_169 : i32
                %mul3A_268 = arith.constant 200 : i32
                %mul3A_269 = arith.muli %mul3A_268, %min3A_182 : i32
                %add3A_270 = arith.addi %mul3A_267, %mul3A_269 : i32
                %add3A_271 = arith.addi %add3A_270, %max3A_139 : i32
                %broadcast_in_dim3A_272 = vector.broadcast %add3A_271 : i32 to vector<16xi32>
                %gather3A_273 = tpu.vector_load_idx %arg17[%broadcast_in_dim3A_272] : memref<2048xi32, #tpu.memory_space<vmem>>[vector<16xi32>], vector<16xi32>,
                %reduce_min3A_274 = arith.constant true
                %reduce_min3A_275 = vector.broadcast %reduce_min3A_274 : i1 to vector<16xi1>
                %reduce_min3A_276 = arith.constant -2147483648 : i32
                %reduce_min3A_277 = vector.broadcast %reduce_min3A_276 : i32 to vector<16xi32>
                %reduce_min3A_278 = arith.xori %gather3A_273, %reduce_min3A_277 : vector<16xi32>
                %reduce_min3A_279 = tpu.scan <min>, %reduce_min3A_278 masked %reduce_min3A_275 : vector<16xi32>, vector<16xi1> -> vector<16xi32>
                %reduce_min3A_280 = arith.xori %reduce_min3A_279, %reduce_min3A_277 : vector<16xi32>
                %reduce_min3A_281 = vector.extract %reduce_min3A_280[15] : i32 from vector<16xi32>
                %add3A_282 = arith.addi %add3A_270, %min3A_143 : i32
                %add3A_283 = arith.constant 1 : i32
                %add3A_284 = arith.addi %add3A_282, %add3A_283 : i32
                %broadcast_in_dim3A_285 = vector.broadcast %add3A_284 : i32 to vector<16xi32>
                %gather3A_286 = tpu.vector_load_idx %arg17[%broadcast_in_dim3A_285] : memref<2048xi32, #tpu.memory_space<vmem>>[vector<16xi32>], vector<16xi32>,
                %reduce_min3A_287 = arith.constant true
                %reduce_min3A_288 = vector.broadcast %reduce_min3A_287 : i1 to vector<16xi1>
                %reduce_min3A_289 = arith.constant -2147483648 : i32
                %reduce_min3A_290 = vector.broadcast %reduce_min3A_289 : i32 to vector<16xi32>
                %reduce_min3A_291 = arith.xori %gather3A_286, %reduce_min3A_290 : vector<16xi32>
                %reduce_min3A_292 = tpu.scan <min>, %reduce_min3A_291 masked %reduce_min3A_288 : vector<16xi32>, vector<16xi1> -> vector<16xi32>
                %reduce_min3A_293 = arith.xori %reduce_min3A_292, %reduce_min3A_290 : vector<16xi32>
                %reduce_min3A_294 = vector.extract %reduce_min3A_293[15] : i32 from vector<16xi32>
                %select_n3A_295 = arith.select %gt3A_196, %reduce_min3A_294, %reduce_min3A_281 : i32
                %sub3A_296 = arith.subi %select_n3A_295, %reduce_min3A_281 : i32
                %add3A_297 = arith.constant 15 : i32
                %add3A_298 = arith.addi %sub3A_296, %add3A_297 : i32
                %jit3A_299 = arith.constant 16 : i32
                %div3A_300 = arith.divsi %add3A_298, %jit3A_299 : i32
                %sign3A_301 = arith.constant 0 : i32
                %sign3A_302 = arith.cmpi sgt, %add3A_298, %sign3A_301 : i32
                %sign3A_303 = arith.extui %sign3A_302 : i1 to i32
                %sign3A_304 = arith.constant 0 : i32
                %sign3A_305 = arith.cmpi slt, %add3A_298, %sign3A_304 : i32
                %sign3A_306 = arith.extui %sign3A_305 : i1 to i32
                %sign3A_307 = arith.subi %sign3A_303, %sign3A_306 : i32
                %sign3A_308 = arith.constant 0 : i32
                %sign3A_309 = arith.cmpi sgt, %jit3A_299, %sign3A_308 : i32
                %sign3A_310 = arith.extui %sign3A_309 : i1 to i32
                %sign3A_311 = arith.constant 0 : i32
                %sign3A_312 = arith.cmpi slt, %jit3A_299, %sign3A_311 : i32
                %sign3A_313 = arith.extui %sign3A_312 : i1 to i32
                %sign3A_314 = arith.subi %sign3A_310, %sign3A_313 : i32
                %ne3A_315 = arith.cmpi ne, %sign3A_307, %sign3A_314 : i32
                %rem3A_316 = arith.remsi %add3A_298, %jit3A_299 : i32
                %ne3A_317 = arith.constant 0 : i32
                %ne3A_318 = arith.cmpi ne, %rem3A_316, %ne3A_317 : i32
                %and3A_319 = arith.andi %ne3A_315, %ne3A_318 : i1
                %sub3A_320 = arith.constant 1 : i32
                %sub3A_321 = arith.subi %div3A_300, %sub3A_320 : i32
                %select_n3A_322 = arith.select %and3A_319, %sub3A_321, %div3A_300 : i32
                %while3A_323 = arith.constant 0 : i32
                %while3A_324 = arith.subi %select_n3A_322, %while3A_323 : i32
                %while3A_325 = arith.addi %while3A_323, %while3A_324 : i32
                %while3A_326 = arith.constant 1 : i32
                %while3A_327 = arith.divsi %while3A_324, %while3A_326 : i32
                %while3A_328 = arith.muli %while3A_327, %while3A_326 : i32
                %while3A_329 = arith.addi %while3A_323, %while3A_328 : i32
                %while3A_330 = arith.constant 1 : i32
                %while3A_331:2 = scf.for %while3A_497 = %while3A_323 to %while3A_329 step %while3A_330 iter_args(%while3A_498 = %while3A_265#0, %while3A_499 = %while3A_265#1) -> (vector<16xf32>, vector<16xi32>)  : i32 {
                  %mul3A_500 = arith.constant 16 : i32
                  %mul3A_501 = arith.muli %while3A_497, %mul3A_500 : i32
                  %add3A_502 = arith.addi %reduce_min3A_281, %mul3A_501 : i32
                  %add3A_503 = vector.broadcast %add3A_502 : i32 to vector<16xi32>
                  %add3A_504 = arith.addi %add3A_503, %iota3A : vector<16xi32>
                  %lt3A_505 = vector.broadcast %select_n3A_295 : i32 to vector<16xi32>
                  %lt3A_506 = arith.cmpi slt, %add3A_504, %lt3A_505 : vector<16xi32>
                  %gather3A_507 = tpu.vector_load_idx %arg16[%add3A_504] masked %lt3A_506 : memref<20480xf32, #tpu.memory_space<vmem>>[vector<16xi32>], vector<16xf32>, vector<16xi1>
                  %gather3A_508 = tpu.vector_load_idx %arg13[%add3A_504] masked %lt3A_506 : memref<20480xf32, #tpu.memory_space<vmem>>[vector<16xi32>], vector<16xf32>, vector<16xi1>
                  %gather3A_509 = tpu.vector_load_idx %arg14[%add3A_504] masked %lt3A_506 : memref<20480xf32, #tpu.memory_space<vmem>>[vector<16xi32>], vector<16xf32>, vector<16xi1>
                  %gather3A_510 = tpu.vector_load_idx %arg15[%add3A_504] masked %lt3A_506 : memref<20480xf32, #tpu.memory_space<vmem>>[vector<16xi32>], vector<16xf32>, vector<16xi1>
                  %mul3A_511 = arith.mulf %gather3A_508, %gather3A_508 : vector<16xf32>
                  %mul3A_512 = arith.mulf %gather3A_509, %gather3A_509 : vector<16xf32>
                  %add3A_513 = arith.addf %mul3A_511, %mul3A_512 : vector<16xf32>
                  %mul3A_514 = arith.mulf %gather3A_510, %gather3A_510 : vector<16xf32>
                  %add3A_515 = arith.addf %add3A_513, %mul3A_514 : vector<16xf32>
                  %add3A_516 = arith.addf %add3A_119, %add3A_515 : vector<16xf32>
                  %mul3A_517 = arith.mulf %gather3A_508, %gather3A_112 : vector<16xf32>
                  %mul3A_518 = arith.mulf %gather3A_509, %gather3A_113 : vector<16xf32>
                  %add3A_519 = arith.addf %mul3A_517, %mul3A_518 : vector<16xf32>
                  %mul3A_520 = arith.mulf %gather3A_510, %gather3A_114 : vector<16xf32>
                  %add3A_521 = arith.addf %add3A_519, %mul3A_520 : vector<16xf32>
                  %mul3A_522 = arith.constant 2.000000e+00 : f32
                  %mul3A_523 = vector.broadcast %mul3A_522 : f32 to vector<16xf32>
                  %mul3A_524 = arith.mulf %mul3A_523, %add3A_521 : vector<16xf32>
                  %sub3A_525 = arith.subf %add3A_516, %mul3A_524 : vector<16xf32>
                  %ge3A_526 = arith.constant 5.000000e-01 : f32
                  %ge3A_527 = vector.broadcast %ge3A_526 : f32 to vector<16xf32>
                  %ge3A_528 = arith.cmpf oge, %gather3A_507, %ge3A_527 : vector<16xf32>
                  %and3A_529 = arith.andi %lt3A_506, %ge3A_528 : vector<16xi1>
                  %le3A = arith.constant 1.000000e+00 : f32
                  %le3A_530 = vector.broadcast %le3A : f32 to vector<16xf32>
                  %le3A_531 = arith.cmpf ole, %sub3A_525, %le3A_530 : vector<16xf32>
                  %and3A_532 = arith.andi %and3A_529, %le3A_531 : vector<16xi1>
                  %jit3A_533 = arith.constant 0x7F800000 : f32
                  %broadcast_in_dim3A_534 = vector.broadcast %jit3A_533 : f32 to vector<16xf32>
                  %select_n3A_535 = arith.select %and3A_532, %sub3A_525, %broadcast_in_dim3A_534 : vector<16xi1>, vector<16xf32>
                  %lt3A_536 = arith.cmpf olt, %select_n3A_535, %while3A_498 : vector<16xf32>
                  %eq3A_537 = arith.cmpf oeq, %select_n3A_535, %while3A_498 : vector<16xf32>
                  %lt3A_538 = arith.cmpi slt, %add3A_504, %while3A_499 : vector<16xi32>
                  %and3A_539 = arith.andi %eq3A_537, %lt3A_538 : vector<16xi1>
                  %or3A = arith.ori %lt3A_536, %and3A_539 : vector<16xi1>
                  %select_n3A_540 = arith.select %or3A, %select_n3A_535, %while3A_498 : vector<16xi1>, vector<16xf32>
                  %select_n3A_541 = arith.select %or3A, %add3A_504, %while3A_499 : vector<16xi1>, vector<16xi32>
                  scf.yield %select_n3A_540, %select_n3A_541 : vector<16xf32>, vector<16xi32>
                }
                %while3A_332 = arith.constant 1 : i32
                %while3A_333:2 = scf.for %while3A_497 = %while3A_329 to %while3A_325 step %while3A_332 iter_args(%while3A_498 = %while3A_331#0, %while3A_499 = %while3A_331#1) -> (vector<16xf32>, vector<16xi32>)  : i32 {
                  %mul3A_500 = arith.constant 16 : i32
                  %mul3A_501 = arith.muli %while3A_497, %mul3A_500 : i32
                  %add3A_502 = arith.addi %reduce_min3A_281, %mul3A_501 : i32
                  %add3A_503 = vector.broadcast %add3A_502 : i32 to vector<16xi32>
                  %add3A_504 = arith.addi %add3A_503, %iota3A : vector<16xi32>
                  %lt3A_505 = vector.broadcast %select_n3A_295 : i32 to vector<16xi32>
                  %lt3A_506 = arith.cmpi slt, %add3A_504, %lt3A_505 : vector<16xi32>
                  %gather3A_507 = tpu.vector_load_idx %arg16[%add3A_504] masked %lt3A_506 : memref<20480xf32, #tpu.memory_space<vmem>>[vector<16xi32>], vector<16xf32>, vector<16xi1>
                  %gather3A_508 = tpu.vector_load_idx %arg13[%add3A_504] masked %lt3A_506 : memref<20480xf32, #tpu.memory_space<vmem>>[vector<16xi32>], vector<16xf32>, vector<16xi1>
                  %gather3A_509 = tpu.vector_load_idx %arg14[%add3A_504] masked %lt3A_506 : memref<20480xf32, #tpu.memory_space<vmem>>[vector<16xi32>], vector<16xf32>, vector<16xi1>
                  %gather3A_510 = tpu.vector_load_idx %arg15[%add3A_504] masked %lt3A_506 : memref<20480xf32, #tpu.memory_space<vmem>>[vector<16xi32>], vector<16xf32>, vector<16xi1>
                  %mul3A_511 = arith.mulf %gather3A_508, %gather3A_508 : vector<16xf32>
                  %mul3A_512 = arith.mulf %gather3A_509, %gather3A_509 : vector<16xf32>
                  %add3A_513 = arith.addf %mul3A_511, %mul3A_512 : vector<16xf32>
                  %mul3A_514 = arith.mulf %gather3A_510, %gather3A_510 : vector<16xf32>
                  %add3A_515 = arith.addf %add3A_513, %mul3A_514 : vector<16xf32>
                  %add3A_516 = arith.addf %add3A_119, %add3A_515 : vector<16xf32>
                  %mul3A_517 = arith.mulf %gather3A_508, %gather3A_112 : vector<16xf32>
                  %mul3A_518 = arith.mulf %gather3A_509, %gather3A_113 : vector<16xf32>
                  %add3A_519 = arith.addf %mul3A_517, %mul3A_518 : vector<16xf32>
                  %mul3A_520 = arith.mulf %gather3A_510, %gather3A_114 : vector<16xf32>
                  %add3A_521 = arith.addf %add3A_519, %mul3A_520 : vector<16xf32>
                  %mul3A_522 = arith.constant 2.000000e+00 : f32
                  %mul3A_523 = vector.broadcast %mul3A_522 : f32 to vector<16xf32>
                  %mul3A_524 = arith.mulf %mul3A_523, %add3A_521 : vector<16xf32>
                  %sub3A_525 = arith.subf %add3A_516, %mul3A_524 : vector<16xf32>
                  %ge3A_526 = arith.constant 5.000000e-01 : f32
                  %ge3A_527 = vector.broadcast %ge3A_526 : f32 to vector<16xf32>
                  %ge3A_528 = arith.cmpf oge, %gather3A_507, %ge3A_527 : vector<16xf32>
                  %and3A_529 = arith.andi %lt3A_506, %ge3A_528 : vector<16xi1>
                  %le3A = arith.constant 1.000000e+00 : f32
                  %le3A_530 = vector.broadcast %le3A : f32 to vector<16xf32>
                  %le3A_531 = arith.cmpf ole, %sub3A_525, %le3A_530 : vector<16xf32>
                  %and3A_532 = arith.andi %and3A_529, %le3A_531 : vector<16xi1>
                  %jit3A_533 = arith.constant 0x7F800000 : f32
                  %broadcast_in_dim3A_534 = vector.broadcast %jit3A_533 : f32 to vector<16xf32>
                  %select_n3A_535 = arith.select %and3A_532, %sub3A_525, %broadcast_in_dim3A_534 : vector<16xi1>, vector<16xf32>
                  %lt3A_536 = arith.cmpf olt, %select_n3A_535, %while3A_498 : vector<16xf32>
                  %eq3A_537 = arith.cmpf oeq, %select_n3A_535, %while3A_498 : vector<16xf32>
                  %lt3A_538 = arith.cmpi slt, %add3A_504, %while3A_499 : vector<16xi32>
                  %and3A_539 = arith.andi %eq3A_537, %lt3A_538 : vector<16xi1>
                  %or3A = arith.ori %lt3A_536, %and3A_539 : vector<16xi1>
                  %select_n3A_540 = arith.select %or3A, %select_n3A_535, %while3A_498 : vector<16xi1>, vector<16xf32>
                  %select_n3A_541 = arith.select %or3A, %add3A_504, %while3A_499 : vector<16xi1>, vector<16xi32>
                  scf.yield %select_n3A_540, %select_n3A_541 : vector<16xf32>, vector<16xi32>
                }
                %mul3A_334 = arith.constant 20 : i32
                %mul3A_335 = arith.muli %mul3A_334, %min3A_156 : i32
                %mul3A_336 = arith.constant 200 : i32
                %mul3A_337 = arith.muli %mul3A_336, %min3A_195 : i32
                %add3A_338 = arith.addi %mul3A_335, %mul3A_337 : i32
                %add3A_339 = arith.addi %add3A_338, %max3A_139 : i32
                %broadcast_in_dim3A_340 = vector.broadcast %add3A_339 : i32 to vector<16xi32>
                %gather3A_341 = tpu.vector_load_idx %arg17[%broadcast_in_dim3A_340] : memref<2048xi32, #tpu.memory_space<vmem>>[vector<16xi32>], vector<16xi32>,
                %reduce_min3A_342 = arith.constant true
                %reduce_min3A_343 = vector.broadcast %reduce_min3A_342 : i1 to vector<16xi1>
                %reduce_min3A_344 = arith.constant -2147483648 : i32
                %reduce_min3A_345 = vector.broadcast %reduce_min3A_344 : i32 to vector<16xi32>
                %reduce_min3A_346 = arith.xori %gather3A_341, %reduce_min3A_345 : vector<16xi32>
                %reduce_min3A_347 = tpu.scan <min>, %reduce_min3A_346 masked %reduce_min3A_343 : vector<16xi32>, vector<16xi1> -> vector<16xi32>
                %reduce_min3A_348 = arith.xori %reduce_min3A_347, %reduce_min3A_345 : vector<16xi32>
                %reduce_min3A_349 = vector.extract %reduce_min3A_348[15] : i32 from vector<16xi32>
                %add3A_350 = arith.addi %add3A_338, %min3A_143 : i32
                %add3A_351 = arith.constant 1 : i32
                %add3A_352 = arith.addi %add3A_350, %add3A_351 : i32
                %broadcast_in_dim3A_353 = vector.broadcast %add3A_352 : i32 to vector<16xi32>
                %gather3A_354 = tpu.vector_load_idx %arg17[%broadcast_in_dim3A_353] : memref<2048xi32, #tpu.memory_space<vmem>>[vector<16xi32>], vector<16xi32>,
                %reduce_min3A_355 = arith.constant true
                %reduce_min3A_356 = vector.broadcast %reduce_min3A_355 : i1 to vector<16xi1>
                %reduce_min3A_357 = arith.constant -2147483648 : i32
                %reduce_min3A_358 = vector.broadcast %reduce_min3A_357 : i32 to vector<16xi32>
                %reduce_min3A_359 = arith.xori %gather3A_354, %reduce_min3A_358 : vector<16xi32>
                %reduce_min3A_360 = tpu.scan <min>, %reduce_min3A_359 masked %reduce_min3A_356 : vector<16xi32>, vector<16xi1> -> vector<16xi32>
                %reduce_min3A_361 = arith.xori %reduce_min3A_360, %reduce_min3A_358 : vector<16xi32>
                %reduce_min3A_362 = vector.extract %reduce_min3A_361[15] : i32 from vector<16xi32>
                %select_n3A_363 = arith.select %gt3A_197, %reduce_min3A_362, %reduce_min3A_349 : i32
                %sub3A_364 = arith.subi %select_n3A_363, %reduce_min3A_349 : i32
                %add3A_365 = arith.constant 15 : i32
                %add3A_366 = arith.addi %sub3A_364, %add3A_365 : i32
                %jit3A_367 = arith.constant 16 : i32
                %div3A_368 = arith.divsi %add3A_366, %jit3A_367 : i32
                %sign3A_369 = arith.constant 0 : i32
                %sign3A_370 = arith.cmpi sgt, %add3A_366, %sign3A_369 : i32
                %sign3A_371 = arith.extui %sign3A_370 : i1 to i32
                %sign3A_372 = arith.constant 0 : i32
                %sign3A_373 = arith.cmpi slt, %add3A_366, %sign3A_372 : i32
                %sign3A_374 = arith.extui %sign3A_373 : i1 to i32
                %sign3A_375 = arith.subi %sign3A_371, %sign3A_374 : i32
                %sign3A_376 = arith.constant 0 : i32
                %sign3A_377 = arith.cmpi sgt, %jit3A_367, %sign3A_376 : i32
                %sign3A_378 = arith.extui %sign3A_377 : i1 to i32
                %sign3A_379 = arith.constant 0 : i32
                %sign3A_380 = arith.cmpi slt, %jit3A_367, %sign3A_379 : i32
                %sign3A_381 = arith.extui %sign3A_380 : i1 to i32
                %sign3A_382 = arith.subi %sign3A_378, %sign3A_381 : i32
                %ne3A_383 = arith.cmpi ne, %sign3A_375, %sign3A_382 : i32
                %rem3A_384 = arith.remsi %add3A_366, %jit3A_367 : i32
                %ne3A_385 = arith.constant 0 : i32
                %ne3A_386 = arith.cmpi ne, %rem3A_384, %ne3A_385 : i32
                %and3A_387 = arith.andi %ne3A_383, %ne3A_386 : i1
                %sub3A_388 = arith.constant 1 : i32
                %sub3A_389 = arith.subi %div3A_368, %sub3A_388 : i32
                %select_n3A_390 = arith.select %and3A_387, %sub3A_389, %div3A_368 : i32
                %while3A_391 = arith.constant 0 : i32
                %while3A_392 = arith.subi %select_n3A_390, %while3A_391 : i32
                %while3A_393 = arith.addi %while3A_391, %while3A_392 : i32
                %while3A_394 = arith.constant 1 : i32
                %while3A_395 = arith.divsi %while3A_392, %while3A_394 : i32
                %while3A_396 = arith.muli %while3A_395, %while3A_394 : i32
                %while3A_397 = arith.addi %while3A_391, %while3A_396 : i32
                %while3A_398 = arith.constant 1 : i32
                %while3A_399:2 = scf.for %while3A_497 = %while3A_391 to %while3A_397 step %while3A_398 iter_args(%while3A_498 = %while3A_333#0, %while3A_499 = %while3A_333#1) -> (vector<16xf32>, vector<16xi32>)  : i32 {
                  %mul3A_500 = arith.constant 16 : i32
                  %mul3A_501 = arith.muli %while3A_497, %mul3A_500 : i32
                  %add3A_502 = arith.addi %reduce_min3A_349, %mul3A_501 : i32
                  %add3A_503 = vector.broadcast %add3A_502 : i32 to vector<16xi32>
                  %add3A_504 = arith.addi %add3A_503, %iota3A : vector<16xi32>
                  %lt3A_505 = vector.broadcast %select_n3A_363 : i32 to vector<16xi32>
                  %lt3A_506 = arith.cmpi slt, %add3A_504, %lt3A_505 : vector<16xi32>
                  %gather3A_507 = tpu.vector_load_idx %arg16[%add3A_504] masked %lt3A_506 : memref<20480xf32, #tpu.memory_space<vmem>>[vector<16xi32>], vector<16xf32>, vector<16xi1>
                  %gather3A_508 = tpu.vector_load_idx %arg13[%add3A_504] masked %lt3A_506 : memref<20480xf32, #tpu.memory_space<vmem>>[vector<16xi32>], vector<16xf32>, vector<16xi1>
                  %gather3A_509 = tpu.vector_load_idx %arg14[%add3A_504] masked %lt3A_506 : memref<20480xf32, #tpu.memory_space<vmem>>[vector<16xi32>], vector<16xf32>, vector<16xi1>
                  %gather3A_510 = tpu.vector_load_idx %arg15[%add3A_504] masked %lt3A_506 : memref<20480xf32, #tpu.memory_space<vmem>>[vector<16xi32>], vector<16xf32>, vector<16xi1>
                  %mul3A_511 = arith.mulf %gather3A_508, %gather3A_508 : vector<16xf32>
                  %mul3A_512 = arith.mulf %gather3A_509, %gather3A_509 : vector<16xf32>
                  %add3A_513 = arith.addf %mul3A_511, %mul3A_512 : vector<16xf32>
                  %mul3A_514 = arith.mulf %gather3A_510, %gather3A_510 : vector<16xf32>
                  %add3A_515 = arith.addf %add3A_513, %mul3A_514 : vector<16xf32>
                  %add3A_516 = arith.addf %add3A_119, %add3A_515 : vector<16xf32>
                  %mul3A_517 = arith.mulf %gather3A_508, %gather3A_112 : vector<16xf32>
                  %mul3A_518 = arith.mulf %gather3A_509, %gather3A_113 : vector<16xf32>
                  %add3A_519 = arith.addf %mul3A_517, %mul3A_518 : vector<16xf32>
                  %mul3A_520 = arith.mulf %gather3A_510, %gather3A_114 : vector<16xf32>
                  %add3A_521 = arith.addf %add3A_519, %mul3A_520 : vector<16xf32>
                  %mul3A_522 = arith.constant 2.000000e+00 : f32
                  %mul3A_523 = vector.broadcast %mul3A_522 : f32 to vector<16xf32>
                  %mul3A_524 = arith.mulf %mul3A_523, %add3A_521 : vector<16xf32>
                  %sub3A_525 = arith.subf %add3A_516, %mul3A_524 : vector<16xf32>
                  %ge3A_526 = arith.constant 5.000000e-01 : f32
                  %ge3A_527 = vector.broadcast %ge3A_526 : f32 to vector<16xf32>
                  %ge3A_528 = arith.cmpf oge, %gather3A_507, %ge3A_527 : vector<16xf32>
                  %and3A_529 = arith.andi %lt3A_506, %ge3A_528 : vector<16xi1>
                  %le3A = arith.constant 1.000000e+00 : f32
                  %le3A_530 = vector.broadcast %le3A : f32 to vector<16xf32>
                  %le3A_531 = arith.cmpf ole, %sub3A_525, %le3A_530 : vector<16xf32>
                  %and3A_532 = arith.andi %and3A_529, %le3A_531 : vector<16xi1>
                  %jit3A_533 = arith.constant 0x7F800000 : f32
                  %broadcast_in_dim3A_534 = vector.broadcast %jit3A_533 : f32 to vector<16xf32>
                  %select_n3A_535 = arith.select %and3A_532, %sub3A_525, %broadcast_in_dim3A_534 : vector<16xi1>, vector<16xf32>
                  %lt3A_536 = arith.cmpf olt, %select_n3A_535, %while3A_498 : vector<16xf32>
                  %eq3A_537 = arith.cmpf oeq, %select_n3A_535, %while3A_498 : vector<16xf32>
                  %lt3A_538 = arith.cmpi slt, %add3A_504, %while3A_499 : vector<16xi32>
                  %and3A_539 = arith.andi %eq3A_537, %lt3A_538 : vector<16xi1>
                  %or3A = arith.ori %lt3A_536, %and3A_539 : vector<16xi1>
                  %select_n3A_540 = arith.select %or3A, %select_n3A_535, %while3A_498 : vector<16xi1>, vector<16xf32>
                  %select_n3A_541 = arith.select %or3A, %add3A_504, %while3A_499 : vector<16xi1>, vector<16xi32>
                  scf.yield %select_n3A_540, %select_n3A_541 : vector<16xf32>, vector<16xi32>
                }
                %while3A_400 = arith.constant 1 : i32
                %while3A_401:2 = scf.for %while3A_497 = %while3A_397 to %while3A_393 step %while3A_400 iter_args(%while3A_498 = %while3A_399#0, %while3A_499 = %while3A_399#1) -> (vector<16xf32>, vector<16xi32>)  : i32 {
                  %mul3A_500 = arith.constant 16 : i32
                  %mul3A_501 = arith.muli %while3A_497, %mul3A_500 : i32
                  %add3A_502 = arith.addi %reduce_min3A_349, %mul3A_501 : i32
                  %add3A_503 = vector.broadcast %add3A_502 : i32 to vector<16xi32>
                  %add3A_504 = arith.addi %add3A_503, %iota3A : vector<16xi32>
                  %lt3A_505 = vector.broadcast %select_n3A_363 : i32 to vector<16xi32>
                  %lt3A_506 = arith.cmpi slt, %add3A_504, %lt3A_505 : vector<16xi32>
                  %gather3A_507 = tpu.vector_load_idx %arg16[%add3A_504] masked %lt3A_506 : memref<20480xf32, #tpu.memory_space<vmem>>[vector<16xi32>], vector<16xf32>, vector<16xi1>
                  %gather3A_508 = tpu.vector_load_idx %arg13[%add3A_504] masked %lt3A_506 : memref<20480xf32, #tpu.memory_space<vmem>>[vector<16xi32>], vector<16xf32>, vector<16xi1>
                  %gather3A_509 = tpu.vector_load_idx %arg14[%add3A_504] masked %lt3A_506 : memref<20480xf32, #tpu.memory_space<vmem>>[vector<16xi32>], vector<16xf32>, vector<16xi1>
                  %gather3A_510 = tpu.vector_load_idx %arg15[%add3A_504] masked %lt3A_506 : memref<20480xf32, #tpu.memory_space<vmem>>[vector<16xi32>], vector<16xf32>, vector<16xi1>
                  %mul3A_511 = arith.mulf %gather3A_508, %gather3A_508 : vector<16xf32>
                  %mul3A_512 = arith.mulf %gather3A_509, %gather3A_509 : vector<16xf32>
                  %add3A_513 = arith.addf %mul3A_511, %mul3A_512 : vector<16xf32>
                  %mul3A_514 = arith.mulf %gather3A_510, %gather3A_510 : vector<16xf32>
                  %add3A_515 = arith.addf %add3A_513, %mul3A_514 : vector<16xf32>
                  %add3A_516 = arith.addf %add3A_119, %add3A_515 : vector<16xf32>
                  %mul3A_517 = arith.mulf %gather3A_508, %gather3A_112 : vector<16xf32>
                  %mul3A_518 = arith.mulf %gather3A_509, %gather3A_113 : vector<16xf32>
                  %add3A_519 = arith.addf %mul3A_517, %mul3A_518 : vector<16xf32>
                  %mul3A_520 = arith.mulf %gather3A_510, %gather3A_114 : vector<16xf32>
                  %add3A_521 = arith.addf %add3A_519, %mul3A_520 : vector<16xf32>
                  %mul3A_522 = arith.constant 2.000000e+00 : f32
                  %mul3A_523 = vector.broadcast %mul3A_522 : f32 to vector<16xf32>
                  %mul3A_524 = arith.mulf %mul3A_523, %add3A_521 : vector<16xf32>
                  %sub3A_525 = arith.subf %add3A_516, %mul3A_524 : vector<16xf32>
                  %ge3A_526 = arith.constant 5.000000e-01 : f32
                  %ge3A_527 = vector.broadcast %ge3A_526 : f32 to vector<16xf32>
                  %ge3A_528 = arith.cmpf oge, %gather3A_507, %ge3A_527 : vector<16xf32>
                  %and3A_529 = arith.andi %lt3A_506, %ge3A_528 : vector<16xi1>
                  %le3A = arith.constant 1.000000e+00 : f32
                  %le3A_530 = vector.broadcast %le3A : f32 to vector<16xf32>
                  %le3A_531 = arith.cmpf ole, %sub3A_525, %le3A_530 : vector<16xf32>
                  %and3A_532 = arith.andi %and3A_529, %le3A_531 : vector<16xi1>
                  %jit3A_533 = arith.constant 0x7F800000 : f32
                  %broadcast_in_dim3A_534 = vector.broadcast %jit3A_533 : f32 to vector<16xf32>
                  %select_n3A_535 = arith.select %and3A_532, %sub3A_525, %broadcast_in_dim3A_534 : vector<16xi1>, vector<16xf32>
                  %lt3A_536 = arith.cmpf olt, %select_n3A_535, %while3A_498 : vector<16xf32>
                  %eq3A_537 = arith.cmpf oeq, %select_n3A_535, %while3A_498 : vector<16xf32>
                  %lt3A_538 = arith.cmpi slt, %add3A_504, %while3A_499 : vector<16xi32>
                  %and3A_539 = arith.andi %eq3A_537, %lt3A_538 : vector<16xi1>
                  %or3A = arith.ori %lt3A_536, %and3A_539 : vector<16xi1>
                  %select_n3A_540 = arith.select %or3A, %select_n3A_535, %while3A_498 : vector<16xi1>, vector<16xf32>
                  %select_n3A_541 = arith.select %or3A, %add3A_504, %while3A_499 : vector<16xi1>, vector<16xi32>
                  scf.yield %select_n3A_540, %select_n3A_541 : vector<16xf32>, vector<16xi32>
                }
                %and3A_402 = arith.andi %gt3A_196, %gt3A_197 : i1
                %mul3A_403 = arith.constant 20 : i32
                %mul3A_404 = arith.muli %mul3A_403, %min3A_169 : i32
                %mul3A_405 = arith.constant 200 : i32
                %mul3A_406 = arith.muli %mul3A_405, %min3A_195 : i32
                %add3A_407 = arith.addi %mul3A_404, %mul3A_406 : i32
                %add3A_408 = arith.addi %add3A_407, %max3A_139 : i32
                %broadcast_in_dim3A_409 = vector.broadcast %add3A_408 : i32 to vector<16xi32>
                %gather3A_410 = tpu.vector_load_idx %arg17[%broadcast_in_dim3A_409] : memref<2048xi32, #tpu.memory_space<vmem>>[vector<16xi32>], vector<16xi32>,
                %reduce_min3A_411 = arith.constant true
                %reduce_min3A_412 = vector.broadcast %reduce_min3A_411 : i1 to vector<16xi1>
                %reduce_min3A_413 = arith.constant -2147483648 : i32
                %reduce_min3A_414 = vector.broadcast %reduce_min3A_413 : i32 to vector<16xi32>
                %reduce_min3A_415 = arith.xori %gather3A_410, %reduce_min3A_414 : vector<16xi32>
                %reduce_min3A_416 = tpu.scan <min>, %reduce_min3A_415 masked %reduce_min3A_412 : vector<16xi32>, vector<16xi1> -> vector<16xi32>
                %reduce_min3A_417 = arith.xori %reduce_min3A_416, %reduce_min3A_414 : vector<16xi32>
                %reduce_min3A_418 = vector.extract %reduce_min3A_417[15] : i32 from vector<16xi32>
                %add3A_419 = arith.addi %add3A_407, %min3A_143 : i32
                %add3A_420 = arith.constant 1 : i32
                %add3A_421 = arith.addi %add3A_419, %add3A_420 : i32
                %broadcast_in_dim3A_422 = vector.broadcast %add3A_421 : i32 to vector<16xi32>
                %gather3A_423 = tpu.vector_load_idx %arg17[%broadcast_in_dim3A_422] : memref<2048xi32, #tpu.memory_space<vmem>>[vector<16xi32>], vector<16xi32>,
                %reduce_min3A_424 = arith.constant true
                %reduce_min3A_425 = vector.broadcast %reduce_min3A_424 : i1 to vector<16xi1>
                %reduce_min3A_426 = arith.constant -2147483648 : i32
                %reduce_min3A_427 = vector.broadcast %reduce_min3A_426 : i32 to vector<16xi32>
                %reduce_min3A_428 = arith.xori %gather3A_423, %reduce_min3A_427 : vector<16xi32>
                %reduce_min3A_429 = tpu.scan <min>, %reduce_min3A_428 masked %reduce_min3A_425 : vector<16xi32>, vector<16xi1> -> vector<16xi32>
                %reduce_min3A_430 = arith.xori %reduce_min3A_429, %reduce_min3A_427 : vector<16xi32>
                %reduce_min3A_431 = vector.extract %reduce_min3A_430[15] : i32 from vector<16xi32>
                %select_n3A_432 = arith.select %and3A_402, %reduce_min3A_431, %reduce_min3A_418 : i32
                %sub3A_433 = arith.subi %select_n3A_432, %reduce_min3A_418 : i32
                %add3A_434 = arith.constant 15 : i32
                %add3A_435 = arith.addi %sub3A_433, %add3A_434 : i32
                %jit3A_436 = arith.constant 16 : i32
                %div3A_437 = arith.divsi %add3A_435, %jit3A_436 : i32
                %sign3A_438 = arith.constant 0 : i32
                %sign3A_439 = arith.cmpi sgt, %add3A_435, %sign3A_438 : i32
                %sign3A_440 = arith.extui %sign3A_439 : i1 to i32
                %sign3A_441 = arith.constant 0 : i32
                %sign3A_442 = arith.cmpi slt, %add3A_435, %sign3A_441 : i32
                %sign3A_443 = arith.extui %sign3A_442 : i1 to i32
                %sign3A_444 = arith.subi %sign3A_440, %sign3A_443 : i32
                %sign3A_445 = arith.constant 0 : i32
                %sign3A_446 = arith.cmpi sgt, %jit3A_436, %sign3A_445 : i32
                %sign3A_447 = arith.extui %sign3A_446 : i1 to i32
                %sign3A_448 = arith.constant 0 : i32
                %sign3A_449 = arith.cmpi slt, %jit3A_436, %sign3A_448 : i32
                %sign3A_450 = arith.extui %sign3A_449 : i1 to i32
                %sign3A_451 = arith.subi %sign3A_447, %sign3A_450 : i32
                %ne3A_452 = arith.cmpi ne, %sign3A_444, %sign3A_451 : i32
                %rem3A_453 = arith.remsi %add3A_435, %jit3A_436 : i32
                %ne3A_454 = arith.constant 0 : i32
                %ne3A_455 = arith.cmpi ne, %rem3A_453, %ne3A_454 : i32
                %and3A_456 = arith.andi %ne3A_452, %ne3A_455 : i1
                %sub3A_457 = arith.constant 1 : i32
                %sub3A_458 = arith.subi %div3A_437, %sub3A_457 : i32
                %select_n3A_459 = arith.select %and3A_456, %sub3A_458, %div3A_437 : i32
                %while3A_460 = arith.constant 0 : i32
                %while3A_461 = arith.subi %select_n3A_459, %while3A_460 : i32
                %while3A_462 = arith.addi %while3A_460, %while3A_461 : i32
                %while3A_463 = arith.constant 1 : i32
                %while3A_464 = arith.divsi %while3A_461, %while3A_463 : i32
                %while3A_465 = arith.muli %while3A_464, %while3A_463 : i32
                %while3A_466 = arith.addi %while3A_460, %while3A_465 : i32
                %while3A_467 = arith.constant 1 : i32
                %while3A_468:2 = scf.for %while3A_497 = %while3A_460 to %while3A_466 step %while3A_467 iter_args(%while3A_498 = %while3A_401#0, %while3A_499 = %while3A_401#1) -> (vector<16xf32>, vector<16xi32>)  : i32 {
                  %mul3A_500 = arith.constant 16 : i32
                  %mul3A_501 = arith.muli %while3A_497, %mul3A_500 : i32
                  %add3A_502 = arith.addi %reduce_min3A_418, %mul3A_501 : i32
                  %add3A_503 = vector.broadcast %add3A_502 : i32 to vector<16xi32>
                  %add3A_504 = arith.addi %add3A_503, %iota3A : vector<16xi32>
                  %lt3A_505 = vector.broadcast %select_n3A_432 : i32 to vector<16xi32>
                  %lt3A_506 = arith.cmpi slt, %add3A_504, %lt3A_505 : vector<16xi32>
                  %gather3A_507 = tpu.vector_load_idx %arg16[%add3A_504] masked %lt3A_506 : memref<20480xf32, #tpu.memory_space<vmem>>[vector<16xi32>], vector<16xf32>, vector<16xi1>
                  %gather3A_508 = tpu.vector_load_idx %arg13[%add3A_504] masked %lt3A_506 : memref<20480xf32, #tpu.memory_space<vmem>>[vector<16xi32>], vector<16xf32>, vector<16xi1>
                  %gather3A_509 = tpu.vector_load_idx %arg14[%add3A_504] masked %lt3A_506 : memref<20480xf32, #tpu.memory_space<vmem>>[vector<16xi32>], vector<16xf32>, vector<16xi1>
                  %gather3A_510 = tpu.vector_load_idx %arg15[%add3A_504] masked %lt3A_506 : memref<20480xf32, #tpu.memory_space<vmem>>[vector<16xi32>], vector<16xf32>, vector<16xi1>
                  %mul3A_511 = arith.mulf %gather3A_508, %gather3A_508 : vector<16xf32>
                  %mul3A_512 = arith.mulf %gather3A_509, %gather3A_509 : vector<16xf32>
                  %add3A_513 = arith.addf %mul3A_511, %mul3A_512 : vector<16xf32>
                  %mul3A_514 = arith.mulf %gather3A_510, %gather3A_510 : vector<16xf32>
                  %add3A_515 = arith.addf %add3A_513, %mul3A_514 : vector<16xf32>
                  %add3A_516 = arith.addf %add3A_119, %add3A_515 : vector<16xf32>
                  %mul3A_517 = arith.mulf %gather3A_508, %gather3A_112 : vector<16xf32>
                  %mul3A_518 = arith.mulf %gather3A_509, %gather3A_113 : vector<16xf32>
                  %add3A_519 = arith.addf %mul3A_517, %mul3A_518 : vector<16xf32>
                  %mul3A_520 = arith.mulf %gather3A_510, %gather3A_114 : vector<16xf32>
                  %add3A_521 = arith.addf %add3A_519, %mul3A_520 : vector<16xf32>
                  %mul3A_522 = arith.constant 2.000000e+00 : f32
                  %mul3A_523 = vector.broadcast %mul3A_522 : f32 to vector<16xf32>
                  %mul3A_524 = arith.mulf %mul3A_523, %add3A_521 : vector<16xf32>
                  %sub3A_525 = arith.subf %add3A_516, %mul3A_524 : vector<16xf32>
                  %ge3A_526 = arith.constant 5.000000e-01 : f32
                  %ge3A_527 = vector.broadcast %ge3A_526 : f32 to vector<16xf32>
                  %ge3A_528 = arith.cmpf oge, %gather3A_507, %ge3A_527 : vector<16xf32>
                  %and3A_529 = arith.andi %lt3A_506, %ge3A_528 : vector<16xi1>
                  %le3A = arith.constant 1.000000e+00 : f32
                  %le3A_530 = vector.broadcast %le3A : f32 to vector<16xf32>
                  %le3A_531 = arith.cmpf ole, %sub3A_525, %le3A_530 : vector<16xf32>
                  %and3A_532 = arith.andi %and3A_529, %le3A_531 : vector<16xi1>
                  %jit3A_533 = arith.constant 0x7F800000 : f32
                  %broadcast_in_dim3A_534 = vector.broadcast %jit3A_533 : f32 to vector<16xf32>
                  %select_n3A_535 = arith.select %and3A_532, %sub3A_525, %broadcast_in_dim3A_534 : vector<16xi1>, vector<16xf32>
                  %lt3A_536 = arith.cmpf olt, %select_n3A_535, %while3A_498 : vector<16xf32>
                  %eq3A_537 = arith.cmpf oeq, %select_n3A_535, %while3A_498 : vector<16xf32>
                  %lt3A_538 = arith.cmpi slt, %add3A_504, %while3A_499 : vector<16xi32>
                  %and3A_539 = arith.andi %eq3A_537, %lt3A_538 : vector<16xi1>
                  %or3A = arith.ori %lt3A_536, %and3A_539 : vector<16xi1>
                  %select_n3A_540 = arith.select %or3A, %select_n3A_535, %while3A_498 : vector<16xi1>, vector<16xf32>
                  %select_n3A_541 = arith.select %or3A, %add3A_504, %while3A_499 : vector<16xi1>, vector<16xi32>
                  scf.yield %select_n3A_540, %select_n3A_541 : vector<16xf32>, vector<16xi32>
                }
                %while3A_469 = arith.constant 1 : i32
                %while3A_470:2 = scf.for %while3A_497 = %while3A_466 to %while3A_462 step %while3A_469 iter_args(%while3A_498 = %while3A_468#0, %while3A_499 = %while3A_468#1) -> (vector<16xf32>, vector<16xi32>)  : i32 {
                  %mul3A_500 = arith.constant 16 : i32
                  %mul3A_501 = arith.muli %while3A_497, %mul3A_500 : i32
                  %add3A_502 = arith.addi %reduce_min3A_418, %mul3A_501 : i32
                  %add3A_503 = vector.broadcast %add3A_502 : i32 to vector<16xi32>
                  %add3A_504 = arith.addi %add3A_503, %iota3A : vector<16xi32>
                  %lt3A_505 = vector.broadcast %select_n3A_432 : i32 to vector<16xi32>
                  %lt3A_506 = arith.cmpi slt, %add3A_504, %lt3A_505 : vector<16xi32>
                  %gather3A_507 = tpu.vector_load_idx %arg16[%add3A_504] masked %lt3A_506 : memref<20480xf32, #tpu.memory_space<vmem>>[vector<16xi32>], vector<16xf32>, vector<16xi1>
                  %gather3A_508 = tpu.vector_load_idx %arg13[%add3A_504] masked %lt3A_506 : memref<20480xf32, #tpu.memory_space<vmem>>[vector<16xi32>], vector<16xf32>, vector<16xi1>
                  %gather3A_509 = tpu.vector_load_idx %arg14[%add3A_504] masked %lt3A_506 : memref<20480xf32, #tpu.memory_space<vmem>>[vector<16xi32>], vector<16xf32>, vector<16xi1>
                  %gather3A_510 = tpu.vector_load_idx %arg15[%add3A_504] masked %lt3A_506 : memref<20480xf32, #tpu.memory_space<vmem>>[vector<16xi32>], vector<16xf32>, vector<16xi1>
                  %mul3A_511 = arith.mulf %gather3A_508, %gather3A_508 : vector<16xf32>
                  %mul3A_512 = arith.mulf %gather3A_509, %gather3A_509 : vector<16xf32>
                  %add3A_513 = arith.addf %mul3A_511, %mul3A_512 : vector<16xf32>
                  %mul3A_514 = arith.mulf %gather3A_510, %gather3A_510 : vector<16xf32>
                  %add3A_515 = arith.addf %add3A_513, %mul3A_514 : vector<16xf32>
                  %add3A_516 = arith.addf %add3A_119, %add3A_515 : vector<16xf32>
                  %mul3A_517 = arith.mulf %gather3A_508, %gather3A_112 : vector<16xf32>
                  %mul3A_518 = arith.mulf %gather3A_509, %gather3A_113 : vector<16xf32>
                  %add3A_519 = arith.addf %mul3A_517, %mul3A_518 : vector<16xf32>
                  %mul3A_520 = arith.mulf %gather3A_510, %gather3A_114 : vector<16xf32>
                  %add3A_521 = arith.addf %add3A_519, %mul3A_520 : vector<16xf32>
                  %mul3A_522 = arith.constant 2.000000e+00 : f32
                  %mul3A_523 = vector.broadcast %mul3A_522 : f32 to vector<16xf32>
                  %mul3A_524 = arith.mulf %mul3A_523, %add3A_521 : vector<16xf32>
                  %sub3A_525 = arith.subf %add3A_516, %mul3A_524 : vector<16xf32>
                  %ge3A_526 = arith.constant 5.000000e-01 : f32
                  %ge3A_527 = vector.broadcast %ge3A_526 : f32 to vector<16xf32>
                  %ge3A_528 = arith.cmpf oge, %gather3A_507, %ge3A_527 : vector<16xf32>
                  %and3A_529 = arith.andi %lt3A_506, %ge3A_528 : vector<16xi1>
                  %le3A = arith.constant 1.000000e+00 : f32
                  %le3A_530 = vector.broadcast %le3A : f32 to vector<16xf32>
                  %le3A_531 = arith.cmpf ole, %sub3A_525, %le3A_530 : vector<16xf32>
                  %and3A_532 = arith.andi %and3A_529, %le3A_531 : vector<16xi1>
                  %jit3A_533 = arith.constant 0x7F800000 : f32
                  %broadcast_in_dim3A_534 = vector.broadcast %jit3A_533 : f32 to vector<16xf32>
                  %select_n3A_535 = arith.select %and3A_532, %sub3A_525, %broadcast_in_dim3A_534 : vector<16xi1>, vector<16xf32>
                  %lt3A_536 = arith.cmpf olt, %select_n3A_535, %while3A_498 : vector<16xf32>
                  %eq3A_537 = arith.cmpf oeq, %select_n3A_535, %while3A_498 : vector<16xf32>
                  %lt3A_538 = arith.cmpi slt, %add3A_504, %while3A_499 : vector<16xi32>
                  %and3A_539 = arith.andi %eq3A_537, %lt3A_538 : vector<16xi1>
                  %or3A = arith.ori %lt3A_536, %and3A_539 : vector<16xi1>
                  %select_n3A_540 = arith.select %or3A, %select_n3A_535, %while3A_498 : vector<16xi1>, vector<16xf32>
                  %select_n3A_541 = arith.select %or3A, %add3A_504, %while3A_499 : vector<16xi1>, vector<16xi32>
                  scf.yield %select_n3A_540, %select_n3A_541 : vector<16xf32>, vector<16xi32>
                }
                %reduce_min3A_471 = arith.constant true
                %reduce_min3A_472 = vector.broadcast %reduce_min3A_471 : i1 to vector<16xi1>
                %reduce_min3A_473 = tpu.scan <min>, %while3A_470#0 masked %reduce_min3A_472 : vector<16xf32>, vector<16xi1> -> vector<16xf32>
                %reduce_min3A_474 = vector.extract %reduce_min3A_473[15] : f32 from vector<16xf32>
                %eq3A_475 = vector.broadcast %reduce_min3A_474 : f32 to vector<16xf32>
                %eq3A_476 = arith.cmpf oeq, %while3A_470#0, %eq3A_475 : vector<16xf32>
                %jit3A_477 = arith.constant 1073741824 : i32
                %broadcast_in_dim3A_478 = vector.broadcast %jit3A_477 : i32 to vector<16xi32>
                %select_n3A_479 = arith.select %eq3A_476, %while3A_470#1, %broadcast_in_dim3A_478 : vector<16xi1>, vector<16xi32>
                %reduce_min3A_480 = arith.constant true
                %reduce_min3A_481 = vector.broadcast %reduce_min3A_480 : i1 to vector<16xi1>
                %reduce_min3A_482 = arith.constant -2147483648 : i32
                %reduce_min3A_483 = vector.broadcast %reduce_min3A_482 : i32 to vector<16xi32>
                %reduce_min3A_484 = arith.xori %select_n3A_479, %reduce_min3A_483 : vector<16xi32>
                %reduce_min3A_485 = tpu.scan <min>, %reduce_min3A_484 masked %reduce_min3A_481 : vector<16xi32>, vector<16xi1> -> vector<16xi32>
                %reduce_min3A_486 = arith.xori %reduce_min3A_485, %reduce_min3A_483 : vector<16xi32>
                %reduce_min3A_487 = vector.extract %reduce_min3A_486[15] : i32 from vector<16xi32>
                %lt3A_488 = arith.constant 0x7F800000 : f32
                %lt3A_489 = arith.cmpf olt, %reduce_min3A_474, %lt3A_488 : f32
                %jit3A_490 = arith.constant 0 : i32
                %select_n3A_491 = arith.select %lt3A_489, %reduce_min3A_487, %jit3A_490 : i32
                %broadcast_in_dim3A_492 = vector.broadcast %select_n3A_491 : i32 to vector<16xi32>
                %gather3A_493 = tpu.vector_load_idx %arg16[%broadcast_in_dim3A_492] : memref<20480xf32, #tpu.memory_space<vmem>>[vector<16xi32>], vector<16xf32>,
                %reduce_max3A = arith.constant true
                %reduce_max3A_494 = vector.broadcast %reduce_max3A : i1 to vector<16xi1>
                %reduce_max3A_495 = tpu.scan <max>, %gather3A_493 masked %reduce_max3A_494 : vector<16xf32>, vector<16xi1> -> vector<16xf32>
                %reduce_max3A_496 = vector.extract %reduce_max3A_495[15] : f32 from vector<16xf32>
                scf.yield %reduce_min3A_474, %reduce_min3A_487, %reduce_max3A_496 : f32, i32, f32
              } else {
                %reduce_min3A_112 = arith.constant true
                %reduce_min3A_113 = vector.broadcast %reduce_min3A_112 : i1 to vector<16xi1>
                %reduce_min3A_114 = tpu.scan <min>, %select_n3A masked %reduce_min3A_113 : vector<16xf32>, vector<16xi1> -> vector<16xf32>
                %reduce_min3A_115 = vector.extract %reduce_min3A_114[15] : f32 from vector<16xf32>
                %eq3A_116 = vector.broadcast %reduce_min3A_115 : f32 to vector<16xf32>
                %eq3A_117 = arith.cmpf oeq, %select_n3A, %eq3A_116 : vector<16xf32>
                %jit3A_118 = arith.constant 1073741824 : i32
                %broadcast_in_dim3A_119 = vector.broadcast %jit3A_118 : i32 to vector<16xi32>
                %select_n3A_120 = arith.select %eq3A_117, %gather3A_79, %broadcast_in_dim3A_119 : vector<16xi1>, vector<16xi32>
                %reduce_min3A_121 = arith.constant true
                %reduce_min3A_122 = vector.broadcast %reduce_min3A_121 : i1 to vector<16xi1>
                %reduce_min3A_123 = arith.constant -2147483648 : i32
                %reduce_min3A_124 = vector.broadcast %reduce_min3A_123 : i32 to vector<16xi32>
                %reduce_min3A_125 = arith.xori %select_n3A_120, %reduce_min3A_124 : vector<16xi32>
                %reduce_min3A_126 = tpu.scan <min>, %reduce_min3A_125 masked %reduce_min3A_122 : vector<16xi32>, vector<16xi1> -> vector<16xi32>
                %reduce_min3A_127 = arith.xori %reduce_min3A_126, %reduce_min3A_124 : vector<16xi32>
                %reduce_min3A_128 = vector.extract %reduce_min3A_127[15] : i32 from vector<16xi32>
                %eq3A_129 = vector.broadcast %reduce_min3A_128 : i32 to vector<16xi32>
                %eq3A_130 = arith.cmpi eq, %gather3A_79, %eq3A_129 : vector<16xi32>
                %and3A_131 = arith.andi %eq3A_117, %eq3A_130 : vector<16xi1>
                %jit3A_132 = arith.constant 0xFF800000 : f32
                %broadcast_in_dim3A_133 = vector.broadcast %jit3A_132 : f32 to vector<16xf32>
                %select_n3A_134 = arith.select %and3A_131, %gather3A_80, %broadcast_in_dim3A_133 : vector<16xi1>, vector<16xf32>
                %reduce_max3A = arith.constant true
                %reduce_max3A_135 = vector.broadcast %reduce_max3A : i1 to vector<16xi1>
                %reduce_max3A_136 = tpu.scan <max>, %select_n3A_134 masked %reduce_max3A_135 : vector<16xf32>, vector<16xi1> -> vector<16xf32>
                %reduce_max3A_137 = vector.extract %reduce_max3A_136[15] : f32 from vector<16xf32>
                scf.yield %reduce_min3A_115, %reduce_min3A_128, %reduce_max3A_137 : f32, i32, f32
              }
              %lt3A_89 = arith.constant 0x7F800000 : f32
              %lt3A_90 = arith.cmpf olt, %cond3A_88#0, %lt3A_89 : f32
              %jit3A_91 = arith.constant 0 : i32
              %select_n3A_92 = arith.select %lt3A_90, %cond3A_88#1, %jit3A_91 : i32
              %broadcast_in_dim3A_93 = vector.broadcast %select_n3A_92 : i32 to vector<16xi32>
              %eq3A_94 = arith.constant 0 : i32
              %eq3A_95 = vector.broadcast %eq3A_94 : i32 to vector<16xi32>
              %eq3A_96 = arith.cmpi eq, %iota3A, %eq3A_95 : vector<16xi32>
              %broadcast_in_dim3A_97 = vector.broadcast %lt3A_90 : i1 to vector<16xi1>
              %sub3A = arith.constant 2.000000e+00 : f32
              %sub3A_98 = arith.subf %cond3A_88#2, %sub3A : f32
              %broadcast_in_dim3A_99 = vector.broadcast %sub3A_98 : f32 to vector<16xf32>
              %and3A_100 = arith.andi %eq3A_96, %broadcast_in_dim3A_97 : vector<16xi1>
              tpu.vector_store_idx %arg16[%broadcast_in_dim3A_93], %broadcast_in_dim3A_99 masked %and3A_100 : memref<20480xf32, #tpu.memory_space<vmem>>[vector<16xi32>], vector<16xf32>, vector<16xi1>
              %jit3A_101 = arith.constant 0.000000e+00 : f32
              %select_n3A_102 = arith.select %lt3A_90, %cond3A_88#0, %jit3A_101 : f32
              %broadcast_in_dim3A_103 = vector.broadcast %select_n3A_102 : f32 to vector<16xf32>
              %and3A_104 = arith.andi %eq3A_96, %broadcast_in_dim3A_97 : vector<16xi1>
              tpu.vector_store_idx %arg24[%broadcast_in_dim3A_53], %broadcast_in_dim3A_103 masked %and3A_104 : memref<256xf32, #tpu.memory_space<vmem>>[vector<16xi32>], vector<16xf32>, vector<16xi1>
              %jit3A_105 = arith.constant 0.000000e+00 : f32
              %select_n3A_106 = arith.select %lt3A_90, %cond3A_88#2, %jit3A_105 : f32
              %broadcast_in_dim3A_107 = vector.broadcast %select_n3A_106 : f32 to vector<16xf32>
              %and3A_108 = arith.andi %eq3A_96, %broadcast_in_dim3A_97 : vector<16xi1>
              tpu.vector_store_idx %arg25[%broadcast_in_dim3A_53], %broadcast_in_dim3A_107 masked %and3A_108 : memref<256xf32, #tpu.memory_space<vmem>>[vector<16xi32>], vector<16xf32>, vector<16xi1>
              %broadcast_in_dim3A_109 = arith.constant 1.000000e+00 : f32
              %broadcast_in_dim3A_110 = vector.broadcast %broadcast_in_dim3A_109 : f32 to vector<16xf32>
              %and3A_111 = arith.andi %eq3A_96, %broadcast_in_dim3A_97 : vector<16xi1>
              tpu.vector_store_idx %arg26[%broadcast_in_dim3A_53], %broadcast_in_dim3A_110 masked %and3A_111 : memref<256xf32, #tpu.memory_space<vmem>>[vector<16xi32>], vector<16xf32>, vector<16xi1>
            } else {
            }
            %scan3A_60 = arith.constant 0 : i32
            scf.yield %scan3A_60 : i32
          }
          %scan3A_50 = arith.constant 256 : i32
          "tpu.region"() ({
            %run_scoped3A = tpu.sem_alloc : memref<!tpu.dma_semaphore, #tpu.memory_space<semaphore_mem>>
            %dma_start3A = tpu.memref_slice %arg10[%mul3A_33] : memref<20480xf32, #tpu.memory_space<hbm>> -> memref<256xf32, #tpu.memory_space<hbm>>
            %dma_start3A_51 = tpu.memref_slice %arg10[%mul3A_33] : memref<20480xf32, #tpu.memory_space<hbm>> -> memref<256xf32, #tpu.memory_space<hbm>>
            tpu.enqueue_dma source(%arg24 : memref<256xf32, #tpu.memory_space<vmem>>) target(%dma_start3A_51 : memref<256xf32, #tpu.memory_space<hbm>>) target_semaphore(%run_scoped3A : memref<!tpu.dma_semaphore, #tpu.memory_space<semaphore_mem>>)
            %dma_wait3A = tpu.memref_slice %arg10[%mul3A_33] : memref<20480xf32, #tpu.memory_space<hbm>> -> memref<256xf32, #tpu.memory_space<hbm>>
            %dma_wait3A_52 = tpu.memref_slice %arg10[%mul3A_33] : memref<20480xf32, #tpu.memory_space<hbm>> -> memref<256xf32, #tpu.memory_space<hbm>>
            tpu.wait_dma2 semaphore(%run_scoped3A : memref<!tpu.dma_semaphore, #tpu.memory_space<semaphore_mem>>) src(%arg24 : memref<256xf32, #tpu.memory_space<vmem>>) dst(%dma_wait3A_52 : memref<256xf32, #tpu.memory_space<hbm>>)
            tpu.yield
          }) : () -> ()
          "tpu.region"() ({
            %run_scoped3A = tpu.sem_alloc : memref<!tpu.dma_semaphore, #tpu.memory_space<semaphore_mem>>
            %dma_start3A = tpu.memref_slice %arg11[%mul3A_33] : memref<20480xf32, #tpu.memory_space<hbm>> -> memref<256xf32, #tpu.memory_space<hbm>>
            %dma_start3A_51 = tpu.memref_slice %arg11[%mul3A_33] : memref<20480xf32, #tpu.memory_space<hbm>> -> memref<256xf32, #tpu.memory_space<hbm>>
            tpu.enqueue_dma source(%arg25 : memref<256xf32, #tpu.memory_space<vmem>>) target(%dma_start3A_51 : memref<256xf32, #tpu.memory_space<hbm>>) target_semaphore(%run_scoped3A : memref<!tpu.dma_semaphore, #tpu.memory_space<semaphore_mem>>)
            %dma_wait3A = tpu.memref_slice %arg11[%mul3A_33] : memref<20480xf32, #tpu.memory_space<hbm>> -> memref<256xf32, #tpu.memory_space<hbm>>
            %dma_wait3A_52 = tpu.memref_slice %arg11[%mul3A_33] : memref<20480xf32, #tpu.memory_space<hbm>> -> memref<256xf32, #tpu.memory_space<hbm>>
            tpu.wait_dma2 semaphore(%run_scoped3A : memref<!tpu.dma_semaphore, #tpu.memory_space<semaphore_mem>>) src(%arg25 : memref<256xf32, #tpu.memory_space<vmem>>) dst(%dma_wait3A_52 : memref<256xf32, #tpu.memory_space<hbm>>)
            tpu.yield
          }) : () -> ()
          "tpu.region"() ({
            %run_scoped3A = tpu.sem_alloc : memref<!tpu.dma_semaphore, #tpu.memory_space<semaphore_mem>>
            %dma_start3A = tpu.memref_slice %arg12[%mul3A_33] : memref<20480xf32, #tpu.memory_space<hbm>> -> memref<256xf32, #tpu.memory_space<hbm>>
            %dma_start3A_51 = tpu.memref_slice %arg12[%mul3A_33] : memref<20480xf32, #tpu.memory_space<hbm>> -> memref<256xf32, #tpu.memory_space<hbm>>
            tpu.enqueue_dma source(%arg26 : memref<256xf32, #tpu.memory_space<vmem>>) target(%dma_start3A_51 : memref<256xf32, #tpu.memory_space<hbm>>) target_semaphore(%run_scoped3A : memref<!tpu.dma_semaphore, #tpu.memory_space<semaphore_mem>>)
            %dma_wait3A = tpu.memref_slice %arg12[%mul3A_33] : memref<20480xf32, #tpu.memory_space<hbm>> -> memref<256xf32, #tpu.memory_space<hbm>>
            %dma_wait3A_52 = tpu.memref_slice %arg12[%mul3A_33] : memref<20480xf32, #tpu.memory_space<hbm>> -> memref<256xf32, #tpu.memory_space<hbm>>
            tpu.wait_dma2 semaphore(%run_scoped3A : memref<!tpu.dma_semaphore, #tpu.memory_space<semaphore_mem>>) src(%arg26 : memref<256xf32, #tpu.memory_space<vmem>>) dst(%dma_wait3A_52 : memref<256xf32, #tpu.memory_space<hbm>>)
            tpu.yield
          }) : () -> ()
        } else {
        }
        %scan3A_31 = arith.constant 0 : i32
        scf.yield %scan3A_31 : i32
      }
      %scan3A_24 = arith.constant 80 : i32
    } else {
    }
    return
  }
}

module attributes {stable_mosaic.version = 14 : i64} {
  func.func @_loss_body(%arg0: memref<160x128xf32, #tpu.memory_space<vmem>>, %arg1: memref<160x128xf32, #tpu.memory_space<vmem>>, %arg2: memref<160x128xf32, #tpu.memory_space<vmem>>, %arg3: memref<160x128xf32, #tpu.memory_space<vmem>>, %arg4: memref<160x128xf32, #tpu.memory_space<vmem>>, %arg5: memref<160x128xf32, #tpu.memory_space<vmem>>, %arg6: memref<8x128xf32, #tpu.memory_space<vmem>>) attributes {dimension_semantics = [], scalar_prefetch = 0 : i64, scratch_operands = 0 : i64, tpu.core_type = #tpu.core_type<tc>} {
    %get3A = arith.constant 0 : index
    %get3A_0 = arith.constant 0 : index
    %get3A_1 = vector.load %arg4[%get3A, %get3A_0] : memref<160x128xf32, #tpu.memory_space<vmem>>, vector<160x128xf32>
    %gt3A = arith.constant 0.000000e+00 : f32
    %gt3A_2 = vector.broadcast %gt3A : f32 to vector<160x128xf32>
    %gt3A_3 = arith.cmpf ogt, %get3A_1, %gt3A_2 : vector<160x128xf32>
    %get3A_4 = arith.constant 0 : index
    %get3A_5 = arith.constant 0 : index
    %get3A_6 = vector.load %arg0[%get3A_4, %get3A_5] : memref<160x128xf32, #tpu.memory_space<vmem>>, vector<160x128xf32>
    %jit3A = arith.constant 0.000000e+00 : f32
    %broadcast_in_dim3A = vector.broadcast %jit3A : f32 to vector<160x128xf32>
    %select_n3A = arith.select %gt3A_3, %get3A_6, %broadcast_in_dim3A : vector<160x128xi1>, vector<160x128xf32>
    %get3A_7 = arith.constant 0 : index
    %get3A_8 = arith.constant 0 : index
    %get3A_9 = vector.load %arg1[%get3A_7, %get3A_8] : memref<160x128xf32, #tpu.memory_space<vmem>>, vector<160x128xf32>
    %jit3A_10 = arith.constant 0.000000e+00 : f32
    %broadcast_in_dim3A_11 = vector.broadcast %jit3A_10 : f32 to vector<160x128xf32>
    %select_n3A_12 = arith.select %gt3A_3, %get3A_9, %broadcast_in_dim3A_11 : vector<160x128xi1>, vector<160x128xf32>
    %get3A_13 = arith.constant 0 : index
    %get3A_14 = arith.constant 0 : index
    %get3A_15 = vector.load %arg2[%get3A_13, %get3A_14] : memref<160x128xf32, #tpu.memory_space<vmem>>, vector<160x128xf32>
    %jit3A_16 = arith.constant 0.000000e+00 : f32
    %broadcast_in_dim3A_17 = vector.broadcast %jit3A_16 : f32 to vector<160x128xf32>
    %select_n3A_18 = arith.select %gt3A_3, %get3A_15, %broadcast_in_dim3A_17 : vector<160x128xi1>, vector<160x128xf32>
    %get3A_19 = arith.constant 0 : index
    %get3A_20 = arith.constant 0 : index
    %get3A_21 = vector.load %arg3[%get3A_19, %get3A_20] : memref<160x128xf32, #tpu.memory_space<vmem>>, vector<160x128xf32>
    %jit3A_22 = arith.constant 0.000000e+00 : f32
    %broadcast_in_dim3A_23 = vector.broadcast %jit3A_22 : f32 to vector<160x128xf32>
    %select_n3A_24 = arith.select %gt3A_3, %get3A_21, %broadcast_in_dim3A_23 : vector<160x128xi1>, vector<160x128xf32>
    %get3A_25 = arith.constant 0 : index
    %get3A_26 = arith.constant 0 : index
    %get3A_27 = vector.load %arg5[%get3A_25, %get3A_26] : memref<160x128xf32, #tpu.memory_space<vmem>>, vector<160x128xf32>
    %reduce_sum3A = vector.shape_cast %select_n3A_18 : vector<160x128xf32> to vector<1x160x128xf32>
    %reduce_sum3A_28 = arith.constant dense<0.000000e+00> : vector<1xf32>
    %reduce_sum3A_29 = vector.multi_reduction <add>, %reduce_sum3A, %reduce_sum3A_28 [1, 2] : vector<1x160x128xf32> to vector<1xf32>
    %reduce_sum3A_30 = vector.shape_cast %reduce_sum3A_29 : vector<1xf32> to vector<1x1x1xf32>
    %reduce_sum3A_31 = vector.extract %reduce_sum3A_30[0, 0, 0] : f32 from vector<1x1x1xf32>
    %sqrt3A = math.sqrt %select_n3A : vector<160x128xf32>
    %mul3A = arith.mulf %select_n3A_18, %sqrt3A : vector<160x128xf32>
    %reduce_sum3A_32 = vector.shape_cast %mul3A : vector<160x128xf32> to vector<1x160x128xf32>
    %reduce_sum3A_33 = arith.constant dense<0.000000e+00> : vector<1xf32>
    %reduce_sum3A_34 = vector.multi_reduction <add>, %reduce_sum3A_32, %reduce_sum3A_33 [1, 2] : vector<1x160x128xf32> to vector<1xf32>
    %reduce_sum3A_35 = vector.shape_cast %reduce_sum3A_34 : vector<1xf32> to vector<1x1x1xf32>
    %reduce_sum3A_36 = vector.extract %reduce_sum3A_35[0, 0, 0] : f32 from vector<1x1x1xf32>
    %sub3A = arith.subf %select_n3A_24, %select_n3A_12 : vector<160x128xf32>
    %mul3A_37 = arith.mulf %select_n3A_18, %sub3A : vector<160x128xf32>
    %mul3A_38 = arith.mulf %mul3A_37, %sub3A : vector<160x128xf32>
    %reduce_sum3A_39 = vector.shape_cast %mul3A_38 : vector<160x128xf32> to vector<1x160x128xf32>
    %reduce_sum3A_40 = arith.constant dense<0.000000e+00> : vector<1xf32>
    %reduce_sum3A_41 = vector.multi_reduction <add>, %reduce_sum3A_39, %reduce_sum3A_40 [1, 2] : vector<1x160x128xf32> to vector<1xf32>
    %reduce_sum3A_42 = vector.shape_cast %reduce_sum3A_41 : vector<1xf32> to vector<1x1x1xf32>
    %reduce_sum3A_43 = vector.extract %reduce_sum3A_42[0, 0, 0] : f32 from vector<1x1x1xf32>
    %ge3A = arith.constant 5.000000e-01 : f32
    %ge3A_44 = vector.broadcast %ge3A : f32 to vector<160x128xf32>
    %ge3A_45 = arith.cmpf oge, %get3A_27, %ge3A_44 : vector<160x128xf32>
    %jit3A_46 = arith.constant 1.000000e+00 : f32
    %jit3A_47 = arith.constant 0.000000e+00 : f32
    %broadcast_in_dim3A_48 = vector.broadcast %jit3A_46 : f32 to vector<160x128xf32>
    %broadcast_in_dim3A_49 = vector.broadcast %jit3A_47 : f32 to vector<160x128xf32>
    %select_n3A_50 = arith.select %ge3A_45, %broadcast_in_dim3A_48, %broadcast_in_dim3A_49 : vector<160x128xi1>, vector<160x128xf32>
    %reduce_sum3A_51 = vector.shape_cast %select_n3A_50 : vector<160x128xf32> to vector<1x160x128xf32>
    %reduce_sum3A_52 = arith.constant dense<0.000000e+00> : vector<1xf32>
    %reduce_sum3A_53 = vector.multi_reduction <add>, %reduce_sum3A_51, %reduce_sum3A_52 [1, 2] : vector<1x160x128xf32> to vector<1xf32>
    %reduce_sum3A_54 = vector.shape_cast %reduce_sum3A_53 : vector<1xf32> to vector<1x1x1xf32>
    %reduce_sum3A_55 = vector.extract %reduce_sum3A_54[0, 0, 0] : f32 from vector<1x1x1xf32>
    %sub3A_56 = arith.subf %reduce_sum3A_55, %reduce_sum3A_31 : f32
    %gt3A_57 = arith.constant 0.000000e+00 : f32
    %gt3A_58 = arith.cmpf ogt, %reduce_sum3A_31, %gt3A_57 : f32
    %div3A = arith.divf %reduce_sum3A_36, %reduce_sum3A_31 : f32
    %jit3A_59 = arith.constant 0x7FC00000 : f32
    %select_n3A_60 = arith.select %gt3A_58, %div3A, %jit3A_59 : f32
    %gt3A_61 = arith.constant 0.000000e+00 : f32
    %gt3A_62 = arith.cmpf ogt, %reduce_sum3A_31, %gt3A_61 : f32
    %div3A_63 = arith.divf %reduce_sum3A_43, %reduce_sum3A_31 : f32
    %jit3A_64 = arith.constant 0x7FC00000 : f32
    %select_n3A_65 = arith.select %gt3A_62, %div3A_63, %jit3A_64 : f32
    %mul3A_66 = arith.constant 1.000000e+01 : f32
    %mul3A_67 = arith.mulf %mul3A_66, %sub3A_56 : f32
    %add3A = arith.addf %select_n3A_60, %mul3A_67 : f32
    %add3A_68 = arith.addf %add3A, %select_n3A_65 : f32
    %add3A_69 = arith.addf %add3A_68, %sub3A_56 : f32
    %broadcast_in_dim3A_70 = vector.broadcast %add3A_69 : f32 to vector<8x128xf32>
    %swap3A = arith.constant 0 : index
    %swap3A_71 = arith.constant 0 : index
    %swap3A_72 = vector.load %arg6[%swap3A, %swap3A_71] : memref<8x128xf32, #tpu.memory_space<vmem>>, vector<8x128xf32>
    tpu.vector_store %arg6[%swap3A, %swap3A_71], %broadcast_in_dim3A_70 {strides = array<i32>} : memref<8x128xf32, #tpu.memory_space<vmem>>, vector<8x128xf32>,
    return
  }
}

</mosaic_0001>

<sc_bundles>
// kernel: gather_offload_async_start.1
scs
__scs_entry_jumppad:
0x0: {  	(pc) =	sbr.rel $0x88, $3  }
0x1: {  	(tag) =	ssettag $0x0;
	lr =	simm.s32 $0x1  }
0x2: {  	[smem:$0x3F9F] =	sst lr;
	_ =	strace $0xD0000000  }
0x3: {  	_ = 	snop  }
0x4: {  	_ = 	snop  }
0x5: {  	_ = 	snop  }
0x6: {  	_ = 	snop  }
0x7: {  	_ = 	snop  }
__scs_overlays_trampoline_lowered:
0x8: {  	[smem:$0x3FAE] =	sst s0  }
0x9: {  	[smem:$0x3FAF] =	sst s1  }
0xa: {  	[smem:$0x3FB0] =	sst s2  }
0xb: {  	[smem:$0x3FB1] =	sst s3  }
0xc: {  	[smem:$0x3FB2] =	sst s4  }
0xd: {  	[smem:$0x3FB3] =	sst s5  }
0xe: {  	[smem:$0x3FB4] =	sst s6  }
0xf: {  	[smem:$0x3FB5] =	sst s7  }
0x10: {  	[smem:$0x3FB6] =	sst s8  }
0x11: {  	[smem:$0x3FB7] =	sst s9;
	s0 =	simm.s32 @!p0 $0x0  }
0x12: {  	s1 =	sld [smem:$0x3F9D];
	s0 =	simm.s32 @p0 $0x1  }
0x13: {  	[smem:$0x3FB8] =	sst s0;
	s0 =	simm.s32 @!p1 $0x0  }
0x14: {  	s2 =	sld [smem:$0x3F9C];
	s0 =	simm.s32 @p1 $0x1  }
0x15: {  	[smem:$0x3FB9] =	sst s0;
	s0 =	simm.s32 @!p2 $0x0  }
0x16: {  	s3 =	sld [smem:$0x3FDB];
	s0 =	simm.s32 @p2 $0x1  }
0x17: {  	s4 =	simm.s32 $0x1BF5;
	[smem:$0x3FBB] =	sst s0  }
0x18: {  	s0 =	sld [smem:$0x3F9E];
	_ =	swait.ge [sflag:s4], $0x0  }
0x19: {  	s7 =	sld [smem:$0x3F9F]  }
0x1a: {  	s8 =	sadd.s32 $0xFFFFE003, lr  }
0x1b: {  	s9 =	sadd.s32 $0xFFFFFEF7, lr;
	s5 =	simm.s32 $0xFFFFFFFF;
	p2 =	slt.u32 s8, $0xFFFFF086  }
0x1c: {  	p1 =	slt.u32 s9, $0xF7A;
	s5 =	simm.s32 @!p2 $0x0  }
0x1d: {  	s5 =	simm.s32 @p1 $0x1;
	p0 =	seq.s32 s7, s2  }
0x1e: {  	s7 =	smul.u32 @!p0 $0xF7A, s2;
	p2 =	seq.s32 @!p0 s5, $0x0  }
0x1f: {  	s9 =	smul.u32 $0xF7A, s1;
	s8 =	simm.s32 @!p0 $0x1BF5;
	p2 =	por !p2, p0  }
0x20: {  	[sflag:s8] =	ssyncset.s32 @!p0 $0xFFFFF086;
	s6 =	sadd.s32 @!p0 s3, s7;
	s7 =	simm.s32 @!p0 $0x108  }
0x21: {  	s3 =	sadd.s32 s3, s9;
	s6 =	sadd.s32 @!p0 $0x88, s6;
	s7 =	simm.s32 @p2 $0x1082  }
0x22: {  	[simem:s7], [sflag:s8] =	dma.local @!p0 [hbm:s6], $0xF7A  }
0x23: {  	s9 =	sor.u32 $0xD0000000, s2;
	s6 =	simm.s32 $0x108;
	_ =	swait.ge @!p0 [sflag:s8], $0x0  }
0x24: {  	s3 =	sadd.s32 $0x88, s3;
	s6 =	simm.s32 @!p1 $0x1082;
	[sflag:s4] =	ssyncset.s32 $0xFFFFF086  }
0x25: {  	[simem:s6], [sflag:s4] =	dma.local [hbm:s3], $0xF7A  }
0x26: {  	[smem:$0x3F9F] =	sst s1;
	(tag) =	ssettag s2;
	_ =	strace s9  }
0x27: {  	s1 =	sld [smem:$0x3FAF]  }
0x28: {  	s2 =	sld [smem:$0x3FB0]  }
0x29: {  	s4 =	sld [smem:$0x3FB2]  }
0x2a: {  	p0 =	seq.s32 s5, $0x0;
	s5 =	sld [smem:$0x3FB3]  }
0x2b: {  	s6 =	sld [smem:$0x3FB4]  }
0x2c: {  	s7 =	sld [smem:$0x3FB5]  }
0x2d: {  	s3 =	simm.s32 $0x108;
	s8 =	sld [smem:$0x3FB6]  }
0x2e: {  	s3 =	simm.s32 @!p0 $0x1082;
	s9 =	sld [smem:$0x3FB7]  }
0x2f: {  	lr =	sadd.s32 s0, s3;
	s0 =	sld [smem:$0x3FAE]  }
0x30: {  	s3 =	sld [smem:$0x3FB1]  }
0x31: {  	[smem:$0x3FBA] =	sst s10  }
0x32: {  	s10 =	sld [smem:$0x3FB8];
	_ =	sdelay $0x3  }
0x33: {  	p0 =	seq.s32 s10, $0x1;
	s10 =	sld [smem:$0x3FBA];
	_ =	sdelay $0x3  }
0x34: {  	[smem:$0x3FBA] =	sst s10  }
0x35: {  	s10 =	sld [smem:$0x3FB9];
	_ =	sdelay $0x3  }
0x36: {  	p1 =	seq.s32 s10, $0x1;
	s10 =	sld [smem:$0x3FBA];
	_ =	sdelay $0x3  }
0x37: {  	[smem:$0x3FBA] =	sst s10  }
0x38: {  	s10 =	sld [smem:$0x3FBB]  }
0x39: {  	_ = 	snop;
	(pc) =	sbr.ind lr, $3  }
0x3a: {  	_ = 	snop  }
0x3b: {  	_ = 	snop  }
0x3c: {  	p2 =	seq.s32 s10, $0x1;
	s10 =	sld [smem:$0x3FBA]  }
0x3d: {  	_ =	shalt  }
0x3e: {  	_ =	shalt  }
0x3f: {  	_ =	shalt  }
0x40: {  	_ =	shalt  }
0x41: {  	_ =	shalt  }
0x42: {  	_ =	shalt  }
0x43: {  	_ =	shalt  }
0x44: {  	_ =	shalt  }
0x45: {  	_ =	shalt  }
0x46: {  	_ =	shalt  }
0x47: {  	_ =	shalt  }
0x48: {  	_ =	shalt  }
0x49: {  	_ =	shalt  }
0x4a: {  	_ =	shalt  }
0x4b: {  	_ =	shalt  }
0x4c: {  	_ =	shalt  }
0x4d: {  	_ =	shalt  }
0x4e: {  	_ =	shalt  }
0x4f: {  	_ =	shalt  }
0x50: {  	_ =	shalt  }
0x51: {  	_ =	shalt  }
0x52: {  	_ =	shalt  }
0x53: {  	_ =	shalt  }
0x54: {  	_ =	shalt  }
0x55: {  	_ =	shalt  }
0x56: {  	_ =	shalt  }
0x57: {  	_ =	shalt  }
0x58: {  	_ =	shalt  }
0x59: {  	_ =	shalt  }
0x5a: {  	_ =	shalt  }
0x5b: {  	_ =	shalt  }
0x5c: {  	_ =	shalt  }
0x5d: {  	_ =	shalt  }
0x5e: {  	_ =	shalt  }
0x5f: {  	_ =	shalt  }
0x60: {  	_ =	shalt  }
0x61: {  	_ =	shalt  }
0x62: {  	_ =	shalt  }
0x63: {  	_ =	shalt  }
0x64: {  	_ =	shalt  }
0x65: {  	_ =	shalt  }
0x66: {  	_ =	shalt  }
0x67: {  	_ =	shalt  }
0x68: {  	_ =	shalt  }
0x69: {  	_ =	shalt  }
0x6a: {  	_ =	shalt  }
0x6b: {  	_ =	shalt  }
0x6c: {  	_ =	shalt  }
0x6d: {  	_ =	shalt  }
0x6e: {  	_ =	shalt  }
0x6f: {  	_ =	shalt  }
0x70: {  	_ =	shalt  }
0x71: {  	_ =	shalt  }
0x72: {  	_ =	shalt  }
0x73: {  	_ =	shalt  }
0x74: {  	_ =	shalt  }
0x75: {  	_ =	shalt  }
0x76: {  	_ =	shalt  }
0x77: {  	_ =	shalt  }
0x78: {  	_ =	shalt  }
0x79: {  	_ =	shalt  }
0x7a: {  	_ =	shalt  }
0x7b: {  	_ =	shalt  }
0x7c: {  	_ =	shalt  }
0x7d: {  	_ =	shalt  }
0x7e: {  	_ =	shalt  }
0x7f: {  	_ =	shalt  }
0x80: {  	_ =	shalt  }
0x81: {  	_ =	shalt  }
0x82: {  	_ =	shalt  }
0x83: {  	_ =	shalt  }
0x84: {  	_ =	shalt  }
0x85: {  	_ =	shalt  }
0x86: {  	_ =	shalt  }
0x87: {  	_ =	shalt  }
.Lfunc_end0:
.L_simem_size_0:
called_computation.2_lowered:
.L_overlay_start_0:
0x88: {  	s2 =	sld [smem:$0x3FD9]  }
0x89: {  	s3 =	sld [smem:$0x3FFE];
	_ =	sdelay $0x1  }
0x8a: {  	s1 =	srdreg.scid  }
0x8b: {  	s0 =	sand.u32 $0x1, s1  }
0x8c: {  	s17 =	sshll.u32 s0, $0xA;
	s2 =	sadd.s32 s3, s2  }
0x8d: {  	s2 =	sadd.s32 s2, s17  }
0x8e: {  	[smem:$0x3FC6] =	sst s2  }
0x8f: {  	_ = 	snop  }
0x90: {  	(tm) =	ssettm $0x1  }
0x91: {  	s18 =	sld [smem:$0x3FFB];
	_ =	sdelay $0x3  }
0x92: {  	_ =	strace s18  }
0x93: {  	s2 =	sld [smem:$0x3FFC];
	_ =	sdelay $0x3  }
0x94: {  	_ =	strace s2  }
0x95: {  	s2 =	sld [smem:$0x3FFD];
	_ =	sdelay $0x3  }
0x96: {  	_ =	strace s2  }
0x97: {  	_ =	strace $0x8FFFFFFF  }
0x98: {  	s19 =	sld [smem:$0x3FDB];
	_ =	sdelay $0x1  }
0x99: {  	s20 =	simm.s32 $_scs_section_size  }
0x9a: {  	s4 =	simm.s32 $_size__tile_overlayer_lowered;
	s5 =	simm.s32 $_tile_overlayer_lowered  }
0x9b: {  	s6 =	simm.s32 $0x1BFF;
	s21 =	sshll.u32 s5, $0x1;
	s3 =	sadd.s32 s20, s19  }
0x9c: {  	s22 =	simm.s32 $0x0;
	s4 =	sshll.u32 s4, $0x1;
	s5 =	sadd.s32 s21, s3  }
0x9d: {  	[timem:s22], [sflag:s6] =	dma.local [hbm:s5], s4  }
0x9e: {  	_ =	swait.ge [sflag:s6], s4  }
0x9f: {  	s4 =	ssub.s32 $0x0, s4;
	[sflag:s6] =	ssyncset.done $0x0  }
0xa0: {  	[sflag:s6] =	ssyncadd.s32 s4;
	_ =	sdelay $0x1  }
0xa1: {  	s23 =	simm.s32 $0x1B8B  }
0xa2: {  	_ =	swait.ge [sflag:s23], $0x1  }
0xa3: {  	[sflag:s23] =	ssyncset.done $0x0  }
0xa4: {  	[sflag:s23] =	ssyncadd.s32 $0xFFFFFFFF  }
0xa5: {  	s4 =	sld [smem:$0x0]  }
0xa6: {  	s5 =	sand.u32 $0xFFFFFFFE, s1  }
0xa7: {  	p0 =	sne.s32 s1, s5  }
0xa8: {  	s5 =	sshll.u32 @p0 s5, $0xE  }
0xa9: {  	s5 =	sadd.s32 @p0 $0x11B8D, s5;
	s6 =	sshll.u32 @p0 s4, $0x11  }
0xaa: {  	s5 =	sor.u32 @p0 s6, s5  }
0xab: {  	[sflag:s5] =	ssyncadd.remote.s32 @p0 $0x1;
	_ =	sdelay $0x1  }
0xac: {  	s5 =	simm.s32 @p0 $0x1B8D  }
0xad: {  	_ =	swait.eq @p0 [sflag:s5], $0x1  }
0xae: {  	[sflag:s5] =	ssyncadd.s32 @p0 $0xFFFFFFFF  }
0xaf: {  	s6 =	sshll.u32 @!p0 s1, $0xE  }
0xb0: {  	s6 =	sor.u32 @!p0 $0x4000, s6;
	s5 =	simm.s32 @!p0 $0x1B8D  }
0xb1: {  	s4 =	sshll.u32 @!p0 s4, $0x11;
	s6 =	sadd.s32 @!p0 $0x11B8D, s6;
	_ =	swait.eq @!p0 [sflag:s5], $0x1  }
0xb2: {  	s4 =	sor.u32 @!p0 s4, s6;
	[sflag:s5] =	ssyncadd.s32 @!p0 $0xFFFFFFFF  }
0xb3: {  	s25 =	simm.s32 $0x1B8E;
	s24 =	sld [smem:$0x3FFE];
	[sflag:s4] =	ssyncadd.remote.s32 @!p0 $0x1  }
0xb4: {  	s26 =	simm.s32 $execute0_lowered;
	[smem:$0x3FD2] =	sst s25  }
0xb5: {  	s5 =	sshll.u32 s26, $0x1;
	_ =	strace $0x80000058;
	[dreg:$0x1] =	wrdreg $0xFFFFFFFF  }
0xb6: {  	s28 =	simm.s32 $_size_execute0_lowered;
	s3 =	sadd.s32 s3, s5;
	[dreg:$0x0] =	wrdreg $0x0  }
0xb7: {  	s5 =	sshll.u32 s28, $0x1;
	[dreg:$0x2] =	wrdreg s3  }
0xb8: {  	[dreg:$0x3] =	wrdreg s5  }
0xb9: {  	[dreg:$0x4] =	wrdreg $0xC0  }
0xba: {  	_ =	task [dreg:s22], $0x5FFFF  }
0xbb: {  	[dreg:$0x1] =	wrdreg $0xFFFFFFFF  }
0xbc: {  	[dreg:$0x0] =	wrdreg $0x60  }
0xbd: {  	[dreg:$0x2] =	wrdreg s24  }
0xbe: {  	[dreg:$0x3] =	wrdreg $0xB  }
0xbf: {  	_ =	task.clear_ibuf [dreg:s22], $0x4FFFF;
	_ =	strace $0x90000058  }
0xc0: {  	s29 =	simm.s32 $0xB;
	_ =	strace $0x8000005A  }
0xc1: {  	_ =	swait.ge [sflag:s29], $0x1  }
0xc2: {  	[sflag:s29] =	ssyncadd.s32 $0xFFFFFFFF  }
0xc3: {  	_ =	strace $0x9000005A  }
0xc4: {  	_ =	sfence  }
0xc5: {  	s30 =	sld [smem:$0x0];
	_ =	sdelay $0x2  }
0xc6: {  	s31 =	sshll.u32 s1, $0xD;
	s1 =	sshrl.u32 s1, $0x2  }
0xc7: {  	s4 =	sand.u32 $0x4000, s31;
	s1 =	sadd.s32 s1, s30  }
0xc8: {  	s0 =	sor.u32 s4, s0;
	s1 =	sshll.u32 s1, $0x11  }
0xc9: {  	s0 =	sor.u32 s1, s0  }
0xca: {  	s0 =	sadd.s32 $0x8F2B, s0  }
0xcb: {  	[sflag:s0] =	ssyncadd.remote.s32 $0x1  }
0xcc: {  	_ =	sfence.sel $0xFFFF  }
0xcd: {  	[dreg:$0x0] =	wrdreg $0xFFFFFFFF;
	(pc) =	sbr.abs _section_cstart, $3  }
0xce: {  	[dreg:$0x1] =	wrdreg $0xFFFFFFFF  }
0xcf: {  	_ =	task.clear_ibuf [dreg:s22], $0x2FFFF;
	_ =	strace $0x9FFFFFFF  }
0xd0: {  	(tm) =	ssettm $0x7FFFFFFF  }
0xd1: {  	_ =	shalt  }
tec
execute0_lowered:
.L_overlay_start_1:
0x0: {  	(tag) =	ssettag $0x1  }
0x1: {  	s0 =	srdreg.scid;
	s5 =	rddreg [dreg:$0x0]  }
0x2: {  	s1 =	stileid.u32;
	s6 =	simm.s32 $0x1;
	s9 =	simm.s32 $0x1  }
0x3: {  	s10 =	simm.s32 $0x3;
	s13 =	simm.s32 $0x0;
	s2 =	sshll.u32 s0, $0x9  }
0x4: {  	s12 =	simm.s32 $0x0;
	s3 =	sshll.u32 s1, $0xA;
	s2 =	sand.u32 $0x200, s2  }
0x5: {  	s0 =	rddreg [dreg:$0x1];
	_ =	strace $0x80000059;
	s2 =	sor.u32 s3, s2  }
0x6: {  	s4 =	sadd.s32 $0x6C00, s5;
	[sflag:s6] =	ssyncpa.u1 $0x0;
	s8 =	ssub.s32 $0x5000, s2  }
.Ltmp0:
0x7: {  	s3 =	sadd.s32 $0x1C00, s5;
	s7 =	sand.u32 $0x3E00, s8;
	(pc) =	sbr.rel .LBB2_1-.Ltmp0, $4  }
0x8: {  	s5 =	sadd.s32 $0x800, s5;
	s11 =	smov.u32 s2;
	p0 =	sne.s32 s7, $0x0  }
0x9: {  	s8 =	sshrl.u32 s8, $0xE;
	s7 =	simm.s32 $0x2;
	s9 =	simm.s32 @!p0 $0x0  }
0xa: {  	[sflag:s7] =	ssyncpa.u1 $0x0;
	p0 =	por $0x0, $0x0;
	s8 =	sadd.s32 s9, s8  }
0xb: {  	vm0 =	vmmov $0xffff;
	[sflag:s10] =	ssyncpa.u1 $0x0;
	s10 =	simm.s32 $0x0;
	s9 =	sadd.s32 $0x1, s8  }
.LBB2_4:
0xc: {  	v2 =	vnsel vm1, $0x0, v2  }
0xd: {  	vm1 =	vgt.s32 v0, $0x0;
	v2 =	vmin.u32 v2, $0x4FFF  }
0xe: {  	v0 =	vnsel vm1, $0x0, v0  }
0xf: {  	v0 =	vmin.u32 v0, $0x4FFF  }
0x10: {  	[tilespmem:s15], [sflag:$0x1] =	stream.indirect_vreg.gather [hbm4b:s3+s10], $0x1, v1, vm0, $0x4038;
	[tilespmem:$0x800] =	vst v63  }
0x11: {  	(ifvalue) =	ssetifvalue $0x7FFFFFFF  }
0x12: {  	[tilespmem:s16], [sflag:$0x1] =	stream.indirect_vreg.gather [hbm4b:s3+s10], $0x1, v2, vm0, $0x4038;
	[tilespmem:$0x800] =	vst v63  }
0x13: {  	s29 =	sadd.s32 $0x10, s16;
	(ifvalue) =	ssetifvalue $0x7FFFFFFF  }
0x14: {  	[tilespmem:s29], [sflag:$0x1] =	stream.indirect_vreg.gather [hbm4b:s3+s10], $0x1, v0, vm0, $0x4038;
	[tilespmem:$0x800] =	vst v63  }
0x15: {  	_ =	swait.ge [sflag:s6], $0x200  }
0x16: {  	s30 =	sshrl.u32 s13, $0x3;
	[sflag:s6] =	ssyncset.done $0x0  }
0x17: {  	s31 =	sand.u32 $0x7, s13;
	s15 =	sadd.s32 s5, s30;
	[sflag:s6] =	ssyncadd.s32 $0xFFFFFE00  }
0x18: {  	[hbm4b:s15+s31] =	stream.linear.scatter [tilespmem:s14], [sflag:$0x3], $0x200, $0x38;
	[tilespmem:$0x800] =	vst v63  }
.LBB2_5:
0x19: {  	s15 =	sadd.s32 $0x4000, s11  }
0x1a: {  	p2 =	sgt.s32 s15, $0x4FFF  }
0x1b: {  	s15 =	smov.u32 @p2 s2;
	p2 =	sne.s32 s12, s9  }
.Ltmp1:
0x1c: {  	p1 =	slt.u32 s12, $0x2;
	(pc) =	sbr.rel @!p2 .LBB2_6-.Ltmp1, $4  }
0x1d: {  	s14 =	simm.s32 @!p1 $0x3  }
0x1e: {  	s16 =	sadd.s32 $0x1, s12;
	_ =	swait.ge @!p1 [sflag:s14], $0x200  }
0x1f: {  	s13 =	smov.u32 s11;
	p0 =	por !p0, !p0;
	[sflag:s14] =	ssyncset.done @!p1 $0x0  }
0x20: {  	s12 =	smov.u32 s16;
	s11 =	smov.u32 s15;
	[sflag:s14] =	ssyncadd.s32 @!p1 $0xFFFFFE00  }
.LBB2_1:
0x21: {  	p1 =	sge.u32 s12, s8  }
0x22: {  	s14 =	sxor.u32 @!p1 $0xFFFFFFFF, s12  }
0x23: {  	s31 =	sadd.s32 $0xFFFFFFFF, s12;
	s15 =	sshrl.u32 @!p1 s11, $0x3;
	s14 =	sshll.u32 @!p1 s14, $0x9  }
0x24: {  	s16 =	sand.u32 @!p1 $0x7, s11;
	s15 =	sadd.s32 @!p1 s4, s15;
	s14 =	sand.u32 @!p1 $0x200, s14  }
0x25: {  	[tilespmem:s14], [sflag:$0x2] =	stream.linear.gather @!p1 [hbm4b:s15+s16], $0x200, $0x38;
	[tilespmem:$0x800] =	vst v63  }
0x26: {  	p1 =	sge.u32 s31, s8  }
.Ltmp2:
0x27: {  	_ = 	snop;
	(pc) =	sbr.rel @p1 .LBB2_5-.Ltmp2, $1  }
0x28: {  	_ =	sdelay $0x3  }
0x29: {  	s14 =	simm.s32 $0x1  }
0x2a: {  	_ =	swait.ge [sflag:s7], $0x200;
	s14 =	simm.s32 @!p0 $0x0  }
0x2b: {  	[sflag:s7] =	ssyncset.done $0x0;
	s14 =	sshll.u32 s14, $0x9  }
0x2c: {  	[sflag:s7] =	ssyncadd.s32 $0xFFFFFE00;
	(ifvalue) =	ssetifvalue $0x7FFFFFFF;
	v0 =	vld.msk [tilespmem:s14+$0x0 ss:$0x1], $0xffff;
	_ =	sdelay $0x4  }
0x2d: {  	s15 =	sadd.s32 $0x10, s14;
	vm1 =	vgt.s32 v0, $0x0  }
0x2e: {  	v2 =	vld.msk [tilespmem:s15+$0x0 ss:$0x1], $0xffff;
	v1 =	vnsel vm1, $0x0, v0  }
0x2f: {  	v1 =	vmin.u32 v1, $0x4FFF;
	_ =	sdelay $0x1  }
0x30: {  	s16 =	sshll.u32 s12, $0x9;
	s18 =	simm.s32 $0x20  }
0x31: {  	s16 =	sand.u32 $0x200, s16;
	s17 =	sadd.s32 $0x10, s15;
	s15 =	sor.u32 $0x400, s14  }
0x32: {  	s14 =	sor.u32 $0x400, s16;
	s16 =	sadd.s32 $0x10, s15;
	v0 =	vld.msk [tilespmem:s17+$0x0 ss:$0x1], $0xffff;
	vm1 =	vgt.s32 v2, $0x0;
	(ifvalue) =	ssetifvalue $0x7FFFFFFF  }
.LBB2_3:
0x33: {  	[tilespmem:s15], [sflag:$0x1] =	stream.indirect_vreg.gather [hbm4b:s3+s10], $0x1, v1, vm0, $0x4038;
	[tilespmem:$0x800] =	vst v63  }
0x34: {  	s18 =	sadd.s32 $0x10, s18  }
0x35: {  	v2 =	vnsel vm1, $0x0, v2;
	p1 =	slt.u32 s18, $0x1F0  }
.Ltmp3:
0x36: {  	s15 =	smov.u32 s16;
	v1 =	vmin.u32 v2, $0x4FFF;
	(pc) =	sbr.rel @p1 .LBB2_3-.Ltmp3, $3  }
0x37: {  	_ =	sdelay $0x1  }
0x38: {  	s17 =	sadd.s32 $0x10, s17  }
0x39: {  	vm1 =	vgt.s32 v0, $0x0;
	s16 =	sadd.s32 $0x10, s16;
	v2 =	vmov v0;
	(ifvalue) =	ssetifvalue $0x7FFFFFFF;
	v0 =	vld.msk [tilespmem:s17+$0x0 ss:$0x1], $0xffff  }
.Ltmp4:
0x3a: {  	_ = 	snop;
	(pc) =	sbr.rel .LBB2_4-.Ltmp4, $1  }
0x3b: {  	_ =	sdelay $0x3  }
.LBB2_6:
0x3c: {  	_ =	sfence.sel $0x180000  }
0x3d: {  	s2 =	simm.s32 $0x2;
	[bflag:$0x0] =	sbarrier.arrive $0xFFFF  }
0x3e: {  	s30 =	simm.s32 $0x3;
	[sflag:s2] =	ssyncpa.u1 $0x1  }
0x3f: {  	s31 =	simm.s32 $0x1;
	[sflag:s30] =	ssyncpa.u1 $0x1  }
0x40: {  	[sflag:s31] =	ssyncpa.u1 $0x1  }
0x41: {  	p0 =	sne.s32 s1, $0x0;
	_ =	strace $0x90000059  }
0x42: {  	s0 =	sadd.s32 @!p0 $0x100000, s0;
	[bflag:$0x2] =	sbarrier.arrive $0xFFFF  }
0x43: {  	[sflag:s0] =	ssyncadd.tile.s32 @!p0 $0x1;
	_ =	shalt  }
.Lfunc_end2:
_tile_overlayer_lowered:
.L_overlay_start_2:
0x44: {  	(tag) =	ssettag $0x2  }
0x45: {  	s0 =	rddreg [dreg:$0x0];
	s2 =	stileid.u32  }
0x46: {  	s1 =	rddreg [dreg:$0x1];
	p0 =	sne.s32 s2, $0x0  }
0x47: {  	s3 =	rddreg [dreg:$0x2];
	[bflag:$0x3] =	sbarrier.arrive $0xFFFF;
	s2 =	simm.s32 @!p0 $0x1C01  }
0x48: {  	[timem:s3], [sflag:s2] =	dma.local @!p0 [hbm:s0], s1  }
0x49: {  	s0 =	simm.s32 @!p0 $0x1  }
0x4a: {  	_ =	swait.ge @!p0 [sflag:s0], s1  }
0x4b: {  	s1 =	ssub.s32 @!p0 $0x0, s1;
	[sflag:s0] =	ssyncset.done @!p0 $0x0  }
0x4c: {  	[sflag:s0] =	ssyncadd.s32 @!p0 s1  }
0x4d: {  	[bflag:$0x3] =	sbarrier.arrive $0xFFFF  }
0x4e: {  	_ =	shalt  }

// kernel: gather_offload_async_start.2
scs
__scs_entry_jumppad:
0x0: {  	(pc) =	sbr.rel $0x88, $3  }
0x1: {  	(tag) =	ssettag $0x0;
	lr =	simm.s32 $0x1  }
0x2: {  	[smem:$0x3F9F] =	sst lr;
	_ =	strace $0xD0000000  }
0x3: {  	_ = 	snop  }
0x4: {  	_ = 	snop  }
0x5: {  	_ = 	snop  }
0x6: {  	_ = 	snop  }
0x7: {  	_ = 	snop  }
__scs_overlays_trampoline_lowered:
0x8: {  	[smem:$0x3FAE] =	sst s0  }
0x9: {  	[smem:$0x3FAF] =	sst s1  }
0xa: {  	[smem:$0x3FB0] =	sst s2  }
0xb: {  	[smem:$0x3FB1] =	sst s3  }
0xc: {  	[smem:$0x3FB2] =	sst s4  }
0xd: {  	[smem:$0x3FB3] =	sst s5  }
0xe: {  	[smem:$0x3FB4] =	sst s6  }
0xf: {  	[smem:$0x3FB5] =	sst s7  }
0x10: {  	[smem:$0x3FB6] =	sst s8  }
0x11: {  	[smem:$0x3FB7] =	sst s9;
	s0 =	simm.s32 @!p0 $0x0  }
0x12: {  	s1 =	sld [smem:$0x3F9D];
	s0 =	simm.s32 @p0 $0x1  }
0x13: {  	[smem:$0x3FB8] =	sst s0;
	s0 =	simm.s32 @!p1 $0x0  }
0x14: {  	s2 =	sld [smem:$0x3F9C];
	s0 =	simm.s32 @p1 $0x1  }
0x15: {  	[smem:$0x3FB9] =	sst s0;
	s0 =	simm.s32 @!p2 $0x0  }
0x16: {  	s3 =	sld [smem:$0x3FDB];
	s0 =	simm.s32 @p2 $0x1  }
0x17: {  	s4 =	simm.s32 $0x1BF5;
	[smem:$0x3FBB] =	sst s0  }
0x18: {  	s0 =	sld [smem:$0x3F9E];
	_ =	swait.ge [sflag:s4], $0x0  }
0x19: {  	s7 =	sld [smem:$0x3F9F]  }
0x1a: {  	s8 =	sadd.s32 $0xFFFFE003, lr  }
0x1b: {  	s9 =	sadd.s32 $0xFFFFFEF7, lr;
	s5 =	simm.s32 $0xFFFFFFFF;
	p2 =	slt.u32 s8, $0xFFFFF086  }
0x1c: {  	p1 =	slt.u32 s9, $0xF7A;
	s5 =	simm.s32 @!p2 $0x0  }
0x1d: {  	s5 =	simm.s32 @p1 $0x1;
	p0 =	seq.s32 s7, s2  }
0x1e: {  	s7 =	smul.u32 @!p0 $0xF7A, s2;
	p2 =	seq.s32 @!p0 s5, $0x0  }
0x1f: {  	s9 =	smul.u32 $0xF7A, s1;
	s8 =	simm.s32 @!p0 $0x1BF5;
	p2 =	por !p2, p0  }
0x20: {  	[sflag:s8] =	ssyncset.s32 @!p0 $0xFFFFF086;
	s6 =	sadd.s32 @!p0 s3, s7;
	s7 =	simm.s32 @!p0 $0x108  }
0x21: {  	s3 =	sadd.s32 s3, s9;
	s6 =	sadd.s32 @!p0 $0x88, s6;
	s7 =	simm.s32 @p2 $0x1082  }
0x22: {  	[simem:s7], [sflag:s8] =	dma.local @!p0 [hbm:s6], $0xF7A  }
0x23: {  	s9 =	sor.u32 $0xD0000000, s2;
	s6 =	simm.s32 $0x108;
	_ =	swait.ge @!p0 [sflag:s8], $0x0  }
0x24: {  	s3 =	sadd.s32 $0x88, s3;
	s6 =	simm.s32 @!p1 $0x1082;
	[sflag:s4] =	ssyncset.s32 $0xFFFFF086  }
0x25: {  	[simem:s6], [sflag:s4] =	dma.local [hbm:s3], $0xF7A  }
0x26: {  	[smem:$0x3F9F] =	sst s1;
	(tag) =	ssettag s2;
	_ =	strace s9  }
0x27: {  	s1 =	sld [smem:$0x3FAF]  }
0x28: {  	s2 =	sld [smem:$0x3FB0]  }
0x29: {  	s4 =	sld [smem:$0x3FB2]  }
0x2a: {  	p0 =	seq.s32 s5, $0x0;
	s5 =	sld [smem:$0x3FB3]  }
0x2b: {  	s6 =	sld [smem:$0x3FB4]  }
0x2c: {  	s7 =	sld [smem:$0x3FB5]  }
0x2d: {  	s3 =	simm.s32 $0x108;
	s8 =	sld [smem:$0x3FB6]  }
0x2e: {  	s3 =	simm.s32 @!p0 $0x1082;
	s9 =	sld [smem:$0x3FB7]  }
0x2f: {  	lr =	sadd.s32 s0, s3;
	s0 =	sld [smem:$0x3FAE]  }
0x30: {  	s3 =	sld [smem:$0x3FB1]  }
0x31: {  	[smem:$0x3FBA] =	sst s10  }
0x32: {  	s10 =	sld [smem:$0x3FB8];
	_ =	sdelay $0x3  }
0x33: {  	p0 =	seq.s32 s10, $0x1;
	s10 =	sld [smem:$0x3FBA];
	_ =	sdelay $0x3  }
0x34: {  	[smem:$0x3FBA] =	sst s10  }
0x35: {  	s10 =	sld [smem:$0x3FB9];
	_ =	sdelay $0x3  }
0x36: {  	p1 =	seq.s32 s10, $0x1;
	s10 =	sld [smem:$0x3FBA];
	_ =	sdelay $0x3  }
0x37: {  	[smem:$0x3FBA] =	sst s10  }
0x38: {  	s10 =	sld [smem:$0x3FBB]  }
0x39: {  	_ = 	snop;
	(pc) =	sbr.ind lr, $3  }
0x3a: {  	_ = 	snop  }
0x3b: {  	_ = 	snop  }
0x3c: {  	p2 =	seq.s32 s10, $0x1;
	s10 =	sld [smem:$0x3FBA]  }
0x3d: {  	_ =	shalt  }
0x3e: {  	_ =	shalt  }
0x3f: {  	_ =	shalt  }
0x40: {  	_ =	shalt  }
0x41: {  	_ =	shalt  }
0x42: {  	_ =	shalt  }
0x43: {  	_ =	shalt  }
0x44: {  	_ =	shalt  }
0x45: {  	_ =	shalt  }
0x46: {  	_ =	shalt  }
0x47: {  	_ =	shalt  }
0x48: {  	_ =	shalt  }
0x49: {  	_ =	shalt  }
0x4a: {  	_ =	shalt  }
0x4b: {  	_ =	shalt  }
0x4c: {  	_ =	shalt  }
0x4d: {  	_ =	shalt  }
0x4e: {  	_ =	shalt  }
0x4f: {  	_ =	shalt  }
0x50: {  	_ =	shalt  }
0x51: {  	_ =	shalt  }
0x52: {  	_ =	shalt  }
0x53: {  	_ =	shalt  }
0x54: {  	_ =	shalt  }
0x55: {  	_ =	shalt  }
0x56: {  	_ =	shalt  }
0x57: {  	_ =	shalt  }
0x58: {  	_ =	shalt  }
0x59: {  	_ =	shalt  }
0x5a: {  	_ =	shalt  }
0x5b: {  	_ =	shalt  }
0x5c: {  	_ =	shalt  }
0x5d: {  	_ =	shalt  }
0x5e: {  	_ =	shalt  }
0x5f: {  	_ =	shalt  }
0x60: {  	_ =	shalt  }
0x61: {  	_ =	shalt  }
0x62: {  	_ =	shalt  }
0x63: {  	_ =	shalt  }
0x64: {  	_ =	shalt  }
0x65: {  	_ =	shalt  }
0x66: {  	_ =	shalt  }
0x67: {  	_ =	shalt  }
0x68: {  	_ =	shalt  }
0x69: {  	_ =	shalt  }
0x6a: {  	_ =	shalt  }
0x6b: {  	_ =	shalt  }
0x6c: {  	_ =	shalt  }
0x6d: {  	_ =	shalt  }
0x6e: {  	_ =	shalt  }
0x6f: {  	_ =	shalt  }
0x70: {  	_ =	shalt  }
0x71: {  	_ =	shalt  }
0x72: {  	_ =	shalt  }
0x73: {  	_ =	shalt  }
0x74: {  	_ =	shalt  }
0x75: {  	_ =	shalt  }
0x76: {  	_ =	shalt  }
0x77: {  	_ =	shalt  }
0x78: {  	_ =	shalt  }
0x79: {  	_ =	shalt  }
0x7a: {  	_ =	shalt  }
0x7b: {  	_ =	shalt  }
0x7c: {  	_ =	shalt  }
0x7d: {  	_ =	shalt  }
0x7e: {  	_ =	shalt  }
0x7f: {  	_ =	shalt  }
0x80: {  	_ =	shalt  }
0x81: {  	_ =	shalt  }
0x82: {  	_ =	shalt  }
0x83: {  	_ =	shalt  }
0x84: {  	_ =	shalt  }
0x85: {  	_ =	shalt  }
0x86: {  	_ =	shalt  }
0x87: {  	_ =	shalt  }
.Lfunc_end0:
.L_simem_size_0:
called_computation.3_lowered:
.L_overlay_start_0:
0x88: {  	s2 =	sld [smem:$0x3FD9]  }
0x89: {  	s3 =	sld [smem:$0x3FFE];
	_ =	sdelay $0x1  }
0x8a: {  	s1 =	srdreg.scid  }
0x8b: {  	s0 =	sand.u32 $0x1, s1  }
0x8c: {  	s17 =	sshll.u32 s0, $0xA;
	s2 =	sadd.s32 s3, s2  }
0x8d: {  	s2 =	sadd.s32 s2, s17  }
0x8e: {  	[smem:$0x3FC6] =	sst s2  }
0x8f: {  	_ = 	snop  }
0x90: {  	(tm) =	ssettm $0x1  }
0x91: {  	s18 =	sld [smem:$0x3FFB];
	_ =	sdelay $0x3  }
0x92: {  	_ =	strace s18  }
0x93: {  	s2 =	sld [smem:$0x3FFC];
	_ =	sdelay $0x3  }
0x94: {  	_ =	strace s2  }
0x95: {  	s2 =	sld [smem:$0x3FFD];
	_ =	sdelay $0x3  }
0x96: {  	_ =	strace s2  }
0x97: {  	_ =	strace $0x8FFFFFFF  }
0x98: {  	s19 =	sld [smem:$0x3FDB];
	_ =	sdelay $0x1  }
0x99: {  	s20 =	simm.s32 $_scs_section_size  }
0x9a: {  	s4 =	simm.s32 $_size__tile_overlayer_lowered;
	s5 =	simm.s32 $_tile_overlayer_lowered  }
0x9b: {  	s6 =	simm.s32 $0x1BFF;
	s21 =	sshll.u32 s5, $0x1;
	s3 =	sadd.s32 s20, s19  }
0x9c: {  	s22 =	simm.s32 $0x0;
	s4 =	sshll.u32 s4, $0x1;
	s5 =	sadd.s32 s21, s3  }
0x9d: {  	[timem:s22], [sflag:s6] =	dma.local [hbm:s5], s4  }
0x9e: {  	_ =	swait.ge [sflag:s6], s4  }
0x9f: {  	s4 =	ssub.s32 $0x0, s4;
	[sflag:s6] =	ssyncset.done $0x0  }
0xa0: {  	[sflag:s6] =	ssyncadd.s32 s4;
	_ =	sdelay $0x1  }
0xa1: {  	s23 =	simm.s32 $0x1B8B  }
0xa2: {  	_ =	swait.ge [sflag:s23], $0x1  }
0xa3: {  	[sflag:s23] =	ssyncset.done $0x0  }
0xa4: {  	[sflag:s23] =	ssyncadd.s32 $0xFFFFFFFF  }
0xa5: {  	s4 =	sld [smem:$0x0]  }
0xa6: {  	s5 =	sand.u32 $0xFFFFFFFE, s1  }
0xa7: {  	p0 =	sne.s32 s1, s5  }
0xa8: {  	s5 =	sshll.u32 @p0 s5, $0xE  }
0xa9: {  	s5 =	sadd.s32 @p0 $0x11B8D, s5;
	s6 =	sshll.u32 @p0 s4, $0x11  }
0xaa: {  	s5 =	sor.u32 @p0 s6, s5  }
0xab: {  	[sflag:s5] =	ssyncadd.remote.s32 @p0 $0x1;
	_ =	sdelay $0x1  }
0xac: {  	s5 =	simm.s32 @p0 $0x1B8D  }
0xad: {  	_ =	swait.eq @p0 [sflag:s5], $0x1  }
0xae: {  	[sflag:s5] =	ssyncadd.s32 @p0 $0xFFFFFFFF  }
0xaf: {  	s6 =	sshll.u32 @!p0 s1, $0xE  }
0xb0: {  	s6 =	sor.u32 @!p0 $0x4000, s6;
	s5 =	simm.s32 @!p0 $0x1B8D  }
0xb1: {  	s4 =	sshll.u32 @!p0 s4, $0x11;
	s6 =	sadd.s32 @!p0 $0x11B8D, s6;
	_ =	swait.eq @!p0 [sflag:s5], $0x1  }
0xb2: {  	s4 =	sor.u32 @!p0 s4, s6;
	[sflag:s5] =	ssyncadd.s32 @!p0 $0xFFFFFFFF  }
0xb3: {  	s25 =	simm.s32 $0x1B8E;
	s24 =	sld [smem:$0x3FFE];
	[sflag:s4] =	ssyncadd.remote.s32 @!p0 $0x1  }
0xb4: {  	s26 =	simm.s32 $execute0_lowered;
	[smem:$0x3FD2] =	sst s25  }
0xb5: {  	s5 =	sshll.u32 s26, $0x1;
	_ =	strace $0x80000055;
	[dreg:$0x1] =	wrdreg $0xFFFFFFFF  }
0xb6: {  	s28 =	simm.s32 $_size_execute0_lowered;
	s3 =	sadd.s32 s3, s5;
	[dreg:$0x0] =	wrdreg $0x0  }
0xb7: {  	s5 =	sshll.u32 s28, $0x1;
	[dreg:$0x2] =	wrdreg s3  }
0xb8: {  	[dreg:$0x3] =	wrdreg s5  }
0xb9: {  	[dreg:$0x4] =	wrdreg $0xC0  }
0xba: {  	_ =	task [dreg:s22], $0x5FFFF  }
0xbb: {  	[dreg:$0x1] =	wrdreg $0xFFFFFFFF  }
0xbc: {  	[dreg:$0x0] =	wrdreg $0x60  }
0xbd: {  	[dreg:$0x2] =	wrdreg s24  }
0xbe: {  	[dreg:$0x3] =	wrdreg $0xC  }
0xbf: {  	_ =	task.clear_ibuf [dreg:s22], $0x4FFFF;
	_ =	strace $0x90000055  }
0xc0: {  	s29 =	simm.s32 $0xC;
	_ =	strace $0x80000057  }
0xc1: {  	_ =	swait.ge [sflag:s29], $0x1  }
0xc2: {  	[sflag:s29] =	ssyncadd.s32 $0xFFFFFFFF  }
0xc3: {  	_ =	strace $0x90000057  }
0xc4: {  	_ =	sfence  }
0xc5: {  	s30 =	sld [smem:$0x0];
	_ =	sdelay $0x2  }
0xc6: {  	s31 =	sshll.u32 s1, $0xD;
	s1 =	sshrl.u32 s1, $0x2  }
0xc7: {  	s4 =	sand.u32 $0x4000, s31;
	s1 =	sadd.s32 s1, s30  }
0xc8: {  	s0 =	sor.u32 s4, s0;
	s1 =	sshll.u32 s1, $0x11  }
0xc9: {  	s0 =	sor.u32 s1, s0  }
0xca: {  	s0 =	sadd.s32 $0x8F2B, s0  }
0xcb: {  	[sflag:s0] =	ssyncadd.remote.s32 $0x1  }
0xcc: {  	_ =	sfence.sel $0xFFFF  }
0xcd: {  	[dreg:$0x0] =	wrdreg $0xFFFFFFFF;
	(pc) =	sbr.abs _section_cstart, $3  }
0xce: {  	[dreg:$0x1] =	wrdreg $0xFFFFFFFF  }
0xcf: {  	_ =	task.clear_ibuf [dreg:s22], $0x2FFFF;
	_ =	strace $0x9FFFFFFF  }
0xd0: {  	(tm) =	ssettm $0x7FFFFFFF  }
0xd1: {  	_ =	shalt  }
tec
execute0_lowered:
.L_overlay_start_1:
0x0: {  	(tag) =	ssettag $0x1  }
0x1: {  	s0 =	srdreg.scid;
	s5 =	rddreg [dreg:$0x0]  }
0x2: {  	s1 =	stileid.u32;
	s6 =	simm.s32 $0x1;
	s9 =	simm.s32 $0x1  }
0x3: {  	s10 =	simm.s32 $0x3;
	s13 =	simm.s32 $0x0;
	s2 =	sshll.u32 s0, $0x9  }
0x4: {  	s12 =	simm.s32 $0x0;
	s3 =	sshll.u32 s1, $0xA;
	s2 =	sand.u32 $0x200, s2  }
0x5: {  	s0 =	rddreg [dreg:$0x1];
	_ =	strace $0x80000056;
	s2 =	sor.u32 s3, s2  }
0x6: {  	s4 =	sadd.s32 $0x6C00, s5;
	[sflag:s6] =	ssyncpa.u1 $0x0;
	s8 =	ssub.s32 $0x5000, s2  }
.Ltmp0:
0x7: {  	s3 =	sadd.s32 $0x2600, s5;
	s7 =	sand.u32 $0x3E00, s8;
	(pc) =	sbr.rel .LBB2_1-.Ltmp0, $4  }
0x8: {  	s5 =	sadd.s32 $0x9E00, s5;
	s11 =	smov.u32 s2;
	p0 =	sne.s32 s7, $0x0  }
0x9: {  	s8 =	sshrl.u32 s8, $0xE;
	s7 =	simm.s32 $0x2;
	s9 =	simm.s32 @!p0 $0x0  }
0xa: {  	[sflag:s7] =	ssyncpa.u1 $0x0;
	p0 =	por $0x0, $0x0;
	s8 =	sadd.s32 s9, s8  }
0xb: {  	vm0 =	vmmov $0xffff;
	[sflag:s10] =	ssyncpa.u1 $0x0;
	s10 =	simm.s32 $0x0;
	s9 =	sadd.s32 $0x1, s8  }
.LBB2_4:
0xc: {  	v2 =	vnsel vm1, $0x0, v2  }
0xd: {  	vm1 =	vgt.s32 v0, $0x0;
	v2 =	vmin.u32 v2, $0x4FFF  }
0xe: {  	v0 =	vnsel vm1, $0x0, v0  }
0xf: {  	v0 =	vmin.u32 v0, $0x4FFF  }
0x10: {  	[tilespmem:s15], [sflag:$0x1] =	stream.indirect_vreg.gather [hbm4b:s3+s10], $0x1, v1, vm0, $0x4038;
	[tilespmem:$0x800] =	vst v63  }
0x11: {  	(ifvalue) =	ssetifvalue $0x7FFFFFFF  }
0x12: {  	[tilespmem:s16], [sflag:$0x1] =	stream.indirect_vreg.gather [hbm4b:s3+s10], $0x1, v2, vm0, $0x4038;
	[tilespmem:$0x800] =	vst v63  }
0x13: {  	s29 =	sadd.s32 $0x10, s16;
	(ifvalue) =	ssetifvalue $0x7FFFFFFF  }
0x14: {  	[tilespmem:s29], [sflag:$0x1] =	stream.indirect_vreg.gather [hbm4b:s3+s10], $0x1, v0, vm0, $0x4038;
	[tilespmem:$0x800] =	vst v63  }
0x15: {  	_ =	swait.ge [sflag:s6], $0x200  }
0x16: {  	s30 =	sshrl.u32 s13, $0x3;
	[sflag:s6] =	ssyncset.done $0x0  }
0x17: {  	s31 =	sand.u32 $0x7, s13;
	s15 =	sadd.s32 s5, s30;
	[sflag:s6] =	ssyncadd.s32 $0xFFFFFE00  }
0x18: {  	[hbm4b:s15+s31] =	stream.linear.scatter [tilespmem:s14], [sflag:$0x3], $0x200, $0x38;
	[tilespmem:$0x800] =	vst v63  }
.LBB2_5:
0x19: {  	s15 =	sadd.s32 $0x4000, s11  }
0x1a: {  	p2 =	sgt.s32 s15, $0x4FFF  }
0x1b: {  	s15 =	smov.u32 @p2 s2;
	p2 =	sne.s32 s12, s9  }
.Ltmp1:
0x1c: {  	p1 =	slt.u32 s12, $0x2;
	(pc) =	sbr.rel @!p2 .LBB2_6-.Ltmp1, $4  }
0x1d: {  	s14 =	simm.s32 @!p1 $0x3  }
0x1e: {  	s16 =	sadd.s32 $0x1, s12;
	_ =	swait.ge @!p1 [sflag:s14], $0x200  }
0x1f: {  	s13 =	smov.u32 s11;
	p0 =	por !p0, !p0;
	[sflag:s14] =	ssyncset.done @!p1 $0x0  }
0x20: {  	s12 =	smov.u32 s16;
	s11 =	smov.u32 s15;
	[sflag:s14] =	ssyncadd.s32 @!p1 $0xFFFFFE00  }
.LBB2_1:
0x21: {  	p1 =	sge.u32 s12, s8  }
0x22: {  	s14 =	sxor.u32 @!p1 $0xFFFFFFFF, s12  }
0x23: {  	s31 =	sadd.s32 $0xFFFFFFFF, s12;
	s15 =	sshrl.u32 @!p1 s11, $0x3;
	s14 =	sshll.u32 @!p1 s14, $0x9  }
0x24: {  	s16 =	sand.u32 @!p1 $0x7, s11;
	s15 =	sadd.s32 @!p1 s4, s15;
	s14 =	sand.u32 @!p1 $0x200, s14  }
0x25: {  	[tilespmem:s14], [sflag:$0x2] =	stream.linear.gather @!p1 [hbm4b:s15+s16], $0x200, $0x38;
	[tilespmem:$0x800] =	vst v63  }
0x26: {  	p1 =	sge.u32 s31, s8  }
.Ltmp2:
0x27: {  	_ = 	snop;
	(pc) =	sbr.rel @p1 .LBB2_5-.Ltmp2, $1  }
0x28: {  	_ =	sdelay $0x3  }
0x29: {  	s14 =	simm.s32 $0x1  }
0x2a: {  	_ =	swait.ge [sflag:s7], $0x200;
	s14 =	simm.s32 @!p0 $0x0  }
0x2b: {  	[sflag:s7] =	ssyncset.done $0x0;
	s14 =	sshll.u32 s14, $0x9  }
0x2c: {  	[sflag:s7] =	ssyncadd.s32 $0xFFFFFE00;
	(ifvalue) =	ssetifvalue $0x7FFFFFFF;
	v0 =	vld.msk [tilespmem:s14+$0x0 ss:$0x1], $0xffff;
	_ =	sdelay $0x4  }
0x2d: {  	s15 =	sadd.s32 $0x10, s14;
	vm1 =	vgt.s32 v0, $0x0  }
0x2e: {  	v2 =	vld.msk [tilespmem:s15+$0x0 ss:$0x1], $0xffff;
	v1 =	vnsel vm1, $0x0, v0  }
0x2f: {  	v1 =	vmin.u32 v1, $0x4FFF;
	_ =	sdelay $0x1  }
0x30: {  	s16 =	sshll.u32 s12, $0x9;
	s18 =	simm.s32 $0x20  }
0x31: {  	s16 =	sand.u32 $0x200, s16;
	s17 =	sadd.s32 $0x10, s15;
	s15 =	sor.u32 $0x400, s14  }
0x32: {  	s14 =	sor.u32 $0x400, s16;
	s16 =	sadd.s32 $0x10, s15;
	v0 =	vld.msk [tilespmem:s17+$0x0 ss:$0x1], $0xffff;
	vm1 =	vgt.s32 v2, $0x0;
	(ifvalue) =	ssetifvalue $0x7FFFFFFF  }
.LBB2_3:
0x33: {  	[tilespmem:s15], [sflag:$0x1] =	stream.indirect_vreg.gather [hbm4b:s3+s10], $0x1, v1, vm0, $0x4038;
	[tilespmem:$0x800] =	vst v63  }
0x34: {  	s18 =	sadd.s32 $0x10, s18  }
0x35: {  	v2 =	vnsel vm1, $0x0, v2;
	p1 =	slt.u32 s18, $0x1F0  }
.Ltmp3:
0x36: {  	s15 =	smov.u32 s16;
	v1 =	vmin.u32 v2, $0x4FFF;
	(pc) =	sbr.rel @p1 .LBB2_3-.Ltmp3, $3  }
0x37: {  	_ =	sdelay $0x1  }
0x38: {  	s17 =	sadd.s32 $0x10, s17  }
0x39: {  	vm1 =	vgt.s32 v0, $0x0;
	s16 =	sadd.s32 $0x10, s16;
	v2 =	vmov v0;
	(ifvalue) =	ssetifvalue $0x7FFFFFFF;
	v0 =	vld.msk [tilespmem:s17+$0x0 ss:$0x1], $0xffff  }
.Ltmp4:
0x3a: {  	_ = 	snop;
	(pc) =	sbr.rel .LBB2_4-.Ltmp4, $1  }
0x3b: {  	_ =	sdelay $0x3  }
.LBB2_6:
0x3c: {  	_ =	sfence.sel $0x180000  }
0x3d: {  	s2 =	simm.s32 $0x2;
	[bflag:$0x0] =	sbarrier.arrive $0xFFFF  }
0x3e: {  	s30 =	simm.s32 $0x3;
	[sflag:s2] =	ssyncpa.u1 $0x1  }
0x3f: {  	s31 =	simm.s32 $0x1;
	[sflag:s30] =	ssyncpa.u1 $0x1  }
0x40: {  	[sflag:s31] =	ssyncpa.u1 $0x1  }
0x41: {  	p0 =	sne.s32 s1, $0x0;
	_ =	strace $0x90000056  }
0x42: {  	s0 =	sadd.s32 @!p0 $0x100000, s0;
	[bflag:$0x2] =	sbarrier.arrive $0xFFFF  }
0x43: {  	[sflag:s0] =	ssyncadd.tile.s32 @!p0 $0x1;
	_ =	shalt  }
.Lfunc_end2:
_tile_overlayer_lowered:
.L_overlay_start_2:
0x44: {  	(tag) =	ssettag $0x2  }
0x45: {  	s0 =	rddreg [dreg:$0x0];
	s2 =	stileid.u32  }
0x46: {  	s1 =	rddreg [dreg:$0x1];
	p0 =	sne.s32 s2, $0x0  }
0x47: {  	s3 =	rddreg [dreg:$0x2];
	[bflag:$0x3] =	sbarrier.arrive $0xFFFF;
	s2 =	simm.s32 @!p0 $0x1C01  }
0x48: {  	[timem:s3], [sflag:s2] =	dma.local @!p0 [hbm:s0], s1  }
0x49: {  	s0 =	simm.s32 @!p0 $0x1  }
0x4a: {  	_ =	swait.ge @!p0 [sflag:s0], s1  }
0x4b: {  	s1 =	ssub.s32 @!p0 $0x0, s1;
	[sflag:s0] =	ssyncset.done @!p0 $0x0  }
0x4c: {  	[sflag:s0] =	ssyncadd.s32 @!p0 s1  }
0x4d: {  	[bflag:$0x3] =	sbarrier.arrive $0xFFFF  }
0x4e: {  	_ =	shalt  }

// kernel: gather_offload_async_start.3
scs
__scs_entry_jumppad:
0x0: {  	(pc) =	sbr.rel $0x88, $3  }
0x1: {  	(tag) =	ssettag $0x0;
	lr =	simm.s32 $0x1  }
0x2: {  	[smem:$0x3F9F] =	sst lr;
	_ =	strace $0xD0000000  }
0x3: {  	_ = 	snop  }
0x4: {  	_ = 	snop  }
0x5: {  	_ = 	snop  }
0x6: {  	_ = 	snop  }
0x7: {  	_ = 	snop  }
__scs_overlays_trampoline_lowered:
0x8: {  	[smem:$0x3FAE] =	sst s0  }
0x9: {  	[smem:$0x3FAF] =	sst s1  }
0xa: {  	[smem:$0x3FB0] =	sst s2  }
0xb: {  	[smem:$0x3FB1] =	sst s3  }
0xc: {  	[smem:$0x3FB2] =	sst s4  }
0xd: {  	[smem:$0x3FB3] =	sst s5  }
0xe: {  	[smem:$0x3FB4] =	sst s6  }
0xf: {  	[smem:$0x3FB5] =	sst s7  }
0x10: {  	[smem:$0x3FB6] =	sst s8  }
0x11: {  	[smem:$0x3FB7] =	sst s9;
	s0 =	simm.s32 @!p0 $0x0  }
0x12: {  	s1 =	sld [smem:$0x3F9D];
	s0 =	simm.s32 @p0 $0x1  }
0x13: {  	[smem:$0x3FB8] =	sst s0;
	s0 =	simm.s32 @!p1 $0x0  }
0x14: {  	s2 =	sld [smem:$0x3F9C];
	s0 =	simm.s32 @p1 $0x1  }
0x15: {  	[smem:$0x3FB9] =	sst s0;
	s0 =	simm.s32 @!p2 $0x0  }
0x16: {  	s3 =	sld [smem:$0x3FDB];
	s0 =	simm.s32 @p2 $0x1  }
0x17: {  	s4 =	simm.s32 $0x1BF5;
	[smem:$0x3FBB] =	sst s0  }
0x18: {  	s0 =	sld [smem:$0x3F9E];
	_ =	swait.ge [sflag:s4], $0x0  }
0x19: {  	s7 =	sld [smem:$0x3F9F]  }
0x1a: {  	s8 =	sadd.s32 $0xFFFFE003, lr  }
0x1b: {  	s9 =	sadd.s32 $0xFFFFFEF7, lr;
	s5 =	simm.s32 $0xFFFFFFFF;
	p2 =	slt.u32 s8, $0xFFFFF086  }
0x1c: {  	p1 =	slt.u32 s9, $0xF7A;
	s5 =	simm.s32 @!p2 $0x0  }
0x1d: {  	s5 =	simm.s32 @p1 $0x1;
	p0 =	seq.s32 s7, s2  }
0x1e: {  	s7 =	smul.u32 @!p0 $0xF7A, s2;
	p2 =	seq.s32 @!p0 s5, $0x0  }
0x1f: {  	s9 =	smul.u32 $0xF7A, s1;
	s8 =	simm.s32 @!p0 $0x1BF5;
	p2 =	por !p2, p0  }
0x20: {  	[sflag:s8] =	ssyncset.s32 @!p0 $0xFFFFF086;
	s6 =	sadd.s32 @!p0 s3, s7;
	s7 =	simm.s32 @!p0 $0x108  }
0x21: {  	s3 =	sadd.s32 s3, s9;
	s6 =	sadd.s32 @!p0 $0x88, s6;
	s7 =	simm.s32 @p2 $0x1082  }
0x22: {  	[simem:s7], [sflag:s8] =	dma.local @!p0 [hbm:s6], $0xF7A  }
0x23: {  	s9 =	sor.u32 $0xD0000000, s2;
	s6 =	simm.s32 $0x108;
	_ =	swait.ge @!p0 [sflag:s8], $0x0  }
0x24: {  	s3 =	sadd.s32 $0x88, s3;
	s6 =	simm.s32 @!p1 $0x1082;
	[sflag:s4] =	ssyncset.s32 $0xFFFFF086  }
0x25: {  	[simem:s6], [sflag:s4] =	dma.local [hbm:s3], $0xF7A  }
0x26: {  	[smem:$0x3F9F] =	sst s1;
	(tag) =	ssettag s2;
	_ =	strace s9  }
0x27: {  	s1 =	sld [smem:$0x3FAF]  }
0x28: {  	s2 =	sld [smem:$0x3FB0]  }
0x29: {  	s4 =	sld [smem:$0x3FB2]  }
0x2a: {  	p0 =	seq.s32 s5, $0x0;
	s5 =	sld [smem:$0x3FB3]  }
0x2b: {  	s6 =	sld [smem:$0x3FB4]  }
0x2c: {  	s7 =	sld [smem:$0x3FB5]  }
0x2d: {  	s3 =	simm.s32 $0x108;
	s8 =	sld [smem:$0x3FB6]  }
0x2e: {  	s3 =	simm.s32 @!p0 $0x1082;
	s9 =	sld [smem:$0x3FB7]  }
0x2f: {  	lr =	sadd.s32 s0, s3;
	s0 =	sld [smem:$0x3FAE]  }
0x30: {  	s3 =	sld [smem:$0x3FB1]  }
0x31: {  	[smem:$0x3FBA] =	sst s10  }
0x32: {  	s10 =	sld [smem:$0x3FB8];
	_ =	sdelay $0x3  }
0x33: {  	p0 =	seq.s32 s10, $0x1;
	s10 =	sld [smem:$0x3FBA];
	_ =	sdelay $0x3  }
0x34: {  	[smem:$0x3FBA] =	sst s10  }
0x35: {  	s10 =	sld [smem:$0x3FB9];
	_ =	sdelay $0x3  }
0x36: {  	p1 =	seq.s32 s10, $0x1;
	s10 =	sld [smem:$0x3FBA];
	_ =	sdelay $0x3  }
0x37: {  	[smem:$0x3FBA] =	sst s10  }
0x38: {  	s10 =	sld [smem:$0x3FBB]  }
0x39: {  	_ = 	snop;
	(pc) =	sbr.ind lr, $3  }
0x3a: {  	_ = 	snop  }
0x3b: {  	_ = 	snop  }
0x3c: {  	p2 =	seq.s32 s10, $0x1;
	s10 =	sld [smem:$0x3FBA]  }
0x3d: {  	_ =	shalt  }
0x3e: {  	_ =	shalt  }
0x3f: {  	_ =	shalt  }
0x40: {  	_ =	shalt  }
0x41: {  	_ =	shalt  }
0x42: {  	_ =	shalt  }
0x43: {  	_ =	shalt  }
0x44: {  	_ =	shalt  }
0x45: {  	_ =	shalt  }
0x46: {  	_ =	shalt  }
0x47: {  	_ =	shalt  }
0x48: {  	_ =	shalt  }
0x49: {  	_ =	shalt  }
0x4a: {  	_ =	shalt  }
0x4b: {  	_ =	shalt  }
0x4c: {  	_ =	shalt  }
0x4d: {  	_ =	shalt  }
0x4e: {  	_ =	shalt  }
0x4f: {  	_ =	shalt  }
0x50: {  	_ =	shalt  }
0x51: {  	_ =	shalt  }
0x52: {  	_ =	shalt  }
0x53: {  	_ =	shalt  }
0x54: {  	_ =	shalt  }
0x55: {  	_ =	shalt  }
0x56: {  	_ =	shalt  }
0x57: {  	_ =	shalt  }
0x58: {  	_ =	shalt  }
0x59: {  	_ =	shalt  }
0x5a: {  	_ =	shalt  }
0x5b: {  	_ =	shalt  }
0x5c: {  	_ =	shalt  }
0x5d: {  	_ =	shalt  }
0x5e: {  	_ =	shalt  }
0x5f: {  	_ =	shalt  }
0x60: {  	_ =	shalt  }
0x61: {  	_ =	shalt  }
0x62: {  	_ =	shalt  }
0x63: {  	_ =	shalt  }
0x64: {  	_ =	shalt  }
0x65: {  	_ =	shalt  }
0x66: {  	_ =	shalt  }
0x67: {  	_ =	shalt  }
0x68: {  	_ =	shalt  }
0x69: {  	_ =	shalt  }
0x6a: {  	_ =	shalt  }
0x6b: {  	_ =	shalt  }
0x6c: {  	_ =	shalt  }
0x6d: {  	_ =	shalt  }
0x6e: {  	_ =	shalt  }
0x6f: {  	_ =	shalt  }
0x70: {  	_ =	shalt  }
0x71: {  	_ =	shalt  }
0x72: {  	_ =	shalt  }
0x73: {  	_ =	shalt  }
0x74: {  	_ =	shalt  }
0x75: {  	_ =	shalt  }
0x76: {  	_ =	shalt  }
0x77: {  	_ =	shalt  }
0x78: {  	_ =	shalt  }
0x79: {  	_ =	shalt  }
0x7a: {  	_ =	shalt  }
0x7b: {  	_ =	shalt  }
0x7c: {  	_ =	shalt  }
0x7d: {  	_ =	shalt  }
0x7e: {  	_ =	shalt  }
0x7f: {  	_ =	shalt  }
0x80: {  	_ =	shalt  }
0x81: {  	_ =	shalt  }
0x82: {  	_ =	shalt  }
0x83: {  	_ =	shalt  }
0x84: {  	_ =	shalt  }
0x85: {  	_ =	shalt  }
0x86: {  	_ =	shalt  }
0x87: {  	_ =	shalt  }
.Lfunc_end0:
.L_simem_size_0:
called_computation.4_lowered:
.L_overlay_start_0:
0x88: {  	s2 =	sld [smem:$0x3FD9]  }
0x89: {  	s3 =	sld [smem:$0x3FFE];
	_ =	sdelay $0x1  }
0x8a: {  	s1 =	srdreg.scid  }
0x8b: {  	s0 =	sand.u32 $0x1, s1  }
0x8c: {  	s17 =	sshll.u32 s0, $0xA;
	s2 =	sadd.s32 s3, s2  }
0x8d: {  	s2 =	sadd.s32 s2, s17  }
0x8e: {  	[smem:$0x3FC6] =	sst s2  }
0x8f: {  	_ = 	snop  }
0x90: {  	(tm) =	ssettm $0x1  }
0x91: {  	s18 =	sld [smem:$0x3FFB];
	_ =	sdelay $0x3  }
0x92: {  	_ =	strace s18  }
0x93: {  	s2 =	sld [smem:$0x3FFC];
	_ =	sdelay $0x3  }
0x94: {  	_ =	strace s2  }
0x95: {  	s2 =	sld [smem:$0x3FFD];
	_ =	sdelay $0x3  }
0x96: {  	_ =	strace s2  }
0x97: {  	_ =	strace $0x8FFFFFFF  }
0x98: {  	s19 =	sld [smem:$0x3FDB];
	_ =	sdelay $0x1  }
0x99: {  	s20 =	simm.s32 $_scs_section_size  }
0x9a: {  	s4 =	simm.s32 $_size__tile_overlayer_lowered;
	s5 =	simm.s32 $_tile_overlayer_lowered  }
0x9b: {  	s6 =	simm.s32 $0x1BFF;
	s21 =	sshll.u32 s5, $0x1;
	s3 =	sadd.s32 s20, s19  }
0x9c: {  	s22 =	simm.s32 $0x0;
	s4 =	sshll.u32 s4, $0x1;
	s5 =	sadd.s32 s21, s3  }
0x9d: {  	[timem:s22], [sflag:s6] =	dma.local [hbm:s5], s4  }
0x9e: {  	_ =	swait.ge [sflag:s6], s4  }
0x9f: {  	s4 =	ssub.s32 $0x0, s4;
	[sflag:s6] =	ssyncset.done $0x0  }
0xa0: {  	[sflag:s6] =	ssyncadd.s32 s4;
	_ =	sdelay $0x1  }
0xa1: {  	s23 =	simm.s32 $0x1B8B  }
0xa2: {  	_ =	swait.ge [sflag:s23], $0x1  }
0xa3: {  	[sflag:s23] =	ssyncset.done $0x0  }
0xa4: {  	[sflag:s23] =	ssyncadd.s32 $0xFFFFFFFF  }
0xa5: {  	s4 =	sld [smem:$0x0]  }
0xa6: {  	s5 =	sand.u32 $0xFFFFFFFE, s1  }
0xa7: {  	p0 =	sne.s32 s1, s5  }
0xa8: {  	s5 =	sshll.u32 @p0 s5, $0xE  }
0xa9: {  	s5 =	sadd.s32 @p0 $0x11B8D, s5;
	s6 =	sshll.u32 @p0 s4, $0x11  }
0xaa: {  	s5 =	sor.u32 @p0 s6, s5  }
0xab: {  	[sflag:s5] =	ssyncadd.remote.s32 @p0 $0x1;
	_ =	sdelay $0x1  }
0xac: {  	s5 =	simm.s32 @p0 $0x1B8D  }
0xad: {  	_ =	swait.eq @p0 [sflag:s5], $0x1  }
0xae: {  	[sflag:s5] =	ssyncadd.s32 @p0 $0xFFFFFFFF  }
0xaf: {  	s6 =	sshll.u32 @!p0 s1, $0xE  }
0xb0: {  	s6 =	sor.u32 @!p0 $0x4000, s6;
	s5 =	simm.s32 @!p0 $0x1B8D  }
0xb1: {  	s4 =	sshll.u32 @!p0 s4, $0x11;
	s6 =	sadd.s32 @!p0 $0x11B8D, s6;
	_ =	swait.eq @!p0 [sflag:s5], $0x1  }
0xb2: {  	s4 =	sor.u32 @!p0 s4, s6;
	[sflag:s5] =	ssyncadd.s32 @!p0 $0xFFFFFFFF  }
0xb3: {  	s25 =	simm.s32 $0x1B8E;
	s24 =	sld [smem:$0x3FFE];
	[sflag:s4] =	ssyncadd.remote.s32 @!p0 $0x1  }
0xb4: {  	s26 =	simm.s32 $execute0_lowered;
	[smem:$0x3FD2] =	sst s25  }
0xb5: {  	s5 =	sshll.u32 s26, $0x1;
	_ =	strace $0x80000052;
	[dreg:$0x1] =	wrdreg $0xFFFFFFFF  }
0xb6: {  	s28 =	simm.s32 $_size_execute0_lowered;
	s3 =	sadd.s32 s3, s5;
	[dreg:$0x0] =	wrdreg $0x0  }
0xb7: {  	s5 =	sshll.u32 s28, $0x1;
	[dreg:$0x2] =	wrdreg s3  }
0xb8: {  	[dreg:$0x3] =	wrdreg s5  }
0xb9: {  	[dreg:$0x4] =	wrdreg $0xC0  }
0xba: {  	_ =	task [dreg:s22], $0x5FFFF  }
0xbb: {  	[dreg:$0x1] =	wrdreg $0xFFFFFFFF  }
0xbc: {  	[dreg:$0x0] =	wrdreg $0x60  }
0xbd: {  	[dreg:$0x2] =	wrdreg s24  }
0xbe: {  	[dreg:$0x3] =	wrdreg $0xD  }
0xbf: {  	_ =	task.clear_ibuf [dreg:s22], $0x4FFFF;
	_ =	strace $0x90000052  }
0xc0: {  	s29 =	simm.s32 $0xD;
	_ =	strace $0x80000054  }
0xc1: {  	_ =	swait.ge [sflag:s29], $0x1  }
0xc2: {  	[sflag:s29] =	ssyncadd.s32 $0xFFFFFFFF  }
0xc3: {  	_ =	strace $0x90000054  }
0xc4: {  	_ =	sfence  }
0xc5: {  	s30 =	sld [smem:$0x0];
	_ =	sdelay $0x2  }
0xc6: {  	s31 =	sshll.u32 s1, $0xD;
	s1 =	sshrl.u32 s1, $0x2  }
0xc7: {  	s4 =	sand.u32 $0x4000, s31;
	s1 =	sadd.s32 s1, s30  }
0xc8: {  	s0 =	sor.u32 s4, s0;
	s1 =	sshll.u32 s1, $0x11  }
0xc9: {  	s0 =	sor.u32 s1, s0  }
0xca: {  	s0 =	sadd.s32 $0x8F2B, s0  }
0xcb: {  	[sflag:s0] =	ssyncadd.remote.s32 $0x1  }
0xcc: {  	_ =	sfence.sel $0xFFFF  }
0xcd: {  	[dreg:$0x0] =	wrdreg $0xFFFFFFFF;
	(pc) =	sbr.abs _section_cstart, $3  }
0xce: {  	[dreg:$0x1] =	wrdreg $0xFFFFFFFF  }
0xcf: {  	_ =	task.clear_ibuf [dreg:s22], $0x2FFFF;
	_ =	strace $0x9FFFFFFF  }
0xd0: {  	(tm) =	ssettm $0x7FFFFFFF  }
0xd1: {  	_ =	shalt  }
tec
execute0_lowered:
.L_overlay_start_1:
0x0: {  	(tag) =	ssettag $0x1  }
0x1: {  	s0 =	srdreg.scid;
	s5 =	rddreg [dreg:$0x0]  }
0x2: {  	s1 =	stileid.u32;
	s6 =	simm.s32 $0x1;
	s9 =	simm.s32 $0x1  }
0x3: {  	s10 =	simm.s32 $0x3;
	s13 =	simm.s32 $0x0;
	s2 =	sshll.u32 s0, $0x9  }
0x4: {  	s12 =	simm.s32 $0x0;
	s3 =	sshll.u32 s1, $0xA;
	s2 =	sand.u32 $0x200, s2  }
0x5: {  	s0 =	rddreg [dreg:$0x1];
	_ =	strace $0x80000053;
	s2 =	sor.u32 s3, s2  }
0x6: {  	s4 =	sadd.s32 $0x6C00, s5;
	[sflag:s6] =	ssyncpa.u1 $0x0;
	s8 =	ssub.s32 $0x5000, s2  }
.Ltmp0:
0x7: {  	s3 =	sadd.s32 $0x4E00, s5;
	s7 =	sand.u32 $0x3E00, s8;
	(pc) =	sbr.rel .LBB2_1-.Ltmp0, $4  }
0x8: {  	s5 =	sadd.s32 $0x9400, s5;
	s11 =	smov.u32 s2;
	p0 =	sne.s32 s7, $0x0  }
0x9: {  	s8 =	sshrl.u32 s8, $0xE;
	s7 =	simm.s32 $0x2;
	s9 =	simm.s32 @!p0 $0x0  }
0xa: {  	[sflag:s7] =	ssyncpa.u1 $0x0;
	p0 =	por $0x0, $0x0;
	s8 =	sadd.s32 s9, s8  }
0xb: {  	vm0 =	vmmov $0xffff;
	[sflag:s10] =	ssyncpa.u1 $0x0;
	s10 =	simm.s32 $0x0;
	s9 =	sadd.s32 $0x1, s8  }
.LBB2_4:
0xc: {  	v2 =	vnsel vm1, $0x0, v2  }
0xd: {  	vm1 =	vgt.s32 v0, $0x0;
	v2 =	vmin.u32 v2, $0x4FFF  }
0xe: {  	v0 =	vnsel vm1, $0x0, v0  }
0xf: {  	v0 =	vmin.u32 v0, $0x4FFF  }
0x10: {  	[tilespmem:s15], [sflag:$0x1] =	stream.indirect_vreg.gather [hbm4b:s3+s10], $0x1, v1, vm0, $0x4038;
	[tilespmem:$0x800] =	vst v63  }
0x11: {  	(ifvalue) =	ssetifvalue $0x7FFFFFFF  }
0x12: {  	[tilespmem:s16], [sflag:$0x1] =	stream.indirect_vreg.gather [hbm4b:s3+s10], $0x1, v2, vm0, $0x4038;
	[tilespmem:$0x800] =	vst v63  }
0x13: {  	s29 =	sadd.s32 $0x10, s16;
	(ifvalue) =	ssetifvalue $0x7FFFFFFF  }
0x14: {  	[tilespmem:s29], [sflag:$0x1] =	stream.indirect_vreg.gather [hbm4b:s3+s10], $0x1, v0, vm0, $0x4038;
	[tilespmem:$0x800] =	vst v63  }
0x15: {  	_ =	swait.ge [sflag:s6], $0x200  }
0x16: {  	s30 =	sshrl.u32 s13, $0x3;
	[sflag:s6] =	ssyncset.done $0x0  }
0x17: {  	s31 =	sand.u32 $0x7, s13;
	s15 =	sadd.s32 s5, s30;
	[sflag:s6] =	ssyncadd.s32 $0xFFFFFE00  }
0x18: {  	[hbm4b:s15+s31] =	stream.linear.scatter [tilespmem:s14], [sflag:$0x3], $0x200, $0x38;
	[tilespmem:$0x800] =	vst v63  }
.LBB2_5:
0x19: {  	s15 =	sadd.s32 $0x4000, s11  }
0x1a: {  	p2 =	sgt.s32 s15, $0x4FFF  }
0x1b: {  	s15 =	smov.u32 @p2 s2;
	p2 =	sne.s32 s12, s9  }
.Ltmp1:
0x1c: {  	p1 =	slt.u32 s12, $0x2;
	(pc) =	sbr.rel @!p2 .LBB2_6-.Ltmp1, $4  }
0x1d: {  	s14 =	simm.s32 @!p1 $0x3  }
0x1e: {  	s16 =	sadd.s32 $0x1, s12;
	_ =	swait.ge @!p1 [sflag:s14], $0x200  }
0x1f: {  	s13 =	smov.u32 s11;
	p0 =	por !p0, !p0;
	[sflag:s14] =	ssyncset.done @!p1 $0x0  }
0x20: {  	s12 =	smov.u32 s16;
	s11 =	smov.u32 s15;
	[sflag:s14] =	ssyncadd.s32 @!p1 $0xFFFFFE00  }
.LBB2_1:
0x21: {  	p1 =	sge.u32 s12, s8  }
0x22: {  	s14 =	sxor.u32 @!p1 $0xFFFFFFFF, s12  }
0x23: {  	s31 =	sadd.s32 $0xFFFFFFFF, s12;
	s15 =	sshrl.u32 @!p1 s11, $0x3;
	s14 =	sshll.u32 @!p1 s14, $0x9  }
0x24: {  	s16 =	sand.u32 @!p1 $0x7, s11;
	s15 =	sadd.s32 @!p1 s4, s15;
	s14 =	sand.u32 @!p1 $0x200, s14  }
0x25: {  	[tilespmem:s14], [sflag:$0x2] =	stream.linear.gather @!p1 [hbm4b:s15+s16], $0x200, $0x38;
	[tilespmem:$0x800] =	vst v63  }
0x26: {  	p1 =	sge.u32 s31, s8  }
.Ltmp2:
0x27: {  	_ = 	snop;
	(pc) =	sbr.rel @p1 .LBB2_5-.Ltmp2, $1  }
0x28: {  	_ =	sdelay $0x3  }
0x29: {  	s14 =	simm.s32 $0x1  }
0x2a: {  	_ =	swait.ge [sflag:s7], $0x200;
	s14 =	simm.s32 @!p0 $0x0  }
0x2b: {  	[sflag:s7] =	ssyncset.done $0x0;
	s14 =	sshll.u32 s14, $0x9  }
0x2c: {  	[sflag:s7] =	ssyncadd.s32 $0xFFFFFE00;
	(ifvalue) =	ssetifvalue $0x7FFFFFFF;
	v0 =	vld.msk [tilespmem:s14+$0x0 ss:$0x1], $0xffff;
	_ =	sdelay $0x4  }
0x2d: {  	s15 =	sadd.s32 $0x10, s14;
	vm1 =	vgt.s32 v0, $0x0  }
0x2e: {  	v2 =	vld.msk [tilespmem:s15+$0x0 ss:$0x1], $0xffff;
	v1 =	vnsel vm1, $0x0, v0  }
0x2f: {  	v1 =	vmin.u32 v1, $0x4FFF;
	_ =	sdelay $0x1  }
0x30: {  	s16 =	sshll.u32 s12, $0x9;
	s18 =	simm.s32 $0x20  }
0x31: {  	s16 =	sand.u32 $0x200, s16;
	s17 =	sadd.s32 $0x10, s15;
	s15 =	sor.u32 $0x400, s14  }
0x32: {  	s14 =	sor.u32 $0x400, s16;
	s16 =	sadd.s32 $0x10, s15;
	v0 =	vld.msk [tilespmem:s17+$0x0 ss:$0x1], $0xffff;
	vm1 =	vgt.s32 v2, $0x0;
	(ifvalue) =	ssetifvalue $0x7FFFFFFF  }
.LBB2_3:
0x33: {  	[tilespmem:s15], [sflag:$0x1] =	stream.indirect_vreg.gather [hbm4b:s3+s10], $0x1, v1, vm0, $0x4038;
	[tilespmem:$0x800] =	vst v63  }
0x34: {  	s18 =	sadd.s32 $0x10, s18  }
0x35: {  	v2 =	vnsel vm1, $0x0, v2;
	p1 =	slt.u32 s18, $0x1F0  }
.Ltmp3:
0x36: {  	s15 =	smov.u32 s16;
	v1 =	vmin.u32 v2, $0x4FFF;
	(pc) =	sbr.rel @p1 .LBB2_3-.Ltmp3, $3  }
0x37: {  	_ =	sdelay $0x1  }
0x38: {  	s17 =	sadd.s32 $0x10, s17  }
0x39: {  	vm1 =	vgt.s32 v0, $0x0;
	s16 =	sadd.s32 $0x10, s16;
	v2 =	vmov v0;
	(ifvalue) =	ssetifvalue $0x7FFFFFFF;
	v0 =	vld.msk [tilespmem:s17+$0x0 ss:$0x1], $0xffff  }
.Ltmp4:
0x3a: {  	_ = 	snop;
	(pc) =	sbr.rel .LBB2_4-.Ltmp4, $1  }
0x3b: {  	_ =	sdelay $0x3  }
.LBB2_6:
0x3c: {  	_ =	sfence.sel $0x180000  }
0x3d: {  	s2 =	simm.s32 $0x2;
	[bflag:$0x0] =	sbarrier.arrive $0xFFFF  }
0x3e: {  	s30 =	simm.s32 $0x3;
	[sflag:s2] =	ssyncpa.u1 $0x1  }
0x3f: {  	s31 =	simm.s32 $0x1;
	[sflag:s30] =	ssyncpa.u1 $0x1  }
0x40: {  	[sflag:s31] =	ssyncpa.u1 $0x1  }
0x41: {  	p0 =	sne.s32 s1, $0x0;
	_ =	strace $0x90000053  }
0x42: {  	s0 =	sadd.s32 @!p0 $0x100000, s0;
	[bflag:$0x2] =	sbarrier.arrive $0xFFFF  }
0x43: {  	[sflag:s0] =	ssyncadd.tile.s32 @!p0 $0x1;
	_ =	shalt  }
.Lfunc_end2:
_tile_overlayer_lowered:
.L_overlay_start_2:
0x44: {  	(tag) =	ssettag $0x2  }
0x45: {  	s0 =	rddreg [dreg:$0x0];
	s2 =	stileid.u32  }
0x46: {  	s1 =	rddreg [dreg:$0x1];
	p0 =	sne.s32 s2, $0x0  }
0x47: {  	s3 =	rddreg [dreg:$0x2];
	[bflag:$0x3] =	sbarrier.arrive $0xFFFF;
	s2 =	simm.s32 @!p0 $0x1C01  }
0x48: {  	[timem:s3], [sflag:s2] =	dma.local @!p0 [hbm:s0], s1  }
0x49: {  	s0 =	simm.s32 @!p0 $0x1  }
0x4a: {  	_ =	swait.ge @!p0 [sflag:s0], s1  }
0x4b: {  	s1 =	ssub.s32 @!p0 $0x0, s1;
	[sflag:s0] =	ssyncset.done @!p0 $0x0  }
0x4c: {  	[sflag:s0] =	ssyncadd.s32 @!p0 s1  }
0x4d: {  	[bflag:$0x3] =	sbarrier.arrive $0xFFFF  }
0x4e: {  	_ =	shalt  }

// kernel: gather_offload_async_start.4
scs
__scs_entry_jumppad:
0x0: {  	(pc) =	sbr.rel $0x88, $3  }
0x1: {  	(tag) =	ssettag $0x0;
	lr =	simm.s32 $0x1  }
0x2: {  	[smem:$0x3F9F] =	sst lr;
	_ =	strace $0xD0000000  }
0x3: {  	_ = 	snop  }
0x4: {  	_ = 	snop  }
0x5: {  	_ = 	snop  }
0x6: {  	_ = 	snop  }
0x7: {  	_ = 	snop  }
__scs_overlays_trampoline_lowered:
0x8: {  	[smem:$0x3FAE] =	sst s0  }
0x9: {  	[smem:$0x3FAF] =	sst s1  }
0xa: {  	[smem:$0x3FB0] =	sst s2  }
0xb: {  	[smem:$0x3FB1] =	sst s3  }
0xc: {  	[smem:$0x3FB2] =	sst s4  }
0xd: {  	[smem:$0x3FB3] =	sst s5  }
0xe: {  	[smem:$0x3FB4] =	sst s6  }
0xf: {  	[smem:$0x3FB5] =	sst s7  }
0x10: {  	[smem:$0x3FB6] =	sst s8  }
0x11: {  	[smem:$0x3FB7] =	sst s9;
	s0 =	simm.s32 @!p0 $0x0  }
0x12: {  	s1 =	sld [smem:$0x3F9D];
	s0 =	simm.s32 @p0 $0x1  }
0x13: {  	[smem:$0x3FB8] =	sst s0;
	s0 =	simm.s32 @!p1 $0x0  }
0x14: {  	s2 =	sld [smem:$0x3F9C];
	s0 =	simm.s32 @p1 $0x1  }
0x15: {  	[smem:$0x3FB9] =	sst s0;
	s0 =	simm.s32 @!p2 $0x0  }
0x16: {  	s3 =	sld [smem:$0x3FDB];
	s0 =	simm.s32 @p2 $0x1  }
0x17: {  	s4 =	simm.s32 $0x1BF5;
	[smem:$0x3FBB] =	sst s0  }
0x18: {  	s0 =	sld [smem:$0x3F9E];
	_ =	swait.ge [sflag:s4], $0x0  }
0x19: {  	s7 =	sld [smem:$0x3F9F]  }
0x1a: {  	s8 =	sadd.s32 $0xFFFFE003, lr  }
0x1b: {  	s9 =	sadd.s32 $0xFFFFFEF7, lr;
	s5 =	simm.s32 $0xFFFFFFFF;
	p2 =	slt.u32 s8, $0xFFFFF086  }
0x1c: {  	p1 =	slt.u32 s9, $0xF7A;
	s5 =	simm.s32 @!p2 $0x0  }
0x1d: {  	s5 =	simm.s32 @p1 $0x1;
	p0 =	seq.s32 s7, s2  }
0x1e: {  	s7 =	smul.u32 @!p0 $0xF7A, s2;
	p2 =	seq.s32 @!p0 s5, $0x0  }
0x1f: {  	s9 =	smul.u32 $0xF7A, s1;
	s8 =	simm.s32 @!p0 $0x1BF5;
	p2 =	por !p2, p0  }
0x20: {  	[sflag:s8] =	ssyncset.s32 @!p0 $0xFFFFF086;
	s6 =	sadd.s32 @!p0 s3, s7;
	s7 =	simm.s32 @!p0 $0x108  }
0x21: {  	s3 =	sadd.s32 s3, s9;
	s6 =	sadd.s32 @!p0 $0x88, s6;
	s7 =	simm.s32 @p2 $0x1082  }
0x22: {  	[simem:s7], [sflag:s8] =	dma.local @!p0 [hbm:s6], $0xF7A  }
0x23: {  	s9 =	sor.u32 $0xD0000000, s2;
	s6 =	simm.s32 $0x108;
	_ =	swait.ge @!p0 [sflag:s8], $0x0  }
0x24: {  	s3 =	sadd.s32 $0x88, s3;
	s6 =	simm.s32 @!p1 $0x1082;
	[sflag:s4] =	ssyncset.s32 $0xFFFFF086  }
0x25: {  	[simem:s6], [sflag:s4] =	dma.local [hbm:s3], $0xF7A  }
0x26: {  	[smem:$0x3F9F] =	sst s1;
	(tag) =	ssettag s2;
	_ =	strace s9  }
0x27: {  	s1 =	sld [smem:$0x3FAF]  }
0x28: {  	s2 =	sld [smem:$0x3FB0]  }
0x29: {  	s4 =	sld [smem:$0x3FB2]  }
0x2a: {  	p0 =	seq.s32 s5, $0x0;
	s5 =	sld [smem:$0x3FB3]  }
0x2b: {  	s6 =	sld [smem:$0x3FB4]  }
0x2c: {  	s7 =	sld [smem:$0x3FB5]  }
0x2d: {  	s3 =	simm.s32 $0x108;
	s8 =	sld [smem:$0x3FB6]  }
0x2e: {  	s3 =	simm.s32 @!p0 $0x1082;
	s9 =	sld [smem:$0x3FB7]  }
0x2f: {  	lr =	sadd.s32 s0, s3;
	s0 =	sld [smem:$0x3FAE]  }
0x30: {  	s3 =	sld [smem:$0x3FB1]  }
0x31: {  	[smem:$0x3FBA] =	sst s10  }
0x32: {  	s10 =	sld [smem:$0x3FB8];
	_ =	sdelay $0x3  }
0x33: {  	p0 =	seq.s32 s10, $0x1;
	s10 =	sld [smem:$0x3FBA];
	_ =	sdelay $0x3  }
0x34: {  	[smem:$0x3FBA] =	sst s10  }
0x35: {  	s10 =	sld [smem:$0x3FB9];
	_ =	sdelay $0x3  }
0x36: {  	p1 =	seq.s32 s10, $0x1;
	s10 =	sld [smem:$0x3FBA];
	_ =	sdelay $0x3  }
0x37: {  	[smem:$0x3FBA] =	sst s10  }
0x38: {  	s10 =	sld [smem:$0x3FBB]  }
0x39: {  	_ = 	snop;
	(pc) =	sbr.ind lr, $3  }
0x3a: {  	_ = 	snop  }
0x3b: {  	_ = 	snop  }
0x3c: {  	p2 =	seq.s32 s10, $0x1;
	s10 =	sld [smem:$0x3FBA]  }
0x3d: {  	_ =	shalt  }
0x3e: {  	_ =	shalt  }
0x3f: {  	_ =	shalt  }
0x40: {  	_ =	shalt  }
0x41: {  	_ =	shalt  }
0x42: {  	_ =	shalt  }
0x43: {  	_ =	shalt  }
0x44: {  	_ =	shalt  }
0x45: {  	_ =	shalt  }
0x46: {  	_ =	shalt  }
0x47: {  	_ =	shalt  }
0x48: {  	_ =	shalt  }
0x49: {  	_ =	shalt  }
0x4a: {  	_ =	shalt  }
0x4b: {  	_ =	shalt  }
0x4c: {  	_ =	shalt  }
0x4d: {  	_ =	shalt  }
0x4e: {  	_ =	shalt  }
0x4f: {  	_ =	shalt  }
0x50: {  	_ =	shalt  }
0x51: {  	_ =	shalt  }
0x52: {  	_ =	shalt  }
0x53: {  	_ =	shalt  }
0x54: {  	_ =	shalt  }
0x55: {  	_ =	shalt  }
0x56: {  	_ =	shalt  }
0x57: {  	_ =	shalt  }
0x58: {  	_ =	shalt  }
0x59: {  	_ =	shalt  }
0x5a: {  	_ =	shalt  }
0x5b: {  	_ =	shalt  }
0x5c: {  	_ =	shalt  }
0x5d: {  	_ =	shalt  }
0x5e: {  	_ =	shalt  }
0x5f: {  	_ =	shalt  }
0x60: {  	_ =	shalt  }
0x61: {  	_ =	shalt  }
0x62: {  	_ =	shalt  }
0x63: {  	_ =	shalt  }
0x64: {  	_ =	shalt  }
0x65: {  	_ =	shalt  }
0x66: {  	_ =	shalt  }
0x67: {  	_ =	shalt  }
0x68: {  	_ =	shalt  }
0x69: {  	_ =	shalt  }
0x6a: {  	_ =	shalt  }
0x6b: {  	_ =	shalt  }
0x6c: {  	_ =	shalt  }
0x6d: {  	_ =	shalt  }
0x6e: {  	_ =	shalt  }
0x6f: {  	_ =	shalt  }
0x70: {  	_ =	shalt  }
0x71: {  	_ =	shalt  }
0x72: {  	_ =	shalt  }
0x73: {  	_ =	shalt  }
0x74: {  	_ =	shalt  }
0x75: {  	_ =	shalt  }
0x76: {  	_ =	shalt  }
0x77: {  	_ =	shalt  }
0x78: {  	_ =	shalt  }
0x79: {  	_ =	shalt  }
0x7a: {  	_ =	shalt  }
0x7b: {  	_ =	shalt  }
0x7c: {  	_ =	shalt  }
0x7d: {  	_ =	shalt  }
0x7e: {  	_ =	shalt  }
0x7f: {  	_ =	shalt  }
0x80: {  	_ =	shalt  }
0x81: {  	_ =	shalt  }
0x82: {  	_ =	shalt  }
0x83: {  	_ =	shalt  }
0x84: {  	_ =	shalt  }
0x85: {  	_ =	shalt  }
0x86: {  	_ =	shalt  }
0x87: {  	_ =	shalt  }
.Lfunc_end0:
.L_simem_size_0:
called_computation.5_lowered:
.L_overlay_start_0:
0x88: {  	s2 =	sld [smem:$0x3FD9]  }
0x89: {  	s3 =	sld [smem:$0x3FFE];
	_ =	sdelay $0x1  }
0x8a: {  	s1 =	srdreg.scid  }
0x8b: {  	s0 =	sand.u32 $0x1, s1  }
0x8c: {  	s17 =	sshll.u32 s0, $0xA;
	s2 =	sadd.s32 s3, s2  }
0x8d: {  	s2 =	sadd.s32 s2, s17  }
0x8e: {  	[smem:$0x3FC6] =	sst s2  }
0x8f: {  	_ = 	snop  }
0x90: {  	(tm) =	ssettm $0x1  }
0x91: {  	s18 =	sld [smem:$0x3FFB];
	_ =	sdelay $0x3  }
0x92: {  	_ =	strace s18  }
0x93: {  	s2 =	sld [smem:$0x3FFC];
	_ =	sdelay $0x3  }
0x94: {  	_ =	strace s2  }
0x95: {  	s2 =	sld [smem:$0x3FFD];
	_ =	sdelay $0x3  }
0x96: {  	_ =	strace s2  }
0x97: {  	_ =	strace $0x8FFFFFFF  }
0x98: {  	s19 =	sld [smem:$0x3FDB];
	_ =	sdelay $0x1  }
0x99: {  	s20 =	simm.s32 $_scs_section_size  }
0x9a: {  	s4 =	simm.s32 $_size__tile_overlayer_lowered;
	s5 =	simm.s32 $_tile_overlayer_lowered  }
0x9b: {  	s6 =	simm.s32 $0x1BFF;
	s21 =	sshll.u32 s5, $0x1;
	s3 =	sadd.s32 s20, s19  }
0x9c: {  	s22 =	simm.s32 $0x0;
	s4 =	sshll.u32 s4, $0x1;
	s5 =	sadd.s32 s21, s3  }
0x9d: {  	[timem:s22], [sflag:s6] =	dma.local [hbm:s5], s4  }
0x9e: {  	_ =	swait.ge [sflag:s6], s4  }
0x9f: {  	s4 =	ssub.s32 $0x0, s4;
	[sflag:s6] =	ssyncset.done $0x0  }
0xa0: {  	[sflag:s6] =	ssyncadd.s32 s4;
	_ =	sdelay $0x1  }
0xa1: {  	s23 =	simm.s32 $0x1B8B  }
0xa2: {  	_ =	swait.ge [sflag:s23], $0x1  }
0xa3: {  	[sflag:s23] =	ssyncset.done $0x0  }
0xa4: {  	[sflag:s23] =	ssyncadd.s32 $0xFFFFFFFF  }
0xa5: {  	s4 =	sld [smem:$0x0]  }
0xa6: {  	s5 =	sand.u32 $0xFFFFFFFE, s1  }
0xa7: {  	p0 =	sne.s32 s1, s5  }
0xa8: {  	s5 =	sshll.u32 @p0 s5, $0xE  }
0xa9: {  	s5 =	sadd.s32 @p0 $0x11B8D, s5;
	s6 =	sshll.u32 @p0 s4, $0x11  }
0xaa: {  	s5 =	sor.u32 @p0 s6, s5  }
0xab: {  	[sflag:s5] =	ssyncadd.remote.s32 @p0 $0x1;
	_ =	sdelay $0x1  }
0xac: {  	s5 =	simm.s32 @p0 $0x1B8D  }
0xad: {  	_ =	swait.eq @p0 [sflag:s5], $0x1  }
0xae: {  	[sflag:s5] =	ssyncadd.s32 @p0 $0xFFFFFFFF  }
0xaf: {  	s6 =	sshll.u32 @!p0 s1, $0xE  }
0xb0: {  	s6 =	sor.u32 @!p0 $0x4000, s6;
	s5 =	simm.s32 @!p0 $0x1B8D  }
0xb1: {  	s4 =	sshll.u32 @!p0 s4, $0x11;
	s6 =	sadd.s32 @!p0 $0x11B8D, s6;
	_ =	swait.eq @!p0 [sflag:s5], $0x1  }
0xb2: {  	s4 =	sor.u32 @!p0 s4, s6;
	[sflag:s5] =	ssyncadd.s32 @!p0 $0xFFFFFFFF  }
0xb3: {  	s25 =	simm.s32 $0x1B8E;
	s24 =	sld [smem:$0x3FFE];
	[sflag:s4] =	ssyncadd.remote.s32 @!p0 $0x1  }
0xb4: {  	s26 =	simm.s32 $execute0_lowered;
	[smem:$0x3FD2] =	sst s25  }
0xb5: {  	s5 =	sshll.u32 s26, $0x1;
	_ =	strace $0x8000004F;
	[dreg:$0x1] =	wrdreg $0xFFFFFFFF  }
0xb6: {  	s28 =	simm.s32 $_size_execute0_lowered;
	s3 =	sadd.s32 s3, s5;
	[dreg:$0x0] =	wrdreg $0x0  }
0xb7: {  	s5 =	sshll.u32 s28, $0x1;
	[dreg:$0x2] =	wrdreg s3  }
0xb8: {  	[dreg:$0x3] =	wrdreg s5  }
0xb9: {  	[dreg:$0x4] =	wrdreg $0xC0  }
0xba: {  	_ =	task [dreg:s22], $0x5FFFF  }
0xbb: {  	[dreg:$0x1] =	wrdreg $0xFFFFFFFF  }
0xbc: {  	[dreg:$0x0] =	wrdreg $0x60  }
0xbd: {  	[dreg:$0x2] =	wrdreg s24  }
0xbe: {  	[dreg:$0x3] =	wrdreg $0xE  }
0xbf: {  	_ =	task.clear_ibuf [dreg:s22], $0x4FFFF;
	_ =	strace $0x9000004F  }
0xc0: {  	s29 =	simm.s32 $0xE;
	_ =	strace $0x80000051  }
0xc1: {  	_ =	swait.ge [sflag:s29], $0x1  }
0xc2: {  	[sflag:s29] =	ssyncadd.s32 $0xFFFFFFFF  }
0xc3: {  	_ =	strace $0x90000051  }
0xc4: {  	_ =	sfence  }
0xc5: {  	s30 =	sld [smem:$0x0];
	_ =	sdelay $0x2  }
0xc6: {  	s31 =	sshll.u32 s1, $0xD;
	s1 =	sshrl.u32 s1, $0x2  }
0xc7: {  	s4 =	sand.u32 $0x4000, s31;
	s1 =	sadd.s32 s1, s30  }
0xc8: {  	s0 =	sor.u32 s4, s0;
	s1 =	sshll.u32 s1, $0x11  }
0xc9: {  	s0 =	sor.u32 s1, s0  }
0xca: {  	s0 =	sadd.s32 $0x8F2B, s0  }
0xcb: {  	[sflag:s0] =	ssyncadd.remote.s32 $0x1  }
0xcc: {  	_ =	sfence.sel $0xFFFF  }
0xcd: {  	[dreg:$0x0] =	wrdreg $0xFFFFFFFF;
	(pc) =	sbr.abs _section_cstart, $3  }
0xce: {  	[dreg:$0x1] =	wrdreg $0xFFFFFFFF  }
0xcf: {  	_ =	task.clear_ibuf [dreg:s22], $0x2FFFF;
	_ =	strace $0x9FFFFFFF  }
0xd0: {  	(tm) =	ssettm $0x7FFFFFFF  }
0xd1: {  	_ =	shalt  }
tec
execute0_lowered:
.L_overlay_start_1:
0x0: {  	(tag) =	ssettag $0x1  }
0x1: {  	s0 =	srdreg.scid;
	s5 =	rddreg [dreg:$0x0]  }
0x2: {  	s1 =	stileid.u32;
	s6 =	simm.s32 $0x1;
	s9 =	simm.s32 $0x1  }
0x3: {  	s10 =	simm.s32 $0x3;
	s13 =	simm.s32 $0x0;
	s2 =	sshll.u32 s0, $0x9  }
0x4: {  	s12 =	simm.s32 $0x0;
	s3 =	sshll.u32 s1, $0xA;
	s2 =	sand.u32 $0x200, s2  }
0x5: {  	s0 =	rddreg [dreg:$0x1];
	_ =	strace $0x80000050;
	s2 =	sor.u32 s3, s2  }
0x6: {  	s4 =	sadd.s32 $0x6200, s5;
	[sflag:s6] =	ssyncpa.u1 $0x0;
	s8 =	ssub.s32 $0x5000, s2  }
.Ltmp0:
0x7: {  	s3 =	sadd.s32 $0x4400, s5;
	s7 =	sand.u32 $0x3E00, s8;
	(pc) =	sbr.rel .LBB2_1-.Ltmp0, $4  }
0x8: {  	s5 =	sadd.s32 $0x8A00, s5;
	s11 =	smov.u32 s2;
	p0 =	sne.s32 s7, $0x0  }
0x9: {  	s8 =	sshrl.u32 s8, $0xE;
	s7 =	simm.s32 $0x2;
	s9 =	simm.s32 @!p0 $0x0  }
0xa: {  	[sflag:s7] =	ssyncpa.u1 $0x0;
	p0 =	por $0x0, $0x0;
	s8 =	sadd.s32 s9, s8  }
0xb: {  	vm0 =	vmmov $0xffff;
	[sflag:s10] =	ssyncpa.u1 $0x0;
	s10 =	simm.s32 $0x0;
	s9 =	sadd.s32 $0x1, s8  }
.LBB2_4:
0xc: {  	v2 =	vnsel vm1, $0x0, v2  }
0xd: {  	vm1 =	vgt.s32 v0, $0x0;
	v2 =	vmin.u32 v2, $0x4FFF  }
0xe: {  	v0 =	vnsel vm1, $0x0, v0  }
0xf: {  	v0 =	vmin.u32 v0, $0x4FFF  }
0x10: {  	[tilespmem:s15], [sflag:$0x1] =	stream.indirect_vreg.gather [hbm4b:s3+s10], $0x1, v1, vm0, $0x4038;
	[tilespmem:$0x800] =	vst v63  }
0x11: {  	(ifvalue) =	ssetifvalue $0x7FFFFFFF  }
0x12: {  	[tilespmem:s16], [sflag:$0x1] =	stream.indirect_vreg.gather [hbm4b:s3+s10], $0x1, v2, vm0, $0x4038;
	[tilespmem:$0x800] =	vst v63  }
0x13: {  	s29 =	sadd.s32 $0x10, s16;
	(ifvalue) =	ssetifvalue $0x7FFFFFFF  }
0x14: {  	[tilespmem:s29], [sflag:$0x1] =	stream.indirect_vreg.gather [hbm4b:s3+s10], $0x1, v0, vm0, $0x4038;
	[tilespmem:$0x800] =	vst v63  }
0x15: {  	_ =	swait.ge [sflag:s6], $0x200  }
0x16: {  	s30 =	sshrl.u32 s13, $0x3;
	[sflag:s6] =	ssyncset.done $0x0  }
0x17: {  	s31 =	sand.u32 $0x7, s13;
	s15 =	sadd.s32 s5, s30;
	[sflag:s6] =	ssyncadd.s32 $0xFFFFFE00  }
0x18: {  	[hbm4b:s15+s31] =	stream.linear.scatter [tilespmem:s14], [sflag:$0x3], $0x200, $0x38;
	[tilespmem:$0x800] =	vst v63  }
.LBB2_5:
0x19: {  	s15 =	sadd.s32 $0x4000, s11  }
0x1a: {  	p2 =	sgt.s32 s15, $0x4FFF  }
0x1b: {  	s15 =	smov.u32 @p2 s2;
	p2 =	sne.s32 s12, s9  }
.Ltmp1:
0x1c: {  	p1 =	slt.u32 s12, $0x2;
	(pc) =	sbr.rel @!p2 .LBB2_6-.Ltmp1, $4  }
0x1d: {  	s14 =	simm.s32 @!p1 $0x3  }
0x1e: {  	s16 =	sadd.s32 $0x1, s12;
	_ =	swait.ge @!p1 [sflag:s14], $0x200  }
0x1f: {  	s13 =	smov.u32 s11;
	p0 =	por !p0, !p0;
	[sflag:s14] =	ssyncset.done @!p1 $0x0  }
0x20: {  	s12 =	smov.u32 s16;
	s11 =	smov.u32 s15;
	[sflag:s14] =	ssyncadd.s32 @!p1 $0xFFFFFE00  }
.LBB2_1:
0x21: {  	p1 =	sge.u32 s12, s8  }
0x22: {  	s14 =	sxor.u32 @!p1 $0xFFFFFFFF, s12  }
0x23: {  	s31 =	sadd.s32 $0xFFFFFFFF, s12;
	s15 =	sshrl.u32 @!p1 s11, $0x3;
	s14 =	sshll.u32 @!p1 s14, $0x9  }
0x24: {  	s16 =	sand.u32 @!p1 $0x7, s11;
	s15 =	sadd.s32 @!p1 s4, s15;
	s14 =	sand.u32 @!p1 $0x200, s14  }
0x25: {  	[tilespmem:s14], [sflag:$0x2] =	stream.linear.gather @!p1 [hbm4b:s15+s16], $0x200, $0x38;
	[tilespmem:$0x800] =	vst v63  }
0x26: {  	p1 =	sge.u32 s31, s8  }
.Ltmp2:
0x27: {  	_ = 	snop;
	(pc) =	sbr.rel @p1 .LBB2_5-.Ltmp2, $1  }
0x28: {  	_ =	sdelay $0x3  }
0x29: {  	s14 =	simm.s32 $0x1  }
0x2a: {  	_ =	swait.ge [sflag:s7], $0x200;
	s14 =	simm.s32 @!p0 $0x0  }
0x2b: {  	[sflag:s7] =	ssyncset.done $0x0;
	s14 =	sshll.u32 s14, $0x9  }
0x2c: {  	[sflag:s7] =	ssyncadd.s32 $0xFFFFFE00;
	(ifvalue) =	ssetifvalue $0x7FFFFFFF;
	v0 =	vld.msk [tilespmem:s14+$0x0 ss:$0x1], $0xffff;
	_ =	sdelay $0x4  }
0x2d: {  	s15 =	sadd.s32 $0x10, s14;
	vm1 =	vgt.s32 v0, $0x0  }
0x2e: {  	v2 =	vld.msk [tilespmem:s15+$0x0 ss:$0x1], $0xffff;
	v1 =	vnsel vm1, $0x0, v0  }
0x2f: {  	v1 =	vmin.u32 v1, $0x4FFF;
	_ =	sdelay $0x1  }
0x30: {  	s16 =	sshll.u32 s12, $0x9;
	s18 =	simm.s32 $0x20  }
0x31: {  	s16 =	sand.u32 $0x200, s16;
	s17 =	sadd.s32 $0x10, s15;
	s15 =	sor.u32 $0x400, s14  }
0x32: {  	s14 =	sor.u32 $0x400, s16;
	s16 =	sadd.s32 $0x10, s15;
	v0 =	vld.msk [tilespmem:s17+$0x0 ss:$0x1], $0xffff;
	vm1 =	vgt.s32 v2, $0x0;
	(ifvalue) =	ssetifvalue $0x7FFFFFFF  }
.LBB2_3:
0x33: {  	[tilespmem:s15], [sflag:$0x1] =	stream.indirect_vreg.gather [hbm4b:s3+s10], $0x1, v1, vm0, $0x4038;
	[tilespmem:$0x800] =	vst v63  }
0x34: {  	s18 =	sadd.s32 $0x10, s18  }
0x35: {  	v2 =	vnsel vm1, $0x0, v2;
	p1 =	slt.u32 s18, $0x1F0  }
.Ltmp3:
0x36: {  	s15 =	smov.u32 s16;
	v1 =	vmin.u32 v2, $0x4FFF;
	(pc) =	sbr.rel @p1 .LBB2_3-.Ltmp3, $3  }
0x37: {  	_ =	sdelay $0x1  }
0x38: {  	s17 =	sadd.s32 $0x10, s17  }
0x39: {  	vm1 =	vgt.s32 v0, $0x0;
	s16 =	sadd.s32 $0x10, s16;
	v2 =	vmov v0;
	(ifvalue) =	ssetifvalue $0x7FFFFFFF;
	v0 =	vld.msk [tilespmem:s17+$0x0 ss:$0x1], $0xffff  }
.Ltmp4:
0x3a: {  	_ = 	snop;
	(pc) =	sbr.rel .LBB2_4-.Ltmp4, $1  }
0x3b: {  	_ =	sdelay $0x3  }
.LBB2_6:
0x3c: {  	_ =	sfence.sel $0x180000  }
0x3d: {  	s2 =	simm.s32 $0x2;
	[bflag:$0x0] =	sbarrier.arrive $0xFFFF  }
0x3e: {  	s30 =	simm.s32 $0x3;
	[sflag:s2] =	ssyncpa.u1 $0x1  }
0x3f: {  	s31 =	simm.s32 $0x1;
	[sflag:s30] =	ssyncpa.u1 $0x1  }
0x40: {  	[sflag:s31] =	ssyncpa.u1 $0x1  }
0x41: {  	p0 =	sne.s32 s1, $0x0;
	_ =	strace $0x90000050  }
0x42: {  	s0 =	sadd.s32 @!p0 $0x100000, s0;
	[bflag:$0x2] =	sbarrier.arrive $0xFFFF  }
0x43: {  	[sflag:s0] =	ssyncadd.tile.s32 @!p0 $0x1;
	_ =	shalt  }
.Lfunc_end2:
_tile_overlayer_lowered:
.L_overlay_start_2:
0x44: {  	(tag) =	ssettag $0x2  }
0x45: {  	s0 =	rddreg [dreg:$0x0];
	s2 =	stileid.u32  }
0x46: {  	s1 =	rddreg [dreg:$0x1];
	p0 =	sne.s32 s2, $0x0  }
0x47: {  	s3 =	rddreg [dreg:$0x2];
	[bflag:$0x3] =	sbarrier.arrive $0xFFFF;
	s2 =	simm.s32 @!p0 $0x1C01  }
0x48: {  	[timem:s3], [sflag:s2] =	dma.local @!p0 [hbm:s0], s1  }
0x49: {  	s0 =	simm.s32 @!p0 $0x1  }
0x4a: {  	_ =	swait.ge @!p0 [sflag:s0], s1  }
0x4b: {  	s1 =	ssub.s32 @!p0 $0x0, s1;
	[sflag:s0] =	ssyncset.done @!p0 $0x0  }
0x4c: {  	[sflag:s0] =	ssyncadd.s32 @!p0 s1  }
0x4d: {  	[bflag:$0x3] =	sbarrier.arrive $0xFFFF  }
0x4e: {  	_ =	shalt  }

// kernel: gather_offload_async_start.5
scs
__scs_entry_jumppad:
0x0: {  	(pc) =	sbr.rel $0x88, $3  }
0x1: {  	(tag) =	ssettag $0x0;
	lr =	simm.s32 $0x1  }
0x2: {  	[smem:$0x3F9F] =	sst lr;
	_ =	strace $0xD0000000  }
0x3: {  	_ = 	snop  }
0x4: {  	_ = 	snop  }
0x5: {  	_ = 	snop  }
0x6: {  	_ = 	snop  }
0x7: {  	_ = 	snop  }
__scs_overlays_trampoline_lowered:
0x8: {  	[smem:$0x3FAE] =	sst s0  }
0x9: {  	[smem:$0x3FAF] =	sst s1  }
0xa: {  	[smem:$0x3FB0] =	sst s2  }
0xb: {  	[smem:$0x3FB1] =	sst s3  }
0xc: {  	[smem:$0x3FB2] =	sst s4  }
0xd: {  	[smem:$0x3FB3] =	sst s5  }
0xe: {  	[smem:$0x3FB4] =	sst s6  }
0xf: {  	[smem:$0x3FB5] =	sst s7  }
0x10: {  	[smem:$0x3FB6] =	sst s8  }
0x11: {  	[smem:$0x3FB7] =	sst s9;
	s0 =	simm.s32 @!p0 $0x0  }
0x12: {  	s1 =	sld [smem:$0x3F9D];
	s0 =	simm.s32 @p0 $0x1  }
0x13: {  	[smem:$0x3FB8] =	sst s0;
	s0 =	simm.s32 @!p1 $0x0  }
0x14: {  	s2 =	sld [smem:$0x3F9C];
	s0 =	simm.s32 @p1 $0x1  }
0x15: {  	[smem:$0x3FB9] =	sst s0;
	s0 =	simm.s32 @!p2 $0x0  }
0x16: {  	s3 =	sld [smem:$0x3FDB];
	s0 =	simm.s32 @p2 $0x1  }
0x17: {  	s4 =	simm.s32 $0x1BF5;
	[smem:$0x3FBB] =	sst s0  }
0x18: {  	s0 =	sld [smem:$0x3F9E];
	_ =	swait.ge [sflag:s4], $0x0  }
0x19: {  	s7 =	sld [smem:$0x3F9F]  }
0x1a: {  	s8 =	sadd.s32 $0xFFFFE003, lr  }
0x1b: {  	s9 =	sadd.s32 $0xFFFFFEF7, lr;
	s5 =	simm.s32 $0xFFFFFFFF;
	p2 =	slt.u32 s8, $0xFFFFF086  }
0x1c: {  	p1 =	slt.u32 s9, $0xF7A;
	s5 =	simm.s32 @!p2 $0x0  }
0x1d: {  	s5 =	simm.s32 @p1 $0x1;
	p0 =	seq.s32 s7, s2  }
0x1e: {  	s7 =	smul.u32 @!p0 $0xF7A, s2;
	p2 =	seq.s32 @!p0 s5, $0x0  }
0x1f: {  	s9 =	smul.u32 $0xF7A, s1;
	s8 =	simm.s32 @!p0 $0x1BF5;
	p2 =	por !p2, p0  }
0x20: {  	[sflag:s8] =	ssyncset.s32 @!p0 $0xFFFFF086;
	s6 =	sadd.s32 @!p0 s3, s7;
	s7 =	simm.s32 @!p0 $0x108  }
0x21: {  	s3 =	sadd.s32 s3, s9;
	s6 =	sadd.s32 @!p0 $0x88, s6;
	s7 =	simm.s32 @p2 $0x1082  }
0x22: {  	[simem:s7], [sflag:s8] =	dma.local @!p0 [hbm:s6], $0xF7A  }
0x23: {  	s9 =	sor.u32 $0xD0000000, s2;
	s6 =	simm.s32 $0x108;
	_ =	swait.ge @!p0 [sflag:s8], $0x0  }
0x24: {  	s3 =	sadd.s32 $0x88, s3;
	s6 =	simm.s32 @!p1 $0x1082;
	[sflag:s4] =	ssyncset.s32 $0xFFFFF086  }
0x25: {  	[simem:s6], [sflag:s4] =	dma.local [hbm:s3], $0xF7A  }
0x26: {  	[smem:$0x3F9F] =	sst s1;
	(tag) =	ssettag s2;
	_ =	strace s9  }
0x27: {  	s1 =	sld [smem:$0x3FAF]  }
0x28: {  	s2 =	sld [smem:$0x3FB0]  }
0x29: {  	s4 =	sld [smem:$0x3FB2]  }
0x2a: {  	p0 =	seq.s32 s5, $0x0;
	s5 =	sld [smem:$0x3FB3]  }
0x2b: {  	s6 =	sld [smem:$0x3FB4]  }
0x2c: {  	s7 =	sld [smem:$0x3FB5]  }
0x2d: {  	s3 =	simm.s32 $0x108;
	s8 =	sld [smem:$0x3FB6]  }
0x2e: {  	s3 =	simm.s32 @!p0 $0x1082;
	s9 =	sld [smem:$0x3FB7]  }
0x2f: {  	lr =	sadd.s32 s0, s3;
	s0 =	sld [smem:$0x3FAE]  }
0x30: {  	s3 =	sld [smem:$0x3FB1]  }
0x31: {  	[smem:$0x3FBA] =	sst s10  }
0x32: {  	s10 =	sld [smem:$0x3FB8];
	_ =	sdelay $0x3  }
0x33: {  	p0 =	seq.s32 s10, $0x1;
	s10 =	sld [smem:$0x3FBA];
	_ =	sdelay $0x3  }
0x34: {  	[smem:$0x3FBA] =	sst s10  }
0x35: {  	s10 =	sld [smem:$0x3FB9];
	_ =	sdelay $0x3  }
0x36: {  	p1 =	seq.s32 s10, $0x1;
	s10 =	sld [smem:$0x3FBA];
	_ =	sdelay $0x3  }
0x37: {  	[smem:$0x3FBA] =	sst s10  }
0x38: {  	s10 =	sld [smem:$0x3FBB]  }
0x39: {  	_ = 	snop;
	(pc) =	sbr.ind lr, $3  }
0x3a: {  	_ = 	snop  }
0x3b: {  	_ = 	snop  }
0x3c: {  	p2 =	seq.s32 s10, $0x1;
	s10 =	sld [smem:$0x3FBA]  }
0x3d: {  	_ =	shalt  }
0x3e: {  	_ =	shalt  }
0x3f: {  	_ =	shalt  }
0x40: {  	_ =	shalt  }
0x41: {  	_ =	shalt  }
0x42: {  	_ =	shalt  }
0x43: {  	_ =	shalt  }
0x44: {  	_ =	shalt  }
0x45: {  	_ =	shalt  }
0x46: {  	_ =	shalt  }
0x47: {  	_ =	shalt  }
0x48: {  	_ =	shalt  }
0x49: {  	_ =	shalt  }
0x4a: {  	_ =	shalt  }
0x4b: {  	_ =	shalt  }
0x4c: {  	_ =	shalt  }
0x4d: {  	_ =	shalt  }
0x4e: {  	_ =	shalt  }
0x4f: {  	_ =	shalt  }
0x50: {  	_ =	shalt  }
0x51: {  	_ =	shalt  }
0x52: {  	_ =	shalt  }
0x53: {  	_ =	shalt  }
0x54: {  	_ =	shalt  }
0x55: {  	_ =	shalt  }
0x56: {  	_ =	shalt  }
0x57: {  	_ =	shalt  }
0x58: {  	_ =	shalt  }
0x59: {  	_ =	shalt  }
0x5a: {  	_ =	shalt  }
0x5b: {  	_ =	shalt  }
0x5c: {  	_ =	shalt  }
0x5d: {  	_ =	shalt  }
0x5e: {  	_ =	shalt  }
0x5f: {  	_ =	shalt  }
0x60: {  	_ =	shalt  }
0x61: {  	_ =	shalt  }
0x62: {  	_ =	shalt  }
0x63: {  	_ =	shalt  }
0x64: {  	_ =	shalt  }
0x65: {  	_ =	shalt  }
0x66: {  	_ =	shalt  }
0x67: {  	_ =	shalt  }
0x68: {  	_ =	shalt  }
0x69: {  	_ =	shalt  }
0x6a: {  	_ =	shalt  }
0x6b: {  	_ =	shalt  }
0x6c: {  	_ =	shalt  }
0x6d: {  	_ =	shalt  }
0x6e: {  	_ =	shalt  }
0x6f: {  	_ =	shalt  }
0x70: {  	_ =	shalt  }
0x71: {  	_ =	shalt  }
0x72: {  	_ =	shalt  }
0x73: {  	_ =	shalt  }
0x74: {  	_ =	shalt  }
0x75: {  	_ =	shalt  }
0x76: {  	_ =	shalt  }
0x77: {  	_ =	shalt  }
0x78: {  	_ =	shalt  }
0x79: {  	_ =	shalt  }
0x7a: {  	_ =	shalt  }
0x7b: {  	_ =	shalt  }
0x7c: {  	_ =	shalt  }
0x7d: {  	_ =	shalt  }
0x7e: {  	_ =	shalt  }
0x7f: {  	_ =	shalt  }
0x80: {  	_ =	shalt  }
0x81: {  	_ =	shalt  }
0x82: {  	_ =	shalt  }
0x83: {  	_ =	shalt  }
0x84: {  	_ =	shalt  }
0x85: {  	_ =	shalt  }
0x86: {  	_ =	shalt  }
0x87: {  	_ =	shalt  }
.Lfunc_end0:
.L_simem_size_0:
called_computation.6_lowered:
.L_overlay_start_0:
0x88: {  	s2 =	sld [smem:$0x3FD9]  }
0x89: {  	s3 =	sld [smem:$0x3FFE];
	_ =	sdelay $0x1  }
0x8a: {  	s1 =	srdreg.scid  }
0x8b: {  	s0 =	sand.u32 $0x1, s1  }
0x8c: {  	s17 =	sshll.u32 s0, $0xA;
	s2 =	sadd.s32 s3, s2  }
0x8d: {  	s2 =	sadd.s32 s2, s17  }
0x8e: {  	[smem:$0x3FC6] =	sst s2  }
0x8f: {  	_ = 	snop  }
0x90: {  	(tm) =	ssettm $0x1  }
0x91: {  	s18 =	sld [smem:$0x3FFB];
	_ =	sdelay $0x3  }
0x92: {  	_ =	strace s18  }
0x93: {  	s2 =	sld [smem:$0x3FFC];
	_ =	sdelay $0x3  }
0x94: {  	_ =	strace s2  }
0x95: {  	s2 =	sld [smem:$0x3FFD];
	_ =	sdelay $0x3  }
0x96: {  	_ =	strace s2  }
0x97: {  	_ =	strace $0x8FFFFFFF  }
0x98: {  	s19 =	sld [smem:$0x3FDB];
	_ =	sdelay $0x1  }
0x99: {  	s20 =	simm.s32 $_scs_section_size  }
0x9a: {  	s4 =	simm.s32 $_size__tile_overlayer_lowered;
	s5 =	simm.s32 $_tile_overlayer_lowered  }
0x9b: {  	s6 =	simm.s32 $0x1BFF;
	s21 =	sshll.u32 s5, $0x1;
	s3 =	sadd.s32 s20, s19  }
0x9c: {  	s22 =	simm.s32 $0x0;
	s4 =	sshll.u32 s4, $0x1;
	s5 =	sadd.s32 s21, s3  }
0x9d: {  	[timem:s22], [sflag:s6] =	dma.local [hbm:s5], s4  }
0x9e: {  	_ =	swait.ge [sflag:s6], s4  }
0x9f: {  	s4 =	ssub.s32 $0x0, s4;
	[sflag:s6] =	ssyncset.done $0x0  }
0xa0: {  	[sflag:s6] =	ssyncadd.s32 s4;
	_ =	sdelay $0x1  }
0xa1: {  	s23 =	simm.s32 $0x1B8B  }
0xa2: {  	_ =	swait.ge [sflag:s23], $0x1  }
0xa3: {  	[sflag:s23] =	ssyncset.done $0x0  }
0xa4: {  	[sflag:s23] =	ssyncadd.s32 $0xFFFFFFFF  }
0xa5: {  	s4 =	sld [smem:$0x0]  }
0xa6: {  	s5 =	sand.u32 $0xFFFFFFFE, s1  }
0xa7: {  	p0 =	sne.s32 s1, s5  }
0xa8: {  	s5 =	sshll.u32 @p0 s5, $0xE  }
0xa9: {  	s5 =	sadd.s32 @p0 $0x11B8D, s5;
	s6 =	sshll.u32 @p0 s4, $0x11  }
0xaa: {  	s5 =	sor.u32 @p0 s6, s5  }
0xab: {  	[sflag:s5] =	ssyncadd.remote.s32 @p0 $0x1;
	_ =	sdelay $0x1  }
0xac: {  	s5 =	simm.s32 @p0 $0x1B8D  }
0xad: {  	_ =	swait.eq @p0 [sflag:s5], $0x1  }
0xae: {  	[sflag:s5] =	ssyncadd.s32 @p0 $0xFFFFFFFF  }
0xaf: {  	s6 =	sshll.u32 @!p0 s1, $0xE  }
0xb0: {  	s6 =	sor.u32 @!p0 $0x4000, s6;
	s5 =	simm.s32 @!p0 $0x1B8D  }
0xb1: {  	s4 =	sshll.u32 @!p0 s4, $0x11;
	s6 =	sadd.s32 @!p0 $0x11B8D, s6;
	_ =	swait.eq @!p0 [sflag:s5], $0x1  }
0xb2: {  	s4 =	sor.u32 @!p0 s4, s6;
	[sflag:s5] =	ssyncadd.s32 @!p0 $0xFFFFFFFF  }
0xb3: {  	s25 =	simm.s32 $0x1B8E;
	s24 =	sld [smem:$0x3FFE];
	[sflag:s4] =	ssyncadd.remote.s32 @!p0 $0x1  }
0xb4: {  	s26 =	simm.s32 $execute0_lowered;
	[smem:$0x3FD2] =	sst s25  }
0xb5: {  	s5 =	sshll.u32 s26, $0x1;
	_ =	strace $0x8000004C;
	[dreg:$0x1] =	wrdreg $0xFFFFFFFF  }
0xb6: {  	s28 =	simm.s32 $_size_execute0_lowered;
	s3 =	sadd.s32 s3, s5;
	[dreg:$0x0] =	wrdreg $0x0  }
0xb7: {  	s5 =	sshll.u32 s28, $0x1;
	[dreg:$0x2] =	wrdreg s3  }
0xb8: {  	[dreg:$0x3] =	wrdreg s5  }
0xb9: {  	[dreg:$0x4] =	wrdreg $0xC0  }
0xba: {  	_ =	task [dreg:s22], $0x5FFFF  }
0xbb: {  	[dreg:$0x1] =	wrdreg $0xFFFFFFFF  }
0xbc: {  	[dreg:$0x0] =	wrdreg $0x60  }
0xbd: {  	[dreg:$0x2] =	wrdreg s24  }
0xbe: {  	[dreg:$0x3] =	wrdreg $0xF  }
0xbf: {  	_ =	task.clear_ibuf [dreg:s22], $0x4FFFF;
	_ =	strace $0x9000004C  }
0xc0: {  	s29 =	simm.s32 $0xF;
	_ =	strace $0x8000004E  }
0xc1: {  	_ =	swait.ge [sflag:s29], $0x1  }
0xc2: {  	[sflag:s29] =	ssyncadd.s32 $0xFFFFFFFF  }
0xc3: {  	_ =	strace $0x9000004E  }
0xc4: {  	_ =	sfence  }
0xc5: {  	s30 =	sld [smem:$0x0];
	_ =	sdelay $0x2  }
0xc6: {  	s31 =	sshll.u32 s1, $0xD;
	s1 =	sshrl.u32 s1, $0x2  }
0xc7: {  	s4 =	sand.u32 $0x4000, s31;
	s1 =	sadd.s32 s1, s30  }
0xc8: {  	s0 =	sor.u32 s4, s0;
	s1 =	sshll.u32 s1, $0x11  }
0xc9: {  	s0 =	sor.u32 s1, s0  }
0xca: {  	s0 =	sadd.s32 $0x8F2B, s0  }
0xcb: {  	[sflag:s0] =	ssyncadd.remote.s32 $0x1  }
0xcc: {  	_ =	sfence.sel $0xFFFF  }
0xcd: {  	[dreg:$0x0] =	wrdreg $0xFFFFFFFF;
	(pc) =	sbr.abs _section_cstart, $3  }
0xce: {  	[dreg:$0x1] =	wrdreg $0xFFFFFFFF  }
0xcf: {  	_ =	task.clear_ibuf [dreg:s22], $0x2FFFF;
	_ =	strace $0x9FFFFFFF  }
0xd0: {  	(tm) =	ssettm $0x7FFFFFFF  }
0xd1: {  	_ =	shalt  }
tec
execute0_lowered:
.L_overlay_start_1:
0x0: {  	(tag) =	ssettag $0x1  }
0x1: {  	s0 =	srdreg.scid;
	s5 =	rddreg [dreg:$0x0]  }
0x2: {  	s1 =	stileid.u32;
	s6 =	simm.s32 $0x1;
	s9 =	simm.s32 $0x1  }
0x3: {  	s10 =	simm.s32 $0x3;
	s13 =	simm.s32 $0x0;
	s2 =	sshll.u32 s0, $0x9  }
0x4: {  	s12 =	simm.s32 $0x0;
	s3 =	sshll.u32 s1, $0xA;
	s2 =	sand.u32 $0x200, s2  }
0x5: {  	s0 =	rddreg [dreg:$0x1];
	_ =	strace $0x8000004D;
	s2 =	sor.u32 s3, s2  }
0x6: {  	s4 =	sadd.s32 $0x6200, s5;
	[sflag:s6] =	ssyncpa.u1 $0x0;
	s8 =	ssub.s32 $0x5000, s2  }
.Ltmp0:
0x7: {  	s3 =	sadd.s32 $0x3A00, s5;
	s7 =	sand.u32 $0x3E00, s8;
	(pc) =	sbr.rel .LBB2_1-.Ltmp0, $4  }
0x8: {  	s5 =	sadd.s32 $0x8000, s5;
	s11 =	smov.u32 s2;
	p0 =	sne.s32 s7, $0x0  }
0x9: {  	s8 =	sshrl.u32 s8, $0xE;
	s7 =	simm.s32 $0x2;
	s9 =	simm.s32 @!p0 $0x0  }
0xa: {  	[sflag:s7] =	ssyncpa.u1 $0x0;
	p0 =	por $0x0, $0x0;
	s8 =	sadd.s32 s9, s8  }
0xb: {  	vm0 =	vmmov $0xffff;
	[sflag:s10] =	ssyncpa.u1 $0x0;
	s10 =	simm.s32 $0x0;
	s9 =	sadd.s32 $0x1, s8  }
.LBB2_4:
0xc: {  	v2 =	vnsel vm1, $0x0, v2  }
0xd: {  	vm1 =	vgt.s32 v0, $0x0;
	v2 =	vmin.u32 v2, $0x4FFF  }
0xe: {  	v0 =	vnsel vm1, $0x0, v0  }
0xf: {  	v0 =	vmin.u32 v0, $0x4FFF  }
0x10: {  	[tilespmem:s15], [sflag:$0x1] =	stream.indirect_vreg.gather [hbm4b:s3+s10], $0x1, v1, vm0, $0x4038;
	[tilespmem:$0x800] =	vst v63  }
0x11: {  	(ifvalue) =	ssetifvalue $0x7FFFFFFF  }
0x12: {  	[tilespmem:s16], [sflag:$0x1] =	stream.indirect_vreg.gather [hbm4b:s3+s10], $0x1, v2, vm0, $0x4038;
	[tilespmem:$0x800] =	vst v63  }
0x13: {  	s29 =	sadd.s32 $0x10, s16;
	(ifvalue) =	ssetifvalue $0x7FFFFFFF  }
0x14: {  	[tilespmem:s29], [sflag:$0x1] =	stream.indirect_vreg.gather [hbm4b:s3+s10], $0x1, v0, vm0, $0x4038;
	[tilespmem:$0x800] =	vst v63  }
0x15: {  	_ =	swait.ge [sflag:s6], $0x200  }
0x16: {  	s30 =	sshrl.u32 s13, $0x3;
	[sflag:s6] =	ssyncset.done $0x0  }
0x17: {  	s31 =	sand.u32 $0x7, s13;
	s15 =	sadd.s32 s5, s30;
	[sflag:s6] =	ssyncadd.s32 $0xFFFFFE00  }
0x18: {  	[hbm4b:s15+s31] =	stream.linear.scatter [tilespmem:s14], [sflag:$0x3], $0x200, $0x38;
	[tilespmem:$0x800] =	vst v63  }
.LBB2_5:
0x19: {  	s15 =	sadd.s32 $0x4000, s11  }
0x1a: {  	p2 =	sgt.s32 s15, $0x4FFF  }
0x1b: {  	s15 =	smov.u32 @p2 s2;
	p2 =	sne.s32 s12, s9  }
.Ltmp1:
0x1c: {  	p1 =	slt.u32 s12, $0x2;
	(pc) =	sbr.rel @!p2 .LBB2_6-.Ltmp1, $4  }
0x1d: {  	s14 =	simm.s32 @!p1 $0x3  }
0x1e: {  	s16 =	sadd.s32 $0x1, s12;
	_ =	swait.ge @!p1 [sflag:s14], $0x200  }
0x1f: {  	s13 =	smov.u32 s11;
	p0 =	por !p0, !p0;
	[sflag:s14] =	ssyncset.done @!p1 $0x0  }
0x20: {  	s12 =	smov.u32 s16;
	s11 =	smov.u32 s15;
	[sflag:s14] =	ssyncadd.s32 @!p1 $0xFFFFFE00  }
.LBB2_1:
0x21: {  	p1 =	sge.u32 s12, s8  }
0x22: {  	s14 =	sxor.u32 @!p1 $0xFFFFFFFF, s12  }
0x23: {  	s31 =	sadd.s32 $0xFFFFFFFF, s12;
	s15 =	sshrl.u32 @!p1 s11, $0x3;
	s14 =	sshll.u32 @!p1 s14, $0x9  }
0x24: {  	s16 =	sand.u32 @!p1 $0x7, s11;
	s15 =	sadd.s32 @!p1 s4, s15;
	s14 =	sand.u32 @!p1 $0x200, s14  }
0x25: {  	[tilespmem:s14], [sflag:$0x2] =	stream.linear.gather @!p1 [hbm4b:s15+s16], $0x200, $0x38;
	[tilespmem:$0x800] =	vst v63  }
0x26: {  	p1 =	sge.u32 s31, s8  }
.Ltmp2:
0x27: {  	_ = 	snop;
	(pc) =	sbr.rel @p1 .LBB2_5-.Ltmp2, $1  }
0x28: {  	_ =	sdelay $0x3  }
0x29: {  	s14 =	simm.s32 $0x1  }
0x2a: {  	_ =	swait.ge [sflag:s7], $0x200;
	s14 =	simm.s32 @!p0 $0x0  }
0x2b: {  	[sflag:s7] =	ssyncset.done $0x0;
	s14 =	sshll.u32 s14, $0x9  }
0x2c: {  	[sflag:s7] =	ssyncadd.s32 $0xFFFFFE00;
	(ifvalue) =	ssetifvalue $0x7FFFFFFF;
	v0 =	vld.msk [tilespmem:s14+$0x0 ss:$0x1], $0xffff;
	_ =	sdelay $0x4  }
0x2d: {  	s15 =	sadd.s32 $0x10, s14;
	vm1 =	vgt.s32 v0, $0x0  }
0x2e: {  	v2 =	vld.msk [tilespmem:s15+$0x0 ss:$0x1], $0xffff;
	v1 =	vnsel vm1, $0x0, v0  }
0x2f: {  	v1 =	vmin.u32 v1, $0x4FFF;
	_ =	sdelay $0x1  }
0x30: {  	s16 =	sshll.u32 s12, $0x9;
	s18 =	simm.s32 $0x20  }
0x31: {  	s16 =	sand.u32 $0x200, s16;
	s17 =	sadd.s32 $0x10, s15;
	s15 =	sor.u32 $0x400, s14  }
0x32: {  	s14 =	sor.u32 $0x400, s16;
	s16 =	sadd.s32 $0x10, s15;
	v0 =	vld.msk [tilespmem:s17+$0x0 ss:$0x1], $0xffff;
	vm1 =	vgt.s32 v2, $0x0;
	(ifvalue) =	ssetifvalue $0x7FFFFFFF  }
.LBB2_3:
0x33: {  	[tilespmem:s15], [sflag:$0x1] =	stream.indirect_vreg.gather [hbm4b:s3+s10], $0x1, v1, vm0, $0x4038;
	[tilespmem:$0x800] =	vst v63  }
0x34: {  	s18 =	sadd.s32 $0x10, s18  }
0x35: {  	v2 =	vnsel vm1, $0x0, v2;
	p1 =	slt.u32 s18, $0x1F0  }
.Ltmp3:
0x36: {  	s15 =	smov.u32 s16;
	v1 =	vmin.u32 v2, $0x4FFF;
	(pc) =	sbr.rel @p1 .LBB2_3-.Ltmp3, $3  }
0x37: {  	_ =	sdelay $0x1  }
0x38: {  	s17 =	sadd.s32 $0x10, s17  }
0x39: {  	vm1 =	vgt.s32 v0, $0x0;
	s16 =	sadd.s32 $0x10, s16;
	v2 =	vmov v0;
	(ifvalue) =	ssetifvalue $0x7FFFFFFF;
	v0 =	vld.msk [tilespmem:s17+$0x0 ss:$0x1], $0xffff  }
.Ltmp4:
0x3a: {  	_ = 	snop;
	(pc) =	sbr.rel .LBB2_4-.Ltmp4, $1  }
0x3b: {  	_ =	sdelay $0x3  }
.LBB2_6:
0x3c: {  	_ =	sfence.sel $0x180000  }
0x3d: {  	s2 =	simm.s32 $0x2;
	[bflag:$0x0] =	sbarrier.arrive $0xFFFF  }
0x3e: {  	s30 =	simm.s32 $0x3;
	[sflag:s2] =	ssyncpa.u1 $0x1  }
0x3f: {  	s31 =	simm.s32 $0x1;
	[sflag:s30] =	ssyncpa.u1 $0x1  }
0x40: {  	[sflag:s31] =	ssyncpa.u1 $0x1  }
0x41: {  	p0 =	sne.s32 s1, $0x0;
	_ =	strace $0x9000004D  }
0x42: {  	s0 =	sadd.s32 @!p0 $0x100000, s0;
	[bflag:$0x2] =	sbarrier.arrive $0xFFFF  }
0x43: {  	[sflag:s0] =	ssyncadd.tile.s32 @!p0 $0x1;
	_ =	shalt  }
.Lfunc_end2:
_tile_overlayer_lowered:
.L_overlay_start_2:
0x44: {  	(tag) =	ssettag $0x2  }
0x45: {  	s0 =	rddreg [dreg:$0x0];
	s2 =	stileid.u32  }
0x46: {  	s1 =	rddreg [dreg:$0x1];
	p0 =	sne.s32 s2, $0x0  }
0x47: {  	s3 =	rddreg [dreg:$0x2];
	[bflag:$0x3] =	sbarrier.arrive $0xFFFF;
	s2 =	simm.s32 @!p0 $0x1C01  }
0x48: {  	[timem:s3], [sflag:s2] =	dma.local @!p0 [hbm:s0], s1  }
0x49: {  	s0 =	simm.s32 @!p0 $0x1  }
0x4a: {  	_ =	swait.ge @!p0 [sflag:s0], s1  }
0x4b: {  	s1 =	ssub.s32 @!p0 $0x0, s1;
	[sflag:s0] =	ssyncset.done @!p0 $0x0  }
0x4c: {  	[sflag:s0] =	ssyncadd.s32 @!p0 s1  }
0x4d: {  	[bflag:$0x3] =	sbarrier.arrive $0xFFFF  }
0x4e: {  	_ =	shalt  }

// kernel: gather_offload_async_start.6
scs
__scs_entry_jumppad:
0x0: {  	(pc) =	sbr.rel $0x88, $3  }
0x1: {  	(tag) =	ssettag $0x0;
	lr =	simm.s32 $0x1  }
0x2: {  	[smem:$0x3F9F] =	sst lr;
	_ =	strace $0xD0000000  }
0x3: {  	_ = 	snop  }
0x4: {  	_ = 	snop  }
0x5: {  	_ = 	snop  }
0x6: {  	_ = 	snop  }
0x7: {  	_ = 	snop  }
__scs_overlays_trampoline_lowered:
0x8: {  	[smem:$0x3FAE] =	sst s0  }
0x9: {  	[smem:$0x3FAF] =	sst s1  }
0xa: {  	[smem:$0x3FB0] =	sst s2  }
0xb: {  	[smem:$0x3FB1] =	sst s3  }
0xc: {  	[smem:$0x3FB2] =	sst s4  }
0xd: {  	[smem:$0x3FB3] =	sst s5  }
0xe: {  	[smem:$0x3FB4] =	sst s6  }
0xf: {  	[smem:$0x3FB5] =	sst s7  }
0x10: {  	[smem:$0x3FB6] =	sst s8  }
0x11: {  	[smem:$0x3FB7] =	sst s9;
	s0 =	simm.s32 @!p0 $0x0  }
0x12: {  	s1 =	sld [smem:$0x3F9D];
	s0 =	simm.s32 @p0 $0x1  }
0x13: {  	[smem:$0x3FB8] =	sst s0;
	s0 =	simm.s32 @!p1 $0x0  }
0x14: {  	s2 =	sld [smem:$0x3F9C];
	s0 =	simm.s32 @p1 $0x1  }
0x15: {  	[smem:$0x3FB9] =	sst s0;
	s0 =	simm.s32 @!p2 $0x0  }
0x16: {  	s3 =	sld [smem:$0x3FDB];
	s0 =	simm.s32 @p2 $0x1  }
0x17: {  	s4 =	simm.s32 $0x1BF5;
	[smem:$0x3FBB] =	sst s0  }
0x18: {  	s0 =	sld [smem:$0x3F9E];
	_ =	swait.ge [sflag:s4], $0x0  }
0x19: {  	s7 =	sld [smem:$0x3F9F]  }
0x1a: {  	s8 =	sadd.s32 $0xFFFFE003, lr  }
0x1b: {  	s9 =	sadd.s32 $0xFFFFFEF7, lr;
	s5 =	simm.s32 $0xFFFFFFFF;
	p2 =	slt.u32 s8, $0xFFFFF086  }
0x1c: {  	p1 =	slt.u32 s9, $0xF7A;
	s5 =	simm.s32 @!p2 $0x0  }
0x1d: {  	s5 =	simm.s32 @p1 $0x1;
	p0 =	seq.s32 s7, s2  }
0x1e: {  	s7 =	smul.u32 @!p0 $0xF7A, s2;
	p2 =	seq.s32 @!p0 s5, $0x0  }
0x1f: {  	s9 =	smul.u32 $0xF7A, s1;
	s8 =	simm.s32 @!p0 $0x1BF5;
	p2 =	por !p2, p0  }
0x20: {  	[sflag:s8] =	ssyncset.s32 @!p0 $0xFFFFF086;
	s6 =	sadd.s32 @!p0 s3, s7;
	s7 =	simm.s32 @!p0 $0x108  }
0x21: {  	s3 =	sadd.s32 s3, s9;
	s6 =	sadd.s32 @!p0 $0x88, s6;
	s7 =	simm.s32 @p2 $0x1082  }
0x22: {  	[simem:s7], [sflag:s8] =	dma.local @!p0 [hbm:s6], $0xF7A  }
0x23: {  	s9 =	sor.u32 $0xD0000000, s2;
	s6 =	simm.s32 $0x108;
	_ =	swait.ge @!p0 [sflag:s8], $0x0  }
0x24: {  	s3 =	sadd.s32 $0x88, s3;
	s6 =	simm.s32 @!p1 $0x1082;
	[sflag:s4] =	ssyncset.s32 $0xFFFFF086  }
0x25: {  	[simem:s6], [sflag:s4] =	dma.local [hbm:s3], $0xF7A  }
0x26: {  	[smem:$0x3F9F] =	sst s1;
	(tag) =	ssettag s2;
	_ =	strace s9  }
0x27: {  	s1 =	sld [smem:$0x3FAF]  }
0x28: {  	s2 =	sld [smem:$0x3FB0]  }
0x29: {  	s4 =	sld [smem:$0x3FB2]  }
0x2a: {  	p0 =	seq.s32 s5, $0x0;
	s5 =	sld [smem:$0x3FB3]  }
0x2b: {  	s6 =	sld [smem:$0x3FB4]  }
0x2c: {  	s7 =	sld [smem:$0x3FB5]  }
0x2d: {  	s3 =	simm.s32 $0x108;
	s8 =	sld [smem:$0x3FB6]  }
0x2e: {  	s3 =	simm.s32 @!p0 $0x1082;
	s9 =	sld [smem:$0x3FB7]  }
0x2f: {  	lr =	sadd.s32 s0, s3;
	s0 =	sld [smem:$0x3FAE]  }
0x30: {  	s3 =	sld [smem:$0x3FB1]  }
0x31: {  	[smem:$0x3FBA] =	sst s10  }
0x32: {  	s10 =	sld [smem:$0x3FB8];
	_ =	sdelay $0x3  }
0x33: {  	p0 =	seq.s32 s10, $0x1;
	s10 =	sld [smem:$0x3FBA];
	_ =	sdelay $0x3  }
0x34: {  	[smem:$0x3FBA] =	sst s10  }
0x35: {  	s10 =	sld [smem:$0x3FB9];
	_ =	sdelay $0x3  }
0x36: {  	p1 =	seq.s32 s10, $0x1;
	s10 =	sld [smem:$0x3FBA];
	_ =	sdelay $0x3  }
0x37: {  	[smem:$0x3FBA] =	sst s10  }
0x38: {  	s10 =	sld [smem:$0x3FBB]  }
0x39: {  	_ = 	snop;
	(pc) =	sbr.ind lr, $3  }
0x3a: {  	_ = 	snop  }
0x3b: {  	_ = 	snop  }
0x3c: {  	p2 =	seq.s32 s10, $0x1;
	s10 =	sld [smem:$0x3FBA]  }
0x3d: {  	_ =	shalt  }
0x3e: {  	_ =	shalt  }
0x3f: {  	_ =	shalt  }
0x40: {  	_ =	shalt  }
0x41: {  	_ =	shalt  }
0x42: {  	_ =	shalt  }
0x43: {  	_ =	shalt  }
0x44: {  	_ =	shalt  }
0x45: {  	_ =	shalt  }
0x46: {  	_ =	shalt  }
0x47: {  	_ =	shalt  }
0x48: {  	_ =	shalt  }
0x49: {  	_ =	shalt  }
0x4a: {  	_ =	shalt  }
0x4b: {  	_ =	shalt  }
0x4c: {  	_ =	shalt  }
0x4d: {  	_ =	shalt  }
0x4e: {  	_ =	shalt  }
0x4f: {  	_ =	shalt  }
0x50: {  	_ =	shalt  }
0x51: {  	_ =	shalt  }
0x52: {  	_ =	shalt  }
0x53: {  	_ =	shalt  }
0x54: {  	_ =	shalt  }
0x55: {  	_ =	shalt  }
0x56: {  	_ =	shalt  }
0x57: {  	_ =	shalt  }
0x58: {  	_ =	shalt  }
0x59: {  	_ =	shalt  }
0x5a: {  	_ =	shalt  }
0x5b: {  	_ =	shalt  }
0x5c: {  	_ =	shalt  }
0x5d: {  	_ =	shalt  }
0x5e: {  	_ =	shalt  }
0x5f: {  	_ =	shalt  }
0x60: {  	_ =	shalt  }
0x61: {  	_ =	shalt  }
0x62: {  	_ =	shalt  }
0x63: {  	_ =	shalt  }
0x64: {  	_ =	shalt  }
0x65: {  	_ =	shalt  }
0x66: {  	_ =	shalt  }
0x67: {  	_ =	shalt  }
0x68: {  	_ =	shalt  }
0x69: {  	_ =	shalt  }
0x6a: {  	_ =	shalt  }
0x6b: {  	_ =	shalt  }
0x6c: {  	_ =	shalt  }
0x6d: {  	_ =	shalt  }
0x6e: {  	_ =	shalt  }
0x6f: {  	_ =	shalt  }
0x70: {  	_ =	shalt  }
0x71: {  	_ =	shalt  }
0x72: {  	_ =	shalt  }
0x73: {  	_ =	shalt  }
0x74: {  	_ =	shalt  }
0x75: {  	_ =	shalt  }
0x76: {  	_ =	shalt  }
0x77: {  	_ =	shalt  }
0x78: {  	_ =	shalt  }
0x79: {  	_ =	shalt  }
0x7a: {  	_ =	shalt  }
0x7b: {  	_ =	shalt  }
0x7c: {  	_ =	shalt  }
0x7d: {  	_ =	shalt  }
0x7e: {  	_ =	shalt  }
0x7f: {  	_ =	shalt  }
0x80: {  	_ =	shalt  }
0x81: {  	_ =	shalt  }
0x82: {  	_ =	shalt  }
0x83: {  	_ =	shalt  }
0x84: {  	_ =	shalt  }
0x85: {  	_ =	shalt  }
0x86: {  	_ =	shalt  }
0x87: {  	_ =	shalt  }
.Lfunc_end0:
.L_simem_size_0:
called_computation.7_lowered:
.L_overlay_start_0:
0x88: {  	s2 =	sld [smem:$0x3FD9]  }
0x89: {  	s3 =	sld [smem:$0x3FFE];
	_ =	sdelay $0x1  }
0x8a: {  	s1 =	srdreg.scid  }
0x8b: {  	s0 =	sand.u32 $0x1, s1  }
0x8c: {  	s16 =	sshll.u32 s0, $0xA;
	s2 =	sadd.s32 s3, s2  }
0x8d: {  	s2 =	sadd.s32 s2, s16  }
0x8e: {  	[smem:$0x3FC6] =	sst s2  }
0x8f: {  	_ = 	snop  }
0x90: {  	(tm) =	ssettm $0x1  }
0x91: {  	s17 =	sld [smem:$0x3FFB];
	_ =	sdelay $0x3  }
0x92: {  	_ =	strace s17  }
0x93: {  	s2 =	sld [smem:$0x3FFC];
	_ =	sdelay $0x3  }
0x94: {  	_ =	strace s2  }
0x95: {  	s2 =	sld [smem:$0x3FFD];
	_ =	sdelay $0x3  }
0x96: {  	_ =	strace s2  }
0x97: {  	_ =	strace $0x8FFFFFFF  }
0x98: {  	s18 =	sld [smem:$0x3FDB];
	_ =	sdelay $0x1  }
0x99: {  	s19 =	simm.s32 $_scs_section_size  }
0x9a: {  	s4 =	simm.s32 $_size__tile_overlayer_lowered;
	s5 =	simm.s32 $_tile_overlayer_lowered  }
0x9b: {  	s22 =	simm.s32 $0x1BFF;
	s21 =	sshll.u32 s5, $0x1;
	s2 =	sadd.s32 s19, s18  }
0x9c: {  	s6 =	simm.s32 $0x0;
	s20 =	sshll.u32 s4, $0x1;
	s4 =	sadd.s32 s21, s2  }
0x9d: {  	[timem:s6], [sflag:s22] =	dma.local [hbm:s4], s20  }
0x9e: {  	_ =	swait.ge [sflag:s22], s20  }
0x9f: {  	s3 =	ssub.s32 $0x0, s20;
	[sflag:s22] =	ssyncset.done $0x0  }
0xa0: {  	[sflag:s22] =	ssyncadd.s32 s3;
	_ =	sdelay $0x1  }
0xa1: {  	s23 =	simm.s32 $0x1B8B  }
0xa2: {  	_ =	swait.ge [sflag:s23], $0x1  }
0xa3: {  	[sflag:s23] =	ssyncset.done $0x0  }
0xa4: {  	s25 =	simm.s32 $0x1B8E;
	s24 =	sld [smem:$0x3FFE];
	[sflag:s23] =	ssyncadd.s32 $0xFFFFFFFF  }
0xa5: {  	s26 =	simm.s32 $execute0_lowered;
	[smem:$0x3FD2] =	sst s25  }
0xa6: {  	s4 =	sshll.u32 s26, $0x1;
	_ =	strace $0x80000049;
	[dreg:$0x1] =	wrdreg $0xFFFFFFFF  }
0xa7: {  	s28 =	simm.s32 $_size_execute0_lowered;
	s2 =	sadd.s32 s2, s4;
	[dreg:$0x0] =	wrdreg $0x0  }
0xa8: {  	s4 =	sshll.u32 s28, $0x1;
	[dreg:$0x2] =	wrdreg s2  }
0xa9: {  	[dreg:$0x3] =	wrdreg s4  }
0xaa: {  	[dreg:$0x4] =	wrdreg $0xC0  }
0xab: {  	_ =	task [dreg:s6], $0x5FFFF  }
0xac: {  	[dreg:$0x1] =	wrdreg $0xFFFFFFFF  }
0xad: {  	[dreg:$0x0] =	wrdreg $0x60  }
0xae: {  	[dreg:$0x2] =	wrdreg s24  }
0xaf: {  	[dreg:$0x3] =	wrdreg $0x10  }
0xb0: {  	_ =	task.clear_ibuf [dreg:s6], $0x4FFFF;
	_ =	strace $0x90000049  }
0xb1: {  	s29 =	simm.s32 $0x10;
	_ =	strace $0x8000004B  }
0xb2: {  	_ =	swait.ge [sflag:s29], $0x1  }
0xb3: {  	[sflag:s29] =	ssyncadd.s32 $0xFFFFFFFF  }
0xb4: {  	_ =	strace $0x9000004B  }
0xb5: {  	_ =	sfence  }
0xb6: {  	s30 =	sld [smem:$0x0];
	_ =	sdelay $0x2  }
0xb7: {  	s31 =	sshll.u32 s1, $0xD;
	s1 =	sshrl.u32 s1, $0x2  }
0xb8: {  	s3 =	sand.u32 $0x4000, s31;
	s1 =	sadd.s32 s1, s30  }
0xb9: {  	s0 =	sor.u32 s3, s0;
	s1 =	sshll.u32 s1, $0x11  }
0xba: {  	s0 =	sor.u32 s1, s0  }
0xbb: {  	s0 =	sadd.s32 $0x8F2B, s0  }
0xbc: {  	[sflag:s0] =	ssyncadd.remote.s32 $0x1  }
0xbd: {  	_ =	sfence.sel $0xFFFF  }
0xbe: {  	[dreg:$0x0] =	wrdreg $0xFFFFFFFF;
	(pc) =	sbr.abs _section_cstart, $3  }
0xbf: {  	[dreg:$0x1] =	wrdreg $0xFFFFFFFF  }
0xc0: {  	_ =	task.clear_ibuf [dreg:s6], $0x2FFFF;
	_ =	strace $0x9FFFFFFF  }
0xc1: {  	(tm) =	ssettm $0x7FFFFFFF  }
tec
execute0_lowered:
.L_overlay_start_1:
0x0: {  	(tag) =	ssettag $0x1  }
0x1: {  	s0 =	srdreg.scid;
	s5 =	rddreg [dreg:$0x0]  }
0x2: {  	s1 =	stileid.u32;
	s6 =	simm.s32 $0x1;
	s9 =	simm.s32 $0x1  }
0x3: {  	s10 =	simm.s32 $0x3;
	s13 =	simm.s32 $0x0;
	s2 =	sshll.u32 s0, $0x9  }
0x4: {  	s12 =	simm.s32 $0x0;
	s3 =	sshll.u32 s1, $0xA;
	s2 =	sand.u32 $0x200, s2  }
0x5: {  	s0 =	rddreg [dreg:$0x1];
	_ =	strace $0x8000004A;
	s2 =	sor.u32 s3, s2  }
0x6: {  	s4 =	sadd.s32 $0x6200, s5;
	[sflag:s6] =	ssyncpa.u1 $0x0;
	s8 =	ssub.s32 $0x5000, s2  }
.Ltmp0:
0x7: {  	s3 =	sadd.s32 $0x3000, s5;
	s7 =	sand.u32 $0x3E00, s8;
	(pc) =	sbr.rel .LBB2_1-.Ltmp0, $4  }
0x8: {  	s5 =	sadd.s32 $0x7600, s5;
	s11 =	smov.u32 s2;
	p0 =	sne.s32 s7, $0x0  }
0x9: {  	s8 =	sshrl.u32 s8, $0xE;
	s7 =	simm.s32 $0x2;
	s9 =	simm.s32 @!p0 $0x0  }
0xa: {  	[sflag:s7] =	ssyncpa.u1 $0x0;
	p0 =	por $0x0, $0x0;
	s8 =	sadd.s32 s9, s8  }
0xb: {  	vm0 =	vmmov $0xffff;
	[sflag:s10] =	ssyncpa.u1 $0x0;
	s10 =	simm.s32 $0x0;
	s9 =	sadd.s32 $0x1, s8  }
.LBB2_4:
0xc: {  	v2 =	vnsel vm1, $0x0, v2  }
0xd: {  	vm1 =	vgt.s32 v0, $0x0;
	v2 =	vmin.u32 v2, $0x4FFF  }
0xe: {  	v0 =	vnsel vm1, $0x0, v0  }
0xf: {  	v0 =	vmin.u32 v0, $0x4FFF  }
0x10: {  	[tilespmem:s15], [sflag:$0x1] =	stream.indirect_vreg.gather [hbm4b:s3+s10], $0x1, v1, vm0, $0x4038;
	[tilespmem:$0x800] =	vst v63  }
0x11: {  	(ifvalue) =	ssetifvalue $0x7FFFFFFF  }
0x12: {  	[tilespmem:s16], [sflag:$0x1] =	stream.indirect_vreg.gather [hbm4b:s3+s10], $0x1, v2, vm0, $0x4038;
	[tilespmem:$0x800] =	vst v63  }
0x13: {  	s29 =	sadd.s32 $0x10, s16;
	(ifvalue) =	ssetifvalue $0x7FFFFFFF  }
0x14: {  	[tilespmem:s29], [sflag:$0x1] =	stream.indirect_vreg.gather [hbm4b:s3+s10], $0x1, v0, vm0, $0x4038;
	[tilespmem:$0x800] =	vst v63  }
0x15: {  	_ =	swait.ge [sflag:s6], $0x200  }
0x16: {  	s30 =	sshrl.u32 s13, $0x3;
	[sflag:s6] =	ssyncset.done $0x0  }
0x17: {  	s31 =	sand.u32 $0x7, s13;
	s15 =	sadd.s32 s5, s30;
	[sflag:s6] =	ssyncadd.s32 $0xFFFFFE00  }
0x18: {  	[hbm4b:s15+s31] =	stream.linear.scatter [tilespmem:s14], [sflag:$0x3], $0x200, $0x38;
	[tilespmem:$0x800] =	vst v63  }
.LBB2_5:
0x19: {  	s15 =	sadd.s32 $0x4000, s11  }
0x1a: {  	p2 =	sgt.s32 s15, $0x4FFF  }
0x1b: {  	s15 =	smov.u32 @p2 s2;
	p2 =	sne.s32 s12, s9  }
.Ltmp1:
0x1c: {  	p1 =	slt.u32 s12, $0x2;
	(pc) =	sbr.rel @!p2 .LBB2_6-.Ltmp1, $4  }
0x1d: {  	s14 =	simm.s32 @!p1 $0x3  }
0x1e: {  	s16 =	sadd.s32 $0x1, s12;
	_ =	swait.ge @!p1 [sflag:s14], $0x200  }
0x1f: {  	s13 =	smov.u32 s11;
	p0 =	por !p0, !p0;
	[sflag:s14] =	ssyncset.done @!p1 $0x0  }
0x20: {  	s12 =	smov.u32 s16;
	s11 =	smov.u32 s15;
	[sflag:s14] =	ssyncadd.s32 @!p1 $0xFFFFFE00  }
.LBB2_1:
0x21: {  	p1 =	sge.u32 s12, s8  }
0x22: {  	s14 =	sxor.u32 @!p1 $0xFFFFFFFF, s12  }
0x23: {  	s31 =	sadd.s32 $0xFFFFFFFF, s12;
	s15 =	sshrl.u32 @!p1 s11, $0x3;
	s14 =	sshll.u32 @!p1 s14, $0x9  }
0x24: {  	s16 =	sand.u32 @!p1 $0x7, s11;
	s15 =	sadd.s32 @!p1 s4, s15;
	s14 =	sand.u32 @!p1 $0x200, s14  }
0x25: {  	[tilespmem:s14], [sflag:$0x2] =	stream.linear.gather @!p1 [hbm4b:s15+s16], $0x200, $0x38;
	[tilespmem:$0x800] =	vst v63  }
0x26: {  	p1 =	sge.u32 s31, s8  }
.Ltmp2:
0x27: {  	_ = 	snop;
	(pc) =	sbr.rel @p1 .LBB2_5-.Ltmp2, $1  }
0x28: {  	_ =	sdelay $0x3  }
0x29: {  	s14 =	simm.s32 $0x1  }
0x2a: {  	_ =	swait.ge [sflag:s7], $0x200;
	s14 =	simm.s32 @!p0 $0x0  }
0x2b: {  	[sflag:s7] =	ssyncset.done $0x0;
	s14 =	sshll.u32 s14, $0x9  }
0x2c: {  	[sflag:s7] =	ssyncadd.s32 $0xFFFFFE00;
	(ifvalue) =	ssetifvalue $0x7FFFFFFF;
	v0 =	vld.msk [tilespmem:s14+$0x0 ss:$0x1], $0xffff;
	_ =	sdelay $0x4  }
0x2d: {  	s15 =	sadd.s32 $0x10, s14;
	vm1 =	vgt.s32 v0, $0x0  }
0x2e: {  	v2 =	vld.msk [tilespmem:s15+$0x0 ss:$0x1], $0xffff;
	v1 =	vnsel vm1, $0x0, v0  }
0x2f: {  	v1 =	vmin.u32 v1, $0x4FFF;
	_ =	sdelay $0x1  }
0x30: {  	s16 =	sshll.u32 s12, $0x9;
	s18 =	simm.s32 $0x20  }
0x31: {  	s16 =	sand.u32 $0x200, s16;
	s17 =	sadd.s32 $0x10, s15;
	s15 =	sor.u32 $0x400, s14  }
0x32: {  	s14 =	sor.u32 $0x400, s16;
	s16 =	sadd.s32 $0x10, s15;
	v0 =	vld.msk [tilespmem:s17+$0x0 ss:$0x1], $0xffff;
	vm1 =	vgt.s32 v2, $0x0;
	(ifvalue) =	ssetifvalue $0x7FFFFFFF  }
.LBB2_3:
0x33: {  	[tilespmem:s15], [sflag:$0x1] =	stream.indirect_vreg.gather [hbm4b:s3+s10], $0x1, v1, vm0, $0x4038;
	[tilespmem:$0x800] =	vst v63  }
0x34: {  	s18 =	sadd.s32 $0x10, s18  }
0x35: {  	v2 =	vnsel vm1, $0x0, v2;
	p1 =	slt.u32 s18, $0x1F0  }
.Ltmp3:
0x36: {  	s15 =	smov.u32 s16;
	v1 =	vmin.u32 v2, $0x4FFF;
	(pc) =	sbr.rel @p1 .LBB2_3-.Ltmp3, $3  }
0x37: {  	_ =	sdelay $0x1  }
0x38: {  	s17 =	sadd.s32 $0x10, s17  }
0x39: {  	vm1 =	vgt.s32 v0, $0x0;
	s16 =	sadd.s32 $0x10, s16;
	v2 =	vmov v0;
	(ifvalue) =	ssetifvalue $0x7FFFFFFF;
	v0 =	vld.msk [tilespmem:s17+$0x0 ss:$0x1], $0xffff  }
.Ltmp4:
0x3a: {  	_ = 	snop;
	(pc) =	sbr.rel .LBB2_4-.Ltmp4, $1  }
0x3b: {  	_ =	sdelay $0x3  }
.LBB2_6:
0x3c: {  	_ =	sfence.sel $0x180000  }
0x3d: {  	s2 =	simm.s32 $0x2;
	[bflag:$0x0] =	sbarrier.arrive $0xFFFF  }
0x3e: {  	s30 =	simm.s32 $0x3;
	[sflag:s2] =	ssyncpa.u1 $0x1  }
0x3f: {  	s31 =	simm.s32 $0x1;
	[sflag:s30] =	ssyncpa.u1 $0x1  }
0x40: {  	[sflag:s31] =	ssyncpa.u1 $0x1  }
0x41: {  	p0 =	sne.s32 s1, $0x0;
	_ =	strace $0x9000004A  }
0x42: {  	s0 =	sadd.s32 @!p0 $0x100000, s0;
	[bflag:$0x2] =	sbarrier.arrive $0xFFFF  }
0x43: {  	[sflag:s0] =	ssyncadd.tile.s32 @!p0 $0x1;
	_ =	shalt  }
.Lfunc_end2:
_tile_overlayer_lowered:
.L_overlay_start_2:
0x44: {  	(tag) =	ssettag $0x2  }
0x45: {  	s0 =	rddreg [dreg:$0x0];
	s2 =	stileid.u32  }
0x46: {  	s1 =	rddreg [dreg:$0x1];
	p0 =	sne.s32 s2, $0x0  }
0x47: {  	s3 =	rddreg [dreg:$0x2];
	[bflag:$0x3] =	sbarrier.arrive $0xFFFF;
	s2 =	simm.s32 @!p0 $0x1C01  }
0x48: {  	[timem:s3], [sflag:s2] =	dma.local @!p0 [hbm:s0], s1  }
0x49: {  	s0 =	simm.s32 @!p0 $0x1  }
0x4a: {  	_ =	swait.ge @!p0 [sflag:s0], s1  }
0x4b: {  	s1 =	ssub.s32 @!p0 $0x0, s1;
	[sflag:s0] =	ssyncset.done @!p0 $0x0  }
0x4c: {  	[sflag:s0] =	ssyncadd.s32 @!p0 s1  }
0x4d: {  	[bflag:$0x3] =	sbarrier.arrive $0xFFFF  }
0x4e: {  	_ =	shalt  }

// kernel: gather_offload_async_start.7
scs
__scs_entry_jumppad:
0x0: {  	(pc) =	sbr.rel $0x88, $3  }
0x1: {  	(tag) =	ssettag $0x0;
	lr =	simm.s32 $0x1  }
0x2: {  	[smem:$0x3F9F] =	sst lr;
	_ =	strace $0xD0000000  }
0x3: {  	_ = 	snop  }
0x4: {  	_ = 	snop  }
0x5: {  	_ = 	snop  }
0x6: {  	_ = 	snop  }
0x7: {  	_ = 	snop  }
__scs_overlays_trampoline_lowered:
0x8: {  	[smem:$0x3FAE] =	sst s0  }
0x9: {  	[smem:$0x3FAF] =	sst s1  }
0xa: {  	[smem:$0x3FB0] =	sst s2  }
0xb: {  	[smem:$0x3FB1] =	sst s3  }
0xc: {  	[smem:$0x3FB2] =	sst s4  }
0xd: {  	[smem:$0x3FB3] =	sst s5  }
0xe: {  	[smem:$0x3FB4] =	sst s6  }
0xf: {  	[smem:$0x3FB5] =	sst s7  }
0x10: {  	[smem:$0x3FB6] =	sst s8  }
0x11: {  	[smem:$0x3FB7] =	sst s9;
	s0 =	simm.s32 @!p0 $0x0  }
0x12: {  	s1 =	sld [smem:$0x3F9D];
	s0 =	simm.s32 @p0 $0x1  }
0x13: {  	[smem:$0x3FB8] =	sst s0;
	s0 =	simm.s32 @!p1 $0x0  }
0x14: {  	s2 =	sld [smem:$0x3F9C];
	s0 =	simm.s32 @p1 $0x1  }
0x15: {  	[smem:$0x3FB9] =	sst s0;
	s0 =	simm.s32 @!p2 $0x0  }
0x16: {  	s3 =	sld [smem:$0x3FDB];
	s0 =	simm.s32 @p2 $0x1  }
0x17: {  	s4 =	simm.s32 $0x1BF5;
	[smem:$0x3FBB] =	sst s0  }
0x18: {  	s0 =	sld [smem:$0x3F9E];
	_ =	swait.ge [sflag:s4], $0x0  }
0x19: {  	s7 =	sld [smem:$0x3F9F]  }
0x1a: {  	s8 =	sadd.s32 $0xFFFFE003, lr  }
0x1b: {  	s9 =	sadd.s32 $0xFFFFFEF7, lr;
	s5 =	simm.s32 $0xFFFFFFFF;
	p2 =	slt.u32 s8, $0xFFFFF086  }
0x1c: {  	p1 =	slt.u32 s9, $0xF7A;
	s5 =	simm.s32 @!p2 $0x0  }
0x1d: {  	s5 =	simm.s32 @p1 $0x1;
	p0 =	seq.s32 s7, s2  }
0x1e: {  	s7 =	smul.u32 @!p0 $0xF7A, s2;
	p2 =	seq.s32 @!p0 s5, $0x0  }
0x1f: {  	s9 =	smul.u32 $0xF7A, s1;
	s8 =	simm.s32 @!p0 $0x1BF5;
	p2 =	por !p2, p0  }
0x20: {  	[sflag:s8] =	ssyncset.s32 @!p0 $0xFFFFF086;
	s6 =	sadd.s32 @!p0 s3, s7;
	s7 =	simm.s32 @!p0 $0x108  }
0x21: {  	s3 =	sadd.s32 s3, s9;
	s6 =	sadd.s32 @!p0 $0x88, s6;
	s7 =	simm.s32 @p2 $0x1082  }
0x22: {  	[simem:s7], [sflag:s8] =	dma.local @!p0 [hbm:s6], $0xF7A  }
0x23: {  	s9 =	sor.u32 $0xD0000000, s2;
	s6 =	simm.s32 $0x108;
	_ =	swait.ge @!p0 [sflag:s8], $0x0  }
0x24: {  	s3 =	sadd.s32 $0x88, s3;
	s6 =	simm.s32 @!p1 $0x1082;
	[sflag:s4] =	ssyncset.s32 $0xFFFFF086  }
0x25: {  	[simem:s6], [sflag:s4] =	dma.local [hbm:s3], $0xF7A  }
0x26: {  	[smem:$0x3F9F] =	sst s1;
	(tag) =	ssettag s2;
	_ =	strace s9  }
0x27: {  	s1 =	sld [smem:$0x3FAF]  }
0x28: {  	s2 =	sld [smem:$0x3FB0]  }
0x29: {  	s4 =	sld [smem:$0x3FB2]  }
0x2a: {  	p0 =	seq.s32 s5, $0x0;
	s5 =	sld [smem:$0x3FB3]  }
0x2b: {  	s6 =	sld [smem:$0x3FB4]  }
0x2c: {  	s7 =	sld [smem:$0x3FB5]  }
0x2d: {  	s3 =	simm.s32 $0x108;
	s8 =	sld [smem:$0x3FB6]  }
0x2e: {  	s3 =	simm.s32 @!p0 $0x1082;
	s9 =	sld [smem:$0x3FB7]  }
0x2f: {  	lr =	sadd.s32 s0, s3;
	s0 =	sld [smem:$0x3FAE]  }
0x30: {  	s3 =	sld [smem:$0x3FB1]  }
0x31: {  	[smem:$0x3FBA] =	sst s10  }
0x32: {  	s10 =	sld [smem:$0x3FB8];
	_ =	sdelay $0x3  }
0x33: {  	p0 =	seq.s32 s10, $0x1;
	s10 =	sld [smem:$0x3FBA];
	_ =	sdelay $0x3  }
0x34: {  	[smem:$0x3FBA] =	sst s10  }
0x35: {  	s10 =	sld [smem:$0x3FB9];
	_ =	sdelay $0x3  }
0x36: {  	p1 =	seq.s32 s10, $0x1;
	s10 =	sld [smem:$0x3FBA];
	_ =	sdelay $0x3  }
0x37: {  	[smem:$0x3FBA] =	sst s10  }
0x38: {  	s10 =	sld [smem:$0x3FBB]  }
0x39: {  	_ = 	snop;
	(pc) =	sbr.ind lr, $3  }
0x3a: {  	_ = 	snop  }
0x3b: {  	_ = 	snop  }
0x3c: {  	p2 =	seq.s32 s10, $0x1;
	s10 =	sld [smem:$0x3FBA]  }
0x3d: {  	_ =	shalt  }
0x3e: {  	_ =	shalt  }
0x3f: {  	_ =	shalt  }
0x40: {  	_ =	shalt  }
0x41: {  	_ =	shalt  }
0x42: {  	_ =	shalt  }
0x43: {  	_ =	shalt  }
0x44: {  	_ =	shalt  }
0x45: {  	_ =	shalt  }
0x46: {  	_ =	shalt  }
0x47: {  	_ =	shalt  }
0x48: {  	_ =	shalt  }
0x49: {  	_ =	shalt  }
0x4a: {  	_ =	shalt  }
0x4b: {  	_ =	shalt  }
0x4c: {  	_ =	shalt  }
0x4d: {  	_ =	shalt  }
0x4e: {  	_ =	shalt  }
0x4f: {  	_ =	shalt  }
0x50: {  	_ =	shalt  }
0x51: {  	_ =	shalt  }
0x52: {  	_ =	shalt  }
0x53: {  	_ =	shalt  }
0x54: {  	_ =	shalt  }
0x55: {  	_ =	shalt  }
0x56: {  	_ =	shalt  }
0x57: {  	_ =	shalt  }
0x58: {  	_ =	shalt  }
0x59: {  	_ =	shalt  }
0x5a: {  	_ =	shalt  }
0x5b: {  	_ =	shalt  }
0x5c: {  	_ =	shalt  }
0x5d: {  	_ =	shalt  }
0x5e: {  	_ =	shalt  }
0x5f: {  	_ =	shalt  }
0x60: {  	_ =	shalt  }
0x61: {  	_ =	shalt  }
0x62: {  	_ =	shalt  }
0x63: {  	_ =	shalt  }
0x64: {  	_ =	shalt  }
0x65: {  	_ =	shalt  }
0x66: {  	_ =	shalt  }
0x67: {  	_ =	shalt  }
0x68: {  	_ =	shalt  }
0x69: {  	_ =	shalt  }
0x6a: {  	_ =	shalt  }
0x6b: {  	_ =	shalt  }
0x6c: {  	_ =	shalt  }
0x6d: {  	_ =	shalt  }
0x6e: {  	_ =	shalt  }
0x6f: {  	_ =	shalt  }
0x70: {  	_ =	shalt  }
0x71: {  	_ =	shalt  }
0x72: {  	_ =	shalt  }
0x73: {  	_ =	shalt  }
0x74: {  	_ =	shalt  }
0x75: {  	_ =	shalt  }
0x76: {  	_ =	shalt  }
0x77: {  	_ =	shalt  }
0x78: {  	_ =	shalt  }
0x79: {  	_ =	shalt  }
0x7a: {  	_ =	shalt  }
0x7b: {  	_ =	shalt  }
0x7c: {  	_ =	shalt  }
0x7d: {  	_ =	shalt  }
0x7e: {  	_ =	shalt  }
0x7f: {  	_ =	shalt  }
0x80: {  	_ =	shalt  }
0x81: {  	_ =	shalt  }
0x82: {  	_ =	shalt  }
0x83: {  	_ =	shalt  }
0x84: {  	_ =	shalt  }
0x85: {  	_ =	shalt  }
0x86: {  	_ =	shalt  }
0x87: {  	_ =	shalt  }
.Lfunc_end0:
.L_simem_size_0:
called_computation.8_lowered:
.L_overlay_start_0:
0x88: {  	s2 =	sld [smem:$0x3FD9]  }
0x89: {  	s3 =	sld [smem:$0x3FFE];
	_ =	sdelay $0x1  }
0x8a: {  	s1 =	srdreg.scid  }
0x8b: {  	s0 =	sand.u32 $0x1, s1  }
0x8c: {  	s17 =	sshll.u32 s0, $0xA;
	s2 =	sadd.s32 s3, s2  }
0x8d: {  	s2 =	sadd.s32 s2, s17  }
0x8e: {  	[smem:$0x3FC6] =	sst s2  }
0x8f: {  	_ = 	snop  }
0x90: {  	(tm) =	ssettm $0x1  }
0x91: {  	s18 =	sld [smem:$0x3FFB];
	_ =	sdelay $0x3  }
0x92: {  	_ =	strace s18  }
0x93: {  	s2 =	sld [smem:$0x3FFC];
	_ =	sdelay $0x3  }
0x94: {  	_ =	strace s2  }
0x95: {  	s2 =	sld [smem:$0x3FFD];
	_ =	sdelay $0x3  }
0x96: {  	_ =	strace s2  }
0x97: {  	_ =	strace $0x8FFFFFFF  }
0x98: {  	s19 =	sld [smem:$0x3FDB];
	_ =	sdelay $0x1  }
0x99: {  	s20 =	simm.s32 $_scs_section_size  }
0x9a: {  	s4 =	simm.s32 $_size__tile_overlayer_lowered;
	s5 =	simm.s32 $_tile_overlayer_lowered  }
0x9b: {  	s6 =	simm.s32 $0x1BFF;
	s21 =	sshll.u32 s5, $0x1;
	s3 =	sadd.s32 s20, s19  }
0x9c: {  	s22 =	simm.s32 $0x0;
	s4 =	sshll.u32 s4, $0x1;
	s5 =	sadd.s32 s21, s3  }
0x9d: {  	[timem:s22], [sflag:s6] =	dma.local [hbm:s5], s4  }
0x9e: {  	_ =	swait.ge [sflag:s6], s4  }
0x9f: {  	s4 =	ssub.s32 $0x0, s4;
	[sflag:s6] =	ssyncset.done $0x0  }
0xa0: {  	[sflag:s6] =	ssyncadd.s32 s4;
	_ =	sdelay $0x1  }
0xa1: {  	s23 =	simm.s32 $0x1B8B  }
0xa2: {  	_ =	swait.ge [sflag:s23], $0x1  }
0xa3: {  	[sflag:s23] =	ssyncset.done $0x0  }
0xa4: {  	[sflag:s23] =	ssyncadd.s32 $0xFFFFFFFF  }
0xa5: {  	s4 =	sld [smem:$0x0]  }
0xa6: {  	s5 =	sand.u32 $0xFFFFFFFE, s1  }
0xa7: {  	p0 =	sne.s32 s1, s5  }
0xa8: {  	s5 =	sshll.u32 @p0 s5, $0xE  }
0xa9: {  	s5 =	sadd.s32 @p0 $0x11B8D, s5;
	s6 =	sshll.u32 @p0 s4, $0x11  }
0xaa: {  	s5 =	sor.u32 @p0 s6, s5  }
0xab: {  	[sflag:s5] =	ssyncadd.remote.s32 @p0 $0x1;
	_ =	sdelay $0x1  }
0xac: {  	s5 =	simm.s32 @p0 $0x1B8D  }
0xad: {  	_ =	swait.eq @p0 [sflag:s5], $0x1  }
0xae: {  	[sflag:s5] =	ssyncadd.s32 @p0 $0xFFFFFFFF  }
0xaf: {  	s6 =	sshll.u32 @!p0 s1, $0xE  }
0xb0: {  	s6 =	sor.u32 @!p0 $0x4000, s6;
	s5 =	simm.s32 @!p0 $0x1B8D  }
0xb1: {  	s4 =	sshll.u32 @!p0 s4, $0x11;
	s6 =	sadd.s32 @!p0 $0x11B8D, s6;
	_ =	swait.eq @!p0 [sflag:s5], $0x1  }
0xb2: {  	s4 =	sor.u32 @!p0 s4, s6;
	[sflag:s5] =	ssyncadd.s32 @!p0 $0xFFFFFFFF  }
0xb3: {  	s25 =	simm.s32 $0x1B8E;
	s24 =	sld [smem:$0x3FFE];
	[sflag:s4] =	ssyncadd.remote.s32 @!p0 $0x1  }
0xb4: {  	s26 =	simm.s32 $execute0_lowered;
	[smem:$0x3FD2] =	sst s25  }
0xb5: {  	s5 =	sshll.u32 s26, $0x1;
	_ =	strace $0x8000005E;
	[dreg:$0x1] =	wrdreg $0xFFFFFFFF  }
0xb6: {  	s28 =	simm.s32 $_size_execute0_lowered;
	s3 =	sadd.s32 s3, s5;
	[dreg:$0x0] =	wrdreg $0x0  }
0xb7: {  	s5 =	sshll.u32 s28, $0x1;
	[dreg:$0x2] =	wrdreg s3  }
0xb8: {  	[dreg:$0x3] =	wrdreg s5  }
0xb9: {  	[dreg:$0x4] =	wrdreg $0xC0  }
0xba: {  	_ =	task [dreg:s22], $0x5FFFF  }
0xbb: {  	[dreg:$0x1] =	wrdreg $0xFFFFFFFF  }
0xbc: {  	[dreg:$0x0] =	wrdreg $0x60  }
0xbd: {  	[dreg:$0x2] =	wrdreg s24  }
0xbe: {  	[dreg:$0x3] =	wrdreg $0x9  }
0xbf: {  	_ =	task.clear_ibuf [dreg:s22], $0x4FFFF;
	_ =	strace $0x9000005E  }
0xc0: {  	s29 =	simm.s32 $0x9;
	_ =	strace $0x80000060  }
0xc1: {  	_ =	swait.ge [sflag:s29], $0x1  }
0xc2: {  	[sflag:s29] =	ssyncadd.s32 $0xFFFFFFFF  }
0xc3: {  	_ =	strace $0x90000060  }
0xc4: {  	_ =	sfence  }
0xc5: {  	s30 =	sld [smem:$0x0];
	_ =	sdelay $0x2  }
0xc6: {  	s31 =	sshll.u32 s1, $0xD;
	s1 =	sshrl.u32 s1, $0x2  }
0xc7: {  	s4 =	sand.u32 $0x4000, s31;
	s1 =	sadd.s32 s1, s30  }
0xc8: {  	s0 =	sor.u32 s4, s0;
	s1 =	sshll.u32 s1, $0x11  }
0xc9: {  	s0 =	sor.u32 s1, s0  }
0xca: {  	s0 =	sadd.s32 $0x8F2B, s0  }
0xcb: {  	[sflag:s0] =	ssyncadd.remote.s32 $0x1  }
0xcc: {  	_ =	sfence.sel $0xFFFF  }
0xcd: {  	[dreg:$0x0] =	wrdreg $0xFFFFFFFF;
	(pc) =	sbr.abs _section_cstart, $3  }
0xce: {  	[dreg:$0x1] =	wrdreg $0xFFFFFFFF  }
0xcf: {  	_ =	task.clear_ibuf [dreg:s22], $0x2FFFF;
	_ =	strace $0x9FFFFFFF  }
0xd0: {  	(tm) =	ssettm $0x7FFFFFFF  }
0xd1: {  	_ =	shalt  }
tec
execute0_lowered:
.L_overlay_start_1:
0x0: {  	(tag) =	ssettag $0x1  }
0x1: {  	s0 =	srdreg.scid;
	s5 =	rddreg [dreg:$0x0]  }
0x2: {  	s1 =	stileid.u32;
	s6 =	simm.s32 $0x1;
	s9 =	simm.s32 $0x1  }
0x3: {  	s10 =	simm.s32 $0x3;
	s13 =	simm.s32 $0x0;
	s2 =	sshll.u32 s0, $0x9  }
0x4: {  	s12 =	simm.s32 $0x0;
	s3 =	sshll.u32 s1, $0xA;
	s2 =	sand.u32 $0x200, s2  }
0x5: {  	s0 =	rddreg [dreg:$0x1];
	_ =	strace $0x8000005F;
	s2 =	sor.u32 s3, s2  }
0x6: {  	s4 =	sadd.s32 $0x6200, s5;
	[sflag:s6] =	ssyncpa.u1 $0x0;
	s8 =	ssub.s32 $0x5000, s2  }
.Ltmp0:
0x7: {  	s3 =	sadd.s32 $0x5800, s5;
	s7 =	sand.u32 $0x3E00, s8;
	(pc) =	sbr.rel .LBB2_1-.Ltmp0, $4  }
0x8: {  	s5 =	sadd.s32 $0xB400, s5;
	s11 =	smov.u32 s2;
	p0 =	sne.s32 s7, $0x0  }
0x9: {  	s8 =	sshrl.u32 s8, $0xE;
	s7 =	simm.s32 $0x2;
	s9 =	simm.s32 @!p0 $0x0  }
0xa: {  	[sflag:s7] =	ssyncpa.u1 $0x0;
	p0 =	por $0x0, $0x0;
	s8 =	sadd.s32 s9, s8  }
0xb: {  	vm0 =	vmmov $0xffff;
	[sflag:s10] =	ssyncpa.u1 $0x0;
	s10 =	simm.s32 $0x0;
	s9 =	sadd.s32 $0x1, s8  }
.LBB2_4:
0xc: {  	v2 =	vnsel vm1, $0x0, v2  }
0xd: {  	vm1 =	vgt.s32 v0, $0x0;
	v2 =	vmin.u32 v2, $0x4FFF  }
0xe: {  	v0 =	vnsel vm1, $0x0, v0  }
0xf: {  	v0 =	vmin.u32 v0, $0x4FFF  }
0x10: {  	[tilespmem:s15], [sflag:$0x1] =	stream.indirect_vreg.gather [hbm4b:s3+s10], $0x1, v1, vm0, $0x4038;
	[tilespmem:$0x800] =	vst v63  }
0x11: {  	(ifvalue) =	ssetifvalue $0x7FFFFFFF  }
0x12: {  	[tilespmem:s16], [sflag:$0x1] =	stream.indirect_vreg.gather [hbm4b:s3+s10], $0x1, v2, vm0, $0x4038;
	[tilespmem:$0x800] =	vst v63  }
0x13: {  	s29 =	sadd.s32 $0x10, s16;
	(ifvalue) =	ssetifvalue $0x7FFFFFFF  }
0x14: {  	[tilespmem:s29], [sflag:$0x1] =	stream.indirect_vreg.gather [hbm4b:s3+s10], $0x1, v0, vm0, $0x4038;
	[tilespmem:$0x800] =	vst v63  }
0x15: {  	_ =	swait.ge [sflag:s6], $0x200  }
0x16: {  	s30 =	sshrl.u32 s13, $0x3;
	[sflag:s6] =	ssyncset.done $0x0  }
0x17: {  	s31 =	sand.u32 $0x7, s13;
	s15 =	sadd.s32 s5, s30;
	[sflag:s6] =	ssyncadd.s32 $0xFFFFFE00  }
0x18: {  	[hbm4b:s15+s31] =	stream.linear.scatter [tilespmem:s14], [sflag:$0x3], $0x200, $0x38;
	[tilespmem:$0x800] =	vst v63  }
.LBB2_5:
0x19: {  	s15 =	sadd.s32 $0x4000, s11  }
0x1a: {  	p2 =	sgt.s32 s15, $0x4FFF  }
0x1b: {  	s15 =	smov.u32 @p2 s2;
	p2 =	sne.s32 s12, s9  }
.Ltmp1:
0x1c: {  	p1 =	slt.u32 s12, $0x2;
	(pc) =	sbr.rel @!p2 .LBB2_6-.Ltmp1, $4  }
0x1d: {  	s14 =	simm.s32 @!p1 $0x3  }
0x1e: {  	s16 =	sadd.s32 $0x1, s12;
	_ =	swait.ge @!p1 [sflag:s14], $0x200  }
0x1f: {  	s13 =	smov.u32 s11;
	p0 =	por !p0, !p0;
	[sflag:s14] =	ssyncset.done @!p1 $0x0  }
0x20: {  	s12 =	smov.u32 s16;
	s11 =	smov.u32 s15;
	[sflag:s14] =	ssyncadd.s32 @!p1 $0xFFFFFE00  }
.LBB2_1:
0x21: {  	p1 =	sge.u32 s12, s8  }
0x22: {  	s14 =	sxor.u32 @!p1 $0xFFFFFFFF, s12  }
0x23: {  	s31 =	sadd.s32 $0xFFFFFFFF, s12;
	s15 =	sshrl.u32 @!p1 s11, $0x3;
	s14 =	sshll.u32 @!p1 s14, $0x9  }
0x24: {  	s16 =	sand.u32 @!p1 $0x7, s11;
	s15 =	sadd.s32 @!p1 s4, s15;
	s14 =	sand.u32 @!p1 $0x200, s14  }
0x25: {  	[tilespmem:s14], [sflag:$0x2] =	stream.linear.gather @!p1 [hbm4b:s15+s16], $0x200, $0x38;
	[tilespmem:$0x800] =	vst v63  }
0x26: {  	p1 =	sge.u32 s31, s8  }
.Ltmp2:
0x27: {  	_ = 	snop;
	(pc) =	sbr.rel @p1 .LBB2_5-.Ltmp2, $1  }
0x28: {  	_ =	sdelay $0x3  }
0x29: {  	s14 =	simm.s32 $0x1  }
0x2a: {  	_ =	swait.ge [sflag:s7], $0x200;
	s14 =	simm.s32 @!p0 $0x0  }
0x2b: {  	[sflag:s7] =	ssyncset.done $0x0;
	s14 =	sshll.u32 s14, $0x9  }
0x2c: {  	[sflag:s7] =	ssyncadd.s32 $0xFFFFFE00;
	(ifvalue) =	ssetifvalue $0x7FFFFFFF;
	v0 =	vld.msk [tilespmem:s14+$0x0 ss:$0x1], $0xffff;
	_ =	sdelay $0x4  }
0x2d: {  	s15 =	sadd.s32 $0x10, s14;
	vm1 =	vgt.s32 v0, $0x0  }
0x2e: {  	v2 =	vld.msk [tilespmem:s15+$0x0 ss:$0x1], $0xffff;
	v1 =	vnsel vm1, $0x0, v0  }
0x2f: {  	v1 =	vmin.u32 v1, $0x4FFF;
	_ =	sdelay $0x1  }
0x30: {  	s16 =	sshll.u32 s12, $0x9;
	s18 =	simm.s32 $0x20  }
0x31: {  	s16 =	sand.u32 $0x200, s16;
	s17 =	sadd.s32 $0x10, s15;
	s15 =	sor.u32 $0x400, s14  }
0x32: {  	s14 =	sor.u32 $0x400, s16;
	s16 =	sadd.s32 $0x10, s15;
	v0 =	vld.msk [tilespmem:s17+$0x0 ss:$0x1], $0xffff;
	vm1 =	vgt.s32 v2, $0x0;
	(ifvalue) =	ssetifvalue $0x7FFFFFFF  }
.LBB2_3:
0x33: {  	[tilespmem:s15], [sflag:$0x1] =	stream.indirect_vreg.gather [hbm4b:s3+s10], $0x1, v1, vm0, $0x4038;
	[tilespmem:$0x800] =	vst v63  }
0x34: {  	s18 =	sadd.s32 $0x10, s18  }
0x35: {  	v2 =	vnsel vm1, $0x0, v2;
	p1 =	slt.u32 s18, $0x1F0  }
.Ltmp3:
0x36: {  	s15 =	smov.u32 s16;
	v1 =	vmin.u32 v2, $0x4FFF;
	(pc) =	sbr.rel @p1 .LBB2_3-.Ltmp3, $3  }
0x37: {  	_ =	sdelay $0x1  }
0x38: {  	s17 =	sadd.s32 $0x10, s17  }
0x39: {  	vm1 =	vgt.s32 v0, $0x0;
	s16 =	sadd.s32 $0x10, s16;
	v2 =	vmov v0;
	(ifvalue) =	ssetifvalue $0x7FFFFFFF;
	v0 =	vld.msk [tilespmem:s17+$0x0 ss:$0x1], $0xffff  }
.Ltmp4:
0x3a: {  	_ = 	snop;
	(pc) =	sbr.rel .LBB2_4-.Ltmp4, $1  }
0x3b: {  	_ =	sdelay $0x3  }
.LBB2_6:
0x3c: {  	_ =	sfence.sel $0x180000  }
0x3d: {  	s2 =	simm.s32 $0x2;
	[bflag:$0x0] =	sbarrier.arrive $0xFFFF  }
0x3e: {  	s30 =	simm.s32 $0x3;
	[sflag:s2] =	ssyncpa.u1 $0x1  }
0x3f: {  	s31 =	simm.s32 $0x1;
	[sflag:s30] =	ssyncpa.u1 $0x1  }
0x40: {  	[sflag:s31] =	ssyncpa.u1 $0x1  }
0x41: {  	p0 =	sne.s32 s1, $0x0;
	_ =	strace $0x9000005F  }
0x42: {  	s0 =	sadd.s32 @!p0 $0x100000, s0;
	[bflag:$0x2] =	sbarrier.arrive $0xFFFF  }
0x43: {  	[sflag:s0] =	ssyncadd.tile.s32 @!p0 $0x1;
	_ =	shalt  }
.Lfunc_end2:
_tile_overlayer_lowered:
.L_overlay_start_2:
0x44: {  	(tag) =	ssettag $0x2  }
0x45: {  	s0 =	rddreg [dreg:$0x0];
	s2 =	stileid.u32  }
0x46: {  	s1 =	rddreg [dreg:$0x1];
	p0 =	sne.s32 s2, $0x0  }
0x47: {  	s3 =	rddreg [dreg:$0x2];
	[bflag:$0x3] =	sbarrier.arrive $0xFFFF;
	s2 =	simm.s32 @!p0 $0x1C01  }
0x48: {  	[timem:s3], [sflag:s2] =	dma.local @!p0 [hbm:s0], s1  }
0x49: {  	s0 =	simm.s32 @!p0 $0x1  }
0x4a: {  	_ =	swait.ge @!p0 [sflag:s0], s1  }
0x4b: {  	s1 =	ssub.s32 @!p0 $0x0, s1;
	[sflag:s0] =	ssyncset.done @!p0 $0x0  }
0x4c: {  	[sflag:s0] =	ssyncadd.s32 @!p0 s1  }
0x4d: {  	[bflag:$0x3] =	sbarrier.arrive $0xFFFF  }
0x4e: {  	_ =	shalt  }

// kernel: gather_offload_async_start
scs
__scs_entry_jumppad:
0x0: {  	(pc) =	sbr.rel $0x88, $3  }
0x1: {  	(tag) =	ssettag $0x0;
	lr =	simm.s32 $0x1  }
0x2: {  	[smem:$0x3F9F] =	sst lr;
	_ =	strace $0xD0000000  }
0x3: {  	_ = 	snop  }
0x4: {  	_ = 	snop  }
0x5: {  	_ = 	snop  }
0x6: {  	_ = 	snop  }
0x7: {  	_ = 	snop  }
__scs_overlays_trampoline_lowered:
0x8: {  	[smem:$0x3FAE] =	sst s0  }
0x9: {  	[smem:$0x3FAF] =	sst s1  }
0xa: {  	[smem:$0x3FB0] =	sst s2  }
0xb: {  	[smem:$0x3FB1] =	sst s3  }
0xc: {  	[smem:$0x3FB2] =	sst s4  }
0xd: {  	[smem:$0x3FB3] =	sst s5  }
0xe: {  	[smem:$0x3FB4] =	sst s6  }
0xf: {  	[smem:$0x3FB5] =	sst s7  }
0x10: {  	[smem:$0x3FB6] =	sst s8  }
0x11: {  	[smem:$0x3FB7] =	sst s9;
	s0 =	simm.s32 @!p0 $0x0  }
0x12: {  	s1 =	sld [smem:$0x3F9D];
	s0 =	simm.s32 @p0 $0x1  }
0x13: {  	[smem:$0x3FB8] =	sst s0;
	s0 =	simm.s32 @!p1 $0x0  }
0x14: {  	s2 =	sld [smem:$0x3F9C];
	s0 =	simm.s32 @p1 $0x1  }
0x15: {  	[smem:$0x3FB9] =	sst s0;
	s0 =	simm.s32 @!p2 $0x0  }
0x16: {  	s3 =	sld [smem:$0x3FDB];
	s0 =	simm.s32 @p2 $0x1  }
0x17: {  	s4 =	simm.s32 $0x1BF5;
	[smem:$0x3FBB] =	sst s0  }
0x18: {  	s0 =	sld [smem:$0x3F9E];
	_ =	swait.ge [sflag:s4], $0x0  }
0x19: {  	s7 =	sld [smem:$0x3F9F]  }
0x1a: {  	s8 =	sadd.s32 $0xFFFFE003, lr  }
0x1b: {  	s9 =	sadd.s32 $0xFFFFFEF7, lr;
	s5 =	simm.s32 $0xFFFFFFFF;
	p2 =	slt.u32 s8, $0xFFFFF086  }
0x1c: {  	p1 =	slt.u32 s9, $0xF7A;
	s5 =	simm.s32 @!p2 $0x0  }
0x1d: {  	s5 =	simm.s32 @p1 $0x1;
	p0 =	seq.s32 s7, s2  }
0x1e: {  	s7 =	smul.u32 @!p0 $0xF7A, s2;
	p2 =	seq.s32 @!p0 s5, $0x0  }
0x1f: {  	s9 =	smul.u32 $0xF7A, s1;
	s8 =	simm.s32 @!p0 $0x1BF5;
	p2 =	por !p2, p0  }
0x20: {  	[sflag:s8] =	ssyncset.s32 @!p0 $0xFFFFF086;
	s6 =	sadd.s32 @!p0 s3, s7;
	s7 =	simm.s32 @!p0 $0x108  }
0x21: {  	s3 =	sadd.s32 s3, s9;
	s6 =	sadd.s32 @!p0 $0x88, s6;
	s7 =	simm.s32 @p2 $0x1082  }
0x22: {  	[simem:s7], [sflag:s8] =	dma.local @!p0 [hbm:s6], $0xF7A  }
0x23: {  	s9 =	sor.u32 $0xD0000000, s2;
	s6 =	simm.s32 $0x108;
	_ =	swait.ge @!p0 [sflag:s8], $0x0  }
0x24: {  	s3 =	sadd.s32 $0x88, s3;
	s6 =	simm.s32 @!p1 $0x1082;
	[sflag:s4] =	ssyncset.s32 $0xFFFFF086  }
0x25: {  	[simem:s6], [sflag:s4] =	dma.local [hbm:s3], $0xF7A  }
0x26: {  	[smem:$0x3F9F] =	sst s1;
	(tag) =	ssettag s2;
	_ =	strace s9  }
0x27: {  	s1 =	sld [smem:$0x3FAF]  }
0x28: {  	s2 =	sld [smem:$0x3FB0]  }
0x29: {  	s4 =	sld [smem:$0x3FB2]  }
0x2a: {  	p0 =	seq.s32 s5, $0x0;
	s5 =	sld [smem:$0x3FB3]  }
0x2b: {  	s6 =	sld [smem:$0x3FB4]  }
0x2c: {  	s7 =	sld [smem:$0x3FB5]  }
0x2d: {  	s3 =	simm.s32 $0x108;
	s8 =	sld [smem:$0x3FB6]  }
0x2e: {  	s3 =	simm.s32 @!p0 $0x1082;
	s9 =	sld [smem:$0x3FB7]  }
0x2f: {  	lr =	sadd.s32 s0, s3;
	s0 =	sld [smem:$0x3FAE]  }
0x30: {  	s3 =	sld [smem:$0x3FB1]  }
0x31: {  	[smem:$0x3FBA] =	sst s10  }
0x32: {  	s10 =	sld [smem:$0x3FB8];
	_ =	sdelay $0x3  }
0x33: {  	p0 =	seq.s32 s10, $0x1;
	s10 =	sld [smem:$0x3FBA];
	_ =	sdelay $0x3  }
0x34: {  	[smem:$0x3FBA] =	sst s10  }
0x35: {  	s10 =	sld [smem:$0x3FB9];
	_ =	sdelay $0x3  }
0x36: {  	p1 =	seq.s32 s10, $0x1;
	s10 =	sld [smem:$0x3FBA];
	_ =	sdelay $0x3  }
0x37: {  	[smem:$0x3FBA] =	sst s10  }
0x38: {  	s10 =	sld [smem:$0x3FBB]  }
0x39: {  	_ = 	snop;
	(pc) =	sbr.ind lr, $3  }
0x3a: {  	_ = 	snop  }
0x3b: {  	_ = 	snop  }
0x3c: {  	p2 =	seq.s32 s10, $0x1;
	s10 =	sld [smem:$0x3FBA]  }
0x3d: {  	_ =	shalt  }
0x3e: {  	_ =	shalt  }
0x3f: {  	_ =	shalt  }
0x40: {  	_ =	shalt  }
0x41: {  	_ =	shalt  }
0x42: {  	_ =	shalt  }
0x43: {  	_ =	shalt  }
0x44: {  	_ =	shalt  }
0x45: {  	_ =	shalt  }
0x46: {  	_ =	shalt  }
0x47: {  	_ =	shalt  }
0x48: {  	_ =	shalt  }
0x49: {  	_ =	shalt  }
0x4a: {  	_ =	shalt  }
0x4b: {  	_ =	shalt  }
0x4c: {  	_ =	shalt  }
0x4d: {  	_ =	shalt  }
0x4e: {  	_ =	shalt  }
0x4f: {  	_ =	shalt  }
0x50: {  	_ =	shalt  }
0x51: {  	_ =	shalt  }
0x52: {  	_ =	shalt  }
0x53: {  	_ =	shalt  }
0x54: {  	_ =	shalt  }
0x55: {  	_ =	shalt  }
0x56: {  	_ =	shalt  }
0x57: {  	_ =	shalt  }
0x58: {  	_ =	shalt  }
0x59: {  	_ =	shalt  }
0x5a: {  	_ =	shalt  }
0x5b: {  	_ =	shalt  }
0x5c: {  	_ =	shalt  }
0x5d: {  	_ =	shalt  }
0x5e: {  	_ =	shalt  }
0x5f: {  	_ =	shalt  }
0x60: {  	_ =	shalt  }
0x61: {  	_ =	shalt  }
0x62: {  	_ =	shalt  }
0x63: {  	_ =	shalt  }
0x64: {  	_ =	shalt  }
0x65: {  	_ =	shalt  }
0x66: {  	_ =	shalt  }
0x67: {  	_ =	shalt  }
0x68: {  	_ =	shalt  }
0x69: {  	_ =	shalt  }
0x6a: {  	_ =	shalt  }
0x6b: {  	_ =	shalt  }
0x6c: {  	_ =	shalt  }
0x6d: {  	_ =	shalt  }
0x6e: {  	_ =	shalt  }
0x6f: {  	_ =	shalt  }
0x70: {  	_ =	shalt  }
0x71: {  	_ =	shalt  }
0x72: {  	_ =	shalt  }
0x73: {  	_ =	shalt  }
0x74: {  	_ =	shalt  }
0x75: {  	_ =	shalt  }
0x76: {  	_ =	shalt  }
0x77: {  	_ =	shalt  }
0x78: {  	_ =	shalt  }
0x79: {  	_ =	shalt  }
0x7a: {  	_ =	shalt  }
0x7b: {  	_ =	shalt  }
0x7c: {  	_ =	shalt  }
0x7d: {  	_ =	shalt  }
0x7e: {  	_ =	shalt  }
0x7f: {  	_ =	shalt  }
0x80: {  	_ =	shalt  }
0x81: {  	_ =	shalt  }
0x82: {  	_ =	shalt  }
0x83: {  	_ =	shalt  }
0x84: {  	_ =	shalt  }
0x85: {  	_ =	shalt  }
0x86: {  	_ =	shalt  }
0x87: {  	_ =	shalt  }
.Lfunc_end0:
.L_simem_size_0:
called_computation.1_lowered:
.L_overlay_start_0:
0x88: {  	s2 =	sld [smem:$0x3FD9]  }
0x89: {  	s3 =	sld [smem:$0x3FFE];
	_ =	sdelay $0x1  }
0x8a: {  	s1 =	srdreg.scid  }
0x8b: {  	s0 =	sand.u32 $0x1, s1  }
0x8c: {  	s17 =	sshll.u32 s0, $0xA;
	s2 =	sadd.s32 s3, s2  }
0x8d: {  	s2 =	sadd.s32 s2, s17  }
0x8e: {  	[smem:$0x3FC6] =	sst s2  }
0x8f: {  	_ = 	snop  }
0x90: {  	(tm) =	ssettm $0x1  }
0x91: {  	s18 =	sld [smem:$0x3FFB];
	_ =	sdelay $0x3  }
0x92: {  	_ =	strace s18  }
0x93: {  	s2 =	sld [smem:$0x3FFC];
	_ =	sdelay $0x3  }
0x94: {  	_ =	strace s2  }
0x95: {  	s2 =	sld [smem:$0x3FFD];
	_ =	sdelay $0x3  }
0x96: {  	_ =	strace s2  }
0x97: {  	_ =	strace $0x8FFFFFFF  }
0x98: {  	s19 =	sld [smem:$0x3FDB];
	_ =	sdelay $0x1  }
0x99: {  	s20 =	simm.s32 $_scs_section_size  }
0x9a: {  	s4 =	simm.s32 $_size__tile_overlayer_lowered;
	s5 =	simm.s32 $_tile_overlayer_lowered  }
0x9b: {  	s6 =	simm.s32 $0x1BFF;
	s21 =	sshll.u32 s5, $0x1;
	s3 =	sadd.s32 s20, s19  }
0x9c: {  	s22 =	simm.s32 $0x0;
	s4 =	sshll.u32 s4, $0x1;
	s5 =	sadd.s32 s21, s3  }
0x9d: {  	[timem:s22], [sflag:s6] =	dma.local [hbm:s5], s4  }
0x9e: {  	_ =	swait.ge [sflag:s6], s4  }
0x9f: {  	s4 =	ssub.s32 $0x0, s4;
	[sflag:s6] =	ssyncset.done $0x0  }
0xa0: {  	[sflag:s6] =	ssyncadd.s32 s4;
	_ =	sdelay $0x1  }
0xa1: {  	s23 =	simm.s32 $0x1B8B  }
0xa2: {  	_ =	swait.ge [sflag:s23], $0x1  }
0xa3: {  	[sflag:s23] =	ssyncset.done $0x0  }
0xa4: {  	[sflag:s23] =	ssyncadd.s32 $0xFFFFFFFF  }
0xa5: {  	s4 =	sld [smem:$0x0]  }
0xa6: {  	s5 =	sand.u32 $0xFFFFFFFE, s1  }
0xa7: {  	p0 =	sne.s32 s1, s5  }
0xa8: {  	s5 =	sshll.u32 @p0 s5, $0xE  }
0xa9: {  	s5 =	sadd.s32 @p0 $0x11B8D, s5;
	s6 =	sshll.u32 @p0 s4, $0x11  }
0xaa: {  	s5 =	sor.u32 @p0 s6, s5  }
0xab: {  	[sflag:s5] =	ssyncadd.remote.s32 @p0 $0x1;
	_ =	sdelay $0x1  }
0xac: {  	s5 =	simm.s32 @p0 $0x1B8D  }
0xad: {  	_ =	swait.eq @p0 [sflag:s5], $0x1  }
0xae: {  	[sflag:s5] =	ssyncadd.s32 @p0 $0xFFFFFFFF  }
0xaf: {  	s6 =	sshll.u32 @!p0 s1, $0xE  }
0xb0: {  	s6 =	sor.u32 @!p0 $0x4000, s6;
	s5 =	simm.s32 @!p0 $0x1B8D  }
0xb1: {  	s4 =	sshll.u32 @!p0 s4, $0x11;
	s6 =	sadd.s32 @!p0 $0x11B8D, s6;
	_ =	swait.eq @!p0 [sflag:s5], $0x1  }
0xb2: {  	s4 =	sor.u32 @!p0 s4, s6;
	[sflag:s5] =	ssyncadd.s32 @!p0 $0xFFFFFFFF  }
0xb3: {  	s25 =	simm.s32 $0x1B8E;
	s24 =	sld [smem:$0x3FFE];
	[sflag:s4] =	ssyncadd.remote.s32 @!p0 $0x1  }
0xb4: {  	s26 =	simm.s32 $execute0_lowered;
	[smem:$0x3FD2] =	sst s25  }
0xb5: {  	s5 =	sshll.u32 s26, $0x1;
	_ =	strace $0x8000005B;
	[dreg:$0x1] =	wrdreg $0xFFFFFFFF  }
0xb6: {  	s28 =	simm.s32 $_size_execute0_lowered;
	s3 =	sadd.s32 s3, s5;
	[dreg:$0x0] =	wrdreg $0x0  }
0xb7: {  	s5 =	sshll.u32 s28, $0x1;
	[dreg:$0x2] =	wrdreg s3  }
0xb8: {  	[dreg:$0x3] =	wrdreg s5  }
0xb9: {  	[dreg:$0x4] =	wrdreg $0xC0  }
0xba: {  	_ =	task [dreg:s22], $0x5FFFF  }
0xbb: {  	[dreg:$0x1] =	wrdreg $0xFFFFFFFF  }
0xbc: {  	[dreg:$0x0] =	wrdreg $0x60  }
0xbd: {  	[dreg:$0x2] =	wrdreg s24  }
0xbe: {  	[dreg:$0x3] =	wrdreg $0xA  }
0xbf: {  	_ =	task.clear_ibuf [dreg:s22], $0x4FFFF;
	_ =	strace $0x9000005B  }
0xc0: {  	s29 =	simm.s32 $0xA;
	_ =	strace $0x8000005D  }
0xc1: {  	_ =	swait.ge [sflag:s29], $0x1  }
0xc2: {  	[sflag:s29] =	ssyncadd.s32 $0xFFFFFFFF  }
0xc3: {  	_ =	strace $0x9000005D  }
0xc4: {  	_ =	sfence  }
0xc5: {  	s30 =	sld [smem:$0x0];
	_ =	sdelay $0x2  }
0xc6: {  	s31 =	sshll.u32 s1, $0xD;
	s1 =	sshrl.u32 s1, $0x2  }
0xc7: {  	s4 =	sand.u32 $0x4000, s31;
	s1 =	sadd.s32 s1, s30  }
0xc8: {  	s0 =	sor.u32 s4, s0;
	s1 =	sshll.u32 s1, $0x11  }
0xc9: {  	s0 =	sor.u32 s1, s0  }
0xca: {  	s0 =	sadd.s32 $0x8F2B, s0  }
0xcb: {  	[sflag:s0] =	ssyncadd.remote.s32 $0x1  }
0xcc: {  	_ =	sfence.sel $0xFFFF  }
0xcd: {  	[dreg:$0x0] =	wrdreg $0xFFFFFFFF;
	(pc) =	sbr.abs _section_cstart, $3  }
0xce: {  	[dreg:$0x1] =	wrdreg $0xFFFFFFFF  }
0xcf: {  	_ =	task.clear_ibuf [dreg:s22], $0x2FFFF;
	_ =	strace $0x9FFFFFFF  }
0xd0: {  	(tm) =	ssettm $0x7FFFFFFF  }
0xd1: {  	_ =	shalt  }
tec
execute0_lowered:
.L_overlay_start_1:
0x0: {  	(tag) =	ssettag $0x1  }
0x1: {  	s0 =	srdreg.scid;
	s5 =	rddreg [dreg:$0x0]  }
0x2: {  	s1 =	stileid.u32;
	s6 =	simm.s32 $0x1;
	s9 =	simm.s32 $0x1  }
0x3: {  	s10 =	simm.s32 $0x3;
	s13 =	simm.s32 $0x0;
	s2 =	sshll.u32 s0, $0x9  }
0x4: {  	s12 =	simm.s32 $0x0;
	s3 =	sshll.u32 s1, $0xA;
	s2 =	sand.u32 $0x200, s2  }
0x5: {  	s0 =	rddreg [dreg:$0x1];
	_ =	strace $0x8000005C;
	s2 =	sor.u32 s3, s2  }
0x6: {  	s4 =	sadd.s32 $0x6C00, s5;
	[sflag:s6] =	ssyncpa.u1 $0x0;
	s8 =	ssub.s32 $0x5000, s2  }
.Ltmp0:
0x7: {  	s3 =	sadd.s32 $0x1200, s5;
	s7 =	sand.u32 $0x3E00, s8;
	(pc) =	sbr.rel .LBB2_1-.Ltmp0, $4  }
0x8: {  	s5 =	sadd.s32 $0xA800, s5;
	s11 =	smov.u32 s2;
	p0 =	sne.s32 s7, $0x0  }
0x9: {  	s8 =	sshrl.u32 s8, $0xE;
	s7 =	simm.s32 $0x2;
	s9 =	simm.s32 @!p0 $0x0  }
0xa: {  	[sflag:s7] =	ssyncpa.u1 $0x0;
	p0 =	por $0x0, $0x0;
	s8 =	sadd.s32 s9, s8  }
0xb: {  	vm0 =	vmmov $0xffff;
	[sflag:s10] =	ssyncpa.u1 $0x0;
	s10 =	simm.s32 $0x0;
	s9 =	sadd.s32 $0x1, s8  }
.LBB2_4:
0xc: {  	v2 =	vnsel vm1, $0x0, v2  }
0xd: {  	vm1 =	vgt.s32 v0, $0x0;
	v2 =	vmin.u32 v2, $0x4FFF  }
0xe: {  	v0 =	vnsel vm1, $0x0, v0  }
0xf: {  	v0 =	vmin.u32 v0, $0x4FFF  }
0x10: {  	[tilespmem:s15], [sflag:$0x1] =	stream.indirect_vreg.gather [hbm4b:s3+s10], $0x1, v1, vm0, $0x4038;
	[tilespmem:$0x800] =	vst v63  }
0x11: {  	(ifvalue) =	ssetifvalue $0x7FFFFFFF  }
0x12: {  	[tilespmem:s16], [sflag:$0x1] =	stream.indirect_vreg.gather [hbm4b:s3+s10], $0x1, v2, vm0, $0x4038;
	[tilespmem:$0x800] =	vst v63  }
0x13: {  	s29 =	sadd.s32 $0x10, s16;
	(ifvalue) =	ssetifvalue $0x7FFFFFFF  }
0x14: {  	[tilespmem:s29], [sflag:$0x1] =	stream.indirect_vreg.gather [hbm4b:s3+s10], $0x1, v0, vm0, $0x4038;
	[tilespmem:$0x800] =	vst v63  }
0x15: {  	_ =	swait.ge [sflag:s6], $0x200  }
0x16: {  	s30 =	sshrl.u32 s13, $0x3;
	[sflag:s6] =	ssyncset.done $0x0  }
0x17: {  	s31 =	sand.u32 $0x7, s13;
	s15 =	sadd.s32 s5, s30;
	[sflag:s6] =	ssyncadd.s32 $0xFFFFFE00  }
0x18: {  	[hbm4b:s15+s31] =	stream.linear.scatter [tilespmem:s14], [sflag:$0x3], $0x200, $0x38;
	[tilespmem:$0x800] =	vst v63  }
.LBB2_5:
0x19: {  	s15 =	sadd.s32 $0x4000, s11  }
0x1a: {  	p2 =	sgt.s32 s15, $0x4FFF  }
0x1b: {  	s15 =	smov.u32 @p2 s2;
	p2 =	sne.s32 s12, s9  }
.Ltmp1:
0x1c: {  	p1 =	slt.u32 s12, $0x2;
	(pc) =	sbr.rel @!p2 .LBB2_6-.Ltmp1, $4  }
0x1d: {  	s14 =	simm.s32 @!p1 $0x3  }
0x1e: {  	s16 =	sadd.s32 $0x1, s12;
	_ =	swait.ge @!p1 [sflag:s14], $0x200  }
0x1f: {  	s13 =	smov.u32 s11;
	p0 =	por !p0, !p0;
	[sflag:s14] =	ssyncset.done @!p1 $0x0  }
0x20: {  	s12 =	smov.u32 s16;
	s11 =	smov.u32 s15;
	[sflag:s14] =	ssyncadd.s32 @!p1 $0xFFFFFE00  }
.LBB2_1:
0x21: {  	p1 =	sge.u32 s12, s8  }
0x22: {  	s14 =	sxor.u32 @!p1 $0xFFFFFFFF, s12  }
0x23: {  	s31 =	sadd.s32 $0xFFFFFFFF, s12;
	s15 =	sshrl.u32 @!p1 s11, $0x3;
	s14 =	sshll.u32 @!p1 s14, $0x9  }
0x24: {  	s16 =	sand.u32 @!p1 $0x7, s11;
	s15 =	sadd.s32 @!p1 s4, s15;
	s14 =	sand.u32 @!p1 $0x200, s14  }
0x25: {  	[tilespmem:s14], [sflag:$0x2] =	stream.linear.gather @!p1 [hbm4b:s15+s16], $0x200, $0x38;
	[tilespmem:$0x800] =	vst v63  }
0x26: {  	p1 =	sge.u32 s31, s8  }
.Ltmp2:
0x27: {  	_ = 	snop;
	(pc) =	sbr.rel @p1 .LBB2_5-.Ltmp2, $1  }
0x28: {  	_ =	sdelay $0x3  }
0x29: {  	s14 =	simm.s32 $0x1  }
0x2a: {  	_ =	swait.ge [sflag:s7], $0x200;
	s14 =	simm.s32 @!p0 $0x0  }
0x2b: {  	[sflag:s7] =	ssyncset.done $0x0;
	s14 =	sshll.u32 s14, $0x9  }
0x2c: {  	[sflag:s7] =	ssyncadd.s32 $0xFFFFFE00;
	(ifvalue) =	ssetifvalue $0x7FFFFFFF;
	v0 =	vld.msk [tilespmem:s14+$0x0 ss:$0x1], $0xffff;
	_ =	sdelay $0x4  }
0x2d: {  	s15 =	sadd.s32 $0x10, s14;
	vm1 =	vgt.s32 v0, $0x0  }
0x2e: {  	v2 =	vld.msk [tilespmem:s15+$0x0 ss:$0x1], $0xffff;
	v1 =	vnsel vm1, $0x0, v0  }
0x2f: {  	v1 =	vmin.u32 v1, $0x4FFF;
	_ =	sdelay $0x1  }
0x30: {  	s16 =	sshll.u32 s12, $0x9;
	s18 =	simm.s32 $0x20  }
0x31: {  	s16 =	sand.u32 $0x200, s16;
	s17 =	sadd.s32 $0x10, s15;
	s15 =	sor.u32 $0x400, s14  }
0x32: {  	s14 =	sor.u32 $0x400, s16;
	s16 =	sadd.s32 $0x10, s15;
	v0 =	vld.msk [tilespmem:s17+$0x0 ss:$0x1], $0xffff;
	vm1 =	vgt.s32 v2, $0x0;
	(ifvalue) =	ssetifvalue $0x7FFFFFFF  }
.LBB2_3:
0x33: {  	[tilespmem:s15], [sflag:$0x1] =	stream.indirect_vreg.gather [hbm4b:s3+s10], $0x1, v1, vm0, $0x4038;
	[tilespmem:$0x800] =	vst v63  }
0x34: {  	s18 =	sadd.s32 $0x10, s18  }
0x35: {  	v2 =	vnsel vm1, $0x0, v2;
	p1 =	slt.u32 s18, $0x1F0  }
.Ltmp3:
0x36: {  	s15 =	smov.u32 s16;
	v1 =	vmin.u32 v2, $0x4FFF;
	(pc) =	sbr.rel @p1 .LBB2_3-.Ltmp3, $3  }
0x37: {  	_ =	sdelay $0x1  }
0x38: {  	s17 =	sadd.s32 $0x10, s17  }
0x39: {  	vm1 =	vgt.s32 v0, $0x0;
	s16 =	sadd.s32 $0x10, s16;
	v2 =	vmov v0;
	(ifvalue) =	ssetifvalue $0x7FFFFFFF;
	v0 =	vld.msk [tilespmem:s17+$0x0 ss:$0x1], $0xffff  }
.Ltmp4:
0x3a: {  	_ = 	snop;
	(pc) =	sbr.rel .LBB2_4-.Ltmp4, $1  }
0x3b: {  	_ =	sdelay $0x3  }
.LBB2_6:
0x3c: {  	_ =	sfence.sel $0x180000  }
0x3d: {  	s2 =	simm.s32 $0x2;
	[bflag:$0x0] =	sbarrier.arrive $0xFFFF  }
0x3e: {  	s30 =	simm.s32 $0x3;
	[sflag:s2] =	ssyncpa.u1 $0x1  }
0x3f: {  	s31 =	simm.s32 $0x1;
	[sflag:s30] =	ssyncpa.u1 $0x1  }
0x40: {  	[sflag:s31] =	ssyncpa.u1 $0x1  }
0x41: {  	p0 =	sne.s32 s1, $0x0;
	_ =	strace $0x9000005C  }
0x42: {  	s0 =	sadd.s32 @!p0 $0x100000, s0;
	[bflag:$0x2] =	sbarrier.arrive $0xFFFF  }
0x43: {  	[sflag:s0] =	ssyncadd.tile.s32 @!p0 $0x1;
	_ =	shalt  }
.Lfunc_end2:
_tile_overlayer_lowered:
.L_overlay_start_2:
0x44: {  	(tag) =	ssettag $0x2  }
0x45: {  	s0 =	rddreg [dreg:$0x0];
	s2 =	stileid.u32  }
0x46: {  	s1 =	rddreg [dreg:$0x1];
	p0 =	sne.s32 s2, $0x0  }
0x47: {  	s3 =	rddreg [dreg:$0x2];
	[bflag:$0x3] =	sbarrier.arrive $0xFFFF;
	s2 =	simm.s32 @!p0 $0x1C01  }
0x48: {  	[timem:s3], [sflag:s2] =	dma.local @!p0 [hbm:s0], s1  }
0x49: {  	s0 =	simm.s32 @!p0 $0x1  }
0x4a: {  	_ =	swait.ge @!p0 [sflag:s0], s1  }
0x4b: {  	s1 =	ssub.s32 @!p0 $0x0, s1;
	[sflag:s0] =	ssyncset.done @!p0 $0x0  }
0x4c: {  	[sflag:s0] =	ssyncadd.s32 @!p0 s1  }
0x4d: {  	[bflag:$0x3] =	sbarrier.arrive $0xFFFF  }
0x4e: {  	_ =	shalt  }

// kernel: kernel.4.cloned.1.call-start
scs
__scs_entry_jumppad:
0x0: {  	(pc) =	sbr.rel $0x88, $3  }
0x1: {  	(tag) =	ssettag $0x0;
	lr =	simm.s32 $0x1  }
0x2: {  	[smem:$0x3F9F] =	sst lr;
	_ =	strace $0xD0000000  }
0x3: {  	_ = 	snop  }
0x4: {  	_ = 	snop  }
0x5: {  	_ = 	snop  }
0x6: {  	_ = 	snop  }
0x7: {  	_ = 	snop  }
__scs_overlays_trampoline_lowered:
0x8: {  	[smem:$0x3FAE] =	sst s0  }
0x9: {  	[smem:$0x3FAF] =	sst s1  }
0xa: {  	[smem:$0x3FB0] =	sst s2  }
0xb: {  	[smem:$0x3FB1] =	sst s3  }
0xc: {  	[smem:$0x3FB2] =	sst s4  }
0xd: {  	[smem:$0x3FB3] =	sst s5  }
0xe: {  	[smem:$0x3FB4] =	sst s6  }
0xf: {  	[smem:$0x3FB5] =	sst s7  }
0x10: {  	[smem:$0x3FB6] =	sst s8  }
0x11: {  	[smem:$0x3FB7] =	sst s9;
	s0 =	simm.s32 @!p0 $0x0  }
0x12: {  	s1 =	sld [smem:$0x3F9D];
	s0 =	simm.s32 @p0 $0x1  }
0x13: {  	[smem:$0x3FB8] =	sst s0;
	s0 =	simm.s32 @!p1 $0x0  }
0x14: {  	s2 =	sld [smem:$0x3F9C];
	s0 =	simm.s32 @p1 $0x1  }
0x15: {  	[smem:$0x3FB9] =	sst s0;
	s0 =	simm.s32 @!p2 $0x0  }
0x16: {  	s3 =	sld [smem:$0x3FDB];
	s0 =	simm.s32 @p2 $0x1  }
0x17: {  	s4 =	simm.s32 $0x1BF5;
	[smem:$0x3FBB] =	sst s0  }
0x18: {  	s0 =	sld [smem:$0x3F9E];
	_ =	swait.ge [sflag:s4], $0x0  }
0x19: {  	s7 =	sld [smem:$0x3F9F]  }
0x1a: {  	s8 =	sadd.s32 $0xFFFFE003, lr  }
0x1b: {  	s9 =	sadd.s32 $0xFFFFFEF7, lr;
	s5 =	simm.s32 $0xFFFFFFFF;
	p2 =	slt.u32 s8, $0xFFFFF086  }
0x1c: {  	p1 =	slt.u32 s9, $0xF7A;
	s5 =	simm.s32 @!p2 $0x0  }
0x1d: {  	s5 =	simm.s32 @p1 $0x1;
	p0 =	seq.s32 s7, s2  }
0x1e: {  	s7 =	smul.u32 @!p0 $0xF7A, s2;
	p2 =	seq.s32 @!p0 s5, $0x0  }
0x1f: {  	s9 =	smul.u32 $0xF7A, s1;
	s8 =	simm.s32 @!p0 $0x1BF5;
	p2 =	por !p2, p0  }
0x20: {  	[sflag:s8] =	ssyncset.s32 @!p0 $0xFFFFF086;
	s6 =	sadd.s32 @!p0 s3, s7;
	s7 =	simm.s32 @!p0 $0x108  }
0x21: {  	s3 =	sadd.s32 s3, s9;
	s6 =	sadd.s32 @!p0 $0x88, s6;
	s7 =	simm.s32 @p2 $0x1082  }
0x22: {  	[simem:s7], [sflag:s8] =	dma.local @!p0 [hbm:s6], $0xF7A  }
0x23: {  	s9 =	sor.u32 $0xD0000000, s2;
	s6 =	simm.s32 $0x108;
	_ =	swait.ge @!p0 [sflag:s8], $0x0  }
0x24: {  	s3 =	sadd.s32 $0x88, s3;
	s6 =	simm.s32 @!p1 $0x1082;
	[sflag:s4] =	ssyncset.s32 $0xFFFFF086  }
0x25: {  	[simem:s6], [sflag:s4] =	dma.local [hbm:s3], $0xF7A  }
0x26: {  	[smem:$0x3F9F] =	sst s1;
	(tag) =	ssettag s2;
	_ =	strace s9  }
0x27: {  	s1 =	sld [smem:$0x3FAF]  }
0x28: {  	s2 =	sld [smem:$0x3FB0]  }
0x29: {  	s4 =	sld [smem:$0x3FB2]  }
0x2a: {  	p0 =	seq.s32 s5, $0x0;
	s5 =	sld [smem:$0x3FB3]  }
0x2b: {  	s6 =	sld [smem:$0x3FB4]  }
0x2c: {  	s7 =	sld [smem:$0x3FB5]  }
0x2d: {  	s3 =	simm.s32 $0x108;
	s8 =	sld [smem:$0x3FB6]  }
0x2e: {  	s3 =	simm.s32 @!p0 $0x1082;
	s9 =	sld [smem:$0x3FB7]  }
0x2f: {  	lr =	sadd.s32 s0, s3;
	s0 =	sld [smem:$0x3FAE]  }
0x30: {  	s3 =	sld [smem:$0x3FB1]  }
0x31: {  	[smem:$0x3FBA] =	sst s10  }
0x32: {  	s10 =	sld [smem:$0x3FB8];
	_ =	sdelay $0x3  }
0x33: {  	p0 =	seq.s32 s10, $0x1;
	s10 =	sld [smem:$0x3FBA];
	_ =	sdelay $0x3  }
0x34: {  	[smem:$0x3FBA] =	sst s10  }
0x35: {  	s10 =	sld [smem:$0x3FB9];
	_ =	sdelay $0x3  }
0x36: {  	p1 =	seq.s32 s10, $0x1;
	s10 =	sld [smem:$0x3FBA];
	_ =	sdelay $0x3  }
0x37: {  	[smem:$0x3FBA] =	sst s10  }
0x38: {  	s10 =	sld [smem:$0x3FBB]  }
0x39: {  	_ = 	snop;
	(pc) =	sbr.ind lr, $3  }
0x3a: {  	_ = 	snop  }
0x3b: {  	_ = 	snop  }
0x3c: {  	p2 =	seq.s32 s10, $0x1;
	s10 =	sld [smem:$0x3FBA]  }
0x3d: {  	_ =	shalt  }
0x3e: {  	_ =	shalt  }
0x3f: {  	_ =	shalt  }
0x40: {  	_ =	shalt  }
0x41: {  	_ =	shalt  }
0x42: {  	_ =	shalt  }
0x43: {  	_ =	shalt  }
0x44: {  	_ =	shalt  }
0x45: {  	_ =	shalt  }
0x46: {  	_ =	shalt  }
0x47: {  	_ =	shalt  }
0x48: {  	_ =	shalt  }
0x49: {  	_ =	shalt  }
0x4a: {  	_ =	shalt  }
0x4b: {  	_ =	shalt  }
0x4c: {  	_ =	shalt  }
0x4d: {  	_ =	shalt  }
0x4e: {  	_ =	shalt  }
0x4f: {  	_ =	shalt  }
0x50: {  	_ =	shalt  }
0x51: {  	_ =	shalt  }
0x52: {  	_ =	shalt  }
0x53: {  	_ =	shalt  }
0x54: {  	_ =	shalt  }
0x55: {  	_ =	shalt  }
0x56: {  	_ =	shalt  }
0x57: {  	_ =	shalt  }
0x58: {  	_ =	shalt  }
0x59: {  	_ =	shalt  }
0x5a: {  	_ =	shalt  }
0x5b: {  	_ =	shalt  }
0x5c: {  	_ =	shalt  }
0x5d: {  	_ =	shalt  }
0x5e: {  	_ =	shalt  }
0x5f: {  	_ =	shalt  }
0x60: {  	_ =	shalt  }
0x61: {  	_ =	shalt  }
0x62: {  	_ =	shalt  }
0x63: {  	_ =	shalt  }
0x64: {  	_ =	shalt  }
0x65: {  	_ =	shalt  }
0x66: {  	_ =	shalt  }
0x67: {  	_ =	shalt  }
0x68: {  	_ =	shalt  }
0x69: {  	_ =	shalt  }
0x6a: {  	_ =	shalt  }
0x6b: {  	_ =	shalt  }
0x6c: {  	_ =	shalt  }
0x6d: {  	_ =	shalt  }
0x6e: {  	_ =	shalt  }
0x6f: {  	_ =	shalt  }
0x70: {  	_ =	shalt  }
0x71: {  	_ =	shalt  }
0x72: {  	_ =	shalt  }
0x73: {  	_ =	shalt  }
0x74: {  	_ =	shalt  }
0x75: {  	_ =	shalt  }
0x76: {  	_ =	shalt  }
0x77: {  	_ =	shalt  }
0x78: {  	_ =	shalt  }
0x79: {  	_ =	shalt  }
0x7a: {  	_ =	shalt  }
0x7b: {  	_ =	shalt  }
0x7c: {  	_ =	shalt  }
0x7d: {  	_ =	shalt  }
0x7e: {  	_ =	shalt  }
0x7f: {  	_ =	shalt  }
0x80: {  	_ =	shalt  }
0x81: {  	_ =	shalt  }
0x82: {  	_ =	shalt  }
0x83: {  	_ =	shalt  }
0x84: {  	_ =	shalt  }
0x85: {  	_ =	shalt  }
0x86: {  	_ =	shalt  }
0x87: {  	_ =	shalt  }
.Lfunc_end0:
.L_simem_size_0:
called_computation.9_lowered:
.L_overlay_start_0:
0x88: {  	s2 =	sld [smem:$0x3FD9]  }
0x89: {  	s3 =	sld [smem:$0x3FFE];
	_ =	sdelay $0x1  }
0x8a: {  	s1 =	srdreg.scid  }
0x8b: {  	s0 =	sand.u32 $0x1, s1  }
0x8c: {  	s17 =	sshll.u32 s0, $0xA;
	s2 =	sadd.s32 s3, s2  }
0x8d: {  	s2 =	sadd.s32 s2, s17  }
0x8e: {  	[smem:$0x3FC6] =	sst s2  }
0x8f: {  	_ = 	snop  }
0x90: {  	(tm) =	ssettm $0x1  }
0x91: {  	s18 =	sld [smem:$0x3FFB];
	_ =	sdelay $0x3  }
0x92: {  	_ =	strace s18  }
0x93: {  	s2 =	sld [smem:$0x3FFC];
	_ =	sdelay $0x3  }
0x94: {  	_ =	strace s2  }
0x95: {  	s2 =	sld [smem:$0x3FFD];
	_ =	sdelay $0x3  }
0x96: {  	_ =	strace s2  }
0x97: {  	_ =	strace $0x8FFFFFFF  }
0x98: {  	s19 =	sld [smem:$0x3FDB];
	_ =	sdelay $0x1  }
0x99: {  	s20 =	simm.s32 $_scs_section_size  }
0x9a: {  	s4 =	simm.s32 $_size__tile_overlayer_lowered;
	s5 =	simm.s32 $_tile_overlayer_lowered  }
0x9b: {  	s6 =	simm.s32 $0x1BFF;
	s21 =	sshll.u32 s5, $0x1;
	s3 =	sadd.s32 s20, s19  }
0x9c: {  	s22 =	simm.s32 $0x0;
	s4 =	sshll.u32 s4, $0x1;
	s5 =	sadd.s32 s21, s3  }
0x9d: {  	[timem:s22], [sflag:s6] =	dma.local [hbm:s5], s4  }
0x9e: {  	_ =	swait.ge [sflag:s6], s4  }
0x9f: {  	s4 =	ssub.s32 $0x0, s4;
	[sflag:s6] =	ssyncset.done $0x0  }
0xa0: {  	[sflag:s6] =	ssyncadd.s32 s4;
	_ =	sdelay $0x1  }
0xa1: {  	s23 =	simm.s32 $0x1B8B  }
0xa2: {  	_ =	swait.ge [sflag:s23], $0x1  }
0xa3: {  	[sflag:s23] =	ssyncset.done $0x0  }
0xa4: {  	[sflag:s23] =	ssyncadd.s32 $0xFFFFFFFF  }
0xa5: {  	s4 =	sld [smem:$0x0]  }
0xa6: {  	s5 =	sand.u32 $0xFFFFFFFE, s1  }
0xa7: {  	p0 =	sne.s32 s1, s5  }
0xa8: {  	s5 =	sshll.u32 @p0 s5, $0xE  }
0xa9: {  	s5 =	sadd.s32 @p0 $0x11B8D, s5;
	s6 =	sshll.u32 @p0 s4, $0x11  }
0xaa: {  	s5 =	sor.u32 @p0 s6, s5  }
0xab: {  	[sflag:s5] =	ssyncadd.remote.s32 @p0 $0x1;
	_ =	sdelay $0x1  }
0xac: {  	s5 =	simm.s32 @p0 $0x1B8D  }
0xad: {  	_ =	swait.eq @p0 [sflag:s5], $0x1  }
0xae: {  	[sflag:s5] =	ssyncadd.s32 @p0 $0xFFFFFFFF  }
0xaf: {  	s6 =	sshll.u32 @!p0 s1, $0xE  }
0xb0: {  	s6 =	sor.u32 @!p0 $0x4000, s6;
	s5 =	simm.s32 @!p0 $0x1B8D  }
0xb1: {  	s4 =	sshll.u32 @!p0 s4, $0x11;
	s6 =	sadd.s32 @!p0 $0x11B8D, s6;
	_ =	swait.eq @!p0 [sflag:s5], $0x1  }
0xb2: {  	s4 =	sor.u32 @!p0 s4, s6;
	[sflag:s5] =	ssyncadd.s32 @!p0 $0xFFFFFFFF  }
0xb3: {  	s25 =	simm.s32 $0x1B8E;
	s24 =	sld [smem:$0x3FFE];
	[sflag:s4] =	ssyncadd.remote.s32 @!p0 $0x1  }
0xb4: {  	s26 =	simm.s32 $execute0_lowered;
	[smem:$0x3FD2] =	sst s25  }
0xb5: {  	s5 =	sshll.u32 s26, $0x1;
	_ =	strace $0x80000061;
	[dreg:$0x1] =	wrdreg $0xFFFFFFFF  }
0xb6: {  	s28 =	simm.s32 $_size_execute0_lowered;
	s3 =	sadd.s32 s3, s5;
	[dreg:$0x0] =	wrdreg $0x0  }
0xb7: {  	s5 =	sshll.u32 s28, $0x1;
	[dreg:$0x2] =	wrdreg s3  }
0xb8: {  	[dreg:$0x3] =	wrdreg s5  }
0xb9: {  	[dreg:$0x4] =	wrdreg $0xC0  }
0xba: {  	_ =	task [dreg:s22], $0x5FFFF  }
0xbb: {  	[dreg:$0x1] =	wrdreg $0xFFFFFFFF  }
0xbc: {  	[dreg:$0x0] =	wrdreg $0x60  }
0xbd: {  	[dreg:$0x2] =	wrdreg s24  }
0xbe: {  	[dreg:$0x3] =	wrdreg $0x167000  }
0xbf: {  	[dreg:$0x4] =	wrdreg $0x1A3000  }
0xc0: {  	[dreg:$0x5] =	wrdreg $0x1DF000  }
0xc1: {  	[dreg:$0x6] =	wrdreg $0xA  }
0xc2: {  	_ =	task.clear_ibuf [dreg:s22], $0x7FFFF;
	_ =	strace $0x90000061  }
0xc3: {  	s29 =	simm.s32 $0xA;
	_ =	strace $0x80000063  }
0xc4: {  	_ =	swait.ge [sflag:s29], $0x1  }
0xc5: {  	[sflag:s29] =	ssyncadd.s32 $0xFFFFFFFF  }
0xc6: {  	_ =	strace $0x90000063  }
0xc7: {  	_ =	sfence  }
0xc8: {  	s30 =	sld [smem:$0x0];
	_ =	sdelay $0x2  }
0xc9: {  	s31 =	sshll.u32 s1, $0xD;
	s1 =	sshrl.u32 s1, $0x2  }
0xca: {  	s4 =	sand.u32 $0x4000, s31;
	s1 =	sadd.s32 s1, s30  }
0xcb: {  	s0 =	sor.u32 s4, s0;
	s1 =	sshll.u32 s1, $0x11  }
0xcc: {  	s0 =	sor.u32 s1, s0  }
0xcd: {  	s0 =	sadd.s32 $0x8F2B, s0  }
0xce: {  	[sflag:s0] =	ssyncadd.remote.s32 $0x1  }
0xcf: {  	_ =	sfence.sel $0xFFFF  }
0xd0: {  	[dreg:$0x0] =	wrdreg $0xFFFFFFFF;
	(pc) =	sbr.abs _section_cstart, $3  }
0xd1: {  	[dreg:$0x1] =	wrdreg $0xFFFFFFFF  }
0xd2: {  	_ =	task.clear_ibuf [dreg:s22], $0x2FFFF;
	_ =	strace $0x9FFFFFFF  }
0xd3: {  	(tm) =	ssettm $0x7FFFFFFF  }
tec
execute0_lowered:
.L_overlay_start_1:
0x0: {  	(tag) =	ssettag $0x1  }
0x1: {  	s0 =	rddreg [dreg:$0x0];
	s4 =	simm.s32 $0x0  }
0x2: {  	[smem:$0x7FF] =	sst s4;
	s1 =	sadd.s32 $0xA800, s0  }
0x3: {  	s14 =	sadd.s32 $0x800, s0;
	_ =	strace $0x80000062;
	[dreg:$0x5] =	wrdreg s1  }
0x4: {  	s15 =	sadd.s32 $0x9E00, s0;
	[dreg:$0x6] =	wrdreg s14  }
0x5: {  	s17 =	srdreg.scid;
	s16 =	sadd.s32 $0x9400, s0;
	[dreg:$0x7] =	wrdreg s15  }
0x6: {  	s5 =	stileid.u32;
	s2 =	sadd.s32 $0xB200, s0;
	[dreg:$0x8] =	wrdreg s16  }
0x7: {  	s28 =	simm.s32 $0x14A00;
	s18 =	sadd.s32 $0x8A00, s0;
	[dreg:$0x9] =	wrdreg s2  }
0x8: {  	s29 =	simm.s32 $0x14B00;
	s19 =	sadd.s32 $0x8000, s0;
	[dreg:$0xa] =	wrdreg s18  }
0x9: {  	s30 =	simm.s32 $0x15700;
	s20 =	sadd.s32 $0x7600, s0;
	[dreg:$0xb] =	wrdreg s19  }
0xa: {  	s31 =	simm.s32 $0x16300;
	s3 =	sadd.s32 $0x6C00, s0;
	[dreg:$0xc] =	wrdreg s20  }
0xb: {  	s13 =	simm.s32 $0x16500;
	s22 =	sadd.s32 $0x1200, s0;
	[dreg:$0xd] =	wrdreg s3  }
0xc: {  	s0 =	sadd.s32 $0x1C00, s0;
	s25 =	smul.u32 $0x500, s5;
	[dreg:$0xe] =	wrdreg s22  }
0xd: {  	v0 =	vimm.s32 $0x76543210;
	s1 =	sand.u32 $0x1, s17;
	[dreg:$0xf] =	wrdreg s0;
	s20 =	simm.s32 $0x5000  }
0xe: {  	v1 =	vunpack.c.l.s4.s8 v0;
	s22 =	simm.s32 $0xF000;
	s21 =	ssub.s32 $0x2, s1;
	[dreg:$0x10] =	wrdreg s25  }
0xf: {  	s26 =	sor.u32 s5, s1;
	p0 =	sne.s32 s1, $0x0;
	s23 =	sshrl.u32 s21, $0x1  }
.Ltmp0:
0x10: {  	v2 =	vimm.f32 $+Inf;
	v3 =	vunpack.c.0.s8.s32 v1;
	s25 =	simm.s32 $0x2;
	s24 =	ssub.s32 s21, s23;
	(pc) =	sbr.rel .LBB2_1-.Ltmp0, $4  }
0x11: {  	v4 =	vimm.s32 $0xB0A0908;
	vm0 =	vcmask $0x1F00;
	v0 =	vimm.s32 $0x7FF;
	s5 =	simm.s32 $0x16600;
	s1 =	simm.s32 $0x0;
	s0 =	smax.u32 s24, $0x1  }
0x12: {  	v4 =	vunpack.c.0.s8.s32 v4;
	v1 =	vlaneseq.u32;
	p1 =	sne.s32 s26, $0x0;
	v5 =	vand.u32 $0xF, v3;
	[dreg:$0x11] =	wrdreg s0;
	s0 =	simm.s32 @!p0 $0x0  }
0x13: {  	s26 =	simm.s32 $0x14900;
	s21 =	simm.s32 $0xA000;
	v3 =	vimm.s32 $0x0;
	v5 =	vnsel vm0, $0xB, v5;
	vm0 =	vcmask $0x2F20;
	s0 =	simm.s32 @p0 $0x1  }
0x14: {  	s23 =	simm.s32 $0x14000;
	s24 =	simm.s32 $0x14800;
	v4 =	vsel vm0, v4, v5;
	vm0 =	vmxor vm0, vm0;
	v5 =	vimm.f32 $1.000000000e+00;
	[smem:$0x7FD] =	sst s0  }
.LBB2_43:
.Ltmp1:
0x15: {  	(pc) =	sbr.rel @!p1 .LBB2_44-.Ltmp1, $2  }
0x16: {  	_ =	sdelay $0x1  }
0x17: {  	[bflag:$0x0] =	sbarrier.arrive $0xFFFF;
	_ =	sdelay $0x1  }
.LBB2_104:
0x18: {  	s1 =	rddreg [dreg:$0x12]  }
0x19: {  	s0 =	rddreg [dreg:$0x11];
	s1 =	sadd.s32 $0x1, s1  }
0x1a: {  	p0 =	sne.s32 s1, s0  }
.Ltmp2:
0x1b: {  	_ = 	snop;
	(pc) =	sbr.rel @!p0 .LBB2_105-.Ltmp2, $1  }
0x1c: {  	_ =	sdelay $0x3  }
.LBB2_1:
0x1d: {  	s0 =	sld [smem:$0x7FD];
	_ =	sdelay $0x2  }
0x1e: {  	p0 =	seq.s32 s0, $0x1  }
.Ltmp3:
0x1f: {  	_ = 	snop;
	(pc) =	sbr.rel @p0 .LBB2_43-.Ltmp3, $2  }
0x20: {  	_ =	sdelay $0x2  }
0x21: {  	[dreg:$0x12] =	wrdreg s1  }
0x22: {  	s7 =	simm.s32 $0x0;
	s0 =	rddreg [dreg:$0x5];
	s1 =	simm.s32 $0x1  }
0x23: {  	[tilespmem:s7], [sflag:$0x1] =	stream.linear.gather [hbm4b:s0+s7], $0x5000, $0x38;
	[tilespmem:$0x1E400] =	vst v63  }
0x24: {  	_ =	swait.ge [sflag:s1], $0x5000  }
0x25: {  	[sflag:s1] =	ssyncset.done $0x0  }
0x26: {  	s15 =	rddreg [dreg:$0x6];
	[sflag:s1] =	ssyncadd.s32 $0xFFFFB000  }
0x27: {  	[tilespmem:s20], [sflag:$0x1] =	stream.linear.gather [hbm4b:s15+s7], $0x5000, $0x38;
	[tilespmem:$0x1E400] =	vst v63  }
0x28: {  	_ =	swait.ge [sflag:s1], $0x5000  }
0x29: {  	[sflag:s1] =	ssyncset.done $0x0  }
0x2a: {  	s16 =	rddreg [dreg:$0x7];
	[sflag:s1] =	ssyncadd.s32 $0xFFFFB000  }
0x2b: {  	[tilespmem:s21], [sflag:$0x1] =	stream.linear.gather [hbm4b:s16+s7], $0x5000, $0x38;
	[tilespmem:$0x1E400] =	vst v63  }
0x2c: {  	_ =	swait.ge [sflag:s1], $0x5000  }
0x2d: {  	[sflag:s1] =	ssyncset.done $0x0  }
0x2e: {  	s17 =	rddreg [dreg:$0x8];
	[sflag:s1] =	ssyncadd.s32 $0xFFFFB000  }
0x2f: {  	[tilespmem:s22], [sflag:$0x1] =	stream.linear.gather [hbm4b:s17+s7], $0x5000, $0x38;
	[tilespmem:$0x1E400] =	vst v63  }
0x30: {  	_ =	swait.ge [sflag:s1], $0x5000  }
0x31: {  	[sflag:s1] =	ssyncset.done $0x0  }
0x32: {  	s18 =	rddreg [dreg:$0x9];
	[sflag:s1] =	ssyncadd.s32 $0xFFFFB000  }
0x33: {  	[tilespmem:s23], [sflag:$0x1] =	stream.linear.gather [hbm4b:s18+s7], $0x800, $0x38;
	[tilespmem:$0x1E400] =	vst v63  }
0x34: {  	_ =	swait.ge [sflag:s1], $0x800  }
0x35: {  	[sflag:s1] =	ssyncset.done $0x0  }
0x36: {  	[sflag:s1] =	ssyncadd.s32 $0xFFFFF800  }
0x37: {  	v6 =	vld.idx.msk [tilespmem:v0+s23+$0x0], $0xffff;
	_ =	sdelay $0x4  }
0x38: {  	v6 =	vxor.u32 $0x80000000, v6  }
0x39: {  	(xrf0) =	vmin.scan.msk.u32 $0xffff, v6;
	_ =	sdelay $0x5  }
0x3a: {  	v6, _, _ =	vpop (xrf0)  }
0x3b: {  	(v2sf) =	vpush v6, $0xF;
	_ =	sdelay $0xb  }
.Ltmp4:
0x3c: {  	_ = 	snop;
	(pc) =	sbr.rel .LBB2_3-.Ltmp4, $3  }
0x3d: {  	_ =	sdelay $0x1  }
0x3e: {  	s19 =	spop (v2sf)  }
0x3f: {  	s8 =	sxor.u32 $0x80000000, s19  }
.LBB2_41:
0x40: {  	s0 =	smul.u32 $0xC, s9  }
0x41: {  	s1 =	rddreg [dreg:$0x1]  }
0x42: {  	s1 =	sadd.s32 s0, s1  }
0x43: {  	[spmem:s1] =	stream.linear.scatter [tilespmem:s29], [sflag:$0x2], $0xC00, $0x38;
	[tilespmem:$0x1E400] =	vst v63  }
0x44: {  	_ =	swait.ge [sflag:s25], $0xC00  }
0x45: {  	[sflag:s25] =	ssyncset.done $0x0  }
0x46: {  	[sflag:s25] =	ssyncadd.s32 $0xFFFFF400  }
0x47: {  	s17 =	rddreg [dreg:$0x2]  }
0x48: {  	s0 =	sadd.s32 s0, s17  }
0x49: {  	[spmem:s0] =	stream.linear.scatter [tilespmem:s30], [sflag:$0x2], $0xC00, $0x38;
	[tilespmem:$0x1E400] =	vst v63  }
0x4a: {  	_ =	swait.ge [sflag:s25], $0xC00  }
0x4b: {  	[sflag:s25] =	ssyncset.done $0x0  }
0x4c: {  	[sflag:s25] =	ssyncadd.s32 $0xFFFFF400  }
0x4d: {  	s18 =	rddreg [dreg:$0x3]  }
0x4e: {  	s19 =	simm.s32 $0x1;
	s0 =	sadd.s32 s9, s18  }
0x4f: {  	[spmem:s0] =	stream.linear.scatter [tilespmem:s31], [sflag:$0x1], $0x100, $0x38;
	[tilespmem:$0x1E400] =	vst v63  }
0x50: {  	_ =	swait.ge [sflag:s19], $0x100  }
0x51: {  	[sflag:s19] =	ssyncset.done $0x0  }
0x52: {  	[sflag:s19] =	ssyncadd.s32 $0xFFFFFF00  }
.LBB2_42:
0x53: {  	s7 =	sadd.s32 $0x1, s7  }
0x54: {  	p0 =	sne.s32 s7, $0x5  }
.Ltmp5:
0x55: {  	_ = 	snop;
	(pc) =	sbr.rel @!p0 .LBB2_43-.Ltmp5, $1  }
0x56: {  	_ =	sdelay $0x3  }
.LBB2_3:
0x57: {  	s1 =	sshll.u32 s7, $0x8;
	s0 =	rddreg [dreg:$0x10]  }
0x58: {  	s9 =	sadd.s32 s0, s1  }
0x59: {  	p0 =	sge.s32 s9, s8  }
.Ltmp6:
0x5a: {  	_ = 	snop;
	(pc) =	sbr.rel @p0 .LBB2_42-.Ltmp6, $1  }
0x5b: {  	_ =	sdelay $0x3  }
0x5c: {  	s1 =	sshrl.u32 s9, $0x3;
	s0 =	rddreg [dreg:$0xa]  }
0x5d: {  	s14 =	simm.s32 $0x0;
	s2 =	sadd.s32 s0, s1  }
0x5e: {  	[tilespmem:s24], [sflag:$0x2] =	stream.linear.gather [hbm4b:s2+s14], $0x100, $0x38;
	[tilespmem:$0x1E400] =	vst v63  }
0x5f: {  	_ =	swait.ge [sflag:s25], $0x100  }
0x60: {  	[sflag:s25] =	ssyncset.done $0x0;
	s17 =	rddreg [dreg:$0xb]  }
0x61: {  	[sflag:s25] =	ssyncadd.s32 $0xFFFFFF00;
	s18 =	sadd.s32 s17, s1  }
0x62: {  	[tilespmem:s26], [sflag:$0x2] =	stream.linear.gather [hbm4b:s18+s14], $0x100, $0x38;
	[tilespmem:$0x1E400] =	vst v63  }
0x63: {  	_ =	swait.ge [sflag:s25], $0x100  }
0x64: {  	[sflag:s25] =	ssyncset.done $0x0;
	s19 =	rddreg [dreg:$0xc]  }
0x65: {  	v6 =	vor.u32 s14, v1;
	[sflag:s25] =	ssyncadd.s32 $0xFFFFFF00;
	s1 =	sadd.s32 s19, s1  }
0x66: {  	[tilespmem:s28], [sflag:$0x2] =	stream.linear.gather [hbm4b:s1+s14], $0x100, $0x38;
	[tilespmem:$0x1E400] =	vst v63  }
0x67: {  	_ =	swait.ge [sflag:s25], $0x100  }
0x68: {  	[sflag:s25] =	ssyncset.done $0x0  }
0x69: {  	[sflag:s25] =	ssyncadd.s32 $0xFFFFFF00  }
0x6a: {  	s1 =	simm.s32 $0x10;
	[tilespmem:v6+s29+$0x0] =	vst.idx.msk $0xffff, v2  }
.LBB2_5:
0x6b: {  	[tilespmem:v6+s30+$0x0] =	vst.idx.msk $0xffff, v3;
	v6 =	vor.u32 s1, v1;
	p0 =	sne.s32 s1, $0xBF0  }
.Ltmp7:
0x6c: {  	s1 =	sadd.s32 $0x10, s1;
	(pc) =	sbr.rel @p0 .LBB2_5-.Ltmp7, $2  }
0x6d: {  	_ =	sdelay $0x2  }
0x6e: {  	[tilespmem:v6+s29+$0x0] =	vst.idx.msk $0xffff, v2  }
.Ltmp8:
0x6f: {  	_ = 	snop;
	(pc) =	sbr.rel .LBB2_7-.Ltmp8, $2  }
0x70: {  	_ =	sdelay $0x2  }
0x71: {  	[tilespmem:v6+s30+$0x0] =	vst.idx.msk $0xffff, v3  }
.LBB2_34:
0x72: {  	s1 =	smov.u32 s3  }
.LBB2_39:
0x73: {  	_ =	sdelay $0x4  }
0x74: {  	[tilespmem:v15+s29+$0x0] =	vst.idx.msk @p2 vm2, v14  }
0x75: {  	[tilespmem:v15+s30+$0x0] =	vst.idx.msk @p2 vm2, v13  }
0x76: {  	v13 =	vld.idx.msk [tilespmem:v12+s20+$0x0], vm1  }
0x77: {  	v14 =	vld.idx.msk [tilespmem:v12+s4+$0x0], vm1  }
0x78: {  	v15 =	vld.idx.msk [tilespmem:v12+s21+$0x0], vm1;
	_ =	sdelay $0x2  }
0x79: {  	v16 =	vmul.f32 v13, v13;
	v9 =	vmul.f32 v13, v9  }
0x7a: {  	v60 =	vmul.f32 v14, v14;
	v7 =	vmul.f32 v14, v7  }
0x7b: {  	v61 =	vmul.f32 v15, v15  }
0x7c: {  	v8 =	vmul.f32 v15, v8;
	v13 =	vadd.f32 v16, v60;
	v7 =	vadd.f32 v9, v7;
	_ =	sdelay $0x1  }
0x7d: {  	v62 =	vadd.f32 v61, v13;
	v7 =	vadd.f32 v8, v7  }
0x7e: {  	v8 =	vld.idx.msk [tilespmem:v12+s22+$0x0], vm1  }
0x7f: {  	v9 =	vadd.f32 v62, v11;
	v7 =	vadd.f32 v7, v7;
	_ =	sdelay $0x1  }
0x80: {  	v7 =	vsub.f32 v9, v7;
	_ =	sdelay $0x1  }
0x81: {  	vm2 =	vge.f32 v8, $5.000000000e-01;
	vm3 =	vle.f32 v7, $1.000000000e+00  }
0x82: {  	vm2 =	vmand vm2, vm3  }
0x83: {  	vm1 =	vmand vm1, vm2  }
0x84: {  	v8 =	vsel vm1, $0x1, v3  }
0x85: {  	(xrf0) =	vadd.scan.msk.s32 $0xffff, v8;
	_ =	sdelay $0x5  }
0x86: {  	v8, _, _ =	vpop (xrf0)  }
0x87: {  	s0 =	spop @p2 (v2sf);
	(v2sf) =	vpush v8, $0xF  }
0x88: {  	s0 =	sadd.s32 @p2 s1, s0  }
0x89: {  	s3 =	smov.u32 @p2 s0  }
0x8a: {  	v63 =	vmov s3  }
0x8b: {  	v9 =	vadd.s32 $0xFFFFFFFF, v63  }
0x8c: {  	v9 =	vbroadcast v9, $0x0;
	_ =	sdelay $0x1  }
0x8d: {  	v8 =	vadd.s32 v8, v9  }
0x8e: {  	vm2 =	vlt.s32 v8, $0xC  }
0x8f: {  	vm1 =	vmand vm1, vm2  }
0x90: {  	v8 =	vadd.s32 v10, v8;
	_ =	sdelay $0x4  }
0x91: {  	[tilespmem:v8+s29+$0x0] =	vst.idx.msk vm1, v7;
	s19 =	spop (v2sf)  }
0x92: {  	[tilespmem:v8+s30+$0x0] =	vst.idx.msk vm1, v12;
	s3 =	sadd.s32 s3, s19  }
.LBB2_40:
0x93: {  	s14 =	sadd.s32 $0x1, s14  }
0x94: {  	p0 =	sne.s32 s14, $0x100  }
.Ltmp9:
0x95: {  	_ = 	snop;
	(pc) =	sbr.rel @!p0 .LBB2_41-.Ltmp9, $3  }
0x96: {  	_ =	sdelay $0x1  }
0x97: {  	v7 =	vmov s3  }
0x98: {  	[tilespmem:v6+s31+$0x0] =	vst.idx.msk $0x1, v7  }
.LBB2_7:
0x99: {  	v6 =	vmov s14;
	_ =	sdelay $0x4  }
0x9a: {  	v7 =	vld.idx.msk [tilespmem:v6+s24+$0x0], $0xffff  }
0x9b: {  	v9 =	vld.idx.msk [tilespmem:v6+s26+$0x0], $0xffff  }
0x9c: {  	v8 =	vld.idx.msk [tilespmem:v6+s28+$0x0], $0xffff;
	_ =	sdelay $0x2  }
0x9d: {  	(xrf0) =	vmin.scan.msk.f32 $0xffff, v7  }
0x9e: {  	(xrf0) =	vmin.scan.msk.f32 $0xffff, v9  }
0x9f: {  	(xrf0) =	vmin.scan.msk.f32 $0xffff, v8;
	_ =	sdelay $0x3  }
0xa0: {  	v10, _, _ =	vpop (xrf0)  }
0xa1: {  	(v2sf) =	vpush v10, $0xF;
	v10, _, _ =	vpop (xrf0)  }
0xa2: {  	(v2sf) =	vpush v10, $0xF;
	v10, _, _ =	vpop (xrf0)  }
0xa3: {  	(v2sf) =	vpush v10, $0xF;
	_ =	sdelay $0xc  }
0xa4: {  	s1 =	spop (v2sf)  }
0xa5: {  	s11 =	spop (v2sf)  }
0xa6: {  	s15 =	spop (v2sf);
	s2 =	sadd.f32 $-1.000000000e+00, s11  }
0xa7: {  	s3 =	sadd.f32 $-1.000000000e+00, s15  }
0xa8: {  	s2 =	smul.f32 $5.000000000e-01, s2  }
0xa9: {  	s3 =	smul.f32 $5.000000000e-01, s3  }
0xaa: {  	s6 =	scvt.f32.s32 s2  }
0xab: {  	s12 =	scvt.f32.s32 s3  }
0xac: {  	s10 =	scvt.s32.f32 s6  }
0xad: {  	s16 =	scvt.s32.f32 s12  }
0xae: {  	s17 =	scvt.f32.s32 s1;
	p0 =	slt.f32 s2, s10  }
0xaf: {  	s2 =	simm.s32 $0x1;
	p2 =	slt.f32 s3, s16  }
0xb0: {  	s0 =	scvt.s32.f32 s17;
	s16 =	simm.s32 $0x1;
	s2 =	simm.s32 @!p0 $0x0  }
0xb1: {  	s10 =	ssub.s32 s6, s2;
	s16 =	simm.s32 @!p2 $0x0  }
0xb2: {  	p0 =	slt.f32 s1, s0;
	p2 =	sgt.s32 s10, $0x0;
	s6 =	ssub.s32 s12, s16  }
0xb3: {  	s1 =	simm.s32 $0x1;
	s10 =	simm.s32 @!p2 $0x0;
	p2 =	sgt.s32 s6, $0x0  }
0xb4: {  	s1 =	simm.s32 @!p0 $0x0;
	s16 =	smin.u32 s10, $0x9;
	s6 =	simm.s32 @!p2 $0x0  }
0xb5: {  	s17 =	ssub.s32 s17, s1;
	s18 =	smin.u32 s6, $0x9;
	s16 =	smul.u32 $0x14, s16  }
0xb6: {  	s1 =	sadd.s32 $0xFFFFFFFF, s17;
	s2 =	sadd.s32 $0x1, s17;
	s12 =	smul.u32 $0xC8, s18  }
0xb7: {  	p0 =	sgt.s32 s1, $0x0;
	p2 =	slt.s32 s2, $0x13  }
0xb8: {  	s1 =	simm.s32 @!p0 $0x0;
	s2 =	simm.s32 @!p2 $0x13;
	s19 =	sadd.s32 s16, s12  }
0xb9: {  	s2 =	sadd.s32 $0x1, s2;
	s0 =	sadd.s32 s1, s19  }
0xba: {  	s3 =	sadd.s32 s19, s2;
	v10 =	vmov s0  }
0xbb: {  	v11 =	vmov s3;
	_ =	sdelay $0x3  }
0xbc: {  	v10 =	vld.idx.msk [tilespmem:v10+s23+$0x0], $0xffff  }
0xbd: {  	v11 =	vld.idx.msk [tilespmem:v11+s23+$0x0], $0xffff;
	_ =	sdelay $0x3  }
0xbe: {  	v10 =	vxor.u32 $0x80000000, v10  }
0xbf: {  	(xrf0) =	vmin.scan.msk.u32 $0xffff, v10;
	v10 =	vxor.u32 $0x80000000, v11  }
0xc0: {  	(xrf0) =	vmin.scan.msk.u32 $0xffff, v10;
	_ =	sdelay $0x4  }
0xc1: {  	v10, _, _ =	vpop (xrf0)  }
0xc2: {  	(v2sf) =	vpush v10, $0xF;
	v10, _, _ =	vpop (xrf0)  }
0xc3: {  	(v2sf) =	vpush v10, $0xF;
	_ =	sdelay $0xd  }
0xc4: {  	s17 =	spop (v2sf)  }
0xc5: {  	s18 =	sor.u32 s9, s14;
	s17 =	sxor.u32 $0x80000000, s17;
	s19 =	spop (v2sf)  }
0xc6: {  	p2 =	slt.s32 s18, s8;
	s18 =	sxor.u32 $0x80000000, s19;
	s3 =	smov.u32 s17  }
0xc7: {  	s3 =	smov.u32 @p2 s18  }
0xc8: {  	s18 =	ssub.s32 s3, s17  }
0xc9: {  	s18 =	sadd.s32 $0xF, s18  }
0xca: {  	s19 =	sand.u32 $0xF, s18  }
0xcb: {  	s0 =	sshra.s32 s18, $0x1F;
	p6 =	slt.s32 s18, $0x1;
	p3 =	sne.s32 s19, $0x0  }
0xcc: {  	s0 =	sshrl.u32 s0, $0x1C;
	p0 =	por !p6, !p3  }
0xcd: {  	s0 =	sadd.s32 s0, s18;
	s18 =	simm.s32 $0x1;
	p0 =	por !p0, !p0  }
0xce: {  	s0 =	sshra.s32 s0, $0x4;
	s18 =	simm.s32 @!p0 $0x0  }
0xcf: {  	s18 =	ssub.s32 s0, s18  }
0xd0: {  	p0 =	slt.s32 s18, $0x1  }
.Ltmp10:
0xd1: {  	v11 =	vmul.f32 v9, v9;
	v10 =	vmul.f32 v7, v7;
	(pc) =	sbr.rel @p0 .LBB2_8-.Ltmp10, $3  }
0xd2: {  	_ = 	snop  }
0xd3: {  	v10 =	vadd.f32 v11, v10;
	v11 =	vmul.f32 v8, v8;
	s19 =	smul.u32 $0xC, s14;
	_ =	sdelay $0x1  }
0xd4: {  	v11 =	vadd.f32 v11, v10;
	v10 =	vmov s19  }
0xd5: {  	p0 =	sne.s32 s18, $0x1  }
.Ltmp11:
0xd6: {  	_ = 	snop;
	(pc) =	sbr.rel @!p0 .LBB2_10-.Ltmp11, $3  }
0xd7: {  	_ =	sdelay $0x1  }
0xd8: {  	v13 =	vmov s3;
	v12 =	vadd.s32 s17, v1  }
0xd9: {  	s3 =	simm.s32 $0x0;
	s18 =	sadd.s32 $0xFFFFFFFF, s18;
	p3 =	por $0x0, $0x0;
	vm1 =	vlt.s32 v12, v13  }
0xda: {  	_ =	sdelay $0x4  }
0xdb: {  	v14 =	vld.idx.msk [tilespmem:v12+s20+$0x0], vm1  }
0xdc: {  	v15 =	vld.idx.msk [tilespmem:v12+s4+$0x0], vm1  }
0xdd: {  	v16 =	vld.idx.msk [tilespmem:v12+s21+$0x0], vm1;
	_ =	sdelay $0x2  }
0xde: {  	v17 =	vmul.f32 v14, v14;
	v14 =	vmul.f32 v14, v9  }
0xdf: {  	v18 =	vmul.f32 v15, v15;
	v15 =	vmul.f32 v15, v7  }
0xe0: {  	v19 =	vmul.f32 v16, v16  }
0xe1: {  	v16 =	vmul.f32 v16, v8;
	v17 =	vadd.f32 v17, v18;
	v14 =	vadd.f32 v14, v15;
	_ =	sdelay $0x1  }
0xe2: {  	v15 =	vadd.f32 v19, v17;
	v14 =	vadd.f32 v16, v14  }
0xe3: {  	v16 =	vld.idx.msk [tilespmem:v12+s22+$0x0], vm1  }
0xe4: {  	v15 =	vadd.f32 v15, v11;
	v14 =	vadd.f32 v14, v14;
	_ =	sdelay $0x1  }
0xe5: {  	v14 =	vsub.f32 v15, v14;
	_ =	sdelay $0x1  }
0xe6: {  	vm2 =	vge.f32 v16, $5.000000000e-01;
	vm3 =	vle.f32 v14, $1.000000000e+00  }
0xe7: {  	vm2 =	vmand vm2, vm3  }
0xe8: {  	vm1 =	vmand vm1, vm2  }
0xe9: {  	v15 =	vsel vm1, $0x1, v3  }
0xea: {  	(xrf0) =	vadd.scan.msk.s32 $0xffff, v15;
	_ =	sdelay $0x2  }
0xeb: {  	v15 =	vmov s3  }
0xec: {  	v15 =	vadd.s32 $0xFFFFFFFF, v15  }
0xed: {  	v15 =	vbroadcast v15, $0x0  }
0xee: {  	p0 =	sne.s32 s18, $0x1;
	v16, _, _ =	vpop (xrf0)  }
.Ltmp12:
0xef: {  	v15 =	vadd.s32 v16, v15;
	(v2sf) =	vpush v16, $0xF;
	(pc) =	sbr.rel @!p0 .LBB2_12-.Ltmp12, $4  }
0xf0: {  	vm2 =	vlt.s32 v15, $0xC  }
0xf1: {  	s17 =	sadd.s32 $0x10, s17;
	vm2 =	vmand vm1, vm2  }
0xf2: {  	v16 =	vadd.s32 s17, v1;
	v15 =	vadd.s32 v10, v15  }
0xf3: {  	s19 =	sadd.s32 $0xFFFFFFFF, s18;
	p3 =	por $0x1, $0x1;
	s18 =	simm.s32 $0x0;
	vm1 =	vlt.s32 v16, v13  }
.LBB2_13:
0xf4: {  	p4 =	sne.s32 s19, $0x1;
	_ =	sdelay $0x2  }
0xf5: {  	[tilespmem:v15+s29+$0x0] =	vst.idx.msk vm2, v14  }
0xf6: {  	[tilespmem:v15+s30+$0x0] =	vst.idx.msk vm2, v12;
	v12 =	vmov v16  }
0xf7: {  	v14 =	vld.idx.msk [tilespmem:v16+s20+$0x0], vm1  }
0xf8: {  	v15 =	vld.idx.msk [tilespmem:v16+s4+$0x0], vm1  }
0xf9: {  	v16 =	vld.idx.msk [tilespmem:v16+s21+$0x0], vm1;
	_ =	sdelay $0x2  }
0xfa: {  	s0 =	spop (v2sf)  }
0xfb: {  	v17 =	vmul.f32 v14, v14;
	v14 =	vmul.f32 v14, v9;
	s18 =	sadd.s32 s18, s0  }
0xfc: {  	v18 =	vmul.f32 v15, v15;
	v15 =	vmul.f32 v15, v7;
	v19 =	vmov s18  }
0xfd: {  	v20 =	vmul.f32 v16, v16;
	v16 =	vmul.f32 v16, v8;
	v19 =	vadd.s32 $0xFFFFFFFF, v19  }
0xfe: {  	v17 =	vadd.f32 v17, v18;
	v14 =	vadd.f32 v14, v15;
	v15 =	vbroadcast v19, $0x0;
	_ =	sdelay $0x1  }
0xff: {  	v17 =	vadd.f32 v20, v17;
	v14 =	vadd.f32 v16, v14;
	v18 =	vld.idx.msk [tilespmem:v12+s22+$0x0], vm1;
	_ =	sdelay $0x1  }
0x100: {  	v16 =	vadd.f32 v17, v11;
	v14 =	vadd.f32 v14, v14;
	_ =	sdelay $0x1  }
0x101: {  	v14 =	vsub.f32 v16, v14;
	_ =	sdelay $0x1  }
0x102: {  	vm2 =	vge.f32 v18, $5.000000000e-01;
	vm3 =	vle.f32 v14, $1.000000000e+00  }
0x103: {  	vm2 =	vmand vm2, vm3  }
0x104: {  	vm1 =	vmand vm1, vm2  }
0x105: {  	v16 =	vsel vm1, $0x1, v3  }
0x106: {  	(xrf0) =	vadd.scan.msk.s32 $0xffff, v16;
	_ =	sdelay $0x5  }
0x107: {  	v16, _, _ =	vpop (xrf0)  }
.Ltmp13:
0x108: {  	v15 =	vadd.s32 v16, v15;
	(v2sf) =	vpush v16, $0xF;
	(pc) =	sbr.rel @p4 .LBB2_13-.Ltmp13, $4  }
0x109: {  	vm2 =	vlt.s32 v15, $0xC;
	v15 =	vadd.s32 v10, v15  }
0x10a: {  	s17 =	sadd.s32 $0x10, s17;
	vm2 =	vmand vm1, vm2  }
0x10b: {  	v16 =	vadd.s32 s17, v1  }
0x10c: {  	s19 =	sadd.s32 $0xFFFFFFFF, s19;
	vm1 =	vlt.s32 v16, v13  }
0x10d: {  	v13 =	vmov v12;
	v12 =	vmov v16  }
.LBB2_15:
0x10e: {  	_ =	sdelay $0x4  }
0x10f: {  	[tilespmem:v15+s29+$0x0] =	vst.idx.msk @p3 vm2, v14  }
0x110: {  	[tilespmem:v15+s30+$0x0] =	vst.idx.msk @p3 vm2, v13  }
0x111: {  	v13 =	vld.idx.msk [tilespmem:v12+s20+$0x0], vm1  }
0x112: {  	v14 =	vld.idx.msk [tilespmem:v12+s4+$0x0], vm1  }
0x113: {  	v15 =	vld.idx.msk [tilespmem:v12+s21+$0x0], vm1;
	_ =	sdelay $0x2  }
0x114: {  	v16 =	vmul.f32 v13, v13;
	v13 =	vmul.f32 v13, v9  }
0x115: {  	v17 =	vmul.f32 v14, v14;
	v14 =	vmul.f32 v14, v7  }
0x116: {  	v18 =	vmul.f32 v15, v15  }
0x117: {  	v15 =	vmul.f32 v15, v8;
	v16 =	vadd.f32 v16, v17;
	v13 =	vadd.f32 v13, v14;
	_ =	sdelay $0x1  }
0x118: {  	v60 =	vadd.f32 v18, v16;
	v13 =	vadd.f32 v15, v13  }
0x119: {  	v61 =	vld.idx.msk [tilespmem:v12+s22+$0x0], vm1  }
0x11a: {  	v14 =	vadd.f32 v60, v11;
	v13 =	vadd.f32 v13, v13;
	_ =	sdelay $0x1  }
0x11b: {  	v13 =	vsub.f32 v14, v13;
	_ =	sdelay $0x1  }
0x11c: {  	vm2 =	vge.f32 v61, $5.000000000e-01;
	vm3 =	vle.f32 v13, $1.000000000e+00  }
0x11d: {  	vm2 =	vmand vm2, vm3  }
0x11e: {  	vm1 =	vmand vm1, vm2  }
0x11f: {  	v62 =	vsel vm1, $0x1, v3  }
0x120: {  	(xrf0) =	vadd.scan.msk.s32 $0xffff, v62;
	_ =	sdelay $0x5  }
0x121: {  	v14, _, _ =	vpop (xrf0)  }
0x122: {  	s0 =	spop @p3 (v2sf);
	(v2sf) =	vpush v14, $0xF  }
0x123: {  	s0 =	sadd.s32 @p3 s18, s0  }
0x124: {  	s3 =	smov.u32 @p3 s0  }
0x125: {  	v63 =	vmov s3  }
0x126: {  	v15 =	vadd.s32 $0xFFFFFFFF, v63  }
0x127: {  	v15 =	vbroadcast v15, $0x0;
	_ =	sdelay $0x1  }
0x128: {  	v14 =	vadd.s32 v14, v15  }
0x129: {  	vm2 =	vlt.s32 v14, $0xC  }
0x12a: {  	vm1 =	vmand vm1, vm2  }
0x12b: {  	v14 =	vadd.s32 v10, v14;
	_ =	sdelay $0x1  }
.Ltmp14:
0x12c: {  	_ = 	snop;
	(pc) =	sbr.rel .LBB2_16-.Ltmp14, $3  }
0x12d: {  	_ =	sdelay $0x1  }
0x12e: {  	[tilespmem:v14+s29+$0x0] =	vst.idx.msk vm1, v13;
	s19 =	spop (v2sf)  }
0x12f: {  	[tilespmem:v14+s30+$0x0] =	vst.idx.msk vm1, v12;
	s3 =	sadd.s32 s3, s19  }
.LBB2_8:
0x130: {  	s3 =	simm.s32 $0x0  }
.LBB2_16:
0x131: {  	s0 =	sadd.f32 $1.000000000e+00, s11;
	_ =	sdelay $0x1  }
0x132: {  	s0 =	smul.f32 $5.000000000e-01, s0;
	_ =	sdelay $0x1  }
0x133: {  	s19 =	scvt.f32.s32 s0;
	_ =	sdelay $0x1  }
0x134: {  	s17 =	scvt.s32.f32 s19;
	_ =	sdelay $0x1  }
0x135: {  	p0 =	slt.f32 s0, s17  }
0x136: {  	s0 =	simm.s32 $0x1  }
0x137: {  	s0 =	simm.s32 @!p0 $0x0  }
0x138: {  	s0 =	ssub.s32 s19, s0  }
0x139: {  	p0 =	sgt.s32 s0, $0x0  }
0x13a: {  	s0 =	simm.s32 @!p0 $0x0  }
0x13b: {  	s0 =	smin.u32 s0, $0x9  }
0x13c: {  	s18 =	smul.u32 $0x14, s0;
	_ =	sdelay $0x1  }
0x13d: {  	s17 =	sadd.s32 s18, s12  }
0x13e: {  	s12 =	sadd.s32 s1, s17  }
0x13f: {  	s11 =	sadd.s32 s17, s2;
	v12 =	vmov s12  }
0x140: {  	v13 =	vmov s11;
	_ =	sdelay $0x3  }
0x141: {  	v12 =	vld.idx.msk [tilespmem:v12+s23+$0x0], $0xffff  }
0x142: {  	v13 =	vld.idx.msk [tilespmem:v13+s23+$0x0], $0xffff;
	_ =	sdelay $0x3  }
0x143: {  	v12 =	vxor.u32 $0x80000000, v12  }
0x144: {  	v61 =	vxor.u32 $0x80000000, v13;
	(xrf0) =	vmin.scan.msk.u32 $0xffff, v12  }
0x145: {  	(xrf0) =	vmin.scan.msk.u32 $0xffff, v61;
	_ =	sdelay $0x4  }
0x146: {  	v62, _, _ =	vpop (xrf0)  }
0x147: {  	(v2sf) =	vpush v62, $0xF;
	v63, _, _ =	vpop (xrf0)  }
0x148: {  	(v2sf) =	vpush v63, $0xF;
	_ =	sdelay $0xd  }
0x149: {  	p5 =	slt.u32 s10, s0;
	s19 =	spop (v2sf)  }
0x14a: {  	p0 =	por !p2, !p5;
	s10 =	sxor.u32 $0x80000000, s19;
	s12 =	spop (v2sf)  }
0x14b: {  	p3 =	por !p0, !p0;
	s0 =	sxor.u32 $0x80000000, s12;
	s11 =	smov.u32 s10  }
0x14c: {  	s11 =	smov.u32 @p3 s0  }
0x14d: {  	s0 =	ssub.s32 s11, s10  }
0x14e: {  	s0 =	sadd.s32 $0xF, s0  }
0x14f: {  	s17 =	sand.u32 $0xF, s0  }
0x150: {  	s19 =	sshra.s32 s0, $0x1F;
	p4 =	slt.s32 s0, $0x1;
	p6 =	sne.s32 s17, $0x0  }
0x151: {  	s12 =	sshrl.u32 s19, $0x1C;
	p0 =	por !p4, !p6  }
0x152: {  	s0 =	sadd.s32 s12, s0;
	s12 =	simm.s32 $0x1;
	p0 =	por !p0, !p0  }
0x153: {  	s0 =	sshra.s32 s0, $0x4;
	s12 =	simm.s32 @!p0 $0x0  }
0x154: {  	s12 =	ssub.s32 s0, s12  }
0x155: {  	p0 =	slt.s32 s12, $0x1  }
.Ltmp15:
0x156: {  	_ = 	snop;
	(pc) =	sbr.rel @p0 .LBB2_24-.Ltmp15, $1  }
0x157: {  	_ =	sdelay $0x3  }
0x158: {  	p0 =	sne.s32 s12, $0x1  }
.Ltmp16:
0x159: {  	_ = 	snop;
	(pc) =	sbr.rel @!p0 .LBB2_18-.Ltmp16, $3  }
0x15a: {  	_ =	sdelay $0x1  }
0x15b: {  	v13 =	vmov s11;
	v12 =	vadd.s32 s10, v1  }
0x15c: {  	s12 =	sadd.s32 $0xFFFFFFFF, s12;
	p4 =	por $0x0, $0x0;
	vm1 =	vlt.s32 v12, v13  }
0x15d: {  	_ =	sdelay $0x4  }
0x15e: {  	v14 =	vld.idx.msk [tilespmem:v12+s20+$0x0], vm1  }
0x15f: {  	v15 =	vld.idx.msk [tilespmem:v12+s4+$0x0], vm1  }
0x160: {  	v16 =	vld.idx.msk [tilespmem:v12+s21+$0x0], vm1;
	_ =	sdelay $0x2  }
0x161: {  	v17 =	vmul.f32 v14, v14;
	v14 =	vmul.f32 v14, v9  }
0x162: {  	v18 =	vmul.f32 v15, v15;
	v15 =	vmul.f32 v15, v7  }
0x163: {  	v19 =	vmul.f32 v16, v16  }
0x164: {  	v16 =	vmul.f32 v16, v8;
	v17 =	vadd.f32 v17, v18;
	v14 =	vadd.f32 v14, v15;
	_ =	sdelay $0x1  }
0x165: {  	v15 =	vadd.f32 v19, v17;
	v14 =	vadd.f32 v16, v14  }
0x166: {  	v16 =	vld.idx.msk [tilespmem:v12+s22+$0x0], vm1  }
0x167: {  	v15 =	vadd.f32 v15, v11;
	v14 =	vadd.f32 v14, v14;
	_ =	sdelay $0x1  }
0x168: {  	v14 =	vsub.f32 v15, v14;
	_ =	sdelay $0x1  }
0x169: {  	vm2 =	vge.f32 v16, $5.000000000e-01;
	vm3 =	vle.f32 v14, $1.000000000e+00  }
0x16a: {  	vm2 =	vmand vm2, vm3  }
0x16b: {  	vm1 =	vmand vm1, vm2  }
0x16c: {  	v15 =	vsel vm1, $0x1, v3  }
0x16d: {  	(xrf0) =	vadd.scan.msk.s32 $0xffff, v15;
	_ =	sdelay $0x2  }
0x16e: {  	v15 =	vmov s3  }
0x16f: {  	v15 =	vadd.s32 $0xFFFFFFFF, v15  }
0x170: {  	v15 =	vbroadcast v15, $0x0  }
0x171: {  	p0 =	sne.s32 s12, $0x1;
	v16, _, _ =	vpop (xrf0)  }
.Ltmp17:
0x172: {  	v15 =	vadd.s32 v16, v15;
	(v2sf) =	vpush v16, $0xF;
	(pc) =	sbr.rel @!p0 .LBB2_20-.Ltmp17, $4  }
0x173: {  	vm2 =	vlt.s32 v15, $0xC  }
0x174: {  	s11 =	sadd.s32 $0x10, s10;
	vm2 =	vmand vm1, vm2  }
0x175: {  	v16 =	vadd.s32 s11, v1;
	v15 =	vadd.s32 v10, v15  }
0x176: {  	s12 =	sadd.s32 $0xFFFFFFFF, s12;
	p4 =	por $0x1, $0x1;
	s10 =	smov.u32 s3;
	vm1 =	vlt.s32 v16, v13  }
.LBB2_21:
0x177: {  	p5 =	sne.s32 s12, $0x1;
	_ =	sdelay $0x2  }
0x178: {  	[tilespmem:v15+s29+$0x0] =	vst.idx.msk vm2, v14  }
0x179: {  	[tilespmem:v15+s30+$0x0] =	vst.idx.msk vm2, v12;
	v12 =	vmov v16  }
0x17a: {  	v14 =	vld.idx.msk [tilespmem:v16+s20+$0x0], vm1  }
0x17b: {  	v15 =	vld.idx.msk [tilespmem:v16+s4+$0x0], vm1  }
0x17c: {  	v16 =	vld.idx.msk [tilespmem:v16+s21+$0x0], vm1;
	_ =	sdelay $0x2  }
0x17d: {  	s0 =	spop (v2sf)  }
0x17e: {  	v17 =	vmul.f32 v14, v14;
	v14 =	vmul.f32 v14, v9;
	s10 =	sadd.s32 s10, s0  }
0x17f: {  	v18 =	vmul.f32 v15, v15;
	v15 =	vmul.f32 v15, v7;
	v19 =	vmov s10  }
0x180: {  	v20 =	vmul.f32 v16, v16;
	v16 =	vmul.f32 v16, v8;
	v19 =	vadd.s32 $0xFFFFFFFF, v19  }
0x181: {  	v17 =	vadd.f32 v17, v18;
	v14 =	vadd.f32 v14, v15;
	v15 =	vbroadcast v19, $0x0;
	_ =	sdelay $0x1  }
0x182: {  	v17 =	vadd.f32 v20, v17;
	v14 =	vadd.f32 v16, v14;
	v18 =	vld.idx.msk [tilespmem:v12+s22+$0x0], vm1;
	_ =	sdelay $0x1  }
0x183: {  	v16 =	vadd.f32 v17, v11;
	v14 =	vadd.f32 v14, v14;
	_ =	sdelay $0x1  }
0x184: {  	v14 =	vsub.f32 v16, v14;
	_ =	sdelay $0x1  }
0x185: {  	vm2 =	vge.f32 v18, $5.000000000e-01;
	vm3 =	vle.f32 v14, $1.000000000e+00  }
0x186: {  	vm2 =	vmand vm2, vm3  }
0x187: {  	vm1 =	vmand vm1, vm2  }
0x188: {  	v16 =	vsel vm1, $0x1, v3  }
0x189: {  	(xrf0) =	vadd.scan.msk.s32 $0xffff, v16;
	_ =	sdelay $0x5  }
0x18a: {  	v16, _, _ =	vpop (xrf0)  }
.Ltmp18:
0x18b: {  	v15 =	vadd.s32 v16, v15;
	(v2sf) =	vpush v16, $0xF;
	(pc) =	sbr.rel @p5 .LBB2_21-.Ltmp18, $4  }
0x18c: {  	vm2 =	vlt.s32 v15, $0xC;
	v15 =	vadd.s32 v10, v15  }
0x18d: {  	s11 =	sadd.s32 $0x10, s11;
	vm2 =	vmand vm1, vm2  }
0x18e: {  	v16 =	vadd.s32 s11, v1  }
0x18f: {  	s12 =	sadd.s32 $0xFFFFFFFF, s12;
	vm1 =	vlt.s32 v16, v13  }
0x190: {  	v13 =	vmov v12;
	v12 =	vmov v16  }
.LBB2_23:
0x191: {  	_ =	sdelay $0x4  }
0x192: {  	[tilespmem:v15+s29+$0x0] =	vst.idx.msk @p4 vm2, v14  }
0x193: {  	[tilespmem:v15+s30+$0x0] =	vst.idx.msk @p4 vm2, v13  }
0x194: {  	v13 =	vld.idx.msk [tilespmem:v12+s20+$0x0], vm1  }
0x195: {  	v14 =	vld.idx.msk [tilespmem:v12+s4+$0x0], vm1  }
0x196: {  	v15 =	vld.idx.msk [tilespmem:v12+s21+$0x0], vm1;
	_ =	sdelay $0x2  }
0x197: {  	v16 =	vmul.f32 v13, v13;
	v13 =	vmul.f32 v13, v9  }
0x198: {  	v17 =	vmul.f32 v14, v14;
	v14 =	vmul.f32 v14, v7  }
0x199: {  	v18 =	vmul.f32 v15, v15  }
0x19a: {  	v15 =	vmul.f32 v15, v8;
	v16 =	vadd.f32 v16, v17;
	v13 =	vadd.f32 v13, v14;
	_ =	sdelay $0x1  }
0x19b: {  	v60 =	vadd.f32 v18, v16;
	v13 =	vadd.f32 v15, v13  }
0x19c: {  	v61 =	vld.idx.msk [tilespmem:v12+s22+$0x0], vm1  }
0x19d: {  	v14 =	vadd.f32 v60, v11;
	v13 =	vadd.f32 v13, v13;
	_ =	sdelay $0x1  }
0x19e: {  	v13 =	vsub.f32 v14, v13;
	_ =	sdelay $0x1  }
0x19f: {  	vm2 =	vge.f32 v61, $5.000000000e-01;
	vm3 =	vle.f32 v13, $1.000000000e+00  }
0x1a0: {  	vm2 =	vmand vm2, vm3  }
0x1a1: {  	vm1 =	vmand vm1, vm2  }
0x1a2: {  	v62 =	vsel vm1, $0x1, v3  }
0x1a3: {  	(xrf0) =	vadd.scan.msk.s32 $0xffff, v62;
	_ =	sdelay $0x5  }
0x1a4: {  	v14, _, _ =	vpop (xrf0)  }
0x1a5: {  	s0 =	spop @p4 (v2sf);
	(v2sf) =	vpush v14, $0xF  }
0x1a6: {  	s0 =	sadd.s32 @p4 s10, s0  }
0x1a7: {  	s3 =	smov.u32 @p4 s0  }
0x1a8: {  	v63 =	vmov s3  }
0x1a9: {  	v15 =	vadd.s32 $0xFFFFFFFF, v63  }
0x1aa: {  	v15 =	vbroadcast v15, $0x0;
	_ =	sdelay $0x1  }
0x1ab: {  	v14 =	vadd.s32 v14, v15  }
0x1ac: {  	vm2 =	vlt.s32 v14, $0xC  }
0x1ad: {  	vm1 =	vmand vm1, vm2  }
0x1ae: {  	v14 =	vadd.s32 v10, v14;
	_ =	sdelay $0x4  }
0x1af: {  	[tilespmem:v14+s29+$0x0] =	vst.idx.msk vm1, v13;
	s19 =	spop (v2sf)  }
0x1b0: {  	[tilespmem:v14+s30+$0x0] =	vst.idx.msk vm1, v12;
	s3 =	sadd.s32 s3, s19  }
.LBB2_24:
0x1b1: {  	s0 =	sadd.f32 $1.000000000e+00, s15;
	_ =	sdelay $0x1  }
0x1b2: {  	s0 =	smul.f32 $5.000000000e-01, s0;
	_ =	sdelay $0x1  }
0x1b3: {  	s10 =	scvt.f32.s32 s0;
	_ =	sdelay $0x1  }
0x1b4: {  	s11 =	scvt.s32.f32 s10;
	_ =	sdelay $0x1  }
0x1b5: {  	p0 =	slt.f32 s0, s11  }
0x1b6: {  	s0 =	simm.s32 $0x1  }
0x1b7: {  	s0 =	simm.s32 @!p0 $0x0  }
0x1b8: {  	s0 =	ssub.s32 s10, s0  }
0x1b9: {  	p0 =	sgt.s32 s0, $0x0  }
0x1ba: {  	s0 =	simm.s32 @!p0 $0x0  }
0x1bb: {  	s0 =	smin.u32 s0, $0x9  }
0x1bc: {  	s10 =	smul.u32 $0xC8, s0;
	_ =	sdelay $0x1  }
0x1bd: {  	s19 =	sadd.s32 s16, s10  }
0x1be: {  	s12 =	sadd.s32 s1, s19  }
0x1bf: {  	s11 =	sadd.s32 s19, s2;
	v12 =	vmov s12  }
0x1c0: {  	v13 =	vmov s11;
	_ =	sdelay $0x3  }
0x1c1: {  	v12 =	vld.idx.msk [tilespmem:v12+s23+$0x0], $0xffff  }
0x1c2: {  	v13 =	vld.idx.msk [tilespmem:v13+s23+$0x0], $0xffff;
	_ =	sdelay $0x3  }
0x1c3: {  	v12 =	vxor.u32 $0x80000000, v12  }
0x1c4: {  	v61 =	vxor.u32 $0x80000000, v13;
	(xrf0) =	vmin.scan.msk.u32 $0xffff, v12  }
0x1c5: {  	(xrf0) =	vmin.scan.msk.u32 $0xffff, v61;
	_ =	sdelay $0x4  }
0x1c6: {  	v62, _, _ =	vpop (xrf0)  }
0x1c7: {  	(v2sf) =	vpush v62, $0xF;
	v63, _, _ =	vpop (xrf0)  }
0x1c8: {  	(v2sf) =	vpush v63, $0xF;
	_ =	sdelay $0xd  }
0x1c9: {  	s12 =	spop (v2sf)  }
0x1ca: {  	s11 =	sxor.u32 $0x80000000, s12;
	s15 =	spop (v2sf)  }
0x1cb: {  	p4 =	slt.u32 s6, s0;
	s0 =	sxor.u32 $0x80000000, s15;
	s12 =	smov.u32 s11  }
0x1cc: {  	s6 =	smov.u32 s11;
	s12 =	smov.u32 @p4 s0  }
0x1cd: {  	s6 =	smov.u32 @p2 s12  }
0x1ce: {  	s16 =	ssub.s32 s6, s11  }
0x1cf: {  	s0 =	sadd.s32 $0xF, s16  }
0x1d0: {  	s17 =	sand.u32 $0xF, s0  }
0x1d1: {  	s19 =	sshra.s32 s0, $0x1F;
	p6 =	slt.s32 s0, $0x1;
	p5 =	sne.s32 s17, $0x0  }
0x1d2: {  	s12 =	sshrl.u32 s19, $0x1C;
	p0 =	por !p6, !p5  }
0x1d3: {  	s0 =	sadd.s32 s12, s0;
	s12 =	simm.s32 $0x1;
	p0 =	por !p0, !p0  }
0x1d4: {  	s0 =	sshra.s32 s0, $0x4;
	s12 =	simm.s32 @!p0 $0x0  }
0x1d5: {  	s12 =	ssub.s32 s0, s12  }
0x1d6: {  	p0 =	slt.s32 s12, $0x1  }
.Ltmp19:
0x1d7: {  	_ = 	snop;
	(pc) =	sbr.rel @p0 .LBB2_32-.Ltmp19, $1  }
0x1d8: {  	_ =	sdelay $0x3  }
0x1d9: {  	p0 =	sne.s32 s12, $0x1  }
.Ltmp20:
0x1da: {  	_ = 	snop;
	(pc) =	sbr.rel @!p0 .LBB2_26-.Ltmp20, $3  }
0x1db: {  	_ =	sdelay $0x1  }
0x1dc: {  	v13 =	vmov s6;
	v12 =	vadd.s32 s11, v1  }
0x1dd: {  	s6 =	sadd.s32 $0xFFFFFFFF, s12;
	p2 =	por $0x0, $0x0;
	vm1 =	vlt.s32 v12, v13  }
0x1de: {  	_ =	sdelay $0x4  }
0x1df: {  	v14 =	vld.idx.msk [tilespmem:v12+s20+$0x0], vm1  }
0x1e0: {  	v15 =	vld.idx.msk [tilespmem:v12+s4+$0x0], vm1  }
0x1e1: {  	v16 =	vld.idx.msk [tilespmem:v12+s21+$0x0], vm1;
	_ =	sdelay $0x2  }
0x1e2: {  	v17 =	vmul.f32 v14, v14;
	v14 =	vmul.f32 v14, v9  }
0x1e3: {  	v18 =	vmul.f32 v15, v15;
	v15 =	vmul.f32 v15, v7  }
0x1e4: {  	v19 =	vmul.f32 v16, v16  }
0x1e5: {  	v16 =	vmul.f32 v16, v8;
	v17 =	vadd.f32 v17, v18;
	v14 =	vadd.f32 v14, v15;
	_ =	sdelay $0x1  }
0x1e6: {  	v15 =	vadd.f32 v19, v17;
	v14 =	vadd.f32 v16, v14  }
0x1e7: {  	v16 =	vld.idx.msk [tilespmem:v12+s22+$0x0], vm1  }
0x1e8: {  	v15 =	vadd.f32 v15, v11;
	v14 =	vadd.f32 v14, v14;
	_ =	sdelay $0x1  }
0x1e9: {  	v14 =	vsub.f32 v15, v14;
	_ =	sdelay $0x1  }
0x1ea: {  	vm2 =	vge.f32 v16, $5.000000000e-01;
	vm3 =	vle.f32 v14, $1.000000000e+00  }
0x1eb: {  	vm2 =	vmand vm2, vm3  }
0x1ec: {  	vm1 =	vmand vm1, vm2  }
0x1ed: {  	v15 =	vsel vm1, $0x1, v3  }
0x1ee: {  	(xrf0) =	vadd.scan.msk.s32 $0xffff, v15;
	_ =	sdelay $0x2  }
0x1ef: {  	v15 =	vmov s3  }
0x1f0: {  	v15 =	vadd.s32 $0xFFFFFFFF, v15  }
0x1f1: {  	v15 =	vbroadcast v15, $0x0  }
0x1f2: {  	p0 =	sne.s32 s6, $0x1;
	v16, _, _ =	vpop (xrf0)  }
.Ltmp21:
0x1f3: {  	v15 =	vadd.s32 v16, v15;
	(v2sf) =	vpush v16, $0xF;
	(pc) =	sbr.rel @!p0 .LBB2_28-.Ltmp21, $4  }
0x1f4: {  	vm2 =	vlt.s32 v15, $0xC  }
0x1f5: {  	s11 =	sadd.s32 $0x10, s11;
	vm2 =	vmand vm1, vm2  }
0x1f6: {  	v16 =	vadd.s32 s11, v1;
	v15 =	vadd.s32 v10, v15  }
0x1f7: {  	s12 =	sadd.s32 $0xFFFFFFFF, s6;
	p2 =	por $0x1, $0x1;
	s6 =	smov.u32 s3;
	vm1 =	vlt.s32 v16, v13  }
.LBB2_29:
0x1f8: {  	p5 =	sne.s32 s12, $0x1;
	_ =	sdelay $0x2  }
0x1f9: {  	[tilespmem:v15+s29+$0x0] =	vst.idx.msk vm2, v14  }
0x1fa: {  	[tilespmem:v15+s30+$0x0] =	vst.idx.msk vm2, v12;
	v12 =	vmov v16  }
0x1fb: {  	v14 =	vld.idx.msk [tilespmem:v16+s20+$0x0], vm1  }
0x1fc: {  	v15 =	vld.idx.msk [tilespmem:v16+s4+$0x0], vm1  }
0x1fd: {  	v16 =	vld.idx.msk [tilespmem:v16+s21+$0x0], vm1;
	_ =	sdelay $0x2  }
0x1fe: {  	s0 =	spop (v2sf)  }
0x1ff: {  	v17 =	vmul.f32 v14, v14;
	v14 =	vmul.f32 v14, v9;
	s6 =	sadd.s32 s6, s0  }
0x200: {  	v18 =	vmul.f32 v15, v15;
	v15 =	vmul.f32 v15, v7;
	v19 =	vmov s6  }
0x201: {  	v20 =	vmul.f32 v16, v16;
	v16 =	vmul.f32 v16, v8;
	v19 =	vadd.s32 $0xFFFFFFFF, v19  }
0x202: {  	v17 =	vadd.f32 v17, v18;
	v14 =	vadd.f32 v14, v15;
	v15 =	vbroadcast v19, $0x0;
	_ =	sdelay $0x1  }
0x203: {  	v17 =	vadd.f32 v20, v17;
	v14 =	vadd.f32 v16, v14;
	v18 =	vld.idx.msk [tilespmem:v12+s22+$0x0], vm1;
	_ =	sdelay $0x1  }
0x204: {  	v16 =	vadd.f32 v17, v11;
	v14 =	vadd.f32 v14, v14;
	_ =	sdelay $0x1  }
0x205: {  	v14 =	vsub.f32 v16, v14;
	_ =	sdelay $0x1  }
0x206: {  	vm2 =	vge.f32 v18, $5.000000000e-01;
	vm3 =	vle.f32 v14, $1.000000000e+00  }
0x207: {  	vm2 =	vmand vm2, vm3  }
0x208: {  	vm1 =	vmand vm1, vm2  }
0x209: {  	v16 =	vsel vm1, $0x1, v3  }
0x20a: {  	(xrf0) =	vadd.scan.msk.s32 $0xffff, v16;
	_ =	sdelay $0x5  }
0x20b: {  	v16, _, _ =	vpop (xrf0)  }
.Ltmp22:
0x20c: {  	v15 =	vadd.s32 v16, v15;
	(v2sf) =	vpush v16, $0xF;
	(pc) =	sbr.rel @p5 .LBB2_29-.Ltmp22, $4  }
0x20d: {  	vm2 =	vlt.s32 v15, $0xC;
	v15 =	vadd.s32 v10, v15  }
0x20e: {  	s11 =	sadd.s32 $0x10, s11;
	vm2 =	vmand vm1, vm2  }
0x20f: {  	v16 =	vadd.s32 s11, v1  }
0x210: {  	s12 =	sadd.s32 $0xFFFFFFFF, s12;
	vm1 =	vlt.s32 v16, v13  }
0x211: {  	v13 =	vmov v12;
	v12 =	vmov v16  }
.LBB2_31:
0x212: {  	_ =	sdelay $0x4  }
0x213: {  	[tilespmem:v15+s29+$0x0] =	vst.idx.msk @p2 vm2, v14  }
0x214: {  	[tilespmem:v15+s30+$0x0] =	vst.idx.msk @p2 vm2, v13  }
0x215: {  	v13 =	vld.idx.msk [tilespmem:v12+s20+$0x0], vm1  }
0x216: {  	v14 =	vld.idx.msk [tilespmem:v12+s4+$0x0], vm1  }
0x217: {  	v15 =	vld.idx.msk [tilespmem:v12+s21+$0x0], vm1;
	_ =	sdelay $0x2  }
0x218: {  	v16 =	vmul.f32 v13, v13;
	v13 =	vmul.f32 v13, v9  }
0x219: {  	v17 =	vmul.f32 v14, v14;
	v14 =	vmul.f32 v14, v7  }
0x21a: {  	v18 =	vmul.f32 v15, v15  }
0x21b: {  	v15 =	vmul.f32 v15, v8;
	v16 =	vadd.f32 v16, v17;
	v13 =	vadd.f32 v13, v14;
	_ =	sdelay $0x1  }
0x21c: {  	v60 =	vadd.f32 v18, v16;
	v13 =	vadd.f32 v15, v13  }
0x21d: {  	v61 =	vld.idx.msk [tilespmem:v12+s22+$0x0], vm1  }
0x21e: {  	v14 =	vadd.f32 v60, v11;
	v13 =	vadd.f32 v13, v13;
	_ =	sdelay $0x1  }
0x21f: {  	v13 =	vsub.f32 v14, v13;
	_ =	sdelay $0x1  }
0x220: {  	vm2 =	vge.f32 v61, $5.000000000e-01;
	vm3 =	vle.f32 v13, $1.000000000e+00  }
0x221: {  	vm2 =	vmand vm2, vm3  }
0x222: {  	vm1 =	vmand vm1, vm2  }
0x223: {  	v62 =	vsel vm1, $0x1, v3  }
0x224: {  	(xrf0) =	vadd.scan.msk.s32 $0xffff, v62;
	_ =	sdelay $0x5  }
0x225: {  	v14, _, _ =	vpop (xrf0)  }
0x226: {  	s0 =	spop @p2 (v2sf);
	(v2sf) =	vpush v14, $0xF  }
0x227: {  	s0 =	sadd.s32 @p2 s6, s0  }
0x228: {  	s3 =	smov.u32 @p2 s0  }
0x229: {  	v63 =	vmov s3  }
0x22a: {  	v15 =	vadd.s32 $0xFFFFFFFF, v63  }
0x22b: {  	v15 =	vbroadcast v15, $0x0;
	_ =	sdelay $0x1  }
0x22c: {  	v14 =	vadd.s32 v14, v15  }
0x22d: {  	vm2 =	vlt.s32 v14, $0xC  }
0x22e: {  	vm1 =	vmand vm1, vm2  }
0x22f: {  	v14 =	vadd.s32 v10, v14;
	_ =	sdelay $0x4  }
0x230: {  	[tilespmem:v14+s29+$0x0] =	vst.idx.msk vm1, v13;
	s19 =	spop (v2sf)  }
0x231: {  	[tilespmem:v14+s30+$0x0] =	vst.idx.msk vm1, v12;
	s3 =	sadd.s32 s3, s19  }
.LBB2_32:
0x232: {  	s0 =	sadd.s32 s18, s10  }
0x233: {  	s1 =	sadd.s32 s1, s0  }
0x234: {  	s0 =	sadd.s32 s0, s2;
	v12 =	vmov s1  }
0x235: {  	v13 =	vmov s0;
	_ =	sdelay $0x3  }
0x236: {  	v12 =	vld.idx.msk [tilespmem:v12+s23+$0x0], $0xffff  }
0x237: {  	v13 =	vld.idx.msk [tilespmem:v13+s23+$0x0], $0xffff;
	_ =	sdelay $0x3  }
0x238: {  	v12 =	vxor.u32 $0x80000000, v12  }
0x239: {  	v61 =	vxor.u32 $0x80000000, v13;
	(xrf0) =	vmin.scan.msk.u32 $0xffff, v12  }
0x23a: {  	(xrf0) =	vmin.scan.msk.u32 $0xffff, v61;
	_ =	sdelay $0x4  }
0x23b: {  	v62, _, _ =	vpop (xrf0)  }
0x23c: {  	(v2sf) =	vpush v62, $0xF;
	v63, _, _ =	vpop (xrf0)  }
0x23d: {  	(v2sf) =	vpush v63, $0xF;
	_ =	sdelay $0xd  }
0x23e: {  	s15 =	spop (v2sf)  }
0x23f: {  	s1 =	sxor.u32 $0x80000000, s15;
	s16 =	spop (v2sf)  }
0x240: {  	s0 =	sxor.u32 $0x80000000, s16;
	s6 =	smov.u32 s1  }
0x241: {  	s2 =	smov.u32 s1;
	s6 =	smov.u32 @p4 s0  }
0x242: {  	s2 =	smov.u32 @p3 s6  }
0x243: {  	s17 =	ssub.s32 s2, s1  }
0x244: {  	s0 =	sadd.s32 $0xF, s17  }
0x245: {  	s18 =	sand.u32 $0xF, s0  }
0x246: {  	s19 =	sshra.s32 s0, $0x1F;
	p2 =	slt.s32 s0, $0x1;
	p0 =	sne.s32 s18, $0x0  }
0x247: {  	s6 =	sshrl.u32 s19, $0x1C;
	p0 =	por !p2, !p0  }
0x248: {  	s0 =	sadd.s32 s6, s0;
	s6 =	simm.s32 $0x1;
	p0 =	por !p0, !p0  }
0x249: {  	s0 =	sshra.s32 s0, $0x4;
	s6 =	simm.s32 @!p0 $0x0  }
0x24a: {  	s6 =	ssub.s32 s0, s6  }
0x24b: {  	p0 =	slt.s32 s6, $0x1  }
.Ltmp23:
0x24c: {  	_ = 	snop;
	(pc) =	sbr.rel @p0 .LBB2_40-.Ltmp23, $1  }
0x24d: {  	_ =	sdelay $0x3  }
0x24e: {  	p0 =	sne.s32 s6, $0x1  }
.Ltmp24:
0x24f: {  	_ = 	snop;
	(pc) =	sbr.rel @!p0 .LBB2_34-.Ltmp24, $3  }
0x250: {  	_ =	sdelay $0x1  }
0x251: {  	v13 =	vmov s2;
	v12 =	vadd.s32 s1, v1  }
0x252: {  	s6 =	sadd.s32 $0xFFFFFFFF, s6;
	p2 =	por $0x0, $0x0;
	vm1 =	vlt.s32 v12, v13  }
0x253: {  	_ =	sdelay $0x4  }
0x254: {  	v14 =	vld.idx.msk [tilespmem:v12+s20+$0x0], vm1  }
0x255: {  	v15 =	vld.idx.msk [tilespmem:v12+s4+$0x0], vm1  }
0x256: {  	v16 =	vld.idx.msk [tilespmem:v12+s21+$0x0], vm1;
	_ =	sdelay $0x2  }
0x257: {  	v17 =	vmul.f32 v14, v14;
	v14 =	vmul.f32 v14, v9  }
0x258: {  	v18 =	vmul.f32 v15, v15;
	v15 =	vmul.f32 v15, v7  }
0x259: {  	v19 =	vmul.f32 v16, v16  }
0x25a: {  	v16 =	vmul.f32 v16, v8;
	v17 =	vadd.f32 v17, v18;
	v14 =	vadd.f32 v14, v15;
	_ =	sdelay $0x1  }
0x25b: {  	v15 =	vadd.f32 v19, v17;
	v14 =	vadd.f32 v16, v14  }
0x25c: {  	v16 =	vld.idx.msk [tilespmem:v12+s22+$0x0], vm1  }
0x25d: {  	v15 =	vadd.f32 v15, v11;
	v14 =	vadd.f32 v14, v14;
	_ =	sdelay $0x1  }
0x25e: {  	v14 =	vsub.f32 v15, v14;
	_ =	sdelay $0x1  }
0x25f: {  	vm2 =	vge.f32 v16, $5.000000000e-01;
	vm3 =	vle.f32 v14, $1.000000000e+00  }
0x260: {  	vm2 =	vmand vm2, vm3  }
0x261: {  	vm1 =	vmand vm1, vm2  }
0x262: {  	v15 =	vsel vm1, $0x1, v3  }
0x263: {  	(xrf0) =	vadd.scan.msk.s32 $0xffff, v15;
	_ =	sdelay $0x2  }
0x264: {  	v15 =	vmov s3  }
0x265: {  	v15 =	vadd.s32 $0xFFFFFFFF, v15  }
0x266: {  	v15 =	vbroadcast v15, $0x0  }
0x267: {  	p0 =	sne.s32 s6, $0x1;
	v16, _, _ =	vpop (xrf0)  }
.Ltmp25:
0x268: {  	v15 =	vadd.s32 v16, v15;
	(v2sf) =	vpush v16, $0xF;
	(pc) =	sbr.rel @!p0 .LBB2_36-.Ltmp25, $4  }
0x269: {  	vm2 =	vlt.s32 v15, $0xC  }
0x26a: {  	s2 =	sadd.s32 $0x10, s1;
	vm2 =	vmand vm1, vm2  }
0x26b: {  	v16 =	vadd.s32 s2, v1;
	v15 =	vadd.s32 v10, v15  }
0x26c: {  	s6 =	sadd.s32 $0xFFFFFFFF, s6;
	p2 =	por $0x1, $0x1;
	s1 =	smov.u32 s3;
	vm1 =	vlt.s32 v16, v13  }
.LBB2_37:
0x26d: {  	p3 =	sne.s32 s6, $0x1;
	_ =	sdelay $0x2  }
0x26e: {  	[tilespmem:v15+s29+$0x0] =	vst.idx.msk vm2, v14  }
0x26f: {  	[tilespmem:v15+s30+$0x0] =	vst.idx.msk vm2, v12;
	v12 =	vmov v16  }
0x270: {  	v14 =	vld.idx.msk [tilespmem:v16+s20+$0x0], vm1  }
0x271: {  	v15 =	vld.idx.msk [tilespmem:v16+s4+$0x0], vm1  }
0x272: {  	v16 =	vld.idx.msk [tilespmem:v16+s21+$0x0], vm1;
	_ =	sdelay $0x2  }
0x273: {  	s0 =	spop (v2sf)  }
0x274: {  	v17 =	vmul.f32 v14, v14;
	v14 =	vmul.f32 v14, v9;
	s1 =	sadd.s32 s1, s0  }
0x275: {  	v18 =	vmul.f32 v15, v15;
	v15 =	vmul.f32 v15, v7;
	v19 =	vmov s1  }
0x276: {  	v20 =	vmul.f32 v16, v16;
	v16 =	vmul.f32 v16, v8;
	v19 =	vadd.s32 $0xFFFFFFFF, v19  }
0x277: {  	v17 =	vadd.f32 v17, v18;
	v14 =	vadd.f32 v14, v15;
	v15 =	vbroadcast v19, $0x0;
	_ =	sdelay $0x1  }
0x278: {  	v17 =	vadd.f32 v20, v17;
	v14 =	vadd.f32 v16, v14;
	v18 =	vld.idx.msk [tilespmem:v12+s22+$0x0], vm1;
	_ =	sdelay $0x1  }
0x279: {  	v16 =	vadd.f32 v17, v11;
	v14 =	vadd.f32 v14, v14;
	_ =	sdelay $0x1  }
0x27a: {  	v14 =	vsub.f32 v16, v14;
	_ =	sdelay $0x1  }
0x27b: {  	vm2 =	vge.f32 v18, $5.000000000e-01;
	vm3 =	vle.f32 v14, $1.000000000e+00  }
0x27c: {  	vm2 =	vmand vm2, vm3  }
0x27d: {  	vm1 =	vmand vm1, vm2  }
0x27e: {  	v16 =	vsel vm1, $0x1, v3  }
0x27f: {  	(xrf0) =	vadd.scan.msk.s32 $0xffff, v16;
	_ =	sdelay $0x5  }
0x280: {  	v16, _, _ =	vpop (xrf0)  }
.Ltmp26:
0x281: {  	v15 =	vadd.s32 v16, v15;
	(v2sf) =	vpush v16, $0xF;
	(pc) =	sbr.rel @p3 .LBB2_37-.Ltmp26, $4  }
0x282: {  	vm2 =	vlt.s32 v15, $0xC;
	v15 =	vadd.s32 v10, v15  }
0x283: {  	s2 =	sadd.s32 $0x10, s2;
	vm2 =	vmand vm1, vm2  }
0x284: {  	v16 =	vadd.s32 s2, v1  }
0x285: {  	s6 =	sadd.s32 $0xFFFFFFFF, s6;
	vm1 =	vlt.s32 v16, v13  }
.Ltmp27:
0x286: {  	(pc) =	sbr.rel .LBB2_39-.Ltmp27, $2  }
0x287: {  	_ =	sdelay $0x2  }
0x288: {  	v13 =	vmov v12;
	v12 =	vmov v16  }
.LBB2_10:
.Ltmp28:
0x289: {  	(pc) =	sbr.rel .LBB2_15-.Ltmp28, $2  }
0x28a: {  	_ =	sdelay $0x2  }
0x28b: {  	s18 =	simm.s32 $0x0  }
.LBB2_18:
.Ltmp29:
0x28c: {  	(pc) =	sbr.rel .LBB2_23-.Ltmp29, $2  }
0x28d: {  	_ =	sdelay $0x2  }
0x28e: {  	s10 =	smov.u32 s3  }
.LBB2_26:
.Ltmp30:
0x28f: {  	(pc) =	sbr.rel .LBB2_31-.Ltmp30, $2  }
0x290: {  	_ =	sdelay $0x2  }
0x291: {  	s6 =	smov.u32 s3  }
.LBB2_12:
.Ltmp31:
0x292: {  	(pc) =	sbr.rel .LBB2_15-.Ltmp31, $2  }
0x293: {  	_ =	sdelay $0x2  }
0x294: {  	v13 =	vmov v12;
	v12 =	vmov v16;
	s18 =	simm.s32 $0x0  }
.LBB2_20:
.Ltmp32:
0x295: {  	(pc) =	sbr.rel .LBB2_23-.Ltmp32, $2  }
0x296: {  	_ =	sdelay $0x2  }
0x297: {  	v13 =	vmov v12;
	v12 =	vmov v16;
	s10 =	smov.u32 s3  }
.LBB2_28:
.Ltmp33:
0x298: {  	(pc) =	sbr.rel .LBB2_31-.Ltmp33, $2  }
0x299: {  	_ =	sdelay $0x2  }
0x29a: {  	v13 =	vmov v12;
	v12 =	vmov v16;
	s6 =	smov.u32 s3  }
.LBB2_36:
.Ltmp34:
0x29b: {  	(pc) =	sbr.rel .LBB2_39-.Ltmp34, $2  }
0x29c: {  	_ =	sdelay $0x2  }
0x29d: {  	v13 =	vmov v12;
	v12 =	vmov v16;
	s1 =	smov.u32 s3  }
.LBB2_44:
0x29e: {  	_ =	sdelay $0x3  }
0x29f: {  	v6 =	vld.idx.msk [tilespmem:v0+s23+$0x0], $0xffff;
	_ =	sdelay $0x4  }
0x2a0: {  	v6 =	vxor.u32 $0x80000000, v6  }
0x2a1: {  	(xrf0) =	vmin.scan.msk.u32 $0xffff, v6;
	_ =	sdelay $0x5  }
0x2a2: {  	v6, _, _ =	vpop (xrf0)  }
0x2a3: {  	(v2sf) =	vpush v6, $0xF;
	_ =	sdelay $0xb  }
.Ltmp35:
0x2a4: {  	_ = 	snop;
	(pc) =	sbr.rel .LBB2_45-.Ltmp35, $3  }
0x2a5: {  	_ =	sdelay $0x1  }
0x2a6: {  	s0 =	spop (v2sf)  }
0x2a7: {  	s8 =	simm.s32 $0x0;
	s7 =	sxor.u32 $0x80000000, s0  }
.LBB2_102:
0x2a8: {  	s0 =	rddreg [dreg:$0xd]  }
0x2a9: {  	s1 =	simm.s32 $0x16400;
	s0 =	sadd.s32 s0, s18  }
0x2aa: {  	[hbm4b:s0+s4] =	stream.linear.scatter [tilespmem:s1], [sflag:$0x2], $0x100, $0x38;
	[tilespmem:$0x1E400] =	vst v63  }
0x2ab: {  	_ =	swait.ge [sflag:s25], $0x100  }
0x2ac: {  	[sflag:s25] =	ssyncset.done $0x0;
	s16 =	rddreg [dreg:$0xe]  }
0x2ad: {  	[sflag:s25] =	ssyncadd.s32 $0xFFFFFF00;
	s0 =	sadd.s32 s16, s18  }
0x2ae: {  	[hbm4b:s0+s4] =	stream.linear.scatter [tilespmem:s13], [sflag:$0x2], $0x100, $0x38;
	[tilespmem:$0x1E400] =	vst v63  }
0x2af: {  	_ =	swait.ge [sflag:s25], $0x100  }
0x2b0: {  	[sflag:s25] =	ssyncset.done $0x0;
	s17 =	rddreg [dreg:$0xf]  }
0x2b1: {  	s19 =	simm.s32 $0x1;
	[sflag:s25] =	ssyncadd.s32 $0xFFFFFF00;
	s0 =	sadd.s32 s17, s18  }
0x2b2: {  	[hbm4b:s0+s4] =	stream.linear.scatter [tilespmem:s5], [sflag:$0x1], $0x100, $0x38;
	[tilespmem:$0x1E400] =	vst v63  }
0x2b3: {  	_ =	swait.ge [sflag:s19], $0x100  }
0x2b4: {  	[sflag:s19] =	ssyncset.done $0x0  }
0x2b5: {  	[sflag:s19] =	ssyncadd.s32 $0xFFFFFF00  }
.LBB2_103:
0x2b6: {  	s8 =	sadd.s32 $0x1, s8  }
0x2b7: {  	p0 =	sne.s32 s8, $0x50  }
.Ltmp36:
0x2b8: {  	_ = 	snop;
	(pc) =	sbr.rel @!p0 .LBB2_104-.Ltmp36, $1  }
0x2b9: {  	_ =	sdelay $0x3  }
.LBB2_45:
0x2ba: {  	s9 =	sshll.u32 s8, $0x8  }
0x2bb: {  	p0 =	sge.s32 s9, s7  }
.Ltmp37:
0x2bc: {  	_ = 	snop;
	(pc) =	sbr.rel @p0 .LBB2_103-.Ltmp37, $1  }
0x2bd: {  	_ =	sdelay $0x3  }
0x2be: {  	s0 =	smul.u32 $0xC00, s8  }
0x2bf: {  	s1 =	rddreg [dreg:$0x1]  }
0x2c0: {  	s1 =	sadd.s32 s0, s1  }
0x2c1: {  	[tilespmem:s29], [sflag:$0x2] =	stream.linear.gather [spmem:s1], $0xC00, $0x38;
	[tilespmem:$0x1E400] =	vst v63  }
0x2c2: {  	_ =	swait.ge [sflag:s25], $0xC00  }
0x2c3: {  	[sflag:s25] =	ssyncset.done $0x0  }
0x2c4: {  	[sflag:s25] =	ssyncadd.s32 $0xFFFFF400  }
0x2c5: {  	s14 =	rddreg [dreg:$0x2]  }
0x2c6: {  	s0 =	sadd.s32 s0, s14  }
0x2c7: {  	[tilespmem:s30], [sflag:$0x2] =	stream.linear.gather [spmem:s0], $0xC00, $0x38;
	[tilespmem:$0x1E400] =	vst v63  }
0x2c8: {  	_ =	swait.ge [sflag:s25], $0xC00  }
0x2c9: {  	[sflag:s25] =	ssyncset.done $0x0  }
0x2ca: {  	[sflag:s25] =	ssyncadd.s32 $0xFFFFF400  }
0x2cb: {  	s15 =	rddreg [dreg:$0x3]  }
0x2cc: {  	s0 =	sadd.s32 s9, s15  }
0x2cd: {  	[tilespmem:s31], [sflag:$0x2] =	stream.linear.gather [spmem:s0], $0x100, $0x38;
	[tilespmem:$0x1E400] =	vst v63  }
0x2ce: {  	_ =	swait.ge [sflag:s25], $0x100  }
0x2cf: {  	s18 =	sshll.u32 s8, $0x5;
	[sflag:s25] =	ssyncset.done $0x0;
	s16 =	rddreg [dreg:$0xa]  }
0x2d0: {  	s14 =	simm.s32 $0x0;
	[sflag:s25] =	ssyncadd.s32 $0xFFFFFF00;
	s0 =	sadd.s32 s16, s18  }
0x2d1: {  	[tilespmem:s24], [sflag:$0x2] =	stream.linear.gather [hbm4b:s0+s14], $0x100, $0x38;
	[tilespmem:$0x1E400] =	vst v63  }
0x2d2: {  	_ =	swait.ge [sflag:s25], $0x100  }
0x2d3: {  	[sflag:s25] =	ssyncset.done $0x0;
	s17 =	rddreg [dreg:$0xb]  }
0x2d4: {  	[sflag:s25] =	ssyncadd.s32 $0xFFFFFF00;
	s0 =	sadd.s32 s17, s18  }
0x2d5: {  	[tilespmem:s26], [sflag:$0x2] =	stream.linear.gather [hbm4b:s0+s14], $0x100, $0x38;
	[tilespmem:$0x1E400] =	vst v63  }
0x2d6: {  	_ =	swait.ge [sflag:s25], $0x100  }
0x2d7: {  	[sflag:s25] =	ssyncset.done $0x0;
	s19 =	rddreg [dreg:$0xc]  }
.Ltmp38:
0x2d8: {  	[sflag:s25] =	ssyncadd.s32 $0xFFFFFF00;
	s0 =	sadd.s32 s19, s18;
	(pc) =	sbr.rel .LBB2_47-.Ltmp38, $4  }
0x2d9: {  	[tilespmem:s28], [sflag:$0x2] =	stream.linear.gather [hbm4b:s0+s14], $0x100, $0x38;
	[tilespmem:$0x1E400] =	vst v63  }
0x2da: {  	_ =	swait.ge [sflag:s25], $0x100  }
0x2db: {  	[sflag:s25] =	ssyncset.done $0x0  }
0x2dc: {  	[sflag:s25] =	ssyncadd.s32 $0xFFFFFF00  }
.LBB2_99:
0x2dd: {  	s0 =	smul.u32 $0xC, s14;
	_ =	sdelay $0x1  }
0x2de: {  	v7 =	vadd.s32 s0, v4;
	_ =	sdelay $0x4  }
0x2df: {  	v8 =	vld.idx.msk [tilespmem:v7+s30+$0x0], $0xffff;
	_ =	sdelay $0x7  }
0x2e0: {  	v9 =	vld.idx.msk [tilespmem:v8+s22+$0x0], $0xffff  }
0x2e1: {  	v7 =	vld.idx.msk [tilespmem:v7+s29+$0x0], $0xffff;
	_ =	sdelay $0x3  }
0x2e2: {  	vm1 =	vge.f32 v9, $5.000000000e-01  }
0x2e3: {  	v7 =	vnsel vm1, $0x7F800000, v7  }
0x2e4: {  	(xrf0) =	vmin.scan.msk.f32 $0xffff, v7;
	_ =	sdelay $0x5  }
0x2e5: {  	v10, _, _ =	vpop (xrf0)  }
0x2e6: {  	v11 =	vbroadcast v10, $0xF;
	_ =	sdelay $0x1  }
0x2e7: {  	vm1 =	veq.f32 v7, v11;
	v7 =	vxor.u32 $0x80000000, v8  }
0x2e8: {  	v7 =	vnsel vm1, $0xC0000000, v7  }
0x2e9: {  	(xrf0) =	vmin.scan.msk.u32 $0xffff, v7;
	_ =	sdelay $0x5  }
0x2ea: {  	(v2sf) =	vpush v10, $0xF;
	v7, _, _ =	vpop (xrf0)  }
0x2eb: {  	(v2sf) =	vpush v7, $0xF;
	_ =	sdelay $0xd  }
0x2ec: {  	s1 =	spop (v2sf)  }
0x2ed: {  	s19 =	spop (v2sf)  }
0x2ee: {  	s2 =	sxor.u32 $0x80000000, s19  }
0x2ef: {  	vm2 =	veq.s32 v8, s2  }
0x2f0: {  	vm1 =	vmand vm1, vm2  }
0x2f1: {  	v7 =	vnsel vm1, $0xFF800000, v9  }
.LBB2_100:
0x2f2: {  	(xrf0) =	vmax.scan.msk.f32 $0xffff, v7;
	_ =	sdelay $0x5  }
0x2f3: {  	v7, _, _ =	vpop (xrf0)  }
0x2f4: {  	(v2sf) =	vpush v7, $0xF;
	_ =	sdelay $0x9  }
0x2f5: {  	p0 =	slt.f32 s1, $+Inf  }
0x2f6: {  	vm1 =	vmmov vm0  }
0x2f7: {  	vm2 =	vmmov $0x1;
	vm1 =	vmneg @p0 vm1  }
0x2f8: {  	s2 =	simm.s32 @!p0 $0x0;
	vm1 =	vmand vm1, vm2  }
0x2f9: {  	v7 =	vmov s2  }
0x2fa: {  	s0 =	spop (v2sf)  }
0x2fb: {  	s17 =	sadd.f32 $-2.000000000e+00, s0;
	_ =	sdelay $0x1  }
0x2fc: {  	s1 =	simm.s32 @!p0 $0x0;
	v8 =	vmov s17  }
0x2fd: {  	s19 =	simm.s32 $0x16400;
	s0 =	simm.s32 @!p0 $0x0;
	[tilespmem:v7+s22+$0x0] =	vst.idx.msk vm1, v8;
	v7 =	vmov s1  }
0x2fe: {  	[tilespmem:v6+s19+$0x0] =	vst.idx.msk vm1, v7;
	v7 =	vmov s0  }
0x2ff: {  	[tilespmem:v6+s13+$0x0] =	vst.idx.msk vm1, v7  }
0x300: {  	[tilespmem:v6+s5+$0x0] =	vst.idx.msk vm1, v5  }
.LBB2_101:
0x301: {  	s14 =	sadd.s32 $0x1, s14  }
0x302: {  	p0 =	sne.s32 s14, $0x100  }
.Ltmp39:
0x303: {  	_ = 	snop;
	(pc) =	sbr.rel @!p0 .LBB2_102-.Ltmp39, $1  }
0x304: {  	_ =	sdelay $0x3  }
.LBB2_47:
0x305: {  	s0 =	sor.u32 s9, s14  }
0x306: {  	p0 =	sge.s32 s0, s7  }
.Ltmp40:
0x307: {  	_ = 	snop;
	(pc) =	sbr.rel @p0 .LBB2_101-.Ltmp40, $1  }
0x308: {  	_ =	sdelay $0x3  }
0x309: {  	v6 =	vmov s14;
	_ =	sdelay $0x4  }
0x30a: {  	v7 =	vld.idx.msk [tilespmem:v6+s31+$0x0], $0xffff;
	_ =	sdelay $0x4  }
0x30b: {  	v7 =	vxor.u32 $0x80000000, v7  }
0x30c: {  	(xrf0) =	vmin.scan.msk.u32 $0xffff, v7;
	_ =	sdelay $0x5  }
0x30d: {  	v7, _, _ =	vpop (xrf0)  }
0x30e: {  	(v2sf) =	vpush v7, $0xF;
	_ =	sdelay $0xe  }
0x30f: {  	s0 =	spop (v2sf)  }
0x310: {  	p0 =	slt.u32 s0, $0x8000000D  }
.Ltmp41:
0x311: {  	_ = 	snop;
	(pc) =	sbr.rel @p0 .LBB2_99-.Ltmp41, $1  }
0x312: {  	_ =	sdelay $0x3  }
0x313: {  	_ =	sdelay $0x3  }
0x314: {  	v8 =	vld.idx.msk [tilespmem:v6+s24+$0x0], $0xffff  }
0x315: {  	v7 =	vld.idx.msk [tilespmem:v6+s26+$0x0], $0xffff  }
0x316: {  	v9 =	vld.idx.msk [tilespmem:v6+s28+$0x0], $0xffff;
	_ =	sdelay $0x2  }
0x317: {  	(xrf0) =	vmin.scan.msk.f32 $0xffff, v8  }
0x318: {  	(xrf0) =	vmin.scan.msk.f32 $0xffff, v7  }
0x319: {  	(xrf0) =	vmin.scan.msk.f32 $0xffff, v9;
	_ =	sdelay $0x3  }
0x31a: {  	v10, _, _ =	vpop (xrf0)  }
0x31b: {  	(v2sf) =	vpush v10, $0xF;
	v10, _, _ =	vpop (xrf0)  }
0x31c: {  	(v2sf) =	vpush v10, $0xF;
	v10, _, _ =	vpop (xrf0)  }
0x31d: {  	(v2sf) =	vpush v10, $0xF;
	_ =	sdelay $0xc  }
0x31e: {  	s0 =	spop (v2sf)  }
0x31f: {  	s6 =	spop (v2sf)  }
0x320: {  	s2 =	spop (v2sf);
	s1 =	sadd.f32 $-1.000000000e+00, s6  }
0x321: {  	s3 =	sadd.f32 $-1.000000000e+00, s2  }
0x322: {  	s1 =	smul.f32 $5.000000000e-01, s1  }
0x323: {  	s3 =	smul.f32 $5.000000000e-01, s3  }
0x324: {  	s10 =	scvt.f32.s32 s1  }
0x325: {  	s11 =	scvt.f32.s32 s3  }
0x326: {  	s12 =	scvt.s32.f32 s10  }
0x327: {  	s15 =	scvt.s32.f32 s11  }
0x328: {  	s16 =	scvt.f32.s32 s0;
	p0 =	slt.f32 s1, s12  }
0x329: {  	s1 =	simm.s32 $0x1;
	p2 =	slt.f32 s3, s15  }
0x32a: {  	s19 =	scvt.s32.f32 s16;
	s12 =	simm.s32 $0x1;
	s1 =	simm.s32 @!p0 $0x0  }
0x32b: {  	s10 =	ssub.s32 s10, s1;
	s12 =	simm.s32 @!p2 $0x0  }
0x32c: {  	p0 =	slt.f32 s0, s19;
	p2 =	sgt.s32 s10, $0x0;
	s1 =	ssub.s32 s11, s12  }
0x32d: {  	s0 =	simm.s32 $0x1;
	s10 =	simm.s32 @!p2 $0x0;
	p2 =	sgt.s32 s1, $0x0  }
0x32e: {  	s0 =	simm.s32 @!p0 $0x0;
	s15 =	smin.u32 s10, $0x9;
	s1 =	simm.s32 @!p2 $0x0  }
0x32f: {  	s0 =	ssub.s32 s16, s0;
	s17 =	smin.u32 s1, $0x9;
	s3 =	smul.u32 $0x14, s15  }
0x330: {  	s15 =	sadd.s32 $0xFFFFFFFF, s0;
	s0 =	sadd.s32 $0x1, s0;
	s11 =	smul.u32 $0xC8, s17  }
0x331: {  	p0 =	sgt.s32 s15, $0x0;
	p2 =	slt.s32 s0, $0x13  }
0x332: {  	s15 =	simm.s32 @!p0 $0x0;
	s0 =	simm.s32 @!p2 $0x13;
	s19 =	sadd.s32 s3, s11  }
0x333: {  	s16 =	sadd.s32 $0x1, s0;
	s17 =	sadd.s32 s15, s19  }
0x334: {  	s0 =	sadd.s32 s19, s16;
	v10 =	vmov s17  }
0x335: {  	v11 =	vmov s0;
	_ =	sdelay $0x3  }
0x336: {  	v10 =	vld.idx.msk [tilespmem:v10+s23+$0x0], $0xffff  }
0x337: {  	v11 =	vld.idx.msk [tilespmem:v11+s23+$0x0], $0xffff;
	_ =	sdelay $0x3  }
0x338: {  	v10 =	vxor.u32 $0x80000000, v10  }
0x339: {  	(xrf0) =	vmin.scan.msk.u32 $0xffff, v10;
	v10 =	vxor.u32 $0x80000000, v11  }
0x33a: {  	(xrf0) =	vmin.scan.msk.u32 $0xffff, v10;
	_ =	sdelay $0x4  }
0x33b: {  	v10, _, _ =	vpop (xrf0)  }
0x33c: {  	(v2sf) =	vpush v10, $0xF;
	v10, _, _ =	vpop (xrf0)  }
0x33d: {  	(v2sf) =	vpush v10, $0xF;
	_ =	sdelay $0xd  }
0x33e: {  	s17 =	spop (v2sf)  }
0x33f: {  	s19 =	spop (v2sf)  }
0x340: {  	s12 =	sxor.u32 $0x80000000, s17;
	s17 =	sxor.u32 $0x80000000, s19  }
0x341: {  	s0 =	ssub.s32 s17, s12  }
0x342: {  	s0 =	sadd.s32 $0xF, s0  }
0x343: {  	s19 =	sand.u32 $0xF, s0  }
0x344: {  	p6 =	slt.s32 s0, $0x1;
	p5 =	sne.s32 s19, $0x0;
	s19 =	sshra.s32 s0, $0x1F  }
0x345: {  	s19 =	sshrl.u32 s19, $0x1C;
	p0 =	por !p6, !p5  }
0x346: {  	s0 =	sadd.s32 s19, s0;
	p0 =	por !p0, !p0;
	s19 =	simm.s32 $0x1  }
0x347: {  	s0 =	sshra.s32 s0, $0x4;
	s19 =	simm.s32 @!p0 $0x0  }
0x348: {  	s19 =	ssub.s32 s0, s19  }
0x349: {  	p0 =	slt.s32 s19, $0x1  }
.Ltmp42:
0x34a: {  	v11 =	vmul.f32 v7, v7;
	v10 =	vmul.f32 v8, v8;
	(pc) =	sbr.rel @p0 .LBB2_50-.Ltmp42, $3  }
0x34b: {  	_ = 	snop  }
0x34c: {  	v10 =	vadd.f32 v11, v10;
	v11 =	vmul.f32 v9, v9;
	_ =	sdelay $0x1  }
0x34d: {  	v10 =	vadd.f32 v11, v10  }
0x34e: {  	p0 =	sne.s32 s19, $0x1  }
.Ltmp43:
0x34f: {  	_ = 	snop;
	(pc) =	sbr.rel @!p0 .LBB2_52-.Ltmp43, $3  }
0x350: {  	_ =	sdelay $0x1  }
0x351: {  	v23 =	vmov s17;
	s17 =	sadd.s32 $0xFFFFFFFF, s19;
	v14 =	vadd.s32 s12, v1  }
0x352: {  	v11 =	vimm.f32 $+Inf;
	v12 =	vimm.s32 $0x40000000;
	p2 =	por $0x0, $0x0;
	p3 =	por $0x0, $0x0;
	p4 =	por $0x0, $0x0;
	vm3 =	vlt.s32 v14, v23  }
0x353: {  	_ =	sdelay $0x1  }
0x354: {  	vm1 =	vmmov vm3  }
0x355: {  	p0 =	sne.s32 s17, $0x1  }
.Ltmp44:
0x356: {  	_ = 	snop;
	(pc) =	sbr.rel @!p0 .LBB2_54-.Ltmp44, $4  }
0x357: {  	v17 =	vld.idx.msk [tilespmem:v14+s21+$0x0], vm3  }
0x358: {  	v19 =	vld.idx.msk [tilespmem:v14+s4+$0x0], vm3;
	s12 =	sadd.s32 $0x10, s12  }
0x359: {  	v21 =	vld.idx.msk [tilespmem:v14+s20+$0x0], vm3;
	v15 =	vadd.s32 s12, v1  }
0x35a: {  	s17 =	sadd.s32 $0xFFFFFFFF, s17;
	p2 =	por $0x1, $0x1;
	vm3 =	vlt.s32 v15, v23;
	v16 =	vld.idx.msk [tilespmem:v14+s22+$0x0], vm1  }
0x35b: {  	vm2 =	vmmov vm1;
	vm1 =	vmmov vm3;
	_ =	sdelay $0x2  }
0x35c: {  	v22 =	vmul.f32 v19, v8  }
0x35d: {  	v24 =	vmul.f32 v21, v21;
	v21 =	vmul.f32 v21, v7  }
0x35e: {  	p0 =	sne.s32 s17, $0x1  }
.Ltmp45:
0x35f: {  	v18 =	vmul.f32 v19, v19;
	v63 =	vadd.f32 v21, v22;
	v22 =	vld.idx.msk [tilespmem:v15+s22+$0x0], vm1;
	(pc) =	sbr.rel @!p0 .LBB2_56-.Ltmp45, $4  }
0x360: {  	_ = 	snop  }
0x361: {  	s12 =	sadd.s32 $0x10, s12;
	v13 =	vmul.f32 v17, v17;
	v20 =	vmul.f32 v17, v9;
	v17 =	vld.idx.msk [tilespmem:v15+s21+$0x0], vm3;
	v18 =	vadd.f32 v24, v18  }
0x362: {  	v28 =	vadd.s32 s12, v1;
	v19 =	vld.idx.msk [tilespmem:v15+s4+$0x0], vm3  }
0x363: {  	s17 =	sadd.s32 $0xFFFFFFFF, s17;
	p3 =	por $0x1, $0x1;
	v21 =	vld.idx.msk [tilespmem:v15+s20+$0x0], vm3;
	vm3 =	vlt.s32 v28, v23;
	v18 =	vadd.f32 v13, v18;
	v20 =	vadd.f32 v20, v63  }
0x364: {  	_ =	sdelay $0x1  }
0x365: {  	vm4 =	vmmov vm1;
	vm1 =	vmmov vm3;
	v13 =	vadd.f32 v18, v10  }
0x366: {  	v26 =	vmul.f32 v19, v19;
	v29 =	vmul.f32 v19, v8;
	v19 =	vadd.f32 v20, v20  }
0x367: {  	vm5 =	vge.f32 v16, $5.000000000e-01;
	p0 =	sne.s32 s17, $0x1;
	v30 =	vmul.f32 v21, v21;
	v21 =	vmul.f32 v21, v7  }
.Ltmp46:
0x368: {  	s12 =	sadd.s32 $0x10, s12;
	v24 =	vmul.f32 v17, v17;
	v25 =	vmul.f32 v17, v9;
	v27 =	vsub.f32 v13, v19;
	(pc) =	sbr.rel @!p0 .LBB2_58-.Ltmp46, $4  }
0x369: {  	v17 =	vld.idx.msk [tilespmem:v28+s21+$0x0], vm3;
	v13 =	vadd.s32 s12, v1;
	v26 =	vadd.f32 v30, v26;
	v30 =	vadd.f32 v21, v29  }
0x36a: {  	vm6 =	vmmov vm2;
	v19 =	vld.idx.msk [tilespmem:v28+s4+$0x0], vm3;
	vm3 =	vlt.s32 v13, v23;
	vm7 =	vle.f32 v27, $1.000000000e+00  }
0x36b: {  	v21 =	vld.idx.msk [tilespmem:v28+s20+$0x0], vm1;
	v29 =	vadd.f32 v24, v26;
	vm5 =	vmand vm5, vm7;
	v30 =	vadd.f32 v25, v30  }
0x36c: {  	s17 =	sadd.s32 $0xFFFFFFFF, s17;
	p4 =	por $0x1, $0x1;
	v32 =	vld.idx.msk [tilespmem:v28+s22+$0x0], vm1;
	v24 =	vmovc v14;
	v25 =	vimm.s32 $0x40000000;
	v26 =	vimm.f32 $+Inf;
	vm5 =	vmand vm6, vm5  }
.LBB2_59:
0x36d: {  	vm6 =	vge.f32 v22, $5.000000000e-01;
	v31 =	vnsel vm5, $0x7F800000, v27;
	vm7 =	vlt.s32 v24, v25  }
0x36e: {  	p5 =	sne.s32 s17, $0x1;
	s17 =	sadd.s32 $0xFFFFFFFF, s17;
	vm5 =	vmmov vm4;
	vm4 =	vmmov vm1;
	vm1 =	vmmov vm3  }
0x36f: {  	v33 =	vmul.f32 v17, v17;
	v34 =	vmul.f32 v17, v9;
	v36 =	vadd.f32 v29, v10  }
0x370: {  	v29 =	vmul.f32 v19, v19;
	v35 =	vmul.f32 v19, v8;
	v19 =	vadd.f32 v30, v30  }
0x371: {  	vm8 =	veq.f32 v31, v26;
	v30 =	vmul.f32 v21, v21;
	v21 =	vmul.f32 v21, v7  }
.Ltmp47:
0x372: {  	vm9 =	vlt.f32 v31, v26;
	vm7 =	vmand vm7, vm8;
	v27 =	vsub.f32 v36, v19;
	v22 =	vmovc v32;
	v17 =	vld.idx.msk [tilespmem:v13+s21+$0x0], vm3;
	(pc) =	sbr.rel @p5 .LBB2_59-.Ltmp47, $4  }
0x373: {  	s12 =	sadd.s32 $0x10, s12;
	vm7 =	vmor vm9, vm7;
	v29 =	vadd.f32 v30, v29;
	v30 =	vadd.f32 v21, v35;
	v19 =	vld.idx.msk [tilespmem:v13+s4+$0x0], vm3  }
0x374: {  	v35 =	vadd.s32 s12, v1;
	v25 =	vsel vm7, v24, v25;
	v24 =	vmovc v15;
	v15 =	vmovc v28;
	vm8 =	vle.f32 v27, $1.000000000e+00;
	v21 =	vld.idx.msk [tilespmem:v13+s20+$0x0], vm3  }
0x375: {  	v28 =	vmovc v13;
	vm3 =	vlt.s32 v35, v23;
	v29 =	vadd.f32 v33, v29;
	vm6 =	vmand vm6, vm8;
	v32 =	vld.idx.msk [tilespmem:v13+s22+$0x0], vm1  }
0x376: {  	v26 =	vsel vm7, v31, v26;
	v30 =	vadd.f32 v34, v30;
	vm5 =	vmand vm5, vm6;
	v13 =	vmovc v35  }
0x377: {  	_ =	sdelay $0x2  }
0x378: {  	v23 =	vmovc v22;
	v31 =	vmov v15;
	v15 =	vmov v28;
	v22 =	vmov v32  }
.LBB2_61:
0x379: {  	vm6 =	vge.f32 @p3 v23, $5.000000000e-01;
	v23 =	vnsel @p4 vm5, $0x7F800000, v27  }
0x37a: {  	vm5 =	vlt.s32 @p4 v24, v25;
	vm7 =	vmmov @p3 vm4;
	vm14 =	vmmov vm3  }
0x37b: {  	v27 =	vmul.f32 @p2 v17, v17;
	v17 =	vmul.f32 @p2 v17, v9;
	v28 =	vadd.f32 @p3 v29, v10  }
0x37c: {  	v29 =	vmul.f32 @p2 v19, v19;
	v19 =	vmul.f32 @p2 v19, v8;
	v30 =	vadd.f32 @p3 v30, v30  }
0x37d: {  	v32 =	vmul.f32 @p2 v21, v21;
	v21 =	vmul.f32 @p2 v21, v7;
	vm1 =	vmmov @p2 vm1  }
0x37e: {  	v16 =	vpsel p2, v22, v16;
	v14 =	vpsel p2, v15, v14;
	vm8 =	veq.f32 @p4 v23, v26  }
0x37f: {  	v54 =	vld.idx.msk [tilespmem:v13+s21+$0x0], vm3;
	vm9 =	vlt.f32 @p4 v23, v26;
	vm2 =	vmmov @p2 vm1;
	vm1 =	vge.f32 @p2 v16, $5.000000000e-01  }
0x380: {  	v55 =	vld.idx.msk [tilespmem:v13+s4+$0x0], vm3;
	v28 =	vsub.f32 @p3 v28, v30;
	vm5 =	vmand @p4 vm5, vm8;
	v29 =	vadd.f32 @p2 v32, v29  }
0x381: {  	vm15 =	vmmov vm14;
	v19 =	vadd.f32 @p2 v21, v19;
	vm5 =	vmor @p4 vm9, vm5  }
0x382: {  	vm8 =	vle.f32 @p3 v28, $1.000000000e+00;
	v21 =	vsel @p4 vm5, v24, v25;
	v24 =	vadd.f32 @p2 v27, v29  }
0x383: {  	v17 =	vadd.f32 @p2 v17, v19;
	v25 =	vmovc @p3 v31;
	v23 =	vsel @p4 vm5, v23, v26;
	v26 =	vpsel p3, v28, v0  }
0x384: {  	vm6 =	vmand @p3 vm6, vm8;
	v25 =	vpsel p3, v25, v0;
	v57 =	vmul.f32 v54, v54;
	v56 =	vld.idx.msk [tilespmem:v13+s20+$0x0], vm14  }
0x385: {  	v21 =	vpsel p4, v21, v12;
	v19 =	vmul.f32 v54, v9;
	v58 =	vmul.f32 v55, v55  }
0x386: {  	v22 =	vmul.f32 v55, v8;
	vm6 =	vmand @p3 vm7, vm6;
	v18 =	vpsel p2, v24, v18  }
0x387: {  	v17 =	vpsel p2, v17, v20;
	v20 =	vpsel p4, v23, v11;
	vm3 =	vmmov @p3 vm6  }
0x388: {  	v18 =	vadd.f32 @p2 v18, v10;
	v17 =	vadd.f32 @p2 v17, v17;
	v15 =	vnsel @p3 vm3, $0x7F800000, v26  }
0x389: {  	vm3 =	vlt.s32 @p3 v25, v21;
	v59 =	vmul.f32 v56, v56;
	v60 =	vmul.f32 v56, v7  }
0x38a: {  	vm5 =	veq.f32 @p3 v15, v20;
	v17 =	vsub.f32 @p2 v18, v17;
	vm6 =	vlt.f32 @p3 v15, v20  }
0x38b: {  	vm3 =	vmand @p3 vm3, vm5;
	v61 =	vadd.f32 v59, v58;
	v22 =	vadd.f32 v60, v22  }
0x38c: {  	v14 =	vpsel p2, v14, v0;
	vm2 =	vmmov @p2 vm2;
	vm3 =	vmor @p3 vm6, vm3  }
0x38d: {  	v62 =	vld.idx.msk [tilespmem:v13+s22+$0x0], vm14;
	vm6 =	vle.f32 @p2 v17, $1.000000000e+00;
	v16 =	vadd.f32 v57, v61;
	v63 =	vadd.f32 v19, v22  }
0x38e: {  	v17 =	vpsel p2, v17, v0;
	vm1 =	vmand @p2 vm1, vm6;
	v15 =	vsel @p3 vm3, v15, v20  }
0x38f: {  	vm1 =	vmand @p2 vm2, vm1;
	v16 =	vadd.f32 v16, v10;
	v18 =	vadd.f32 v63, v63  }
0x390: {  	v15 =	vpsel p3, v15, v11;
	vm1 =	vmmov @p2 vm1;
	v19 =	vsel @p3 vm3, v25, v21  }
0x391: {  	v17 =	vnsel @p2 vm1, $0x7F800000, v17;
	v19 =	vpsel p3, v19, v12;
	v16 =	vsub.f32 v16, v18  }
0x392: {  	vm1 =	vge.f32 v62, $5.000000000e-01;
	vm3 =	veq.f32 @p2 v17, v15;
	vm2 =	vlt.s32 @p2 v14, v19  }
0x393: {  	vm4 =	vlt.f32 @p2 v17, v15;
	vm2 =	vmand @p2 vm2, vm3;
	vm3 =	vle.f32 v16, $1.000000000e+00  }
0x394: {  	vm5 =	vmmov vm15;
	vm2 =	vmor @p2 vm4, vm2;
	vm1 =	vmand vm1, vm3  }
0x395: {  	v14 =	vsel @p2 vm2, v14, v19;
	v15 =	vsel @p2 vm2, v17, v15;
	vm1 =	vmand vm5, vm1  }
.Ltmp48:
0x396: {  	v12 =	vpsel p2, v14, v12;
	v14 =	vpsel p2, v15, v11;
	v15 =	vnsel vm1, $0x7F800000, v16;
	(pc) =	sbr.rel .LBB2_62-.Ltmp48, $4  }
0x397: {  	vm1 =	vlt.s32 v13, v12;
	vm2 =	veq.f32 v15, v14  }
0x398: {  	vm3 =	vlt.f32 v15, v14;
	vm1 =	vmand vm1, vm2  }
0x399: {  	vm1 =	vmor vm3, vm1  }
0x39a: {  	v11 =	vsel vm1, v13, v12;
	v12 =	vsel vm1, v15, v14  }
.LBB2_50:
0x39b: {  	v11 =	vimm.s32 $0x40000000;
	v12 =	vimm.f32 $+Inf  }
.LBB2_62:
0x39c: {  	s0 =	sadd.f32 $1.000000000e+00, s6;
	_ =	sdelay $0x1  }
0x39d: {  	s0 =	smul.f32 $5.000000000e-01, s0;
	_ =	sdelay $0x1  }
0x39e: {  	s17 =	scvt.f32.s32 s0;
	_ =	sdelay $0x1  }
0x39f: {  	s12 =	scvt.s32.f32 s17;
	_ =	sdelay $0x1  }
0x3a0: {  	p0 =	slt.f32 s0, s12  }
0x3a1: {  	s0 =	simm.s32 $0x1  }
0x3a2: {  	s0 =	simm.s32 @!p0 $0x0  }
0x3a3: {  	s0 =	ssub.s32 s17, s0  }
0x3a4: {  	p0 =	sgt.s32 s0, $0x0  }
0x3a5: {  	s0 =	simm.s32 @!p0 $0x0  }
0x3a6: {  	s0 =	smin.u32 s0, $0x9  }
0x3a7: {  	s6 =	smul.u32 $0x14, s0;
	_ =	sdelay $0x1  }
0x3a8: {  	s11 =	sadd.s32 s6, s11  }
0x3a9: {  	s19 =	sadd.s32 s15, s11  }
0x3aa: {  	s11 =	sadd.s32 s11, s16;
	v13 =	vmov s19  }
0x3ab: {  	v14 =	vmov s11;
	_ =	sdelay $0x3  }
0x3ac: {  	v13 =	vld.idx.msk [tilespmem:v13+s23+$0x0], $0xffff  }
0x3ad: {  	v14 =	vld.idx.msk [tilespmem:v14+s23+$0x0], $0xffff;
	_ =	sdelay $0x3  }
0x3ae: {  	v13 =	vxor.u32 $0x80000000, v13  }
0x3af: {  	(xrf0) =	vmin.scan.msk.u32 $0xffff, v13;
	v13 =	vxor.u32 $0x80000000, v14  }
0x3b0: {  	(xrf0) =	vmin.scan.msk.u32 $0xffff, v13;
	_ =	sdelay $0x4  }
0x3b1: {  	v13, _, _ =	vpop (xrf0)  }
0x3b2: {  	(v2sf) =	vpush v13, $0xF;
	v13, _, _ =	vpop (xrf0)  }
0x3b3: {  	(v2sf) =	vpush v13, $0xF;
	_ =	sdelay $0xd  }
0x3b4: {  	s17 =	spop (v2sf)  }
0x3b5: {  	s11 =	sxor.u32 $0x80000000, s17;
	s19 =	spop (v2sf)  }
0x3b6: {  	p2 =	slt.u32 s10, s0;
	s0 =	sxor.u32 $0x80000000, s19;
	s10 =	smov.u32 s11  }
0x3b7: {  	s10 =	smov.u32 @p2 s0  }
0x3b8: {  	s0 =	ssub.s32 s10, s11  }
0x3b9: {  	s0 =	sadd.s32 $0xF, s0  }
0x3ba: {  	s17 =	sand.u32 $0xF, s0  }
0x3bb: {  	s19 =	sshra.s32 s0, $0x1F;
	p3 =	slt.s32 s0, $0x1;
	p6 =	sne.s32 s17, $0x0  }
0x3bc: {  	s12 =	sshrl.u32 s19, $0x1C;
	p0 =	por !p3, !p6  }
0x3bd: {  	s0 =	sadd.s32 s12, s0;
	s12 =	simm.s32 $0x1;
	p0 =	por !p0, !p0  }
0x3be: {  	s0 =	sshra.s32 s0, $0x4;
	s12 =	simm.s32 @!p0 $0x0  }
0x3bf: {  	s12 =	ssub.s32 s0, s12  }
0x3c0: {  	p0 =	slt.s32 s12, $0x1  }
.Ltmp49:
0x3c1: {  	_ = 	snop;
	(pc) =	sbr.rel @p0 .LBB2_74-.Ltmp49, $1  }
0x3c2: {  	_ =	sdelay $0x3  }
0x3c3: {  	p0 =	sne.s32 s12, $0x1  }
.Ltmp50:
0x3c4: {  	_ = 	snop;
	(pc) =	sbr.rel @!p0 .LBB2_64-.Ltmp50, $3  }
0x3c5: {  	_ =	sdelay $0x1  }
0x3c6: {  	v23 =	vmov s10;
	s12 =	sadd.s32 $0xFFFFFFFF, s12;
	v14 =	vadd.s32 s11, v1  }
0x3c7: {  	p3 =	por $0x0, $0x0;
	p4 =	por $0x0, $0x0;
	p5 =	por $0x0, $0x0;
	vm3 =	vlt.s32 v14, v23  }
0x3c8: {  	_ =	sdelay $0x1  }
0x3c9: {  	vm1 =	vmmov vm3  }
0x3ca: {  	p0 =	sne.s32 s12, $0x1  }
.Ltmp51:
0x3cb: {  	_ = 	snop;
	(pc) =	sbr.rel @!p0 .LBB2_66-.Ltmp51, $4  }
0x3cc: {  	v19 =	vld.idx.msk [tilespmem:v14+s21+$0x0], vm3  }
0x3cd: {  	v17 =	vld.idx.msk [tilespmem:v14+s4+$0x0], vm3;
	s10 =	sadd.s32 $0x10, s11  }
0x3ce: {  	v21 =	vld.idx.msk [tilespmem:v14+s20+$0x0], vm3;
	v15 =	vadd.s32 s10, v1  }
0x3cf: {  	s11 =	sadd.s32 $0xFFFFFFFF, s12;
	p3 =	por $0x1, $0x1;
	vm3 =	vlt.s32 v15, v23;
	v16 =	vld.idx.msk [tilespmem:v14+s22+$0x0], vm1  }
0x3d0: {  	vm2 =	vmmov vm1;
	vm1 =	vmmov vm3;
	_ =	sdelay $0x2  }
0x3d1: {  	v22 =	vmul.f32 v17, v8  }
0x3d2: {  	v24 =	vmul.f32 v21, v21;
	v21 =	vmul.f32 v21, v7  }
0x3d3: {  	p0 =	sne.s32 s11, $0x1  }
.Ltmp52:
0x3d4: {  	v18 =	vmul.f32 v17, v17;
	v63 =	vadd.f32 v21, v22;
	v22 =	vld.idx.msk [tilespmem:v15+s22+$0x0], vm1;
	(pc) =	sbr.rel @!p0 .LBB2_68-.Ltmp52, $4  }
0x3d5: {  	_ = 	snop  }
0x3d6: {  	s10 =	sadd.s32 $0x10, s10;
	v13 =	vmul.f32 v19, v19;
	v20 =	vmul.f32 v19, v9;
	v19 =	vld.idx.msk [tilespmem:v15+s21+$0x0], vm3;
	v18 =	vadd.f32 v24, v18  }
0x3d7: {  	v28 =	vadd.s32 s10, v1;
	v17 =	vld.idx.msk [tilespmem:v15+s4+$0x0], vm3  }
0x3d8: {  	s11 =	sadd.s32 $0xFFFFFFFF, s11;
	p4 =	por $0x1, $0x1;
	v21 =	vld.idx.msk [tilespmem:v15+s20+$0x0], vm3;
	vm3 =	vlt.s32 v28, v23;
	v18 =	vadd.f32 v13, v18;
	v20 =	vadd.f32 v20, v63  }
0x3d9: {  	_ =	sdelay $0x1  }
0x3da: {  	vm4 =	vmmov vm1;
	vm1 =	vmmov vm3  }
0x3db: {  	v13 =	vadd.f32 v18, v10;
	v24 =	vmul.f32 v19, v19;
	v25 =	vmul.f32 v19, v9  }
0x3dc: {  	v19 =	vadd.f32 v20, v20;
	v27 =	vmul.f32 v17, v17;
	v29 =	vmul.f32 v21, v21  }
0x3dd: {  	p0 =	sne.s32 s11, $0x1;
	v30 =	vmul.f32 v17, v8  }
.Ltmp53:
0x3de: {  	v21 =	vmul.f32 v21, v7;
	v26 =	vsub.f32 v13, v19;
	v27 =	vadd.f32 v29, v27;
	(pc) =	sbr.rel @!p0 .LBB2_70-.Ltmp53, $4  }
0x3df: {  	vm5 =	vge.f32 v16, $5.000000000e-01;
	s10 =	sadd.s32 $0x10, s10;
	vm7 =	vmmov vm2;
	v17 =	vld.idx.msk [tilespmem:v28+s4+$0x0], vm3  }
0x3e0: {  	v19 =	vld.idx.msk [tilespmem:v28+s21+$0x0], vm3;
	v13 =	vadd.s32 s10, v1;
	v30 =	vadd.f32 v21, v30;
	vm6 =	vle.f32 v26, $1.000000000e+00  }
0x3e1: {  	v21 =	vld.idx.msk [tilespmem:v28+s20+$0x0], vm3;
	vm3 =	vlt.s32 v13, v23;
	vm5 =	vmand vm5, vm6;
	v29 =	vadd.f32 v24, v27  }
0x3e2: {  	s11 =	sadd.s32 $0xFFFFFFFF, s11;
	p5 =	por $0x1, $0x1;
	v32 =	vld.idx.msk [tilespmem:v28+s22+$0x0], vm1;
	v30 =	vadd.f32 v25, v30;
	vm5 =	vmand vm7, vm5;
	v24 =	vmovc v14;
	v25 =	vmovc v11;
	v27 =	vmov v12  }
.LBB2_71:
0x3e3: {  	vm6 =	vge.f32 v22, $5.000000000e-01;
	v31 =	vnsel vm5, $0x7F800000, v26;
	vm7 =	vlt.s32 v24, v25  }
0x3e4: {  	p6 =	sne.s32 s11, $0x1;
	s11 =	sadd.s32 $0xFFFFFFFF, s11;
	vm5 =	vmmov vm4;
	vm4 =	vmmov vm1;
	vm1 =	vmmov vm3  }
0x3e5: {  	v33 =	vmul.f32 v19, v19;
	v34 =	vmul.f32 v19, v9;
	v36 =	vadd.f32 v29, v10  }
0x3e6: {  	v29 =	vmul.f32 v17, v17;
	v35 =	vmul.f32 v17, v8;
	v17 =	vadd.f32 v30, v30  }
0x3e7: {  	vm8 =	veq.f32 v31, v27;
	v30 =	vmul.f32 v21, v21;
	v21 =	vmul.f32 v21, v7  }
.Ltmp54:
0x3e8: {  	vm9 =	vlt.f32 v31, v27;
	vm7 =	vmand vm7, vm8;
	v26 =	vsub.f32 v36, v17;
	v22 =	vmovc v32;
	v19 =	vld.idx.msk [tilespmem:v13+s21+$0x0], vm3;
	(pc) =	sbr.rel @p6 .LBB2_71-.Ltmp54, $4  }
0x3e9: {  	s10 =	sadd.s32 $0x10, s10;
	vm7 =	vmor vm9, vm7;
	v29 =	vadd.f32 v30, v29;
	v30 =	vadd.f32 v21, v35;
	v17 =	vld.idx.msk [tilespmem:v13+s4+$0x0], vm3  }
0x3ea: {  	v35 =	vadd.s32 s10, v1;
	v25 =	vsel vm7, v24, v25;
	v24 =	vmovc v15;
	v15 =	vmovc v28;
	vm8 =	vle.f32 v26, $1.000000000e+00;
	v21 =	vld.idx.msk [tilespmem:v13+s20+$0x0], vm3  }
0x3eb: {  	v28 =	vmovc v13;
	vm3 =	vlt.s32 v35, v23;
	v29 =	vadd.f32 v33, v29;
	vm6 =	vmand vm6, vm8;
	v32 =	vld.idx.msk [tilespmem:v13+s22+$0x0], vm1  }
0x3ec: {  	v27 =	vsel vm7, v31, v27;
	v30 =	vadd.f32 v34, v30;
	vm5 =	vmand vm5, vm6;
	v13 =	vmovc v35  }
0x3ed: {  	_ =	sdelay $0x2  }
0x3ee: {  	v23 =	vmovc v22;
	v31 =	vmov v15;
	v15 =	vmov v28;
	v22 =	vmov v32  }
.LBB2_73:
0x3ef: {  	vm6 =	vge.f32 @p4 v23, $5.000000000e-01;
	v23 =	vnsel @p5 vm5, $0x7F800000, v26  }
0x3f0: {  	vm5 =	vlt.s32 @p5 v24, v25;
	vm7 =	vmmov @p4 vm4;
	vm14 =	vmmov vm3  }
0x3f1: {  	v26 =	vmul.f32 @p3 v19, v19;
	v19 =	vmul.f32 @p3 v19, v9;
	v28 =	vadd.f32 @p4 v29, v10  }
0x3f2: {  	v29 =	vmul.f32 @p3 v17, v17;
	v17 =	vmul.f32 @p3 v17, v8;
	v30 =	vadd.f32 @p4 v30, v30  }
0x3f3: {  	v32 =	vmul.f32 @p3 v21, v21;
	v21 =	vmul.f32 @p3 v21, v7;
	vm1 =	vmmov @p3 vm1  }
0x3f4: {  	v16 =	vpsel p3, v22, v16;
	v14 =	vpsel p3, v15, v14;
	vm8 =	veq.f32 @p5 v23, v27  }
0x3f5: {  	v54 =	vld.idx.msk [tilespmem:v13+s21+$0x0], vm3;
	vm9 =	vlt.f32 @p5 v23, v27;
	vm2 =	vmmov @p3 vm1;
	vm1 =	vge.f32 @p3 v16, $5.000000000e-01  }
0x3f6: {  	v55 =	vld.idx.msk [tilespmem:v13+s4+$0x0], vm3;
	v28 =	vsub.f32 @p4 v28, v30;
	vm5 =	vmand @p5 vm5, vm8;
	v29 =	vadd.f32 @p3 v32, v29  }
0x3f7: {  	vm15 =	vmmov vm14;
	v17 =	vadd.f32 @p3 v21, v17;
	vm5 =	vmor @p5 vm9, vm5  }
0x3f8: {  	vm8 =	vle.f32 @p4 v28, $1.000000000e+00;
	v21 =	vsel @p5 vm5, v24, v25;
	v24 =	vadd.f32 @p3 v26, v29  }
0x3f9: {  	v17 =	vadd.f32 @p3 v19, v17;
	v25 =	vmovc @p4 v31;
	v23 =	vsel @p5 vm5, v23, v27;
	v26 =	vpsel p4, v28, v0  }
0x3fa: {  	vm6 =	vmand @p4 vm6, vm8;
	v25 =	vpsel p4, v25, v0;
	v57 =	vmul.f32 v54, v54;
	v56 =	vld.idx.msk [tilespmem:v13+s20+$0x0], vm14  }
0x3fb: {  	v21 =	vpsel p5, v21, v11;
	v19 =	vmul.f32 v54, v9;
	v58 =	vmul.f32 v55, v55  }
0x3fc: {  	v22 =	vmul.f32 v55, v8;
	vm6 =	vmand @p4 vm7, vm6;
	v18 =	vpsel p3, v24, v18  }
0x3fd: {  	v17 =	vpsel p3, v17, v20;
	v20 =	vpsel p5, v23, v12;
	vm3 =	vmmov @p4 vm6  }
0x3fe: {  	v18 =	vadd.f32 @p3 v18, v10;
	v17 =	vadd.f32 @p3 v17, v17;
	v15 =	vnsel @p4 vm3, $0x7F800000, v26  }
0x3ff: {  	vm3 =	vlt.s32 @p4 v25, v21;
	v59 =	vmul.f32 v56, v56;
	v60 =	vmul.f32 v56, v7  }
0x400: {  	vm5 =	veq.f32 @p4 v15, v20;
	v17 =	vsub.f32 @p3 v18, v17;
	vm6 =	vlt.f32 @p4 v15, v20  }
0x401: {  	vm3 =	vmand @p4 vm3, vm5;
	v61 =	vadd.f32 v59, v58;
	v22 =	vadd.f32 v60, v22  }
0x402: {  	v14 =	vpsel p3, v14, v0;
	vm2 =	vmmov @p3 vm2;
	vm3 =	vmor @p4 vm6, vm3  }
0x403: {  	v62 =	vld.idx.msk [tilespmem:v13+s22+$0x0], vm14;
	vm6 =	vle.f32 @p3 v17, $1.000000000e+00;
	v16 =	vadd.f32 v57, v61;
	v63 =	vadd.f32 v19, v22  }
0x404: {  	v17 =	vpsel p3, v17, v0;
	vm1 =	vmand @p3 vm1, vm6;
	v15 =	vsel @p4 vm3, v15, v20  }
0x405: {  	vm1 =	vmand @p3 vm2, vm1;
	v16 =	vadd.f32 v16, v10;
	v18 =	vadd.f32 v63, v63  }
0x406: {  	v15 =	vpsel p4, v15, v12;
	vm1 =	vmmov @p3 vm1;
	v19 =	vsel @p4 vm3, v25, v21  }
0x407: {  	v17 =	vnsel @p3 vm1, $0x7F800000, v17;
	v19 =	vpsel p4, v19, v11;
	v16 =	vsub.f32 v16, v18  }
0x408: {  	vm1 =	vge.f32 v62, $5.000000000e-01;
	vm3 =	veq.f32 @p3 v17, v15;
	vm2 =	vlt.s32 @p3 v14, v19  }
0x409: {  	vm4 =	vlt.f32 @p3 v17, v15;
	vm2 =	vmand @p3 vm2, vm3;
	vm3 =	vle.f32 v16, $1.000000000e+00  }
0x40a: {  	vm5 =	vmmov vm15;
	vm2 =	vmor @p3 vm4, vm2;
	vm1 =	vmand vm1, vm3  }
0x40b: {  	v14 =	vsel @p3 vm2, v14, v19;
	v15 =	vsel @p3 vm2, v17, v15;
	vm1 =	vmand vm5, vm1  }
0x40c: {  	v11 =	vpsel p3, v14, v11;
	v12 =	vpsel p3, v15, v12;
	v14 =	vnsel vm1, $0x7F800000, v16  }
0x40d: {  	vm1 =	vlt.s32 v13, v11;
	vm2 =	veq.f32 v14, v12  }
0x40e: {  	vm3 =	vlt.f32 v14, v12;
	vm1 =	vmand vm1, vm2  }
0x40f: {  	vm1 =	vmor vm3, vm1  }
0x410: {  	v11 =	vsel vm1, v13, v11;
	v12 =	vsel vm1, v14, v12  }
.LBB2_74:
0x411: {  	s0 =	sadd.f32 $1.000000000e+00, s2;
	_ =	sdelay $0x1  }
0x412: {  	s0 =	smul.f32 $5.000000000e-01, s0;
	_ =	sdelay $0x1  }
0x413: {  	s17 =	scvt.f32.s32 s0;
	_ =	sdelay $0x1  }
0x414: {  	s10 =	scvt.s32.f32 s17;
	_ =	sdelay $0x1  }
0x415: {  	p0 =	slt.f32 s0, s10  }
0x416: {  	s0 =	simm.s32 $0x1  }
0x417: {  	s0 =	simm.s32 @!p0 $0x0  }
0x418: {  	s0 =	ssub.s32 s17, s0  }
0x419: {  	p0 =	sgt.s32 s0, $0x0  }
0x41a: {  	s0 =	simm.s32 @!p0 $0x0  }
0x41b: {  	s0 =	smin.u32 s0, $0x9  }
0x41c: {  	s2 =	smul.u32 $0xC8, s0;
	_ =	sdelay $0x1  }
0x41d: {  	s3 =	sadd.s32 s3, s2  }
0x41e: {  	s19 =	sadd.s32 s15, s3  }
0x41f: {  	s3 =	sadd.s32 s3, s16;
	v13 =	vmov s19  }
0x420: {  	v14 =	vmov s3;
	_ =	sdelay $0x3  }
0x421: {  	v13 =	vld.idx.msk [tilespmem:v13+s23+$0x0], $0xffff  }
0x422: {  	v14 =	vld.idx.msk [tilespmem:v14+s23+$0x0], $0xffff;
	_ =	sdelay $0x3  }
0x423: {  	v13 =	vxor.u32 $0x80000000, v13  }
0x424: {  	(xrf0) =	vmin.scan.msk.u32 $0xffff, v13;
	v13 =	vxor.u32 $0x80000000, v14  }
0x425: {  	(xrf0) =	vmin.scan.msk.u32 $0xffff, v13;
	_ =	sdelay $0x4  }
0x426: {  	v13, _, _ =	vpop (xrf0)  }
0x427: {  	(v2sf) =	vpush v13, $0xF;
	v13, _, _ =	vpop (xrf0)  }
0x428: {  	(v2sf) =	vpush v13, $0xF;
	_ =	sdelay $0xd  }
0x429: {  	s11 =	spop (v2sf)  }
0x42a: {  	s3 =	sxor.u32 $0x80000000, s11;
	s12 =	spop (v2sf)  }
0x42b: {  	p3 =	slt.u32 s1, s0;
	s0 =	sxor.u32 $0x80000000, s12;
	s1 =	smov.u32 s3  }
0x42c: {  	s1 =	smov.u32 @p3 s0  }
0x42d: {  	s0 =	ssub.s32 s1, s3  }
0x42e: {  	s0 =	sadd.s32 $0xF, s0  }
0x42f: {  	s17 =	sand.u32 $0xF, s0  }
0x430: {  	s19 =	sshra.s32 s0, $0x1F;
	p4 =	slt.s32 s0, $0x1;
	p6 =	sne.s32 s17, $0x0  }
0x431: {  	s10 =	sshrl.u32 s19, $0x1C;
	p0 =	por !p4, !p6  }
0x432: {  	s0 =	sadd.s32 s10, s0;
	s10 =	simm.s32 $0x1;
	p0 =	por !p0, !p0  }
0x433: {  	s0 =	sshra.s32 s0, $0x4;
	s10 =	simm.s32 @!p0 $0x0  }
0x434: {  	s10 =	ssub.s32 s0, s10  }
0x435: {  	p0 =	slt.s32 s10, $0x1  }
.Ltmp55:
0x436: {  	_ = 	snop;
	(pc) =	sbr.rel @p0 .LBB2_86-.Ltmp55, $1  }
0x437: {  	_ =	sdelay $0x3  }
0x438: {  	p0 =	sne.s32 s10, $0x1  }
.Ltmp56:
0x439: {  	_ = 	snop;
	(pc) =	sbr.rel @!p0 .LBB2_76-.Ltmp56, $3  }
0x43a: {  	_ =	sdelay $0x1  }
0x43b: {  	v23 =	vmov s1;
	s10 =	sadd.s32 $0xFFFFFFFF, s10;
	v14 =	vadd.s32 s3, v1  }
0x43c: {  	p4 =	por $0x0, $0x0;
	p5 =	por $0x0, $0x0;
	p6 =	por $0x0, $0x0;
	vm3 =	vlt.s32 v14, v23  }
0x43d: {  	_ =	sdelay $0x1  }
0x43e: {  	vm1 =	vmmov vm3  }
0x43f: {  	p0 =	sne.s32 s10, $0x1  }
.Ltmp57:
0x440: {  	_ = 	snop;
	(pc) =	sbr.rel @!p0 .LBB2_78-.Ltmp57, $4  }
0x441: {  	v19 =	vld.idx.msk [tilespmem:v14+s21+$0x0], vm3  }
0x442: {  	v17 =	vld.idx.msk [tilespmem:v14+s4+$0x0], vm3;
	s1 =	sadd.s32 $0x10, s3  }
0x443: {  	v21 =	vld.idx.msk [tilespmem:v14+s20+$0x0], vm3;
	v15 =	vadd.s32 s1, v1  }
0x444: {  	s3 =	sadd.s32 $0xFFFFFFFF, s10;
	p4 =	por $0x1, $0x1;
	vm3 =	vlt.s32 v15, v23;
	v16 =	vld.idx.msk [tilespmem:v14+s22+$0x0], vm1  }
0x445: {  	vm2 =	vmmov vm1;
	vm1 =	vmmov vm3;
	_ =	sdelay $0x2  }
0x446: {  	v22 =	vmul.f32 v17, v8  }
0x447: {  	v24 =	vmul.f32 v21, v21;
	v21 =	vmul.f32 v21, v7  }
0x448: {  	p0 =	sne.s32 s3, $0x1  }
.Ltmp58:
0x449: {  	v18 =	vmul.f32 v17, v17;
	v63 =	vadd.f32 v21, v22;
	v22 =	vld.idx.msk [tilespmem:v15+s22+$0x0], vm1;
	(pc) =	sbr.rel @!p0 .LBB2_80-.Ltmp58, $4  }
0x44a: {  	_ = 	snop  }
0x44b: {  	s1 =	sadd.s32 $0x10, s1;
	v13 =	vmul.f32 v19, v19;
	v20 =	vmul.f32 v19, v9;
	v19 =	vld.idx.msk [tilespmem:v15+s21+$0x0], vm3;
	v18 =	vadd.f32 v24, v18  }
0x44c: {  	v28 =	vadd.s32 s1, v1;
	v17 =	vld.idx.msk [tilespmem:v15+s4+$0x0], vm3  }
0x44d: {  	s3 =	sadd.s32 $0xFFFFFFFF, s3;
	p5 =	por $0x1, $0x1;
	v21 =	vld.idx.msk [tilespmem:v15+s20+$0x0], vm3;
	vm3 =	vlt.s32 v28, v23;
	v18 =	vadd.f32 v13, v18;
	v20 =	vadd.f32 v20, v63  }
0x44e: {  	_ =	sdelay $0x1  }
0x44f: {  	vm4 =	vmmov vm1;
	vm1 =	vmmov vm3  }
0x450: {  	v13 =	vadd.f32 v18, v10;
	v24 =	vmul.f32 v19, v19;
	v25 =	vmul.f32 v19, v9  }
0x451: {  	v19 =	vadd.f32 v20, v20;
	v27 =	vmul.f32 v17, v17;
	v29 =	vmul.f32 v21, v21  }
0x452: {  	p0 =	sne.s32 s3, $0x1;
	v30 =	vmul.f32 v17, v8  }
.Ltmp59:
0x453: {  	v21 =	vmul.f32 v21, v7;
	v26 =	vsub.f32 v13, v19;
	v27 =	vadd.f32 v29, v27;
	(pc) =	sbr.rel @!p0 .LBB2_82-.Ltmp59, $4  }
0x454: {  	vm5 =	vge.f32 v16, $5.000000000e-01;
	s1 =	sadd.s32 $0x10, s1;
	vm7 =	vmmov vm2;
	v17 =	vld.idx.msk [tilespmem:v28+s4+$0x0], vm3  }
0x455: {  	v19 =	vld.idx.msk [tilespmem:v28+s21+$0x0], vm3;
	v13 =	vadd.s32 s1, v1;
	v30 =	vadd.f32 v21, v30;
	vm6 =	vle.f32 v26, $1.000000000e+00  }
0x456: {  	v21 =	vld.idx.msk [tilespmem:v28+s20+$0x0], vm3;
	vm3 =	vlt.s32 v13, v23;
	vm5 =	vmand vm5, vm6;
	v29 =	vadd.f32 v24, v27  }
0x457: {  	s3 =	sadd.s32 $0xFFFFFFFF, s3;
	p6 =	por $0x1, $0x1;
	v32 =	vld.idx.msk [tilespmem:v28+s22+$0x0], vm1;
	v30 =	vadd.f32 v25, v30;
	vm5 =	vmand vm7, vm5;
	v24 =	vmovc v14;
	v25 =	vmovc v11;
	v27 =	vmov v12  }
.LBB2_83:
0x458: {  	vm6 =	vge.f32 v22, $5.000000000e-01;
	v31 =	vnsel vm5, $0x7F800000, v26;
	vm7 =	vlt.s32 v24, v25  }
0x459: {  	p0 =	sne.s32 s3, $0x1;
	s3 =	sadd.s32 $0xFFFFFFFF, s3;
	vm5 =	vmmov vm4;
	vm4 =	vmmov vm1;
	vm1 =	vmmov vm3  }
0x45a: {  	v33 =	vmul.f32 v19, v19;
	v34 =	vmul.f32 v19, v9;
	v36 =	vadd.f32 v29, v10  }
0x45b: {  	v29 =	vmul.f32 v17, v17;
	v35 =	vmul.f32 v17, v8;
	v17 =	vadd.f32 v30, v30  }
0x45c: {  	vm8 =	veq.f32 v31, v27;
	v30 =	vmul.f32 v21, v21;
	v21 =	vmul.f32 v21, v7  }
.Ltmp60:
0x45d: {  	vm9 =	vlt.f32 v31, v27;
	vm7 =	vmand vm7, vm8;
	v26 =	vsub.f32 v36, v17;
	v22 =	vmovc v32;
	v19 =	vld.idx.msk [tilespmem:v13+s21+$0x0], vm3;
	(pc) =	sbr.rel @p0 .LBB2_83-.Ltmp60, $4  }
0x45e: {  	s1 =	sadd.s32 $0x10, s1;
	vm7 =	vmor vm9, vm7;
	v29 =	vadd.f32 v30, v29;
	v30 =	vadd.f32 v21, v35;
	v17 =	vld.idx.msk [tilespmem:v13+s4+$0x0], vm3  }
0x45f: {  	v35 =	vadd.s32 s1, v1;
	v25 =	vsel vm7, v24, v25;
	v24 =	vmovc v15;
	v15 =	vmovc v28;
	vm8 =	vle.f32 v26, $1.000000000e+00;
	v21 =	vld.idx.msk [tilespmem:v13+s20+$0x0], vm3  }
0x460: {  	v28 =	vmovc v13;
	vm3 =	vlt.s32 v35, v23;
	v29 =	vadd.f32 v33, v29;
	vm6 =	vmand vm6, vm8;
	v32 =	vld.idx.msk [tilespmem:v13+s22+$0x0], vm1  }
0x461: {  	v27 =	vsel vm7, v31, v27;
	v30 =	vadd.f32 v34, v30;
	vm5 =	vmand vm5, vm6;
	v13 =	vmovc v35  }
0x462: {  	_ =	sdelay $0x2  }
0x463: {  	v23 =	vmovc v22;
	v31 =	vmov v15;
	v15 =	vmov v28;
	v22 =	vmov v32  }
.LBB2_85:
0x464: {  	vm6 =	vge.f32 @p5 v23, $5.000000000e-01;
	v23 =	vnsel @p6 vm5, $0x7F800000, v26  }
0x465: {  	vm5 =	vlt.s32 @p6 v24, v25;
	vm7 =	vmmov @p5 vm4;
	vm14 =	vmmov vm3  }
0x466: {  	v26 =	vmul.f32 @p4 v19, v19;
	v19 =	vmul.f32 @p4 v19, v9;
	v28 =	vadd.f32 @p5 v29, v10  }
0x467: {  	v29 =	vmul.f32 @p4 v17, v17;
	v17 =	vmul.f32 @p4 v17, v8;
	v30 =	vadd.f32 @p5 v30, v30  }
0x468: {  	v32 =	vmul.f32 @p4 v21, v21;
	v21 =	vmul.f32 @p4 v21, v7;
	vm1 =	vmmov @p4 vm1  }
0x469: {  	v16 =	vpsel p4, v22, v16;
	v14 =	vpsel p4, v15, v14;
	vm8 =	veq.f32 @p6 v23, v27  }
0x46a: {  	v54 =	vld.idx.msk [tilespmem:v13+s21+$0x0], vm3;
	vm9 =	vlt.f32 @p6 v23, v27;
	vm2 =	vmmov @p4 vm1;
	vm1 =	vge.f32 @p4 v16, $5.000000000e-01  }
0x46b: {  	v55 =	vld.idx.msk [tilespmem:v13+s4+$0x0], vm3;
	v28 =	vsub.f32 @p5 v28, v30;
	vm5 =	vmand @p6 vm5, vm8;
	v29 =	vadd.f32 @p4 v32, v29  }
0x46c: {  	vm15 =	vmmov vm14;
	v17 =	vadd.f32 @p4 v21, v17;
	vm5 =	vmor @p6 vm9, vm5  }
0x46d: {  	vm8 =	vle.f32 @p5 v28, $1.000000000e+00;
	v21 =	vsel @p6 vm5, v24, v25;
	v24 =	vadd.f32 @p4 v26, v29  }
0x46e: {  	v17 =	vadd.f32 @p4 v19, v17;
	v25 =	vmovc @p5 v31;
	v23 =	vsel @p6 vm5, v23, v27;
	v26 =	vpsel p5, v28, v0  }
0x46f: {  	vm6 =	vmand @p5 vm6, vm8;
	v25 =	vpsel p5, v25, v0;
	v57 =	vmul.f32 v54, v54;
	v56 =	vld.idx.msk [tilespmem:v13+s20+$0x0], vm14  }
0x470: {  	v21 =	vpsel p6, v21, v11;
	v19 =	vmul.f32 v54, v9;
	v58 =	vmul.f32 v55, v55  }
0x471: {  	v22 =	vmul.f32 v55, v8;
	vm6 =	vmand @p5 vm7, vm6;
	v18 =	vpsel p4, v24, v18  }
0x472: {  	v17 =	vpsel p4, v17, v20;
	v20 =	vpsel p6, v23, v12;
	vm3 =	vmmov @p5 vm6  }
0x473: {  	v18 =	vadd.f32 @p4 v18, v10;
	v17 =	vadd.f32 @p4 v17, v17;
	v15 =	vnsel @p5 vm3, $0x7F800000, v26  }
0x474: {  	vm3 =	vlt.s32 @p5 v25, v21;
	v59 =	vmul.f32 v56, v56;
	v60 =	vmul.f32 v56, v7  }
0x475: {  	vm5 =	veq.f32 @p5 v15, v20;
	v17 =	vsub.f32 @p4 v18, v17;
	vm6 =	vlt.f32 @p5 v15, v20  }
0x476: {  	vm3 =	vmand @p5 vm3, vm5;
	v61 =	vadd.f32 v59, v58;
	v22 =	vadd.f32 v60, v22  }
0x477: {  	v14 =	vpsel p4, v14, v0;
	vm2 =	vmmov @p4 vm2;
	vm3 =	vmor @p5 vm6, vm3  }
0x478: {  	v62 =	vld.idx.msk [tilespmem:v13+s22+$0x0], vm14;
	vm6 =	vle.f32 @p4 v17, $1.000000000e+00;
	v16 =	vadd.f32 v57, v61;
	v63 =	vadd.f32 v19, v22  }
0x479: {  	v17 =	vpsel p4, v17, v0;
	vm1 =	vmand @p4 vm1, vm6;
	v15 =	vsel @p5 vm3, v15, v20  }
0x47a: {  	vm1 =	vmand @p4 vm2, vm1;
	v16 =	vadd.f32 v16, v10;
	v18 =	vadd.f32 v63, v63  }
0x47b: {  	v15 =	vpsel p5, v15, v12;
	vm1 =	vmmov @p4 vm1;
	v19 =	vsel @p5 vm3, v25, v21  }
0x47c: {  	v17 =	vnsel @p4 vm1, $0x7F800000, v17;
	v19 =	vpsel p5, v19, v11;
	v16 =	vsub.f32 v16, v18  }
0x47d: {  	vm1 =	vge.f32 v62, $5.000000000e-01;
	vm3 =	veq.f32 @p4 v17, v15;
	vm2 =	vlt.s32 @p4 v14, v19  }
0x47e: {  	vm4 =	vlt.f32 @p4 v17, v15;
	vm2 =	vmand @p4 vm2, vm3;
	vm3 =	vle.f32 v16, $1.000000000e+00  }
0x47f: {  	vm5 =	vmmov vm15;
	vm2 =	vmor @p4 vm4, vm2;
	vm1 =	vmand vm1, vm3  }
0x480: {  	v14 =	vsel @p4 vm2, v14, v19;
	v15 =	vsel @p4 vm2, v17, v15;
	vm1 =	vmand vm5, vm1  }
0x481: {  	v11 =	vpsel p4, v14, v11;
	v12 =	vpsel p4, v15, v12;
	v14 =	vnsel vm1, $0x7F800000, v16  }
0x482: {  	vm1 =	vlt.s32 v13, v11;
	vm2 =	veq.f32 v14, v12  }
0x483: {  	vm3 =	vlt.f32 v14, v12;
	vm1 =	vmand vm1, vm2  }
0x484: {  	vm1 =	vmor vm3, vm1  }
0x485: {  	v11 =	vsel vm1, v13, v11;
	v12 =	vsel vm1, v14, v12  }
.LBB2_86:
0x486: {  	s0 =	sadd.s32 s6, s2  }
0x487: {  	s1 =	sadd.s32 s15, s0  }
0x488: {  	s0 =	sadd.s32 s0, s16;
	v13 =	vmov s1  }
0x489: {  	v14 =	vmov s0;
	_ =	sdelay $0x3  }
0x48a: {  	v13 =	vld.idx.msk [tilespmem:v13+s23+$0x0], $0xffff  }
0x48b: {  	v14 =	vld.idx.msk [tilespmem:v14+s23+$0x0], $0xffff;
	_ =	sdelay $0x3  }
0x48c: {  	v13 =	vxor.u32 $0x80000000, v13  }
0x48d: {  	(xrf0) =	vmin.scan.msk.u32 $0xffff, v13;
	v13 =	vxor.u32 $0x80000000, v14  }
0x48e: {  	(xrf0) =	vmin.scan.msk.u32 $0xffff, v13;
	_ =	sdelay $0x4  }
0x48f: {  	v13, _, _ =	vpop (xrf0)  }
0x490: {  	(v2sf) =	vpush v13, $0xF;
	v13, _, _ =	vpop (xrf0)  }
0x491: {  	(v2sf) =	vpush v13, $0xF;
	_ =	sdelay $0xd  }
0x492: {  	s12 =	spop (v2sf)  }
0x493: {  	s1 =	sxor.u32 $0x80000000, s12;
	s15 =	spop (v2sf)  }
0x494: {  	s0 =	sxor.u32 $0x80000000, s15;
	s3 =	smov.u32 s1  }
0x495: {  	s2 =	smov.u32 s1;
	s3 =	smov.u32 @p3 s0  }
0x496: {  	s2 =	smov.u32 @p2 s3  }
0x497: {  	s16 =	ssub.s32 s2, s1  }
0x498: {  	s0 =	sadd.s32 $0xF, s16  }
0x499: {  	s17 =	sand.u32 $0xF, s0  }
0x49a: {  	s19 =	sshra.s32 s0, $0x1F;
	p6 =	slt.s32 s0, $0x1;
	p0 =	sne.s32 s17, $0x0  }
0x49b: {  	s3 =	sshrl.u32 s19, $0x1C;
	p0 =	por !p6, !p0  }
0x49c: {  	s0 =	sadd.s32 s3, s0;
	s3 =	simm.s32 $0x1;
	p0 =	por !p0, !p0  }
0x49d: {  	s0 =	sshra.s32 s0, $0x4;
	s3 =	simm.s32 @!p0 $0x0  }
0x49e: {  	s3 =	ssub.s32 s0, s3  }
0x49f: {  	p0 =	slt.s32 s3, $0x1  }
.Ltmp61:
0x4a0: {  	_ = 	snop;
	(pc) =	sbr.rel @p0 .LBB2_98-.Ltmp61, $1  }
0x4a1: {  	_ =	sdelay $0x3  }
0x4a2: {  	p0 =	sne.s32 s3, $0x1  }
.Ltmp62:
0x4a3: {  	_ = 	snop;
	(pc) =	sbr.rel @!p0 .LBB2_88-.Ltmp62, $3  }
0x4a4: {  	_ =	sdelay $0x1  }
0x4a5: {  	v23 =	vmov s2;
	s2 =	sadd.s32 $0xFFFFFFFF, s3;
	v14 =	vadd.s32 s1, v1  }
0x4a6: {  	p2 =	por $0x0, $0x0;
	p3 =	por $0x0, $0x0;
	p4 =	por $0x0, $0x0;
	vm3 =	vlt.s32 v14, v23  }
0x4a7: {  	_ =	sdelay $0x1  }
0x4a8: {  	vm1 =	vmmov vm3  }
0x4a9: {  	p0 =	sne.s32 s2, $0x1  }
.Ltmp63:
0x4aa: {  	_ = 	snop;
	(pc) =	sbr.rel @!p0 .LBB2_90-.Ltmp63, $4  }
0x4ab: {  	v19 =	vld.idx.msk [tilespmem:v14+s21+$0x0], vm3  }
0x4ac: {  	v17 =	vld.idx.msk [tilespmem:v14+s4+$0x0], vm3;
	s1 =	sadd.s32 $0x10, s1  }
0x4ad: {  	v21 =	vld.idx.msk [tilespmem:v14+s20+$0x0], vm3;
	v15 =	vadd.s32 s1, v1  }
0x4ae: {  	s2 =	sadd.s32 $0xFFFFFFFF, s2;
	p2 =	por $0x1, $0x1;
	vm3 =	vlt.s32 v15, v23;
	v16 =	vld.idx.msk [tilespmem:v14+s22+$0x0], vm1  }
0x4af: {  	vm2 =	vmmov vm1;
	vm1 =	vmmov vm3;
	_ =	sdelay $0x2  }
0x4b0: {  	v22 =	vmul.f32 v17, v8  }
0x4b1: {  	v24 =	vmul.f32 v21, v21;
	v21 =	vmul.f32 v21, v7  }
0x4b2: {  	p0 =	sne.s32 s2, $0x1  }
.Ltmp64:
0x4b3: {  	v18 =	vmul.f32 v17, v17;
	v63 =	vadd.f32 v21, v22;
	v22 =	vld.idx.msk [tilespmem:v15+s22+$0x0], vm1;
	(pc) =	sbr.rel @!p0 .LBB2_92-.Ltmp64, $4  }
0x4b4: {  	_ = 	snop  }
0x4b5: {  	s1 =	sadd.s32 $0x10, s1;
	v13 =	vmul.f32 v19, v19;
	v20 =	vmul.f32 v19, v9;
	v19 =	vld.idx.msk [tilespmem:v15+s21+$0x0], vm3;
	v18 =	vadd.f32 v24, v18  }
0x4b6: {  	v28 =	vadd.s32 s1, v1;
	v17 =	vld.idx.msk [tilespmem:v15+s4+$0x0], vm3  }
0x4b7: {  	s2 =	sadd.s32 $0xFFFFFFFF, s2;
	p3 =	por $0x1, $0x1;
	v21 =	vld.idx.msk [tilespmem:v15+s20+$0x0], vm3;
	vm3 =	vlt.s32 v28, v23;
	v18 =	vadd.f32 v13, v18;
	v20 =	vadd.f32 v20, v63  }
0x4b8: {  	_ =	sdelay $0x1  }
0x4b9: {  	vm4 =	vmmov vm1;
	vm1 =	vmmov vm3  }
0x4ba: {  	v13 =	vadd.f32 v18, v10;
	v24 =	vmul.f32 v19, v19;
	v25 =	vmul.f32 v19, v9  }
0x4bb: {  	v19 =	vadd.f32 v20, v20;
	v27 =	vmul.f32 v17, v17;
	v29 =	vmul.f32 v21, v21  }
0x4bc: {  	p0 =	sne.s32 s2, $0x1;
	v30 =	vmul.f32 v17, v8  }
.Ltmp65:
0x4bd: {  	v21 =	vmul.f32 v21, v7;
	v26 =	vsub.f32 v13, v19;
	v27 =	vadd.f32 v29, v27;
	(pc) =	sbr.rel @!p0 .LBB2_94-.Ltmp65, $4  }
0x4be: {  	vm5 =	vge.f32 v16, $5.000000000e-01;
	s1 =	sadd.s32 $0x10, s1;
	vm7 =	vmmov vm2;
	v17 =	vld.idx.msk [tilespmem:v28+s4+$0x0], vm3  }
0x4bf: {  	v19 =	vld.idx.msk [tilespmem:v28+s21+$0x0], vm3;
	v13 =	vadd.s32 s1, v1;
	v30 =	vadd.f32 v21, v30;
	vm6 =	vle.f32 v26, $1.000000000e+00  }
0x4c0: {  	v21 =	vld.idx.msk [tilespmem:v28+s20+$0x0], vm3;
	vm3 =	vlt.s32 v13, v23;
	vm5 =	vmand vm5, vm6;
	v29 =	vadd.f32 v24, v27  }
0x4c1: {  	s2 =	sadd.s32 $0xFFFFFFFF, s2;
	p4 =	por $0x1, $0x1;
	v32 =	vld.idx.msk [tilespmem:v28+s22+$0x0], vm1;
	v30 =	vadd.f32 v25, v30;
	vm5 =	vmand vm7, vm5;
	v24 =	vmovc v14;
	v25 =	vmovc v11;
	v27 =	vmov v12  }
.LBB2_95:
0x4c2: {  	vm6 =	vge.f32 v22, $5.000000000e-01;
	v31 =	vnsel vm5, $0x7F800000, v26;
	vm7 =	vlt.s32 v24, v25  }
0x4c3: {  	p0 =	sne.s32 s2, $0x1;
	s2 =	sadd.s32 $0xFFFFFFFF, s2;
	vm5 =	vmmov vm4;
	vm4 =	vmmov vm1;
	vm1 =	vmmov vm3  }
0x4c4: {  	v33 =	vmul.f32 v19, v19;
	v34 =	vmul.f32 v19, v9;
	v36 =	vadd.f32 v29, v10  }
0x4c5: {  	v29 =	vmul.f32 v17, v17;
	v35 =	vmul.f32 v17, v8;
	v17 =	vadd.f32 v30, v30  }
0x4c6: {  	vm8 =	veq.f32 v31, v27;
	v30 =	vmul.f32 v21, v21;
	v21 =	vmul.f32 v21, v7  }
.Ltmp66:
0x4c7: {  	vm9 =	vlt.f32 v31, v27;
	vm7 =	vmand vm7, vm8;
	v26 =	vsub.f32 v36, v17;
	v22 =	vmovc v32;
	v19 =	vld.idx.msk [tilespmem:v13+s21+$0x0], vm3;
	(pc) =	sbr.rel @p0 .LBB2_95-.Ltmp66, $4  }
0x4c8: {  	s1 =	sadd.s32 $0x10, s1;
	vm7 =	vmor vm9, vm7;
	v29 =	vadd.f32 v30, v29;
	v30 =	vadd.f32 v21, v35;
	v17 =	vld.idx.msk [tilespmem:v13+s4+$0x0], vm3  }
0x4c9: {  	v35 =	vadd.s32 s1, v1;
	v25 =	vsel vm7, v24, v25;
	v24 =	vmovc v15;
	v15 =	vmovc v28;
	vm8 =	vle.f32 v26, $1.000000000e+00;
	v21 =	vld.idx.msk [tilespmem:v13+s20+$0x0], vm3  }
0x4ca: {  	v28 =	vmovc v13;
	vm3 =	vlt.s32 v35, v23;
	v29 =	vadd.f32 v33, v29;
	vm6 =	vmand vm6, vm8;
	v32 =	vld.idx.msk [tilespmem:v13+s22+$0x0], vm1  }
0x4cb: {  	v27 =	vsel vm7, v31, v27;
	v30 =	vadd.f32 v34, v30;
	vm5 =	vmand vm5, vm6;
	v13 =	vmovc v35  }
0x4cc: {  	_ =	sdelay $0x2  }
0x4cd: {  	v23 =	vmovc v22;
	v31 =	vmov v15;
	v15 =	vmov v28;
	v22 =	vmov v32  }
.LBB2_97:
0x4ce: {  	vm6 =	vge.f32 @p3 v23, $5.000000000e-01;
	v23 =	vnsel @p4 vm5, $0x7F800000, v26  }
0x4cf: {  	vm5 =	vlt.s32 @p4 v24, v25;
	vm7 =	vmmov @p3 vm4;
	vm14 =	vmmov vm3  }
0x4d0: {  	v26 =	vmul.f32 @p2 v19, v19;
	v19 =	vmul.f32 @p2 v19, v9;
	v28 =	vadd.f32 @p3 v29, v10  }
0x4d1: {  	v29 =	vmul.f32 @p2 v17, v17;
	v17 =	vmul.f32 @p2 v17, v8;
	v30 =	vadd.f32 @p3 v30, v30  }
0x4d2: {  	v32 =	vmul.f32 @p2 v21, v21;
	v21 =	vmul.f32 @p2 v21, v7;
	vm1 =	vmmov @p2 vm1  }
0x4d3: {  	v16 =	vpsel p2, v22, v16;
	v14 =	vpsel p2, v15, v14;
	vm8 =	veq.f32 @p4 v23, v27  }
0x4d4: {  	v57 =	vld.idx.msk [tilespmem:v13+s21+$0x0], vm3;
	vm9 =	vlt.f32 @p4 v23, v27;
	vm2 =	vmmov @p2 vm1;
	vm1 =	vge.f32 @p2 v16, $5.000000000e-01  }
0x4d5: {  	v58 =	vld.idx.msk [tilespmem:v13+s4+$0x0], vm3;
	v28 =	vsub.f32 @p3 v28, v30;
	vm5 =	vmand @p4 vm5, vm8;
	v29 =	vadd.f32 @p2 v32, v29  }
0x4d6: {  	vm15 =	vmmov vm14;
	v17 =	vadd.f32 @p2 v21, v17;
	vm5 =	vmor @p4 vm9, vm5  }
0x4d7: {  	vm8 =	vle.f32 @p3 v28, $1.000000000e+00;
	v21 =	vsel @p4 vm5, v24, v25;
	v24 =	vadd.f32 @p2 v26, v29  }
0x4d8: {  	v17 =	vadd.f32 @p2 v19, v17;
	v25 =	vmovc @p3 v31;
	v23 =	vsel @p4 vm5, v23, v27;
	v26 =	vpsel p3, v28, v0  }
0x4d9: {  	vm6 =	vmand @p3 vm6, vm8;
	v25 =	vpsel p3, v25, v0;
	v60 =	vmul.f32 v57, v57;
	v59 =	vld.idx.msk [tilespmem:v13+s20+$0x0], vm14  }
0x4da: {  	v21 =	vpsel p4, v21, v11;
	v9 =	vmul.f32 v57, v9;
	v61 =	vmul.f32 v58, v58  }
0x4db: {  	v8 =	vmul.f32 v58, v8;
	vm6 =	vmand @p3 vm7, vm6;
	v18 =	vpsel p2, v24, v18  }
0x4dc: {  	v17 =	vpsel p2, v17, v20;
	v20 =	vpsel p4, v23, v12;
	vm3 =	vmmov @p3 vm6  }
0x4dd: {  	v18 =	vadd.f32 @p2 v18, v10;
	v17 =	vadd.f32 @p2 v17, v17;
	v15 =	vnsel @p3 vm3, $0x7F800000, v26  }
0x4de: {  	vm3 =	vlt.s32 @p3 v25, v21;
	v62 =	vmul.f32 v59, v59;
	v7 =	vmul.f32 v59, v7  }
0x4df: {  	vm5 =	veq.f32 @p3 v15, v20;
	v17 =	vsub.f32 @p2 v18, v17;
	vm6 =	vlt.f32 @p3 v15, v20  }
0x4e0: {  	vm3 =	vmand @p3 vm3, vm5;
	v63 =	vadd.f32 v62, v61;
	v7 =	vadd.f32 v7, v8  }
0x4e1: {  	vm2 =	vmmov @p2 vm2;
	vm3 =	vmor @p3 vm6, vm3;
	vm6 =	vle.f32 @p2 v17, $1.000000000e+00  }
0x4e2: {  	vm1 =	vmand @p2 vm1, vm6;
	v8 =	vld.idx.msk [tilespmem:v13+s22+$0x0], vm14;
	v16 =	vadd.f32 v60, v63;
	v7 =	vadd.f32 v9, v7  }
0x4e3: {  	v14 =	vpsel p2, v14, v0;
	v15 =	vsel @p3 vm3, v15, v20;
	vm1 =	vmand @p2 vm2, vm1  }
0x4e4: {  	v15 =	vpsel p3, v15, v12;
	v10 =	vadd.f32 v16, v10;
	v7 =	vadd.f32 v7, v7  }
0x4e5: {  	vm1 =	vmmov @p2 vm1;
	v9 =	vsel @p3 vm3, v25, v21;
	v16 =	vpsel p2, v17, v0  }
0x4e6: {  	v9 =	vpsel p3, v9, v11;
	v16 =	vnsel @p2 vm1, $0x7F800000, v16;
	v7 =	vsub.f32 v10, v7  }
0x4e7: {  	vm2 =	vlt.s32 @p2 v14, v9;
	vm1 =	vge.f32 v8, $5.000000000e-01;
	vm3 =	veq.f32 @p2 v16, v15  }
0x4e8: {  	vm4 =	vlt.f32 @p2 v16, v15;
	vm2 =	vmand @p2 vm2, vm3;
	vm3 =	vle.f32 v7, $1.000000000e+00  }
0x4e9: {  	vm5 =	vmmov vm15;
	vm2 =	vmor @p2 vm4, vm2;
	vm1 =	vmand vm1, vm3  }
0x4ea: {  	v8 =	vsel @p2 vm2, v14, v9;
	v9 =	vsel @p2 vm2, v16, v15;
	vm1 =	vmand vm5, vm1  }
0x4eb: {  	v8 =	vpsel p2, v8, v11;
	v9 =	vpsel p2, v9, v12;
	v7 =	vnsel vm1, $0x7F800000, v7  }
0x4ec: {  	vm1 =	vlt.s32 v13, v8;
	vm2 =	veq.f32 v7, v9  }
0x4ed: {  	vm3 =	vlt.f32 v7, v9;
	vm1 =	vmand vm1, vm2  }
0x4ee: {  	vm1 =	vmor vm3, vm1  }
0x4ef: {  	v11 =	vsel vm1, v13, v8;
	v12 =	vsel vm1, v7, v9  }
.LBB2_98:
0x4f0: {  	(xrf0) =	vmin.scan.msk.f32 $0xffff, v12;
	_ =	sdelay $0x5  }
0x4f1: {  	v7, _, _ =	vpop (xrf0)  }
0x4f2: {  	v8 =	vbroadcast v7, $0xF;
	_ =	sdelay $0x1  }
0x4f3: {  	vm1 =	veq.f32 v12, v8;
	v8 =	vxor.u32 $0x80000000, v11  }
0x4f4: {  	v8 =	vnsel vm1, $0xC0000000, v8  }
0x4f5: {  	(xrf0) =	vmin.scan.msk.u32 $0xffff, v8;
	_ =	sdelay $0x5  }
0x4f6: {  	(v2sf) =	vpush v7, $0xF;
	v7, _, _ =	vpop (xrf0)  }
0x4f7: {  	(v2sf) =	vpush v7, $0xF;
	_ =	sdelay $0xd  }
0x4f8: {  	s1 =	spop (v2sf)  }
0x4f9: {  	s0 =	spop (v2sf)  }
0x4fa: {  	p0 =	slt.f32 s1, $+Inf;
	s2 =	sxor.u32 $0x80000000, s0  }
0x4fb: {  	s0 =	smov.u32 s2  }
0x4fc: {  	s0 =	simm.s32 @!p0 $0x0  }
0x4fd: {  	v7 =	vmov s0;
	_ =	sdelay $0x4  }
.Ltmp67:
0x4fe: {  	v7 =	vld.idx.msk [tilespmem:v7+s22+$0x0], $0xffff;
	(pc) =	sbr.rel .LBB2_100-.Ltmp67, $1  }
0x4ff: {  	_ =	sdelay $0x3  }
.LBB2_52:
.Ltmp68:
0x500: {  	(pc) =	sbr.rel .LBB2_61-.Ltmp68, $2  }
0x501: {  	_ =	sdelay $0x2  }
0x502: {  	v13 =	vmov v14;
	v25 =	vimm.s32 $0x40000000;
	v26 =	vimm.f32 $+Inf  }
.LBB2_64:
.Ltmp69:
0x503: {  	(pc) =	sbr.rel .LBB2_73-.Ltmp69, $2  }
0x504: {  	_ =	sdelay $0x2  }
0x505: {  	v13 =	vmov v14;
	v25 =	vmov v11;
	v27 =	vmov v12  }
.LBB2_76:
.Ltmp70:
0x506: {  	(pc) =	sbr.rel .LBB2_85-.Ltmp70, $2  }
0x507: {  	_ =	sdelay $0x2  }
0x508: {  	v13 =	vmov v14;
	v25 =	vmov v11;
	v27 =	vmov v12  }
.LBB2_88:
.Ltmp71:
0x509: {  	(pc) =	sbr.rel .LBB2_97-.Ltmp71, $2  }
0x50a: {  	_ =	sdelay $0x2  }
0x50b: {  	v13 =	vmov v14;
	v25 =	vmov v11;
	v27 =	vmov v12  }
.LBB2_54:
.Ltmp72:
0x50c: {  	_ = 	snop;
	(pc) =	sbr.rel .LBB2_61-.Ltmp72, $2  }
0x50d: {  	_ =	sdelay $0x2  }
0x50e: {  	v13 =	vmovc v15;
	v15 =	vmovc v14;
	v25 =	vimm.s32 $0x40000000;
	v26 =	vimm.f32 $+Inf;
	v22 =	vmov v16  }
.LBB2_66:
.Ltmp73:
0x50f: {  	_ = 	snop;
	(pc) =	sbr.rel .LBB2_73-.Ltmp73, $2  }
0x510: {  	_ =	sdelay $0x2  }
0x511: {  	v13 =	vmovc v15;
	v15 =	vmovc v14;
	v25 =	vmov v11;
	v27 =	vmov v12;
	v22 =	vmov v16  }
.LBB2_78:
.Ltmp74:
0x512: {  	_ = 	snop;
	(pc) =	sbr.rel .LBB2_85-.Ltmp74, $2  }
0x513: {  	_ =	sdelay $0x2  }
0x514: {  	v13 =	vmovc v15;
	v15 =	vmovc v14;
	v25 =	vmov v11;
	v27 =	vmov v12;
	v22 =	vmov v16  }
.LBB2_90:
.Ltmp75:
0x515: {  	_ = 	snop;
	(pc) =	sbr.rel .LBB2_97-.Ltmp75, $2  }
0x516: {  	_ =	sdelay $0x2  }
0x517: {  	v13 =	vmovc v15;
	v15 =	vmovc v14;
	v25 =	vmov v11;
	v27 =	vmov v12;
	v22 =	vmov v16  }
.LBB2_56:
.Ltmp76:
0x518: {  	(pc) =	sbr.rel .LBB2_61-.Ltmp76, $3  }
0x519: {  	_ =	sdelay $0x1  }
0x51a: {  	v23 =	vmov v16;
	v25 =	vimm.s32 $0x40000000;
	vm4 =	vmmov vm2  }
0x51b: {  	v26 =	vimm.f32 $+Inf;
	v13 =	vmovc v28;
	v31 =	vmovc v14;
	v29 =	vmov v18;
	v30 =	vmov v20  }
.LBB2_68:
.Ltmp77:
0x51c: {  	(pc) =	sbr.rel .LBB2_73-.Ltmp77, $3  }
0x51d: {  	_ =	sdelay $0x1  }
0x51e: {  	v23 =	vmov v16;
	v25 =	vmov v11;
	vm4 =	vmmov vm2  }
0x51f: {  	v27 =	vmovc v12;
	v13 =	vmovc v28;
	v31 =	vmov v14;
	v29 =	vmov v18;
	v30 =	vmov v20  }
.LBB2_80:
.Ltmp78:
0x520: {  	(pc) =	sbr.rel .LBB2_85-.Ltmp78, $3  }
0x521: {  	_ =	sdelay $0x1  }
0x522: {  	v23 =	vmov v16;
	v25 =	vmov v11;
	vm4 =	vmmov vm2  }
0x523: {  	v27 =	vmovc v12;
	v13 =	vmovc v28;
	v31 =	vmov v14;
	v29 =	vmov v18;
	v30 =	vmov v20  }
.LBB2_92:
.Ltmp79:
0x524: {  	(pc) =	sbr.rel .LBB2_97-.Ltmp79, $3  }
0x525: {  	_ =	sdelay $0x1  }
0x526: {  	v23 =	vmov v16;
	v25 =	vmov v11;
	vm4 =	vmmov vm2  }
0x527: {  	v27 =	vmovc v12;
	v13 =	vmovc v28;
	v31 =	vmov v14;
	v29 =	vmov v18;
	v30 =	vmov v20  }
.LBB2_58:
.Ltmp80:
0x528: {  	_ = 	snop;
	(pc) =	sbr.rel .LBB2_61-.Ltmp80, $3  }
0x529: {  	_ =	sdelay $0x1  }
0x52a: {  	v23 =	vmov v22;
	v31 =	vmov v15  }
0x52b: {  	v24 =	vmovc v14;
	v25 =	vimm.s32 $0x40000000;
	v26 =	vimm.f32 $+Inf;
	v15 =	vmovc v28;
	v22 =	vmov v32  }
.LBB2_70:
.Ltmp81:
0x52c: {  	_ = 	snop;
	(pc) =	sbr.rel .LBB2_73-.Ltmp81, $3  }
0x52d: {  	_ =	sdelay $0x1  }
0x52e: {  	v23 =	vmov v22;
	v31 =	vmov v15  }
0x52f: {  	v24 =	vmovc v14;
	v25 =	vmovc v11;
	v27 =	vmov v12;
	v15 =	vmov v28;
	v22 =	vmov v32  }
.LBB2_82:
.Ltmp82:
0x530: {  	_ = 	snop;
	(pc) =	sbr.rel .LBB2_85-.Ltmp82, $3  }
0x531: {  	_ =	sdelay $0x1  }
0x532: {  	v23 =	vmov v22;
	v31 =	vmov v15  }
0x533: {  	v24 =	vmovc v14;
	v25 =	vmovc v11;
	v27 =	vmov v12;
	v15 =	vmov v28;
	v22 =	vmov v32  }
.LBB2_94:
.Ltmp83:
0x534: {  	_ = 	snop;
	(pc) =	sbr.rel .LBB2_97-.Ltmp83, $3  }
0x535: {  	_ =	sdelay $0x1  }
0x536: {  	v23 =	vmov v22;
	v31 =	vmov v15  }
0x537: {  	v24 =	vmovc v14;
	v25 =	vmovc v11;
	v27 =	vmov v12;
	v15 =	vmov v28;
	v22 =	vmov v32  }
.LBB2_105:
0x538: {  	_ =	sfence.sel $0x180000  }
0x539: {  	[bflag:$0x0] =	sbarrier.arrive $0xFFFF  }
0x53a: {  	_ =	strace $0x90000062  }
0x53b: {  	s0 =	stileid.u32;
	[bflag:$0x2] =	sbarrier.arrive $0xFFFF  }
0x53c: {  	p0 =	sne.s32 s0, $0x0;
	s0 =	rddreg [dreg:$0x4]  }
0x53d: {  	s0 =	sadd.s32 @!p0 $0x100000, s0  }
0x53e: {  	[sflag:s0] =	ssyncadd.tile.s32 @!p0 $0x1;
	_ =	shalt  }
.Lfunc_end2:
_tile_overlayer_lowered:
.L_overlay_start_2:
0x53f: {  	(tag) =	ssettag $0x2  }
0x540: {  	s0 =	rddreg [dreg:$0x0];
	s2 =	stileid.u32  }
0x541: {  	s1 =	rddreg [dreg:$0x1];
	p0 =	sne.s32 s2, $0x0  }
0x542: {  	s3 =	rddreg [dreg:$0x2];
	[bflag:$0x3] =	sbarrier.arrive $0xFFFF;
	s2 =	simm.s32 @!p0 $0x1C01  }
0x543: {  	[timem:s3], [sflag:s2] =	dma.local @!p0 [hbm:s0], s1  }
0x544: {  	s0 =	simm.s32 @!p0 $0x1  }
0x545: {  	_ =	swait.ge @!p0 [sflag:s0], s1  }
0x546: {  	s1 =	ssub.s32 @!p0 $0x0, s1;
	[sflag:s0] =	ssyncset.done @!p0 $0x0  }
0x547: {  	[sflag:s0] =	ssyncadd.s32 @!p0 s1  }
0x548: {  	[bflag:$0x3] =	sbarrier.arrive $0xFFFF  }
0x549: {  	_ =	shalt  }

// kernel: scatter_offload_async_start
scs
__scs_entry_jumppad:
0x0: {  	(pc) =	sbr.rel $0x88, $3  }
0x1: {  	(tag) =	ssettag $0x0;
	lr =	simm.s32 $0x1  }
0x2: {  	[smem:$0x3F9F] =	sst lr;
	_ =	strace $0xD0000000  }
0x3: {  	_ = 	snop  }
0x4: {  	_ = 	snop  }
0x5: {  	_ = 	snop  }
0x6: {  	_ = 	snop  }
0x7: {  	_ = 	snop  }
__scs_overlays_trampoline_lowered:
0x8: {  	[smem:$0x3FAE] =	sst s0  }
0x9: {  	[smem:$0x3FAF] =	sst s1  }
0xa: {  	[smem:$0x3FB0] =	sst s2  }
0xb: {  	[smem:$0x3FB1] =	sst s3  }
0xc: {  	[smem:$0x3FB2] =	sst s4  }
0xd: {  	[smem:$0x3FB3] =	sst s5  }
0xe: {  	[smem:$0x3FB4] =	sst s6  }
0xf: {  	[smem:$0x3FB5] =	sst s7  }
0x10: {  	[smem:$0x3FB6] =	sst s8  }
0x11: {  	[smem:$0x3FB7] =	sst s9;
	s0 =	simm.s32 @!p0 $0x0  }
0x12: {  	s1 =	sld [smem:$0x3F9D];
	s0 =	simm.s32 @p0 $0x1  }
0x13: {  	[smem:$0x3FB8] =	sst s0;
	s0 =	simm.s32 @!p1 $0x0  }
0x14: {  	s2 =	sld [smem:$0x3F9C];
	s0 =	simm.s32 @p1 $0x1  }
0x15: {  	[smem:$0x3FB9] =	sst s0;
	s0 =	simm.s32 @!p2 $0x0  }
0x16: {  	s3 =	sld [smem:$0x3FDB];
	s0 =	simm.s32 @p2 $0x1  }
0x17: {  	s4 =	simm.s32 $0x1BF5;
	[smem:$0x3FBB] =	sst s0  }
0x18: {  	s0 =	sld [smem:$0x3F9E];
	_ =	swait.ge [sflag:s4], $0x0  }
0x19: {  	s7 =	sld [smem:$0x3F9F]  }
0x1a: {  	s8 =	sadd.s32 $0xFFFFE003, lr  }
0x1b: {  	s9 =	sadd.s32 $0xFFFFFEF7, lr;
	s5 =	simm.s32 $0xFFFFFFFF;
	p2 =	slt.u32 s8, $0xFFFFF086  }
0x1c: {  	p1 =	slt.u32 s9, $0xF7A;
	s5 =	simm.s32 @!p2 $0x0  }
0x1d: {  	s5 =	simm.s32 @p1 $0x1;
	p0 =	seq.s32 s7, s2  }
0x1e: {  	s7 =	smul.u32 @!p0 $0xF7A, s2;
	p2 =	seq.s32 @!p0 s5, $0x0  }
0x1f: {  	s9 =	smul.u32 $0xF7A, s1;
	s8 =	simm.s32 @!p0 $0x1BF5;
	p2 =	por !p2, p0  }
0x20: {  	[sflag:s8] =	ssyncset.s32 @!p0 $0xFFFFF086;
	s6 =	sadd.s32 @!p0 s3, s7;
	s7 =	simm.s32 @!p0 $0x108  }
0x21: {  	s3 =	sadd.s32 s3, s9;
	s6 =	sadd.s32 @!p0 $0x88, s6;
	s7 =	simm.s32 @p2 $0x1082  }
0x22: {  	[simem:s7], [sflag:s8] =	dma.local @!p0 [hbm:s6], $0xF7A  }
0x23: {  	s9 =	sor.u32 $0xD0000000, s2;
	s6 =	simm.s32 $0x108;
	_ =	swait.ge @!p0 [sflag:s8], $0x0  }
0x24: {  	s3 =	sadd.s32 $0x88, s3;
	s6 =	simm.s32 @!p1 $0x1082;
	[sflag:s4] =	ssyncset.s32 $0xFFFFF086  }
0x25: {  	[simem:s6], [sflag:s4] =	dma.local [hbm:s3], $0xF7A  }
0x26: {  	[smem:$0x3F9F] =	sst s1;
	(tag) =	ssettag s2;
	_ =	strace s9  }
0x27: {  	s1 =	sld [smem:$0x3FAF]  }
0x28: {  	s2 =	sld [smem:$0x3FB0]  }
0x29: {  	s4 =	sld [smem:$0x3FB2]  }
0x2a: {  	p0 =	seq.s32 s5, $0x0;
	s5 =	sld [smem:$0x3FB3]  }
0x2b: {  	s6 =	sld [smem:$0x3FB4]  }
0x2c: {  	s7 =	sld [smem:$0x3FB5]  }
0x2d: {  	s3 =	simm.s32 $0x108;
	s8 =	sld [smem:$0x3FB6]  }
0x2e: {  	s3 =	simm.s32 @!p0 $0x1082;
	s9 =	sld [smem:$0x3FB7]  }
0x2f: {  	lr =	sadd.s32 s0, s3;
	s0 =	sld [smem:$0x3FAE]  }
0x30: {  	s3 =	sld [smem:$0x3FB1]  }
0x31: {  	[smem:$0x3FBA] =	sst s10  }
0x32: {  	s10 =	sld [smem:$0x3FB8];
	_ =	sdelay $0x3  }
0x33: {  	p0 =	seq.s32 s10, $0x1;
	s10 =	sld [smem:$0x3FBA];
	_ =	sdelay $0x3  }
0x34: {  	[smem:$0x3FBA] =	sst s10  }
0x35: {  	s10 =	sld [smem:$0x3FB9];
	_ =	sdelay $0x3  }
0x36: {  	p1 =	seq.s32 s10, $0x1;
	s10 =	sld [smem:$0x3FBA];
	_ =	sdelay $0x3  }
0x37: {  	[smem:$0x3FBA] =	sst s10  }
0x38: {  	s10 =	sld [smem:$0x3FBB]  }
0x39: {  	_ = 	snop;
	(pc) =	sbr.ind lr, $3  }
0x3a: {  	_ = 	snop  }
0x3b: {  	_ = 	snop  }
0x3c: {  	p2 =	seq.s32 s10, $0x1;
	s10 =	sld [smem:$0x3FBA]  }
0x3d: {  	_ =	shalt  }
0x3e: {  	_ =	shalt  }
0x3f: {  	_ =	shalt  }
0x40: {  	_ =	shalt  }
0x41: {  	_ =	shalt  }
0x42: {  	_ =	shalt  }
0x43: {  	_ =	shalt  }
0x44: {  	_ =	shalt  }
0x45: {  	_ =	shalt  }
0x46: {  	_ =	shalt  }
0x47: {  	_ =	shalt  }
0x48: {  	_ =	shalt  }
0x49: {  	_ =	shalt  }
0x4a: {  	_ =	shalt  }
0x4b: {  	_ =	shalt  }
0x4c: {  	_ =	shalt  }
0x4d: {  	_ =	shalt  }
0x4e: {  	_ =	shalt  }
0x4f: {  	_ =	shalt  }
0x50: {  	_ =	shalt  }
0x51: {  	_ =	shalt  }
0x52: {  	_ =	shalt  }
0x53: {  	_ =	shalt  }
0x54: {  	_ =	shalt  }
0x55: {  	_ =	shalt  }
0x56: {  	_ =	shalt  }
0x57: {  	_ =	shalt  }
0x58: {  	_ =	shalt  }
0x59: {  	_ =	shalt  }
0x5a: {  	_ =	shalt  }
0x5b: {  	_ =	shalt  }
0x5c: {  	_ =	shalt  }
0x5d: {  	_ =	shalt  }
0x5e: {  	_ =	shalt  }
0x5f: {  	_ =	shalt  }
0x60: {  	_ =	shalt  }
0x61: {  	_ =	shalt  }
0x62: {  	_ =	shalt  }
0x63: {  	_ =	shalt  }
0x64: {  	_ =	shalt  }
0x65: {  	_ =	shalt  }
0x66: {  	_ =	shalt  }
0x67: {  	_ =	shalt  }
0x68: {  	_ =	shalt  }
0x69: {  	_ =	shalt  }
0x6a: {  	_ =	shalt  }
0x6b: {  	_ =	shalt  }
0x6c: {  	_ =	shalt  }
0x6d: {  	_ =	shalt  }
0x6e: {  	_ =	shalt  }
0x6f: {  	_ =	shalt  }
0x70: {  	_ =	shalt  }
0x71: {  	_ =	shalt  }
0x72: {  	_ =	shalt  }
0x73: {  	_ =	shalt  }
0x74: {  	_ =	shalt  }
0x75: {  	_ =	shalt  }
0x76: {  	_ =	shalt  }
0x77: {  	_ =	shalt  }
0x78: {  	_ =	shalt  }
0x79: {  	_ =	shalt  }
0x7a: {  	_ =	shalt  }
0x7b: {  	_ =	shalt  }
0x7c: {  	_ =	shalt  }
0x7d: {  	_ =	shalt  }
0x7e: {  	_ =	shalt  }
0x7f: {  	_ =	shalt  }
0x80: {  	_ =	shalt  }
0x81: {  	_ =	shalt  }
0x82: {  	_ =	shalt  }
0x83: {  	_ =	shalt  }
0x84: {  	_ =	shalt  }
0x85: {  	_ =	shalt  }
0x86: {  	_ =	shalt  }
0x87: {  	_ =	shalt  }
.Lfunc_end0:
.L_simem_size_0:
called_computation_lowered:
.L_overlay_start_0:
0x88: {  	s0 =	sld [smem:$0x3FD9]  }
0x89: {  	s1 =	sld [smem:$0x3FFE];
	_ =	sdelay $0x3  }
0x8a: {  	s0 =	sadd.s32 s1, s0  }
0x8b: {  	[smem:$0x3FC6] =	sst s0  }
0x8c: {  	_ = 	snop  }
0x8d: {  	(tm) =	ssettm $0x1  }
0x8e: {  	s15 =	sld [smem:$0x3FFB];
	_ =	sdelay $0x3  }
0x8f: {  	_ =	strace s15  }
0x90: {  	s0 =	sld [smem:$0x3FFC];
	_ =	sdelay $0x3  }
0x91: {  	_ =	strace s0  }
0x92: {  	s0 =	sld [smem:$0x3FFD];
	_ =	sdelay $0x3  }
0x93: {  	_ =	strace s0  }
0x94: {  	_ =	strace $0x8FFFFFFF  }
0x95: {  	s16 =	sld [smem:$0x3FDB];
	_ =	sdelay $0x1  }
0x96: {  	s17 =	simm.s32 $_scs_section_size  }
0x97: {  	s2 =	simm.s32 $_size__tile_overlayer_lowered;
	s3 =	simm.s32 $_tile_overlayer_lowered  }
0x98: {  	s20 =	simm.s32 $0x1BFF;
	s19 =	sshll.u32 s3, $0x1;
	s0 =	sadd.s32 s17, s16  }
0x99: {  	s4 =	simm.s32 $0x0;
	s18 =	sshll.u32 s2, $0x1;
	s2 =	sadd.s32 s19, s0  }
0x9a: {  	[timem:s4], [sflag:s20] =	dma.local [hbm:s2], s18  }
0x9b: {  	_ =	swait.ge [sflag:s20], s18  }
0x9c: {  	s1 =	ssub.s32 $0x0, s18;
	[sflag:s20] =	ssyncset.done $0x0  }
0x9d: {  	[sflag:s20] =	ssyncadd.s32 s1;
	_ =	sdelay $0x1  }
0x9e: {  	s21 =	simm.s32 $0x1B8B  }
0x9f: {  	_ =	swait.ge [sflag:s21], $0x1  }
0xa0: {  	[sflag:s21] =	ssyncset.done $0x0  }
0xa1: {  	s23 =	simm.s32 $0x1B8E;
	s22 =	sld [smem:$0x3FFE];
	[sflag:s21] =	ssyncadd.s32 $0xFFFFFFFF  }
0xa2: {  	s24 =	simm.s32 $execute0_lowered;
	[smem:$0x3FD2] =	sst s23  }
0xa3: {  	s2 =	sshll.u32 s24, $0x1;
	_ =	strace $0x80000046;
	[dreg:$0x1] =	wrdreg $0xFFFFFFFF  }
0xa4: {  	s25 =	simm.s32 $_size_execute0_lowered;
	s0 =	sadd.s32 s0, s2;
	[dreg:$0x0] =	wrdreg $0x0  }
0xa5: {  	s2 =	sshll.u32 s25, $0x1;
	[dreg:$0x2] =	wrdreg s0  }
0xa6: {  	[dreg:$0x3] =	wrdreg s2  }
0xa7: {  	[dreg:$0x4] =	wrdreg $0xC0  }
0xa8: {  	_ =	task [dreg:s4], $0x5FFFF  }
0xa9: {  	[dreg:$0x1] =	wrdreg $0xFFFFFFFF  }
0xaa: {  	[dreg:$0x0] =	wrdreg $0x60  }
0xab: {  	[dreg:$0x2] =	wrdreg s22  }
0xac: {  	[dreg:$0x3] =	wrdreg $0x9  }
0xad: {  	_ =	task.clear_ibuf [dreg:s4], $0x4FFFF;
	_ =	strace $0x90000046  }
0xae: {  	s26 =	simm.s32 $0x9;
	_ =	strace $0x80000048  }
0xaf: {  	_ =	swait.ge [sflag:s26], $0x1  }
0xb0: {  	[sflag:s26] =	ssyncadd.s32 $0xFFFFFFFF  }
0xb1: {  	_ =	strace $0x90000048  }
0xb2: {  	_ =	sfence  }
0xb3: {  	s28 =	sld [smem:$0x0];
	_ =	sdelay $0x1  }
0xb4: {  	s29 =	srdreg.scid  }
0xb5: {  	s30 =	sshll.u32 s29, $0xD;
	s31 =	sshrl.u32 s29, $0x2  }
0xb6: {  	s1 =	sand.u32 $0x1, s29;
	s2 =	sand.u32 $0x4000, s30;
	s0 =	sadd.s32 s31, s28  }
0xb7: {  	s1 =	sor.u32 s2, s1;
	s0 =	sshll.u32 s0, $0x11  }
0xb8: {  	s0 =	sor.u32 s0, s1  }
0xb9: {  	s0 =	sadd.s32 $0x8F2B, s0  }
0xba: {  	[sflag:s0] =	ssyncadd.remote.s32 $0x1  }
0xbb: {  	_ =	sfence.sel $0xFFFF  }
0xbc: {  	[dreg:$0x0] =	wrdreg $0xFFFFFFFF;
	(pc) =	sbr.abs _section_cstart, $3  }
0xbd: {  	[dreg:$0x1] =	wrdreg $0xFFFFFFFF  }
0xbe: {  	_ =	task.clear_ibuf [dreg:s4], $0x2FFFF;
	_ =	strace $0x9FFFFFFF  }
0xbf: {  	(tm) =	ssettm $0x7FFFFFFF  }
tec
execute0_lowered:
.L_overlay_start_1:
0x0: {  	(tag) =	ssettag $0x1  }
0x1: {  	s2 =	rddreg [dreg:$0x0]  }
0x2: {  	s0 =	rddreg [dreg:$0x1];
	_ =	strace $0x80000047;
	s3 =	stileid.u32  }
0x3: {  	s4 =	simm.s32 $0x3E;
	s1 =	sadd.s32 $0x8000, s2;
	p0 =	sne.s32 s3, $0x0  }
0x4: {  	[sflag:s4] =	ssyncpa.u1 $0x0;
	s5 =	simm.s32 @!p0 $0x1C3E;
	s6 =	simm.s32 @!p0 $0x0  }
0x5: {  	[spmem:s6], [sflag:s5] =	dma.local @!p0 [hbm:s1], $0x100  }
0x6: {  	s5 =	simm.s32 @!p0 $0x3E  }
0x7: {  	_ =	swait.ge @!p0 [sflag:s5], $0x100  }
0x8: {  	[sflag:s5] =	ssyncset.done @!p0 $0x0  }
0x9: {  	s26 =	simm.s32 $0x1;
	[sflag:s5] =	ssyncadd.s32 @!p0 $0xFFFFFF00  }
0xa: {  	s28 =	simm.s32 $0x2;
	s7 =	simm.s32 $0x580;
	[bflag:$0x0] =	sbarrier.arrive $0xFFFF  }
0xb: {  	s3 =	smul.u32 $0xA0, s3;
	s29 =	sadd.s32 $0x800, s2;
	[sflag:s4] =	ssyncpa.u1 $0x1  }
0xc: {  	s30 =	sadd.s32 $0x7600, s2;
	s2 =	simm.s32 $0x0;
	[sflag:s26] =	ssyncpa.u1 $0x0  }
0xd: {  	s5 =	sadd.s32 s29, s3;
	(ifvalue) =	ssetifvalue $0x800;
	[sflag:s28] =	ssyncpa.u1 $0x0  }
0xe: {  	[tilespmem:s7], [sflag:$0x2] =	stream.linear.gather [hbm4b:s5+s2], $0x500, $0x38;
	[tilespmem:$0x1480] =	vst v63  }
0xf: {  	s31 =	sadd.s32 s30, s3;
	s3 =	simm.s32 $0xF80  }
0x10: {  	[tilespmem:s3], [sflag:$0x2] =	stream.linear.gather [hbm4b:s31+s2], $0x500, $0x38;
	[tilespmem:$0x1480] =	vst v63  }
0x11: {  	_ =	swait.ge [sflag:s28], $0xA00  }
0x12: {  	[sflag:s28] =	ssyncset.done $0x0  }
0x13: {  	[sflag:s28] =	ssyncadd.s32 $0xFFFFF600  }
0x14: {  	v0 =	vld.msk [tilespmem:s7+$0x0 ss:$0x1], $0xffff;
	_ =	sdelay $0x4  }
0x15: {  	v0 =	vmin.u32 v0, $0x800;
	_ =	sdelay $0x3  }
0x16: {  	vm0 =	vmmov $0xffff;
	s4 =	simm.s32 $0x0;
	s5 =	simm.s32 $0x590  }
0x17: {  	[spmem:s2] =	stream.indirect_vreg.scatter.add.s32 [tilespmem:s3], [sflag:$0x1], $0x1, v0, vm0, $0x4038;
	[tilespmem:$0x1480] =	vst v63  }
.LBB2_1:
0x18: {  	v0 =	vld.msk [tilespmem:s5+$0x0 ss:$0x1], $0xffff;
	s4 =	sadd.s32 $0x10, s4  }
0x19: {  	p1 =	slt.u32 s4, $0x4F0;
	_ =	sdelay $0x4  }
0x1a: {  	v0 =	vmin.u32 v0, $0x800  }
.Ltmp0:
0x1b: {  	(pc) =	sbr.rel @p1 .LBB2_1-.Ltmp0, $3  }
0x1c: {  	_ =	sdelay $0x1  }
0x1d: {  	s5 =	sadd.s32 $0x10, s5;
	s3 =	sadd.s32 $0x10, s3  }
0x1e: {  	[spmem:s2] =	stream.indirect_vreg.scatter.add.s32 [tilespmem:s3], [sflag:$0x1], $0x1, v0, vm0, $0x4038;
	[tilespmem:$0x1480] =	vst v63  }
0x1f: {  	s2 =	simm.s32 $0x1  }
0x20: {  	_ =	swait.ge [sflag:s2], $0x500  }
0x21: {  	[sflag:s2] =	ssyncset.done $0x0  }
0x22: {  	[sflag:s2] =	ssyncadd.s32 $0xFFFFFB00  }
0x23: {  	_ =	sfence.sel $0x180000  }
0x24: {  	s3 =	simm.s32 $0x2;
	[bflag:$0x0] =	sbarrier.arrive $0xFFFF  }
0x25: {  	[sflag:s3] =	ssyncpa.u1 $0x1  }
0x26: {  	[sflag:s2] =	ssyncpa.u1 $0x1  }
0x27: {  	_ =	sfence.stream.spmem  }
0x28: {  	s31 =	simm.s32 $0x3D;
	[bflag:$0x0] =	sbarrier.arrive $0xFFFF  }
0x29: {  	s2 =	simm.s32 @p0 $0x3D;
	[sflag:s31] =	ssyncpa.u1 $0x0  }
0x2a: {  	[sflag:s2] =	ssyncpa.u1 @p0 $0x1  }
0x2b: {  	[bflag:$0x0] =	sbarrier.arrive @p0 $0xFFFF  }
0x2c: {  	_ =	strace @p0 $0x90000047  }
0x2d: {  	s3 =	simm.s32 @!p0 $0x1C3D;
	s2 =	simm.s32 @!p0 $0x0;
	[bflag:$0x2] =	sbarrier.arrive @p0 $0xFFFF  }
0x2e: {  	[hbm:s1], [sflag:s3] =	dma.local @!p0 [spmem:s2], $0x100  }
0x2f: {  	s1 =	simm.s32 @!p0 $0x3D  }
0x30: {  	_ =	swait.ge @!p0 [sflag:s1], $0x100  }
0x31: {  	[sflag:s1] =	ssyncset.done @!p0 $0x0  }
0x32: {  	[sflag:s1] =	ssyncadd.s32 @!p0 $0xFFFFFF00  }
0x33: {  	[sflag:s1] =	ssyncpa.u1 @!p0 $0x1  }
0x34: {  	[bflag:$0x0] =	sbarrier.arrive @!p0 $0xFFFF  }
0x35: {  	_ =	strace @!p0 $0x90000047  }
0x36: {  	s0 =	sadd.s32 @!p0 $0x100000, s0;
	[bflag:$0x2] =	sbarrier.arrive @!p0 $0xFFFF  }
0x37: {  	[sflag:s0] =	ssyncadd.tile.s32 @!p0 $0x1;
	_ =	shalt  }
.Lfunc_end2:
_tile_overlayer_lowered:
.L_overlay_start_2:
0x38: {  	(tag) =	ssettag $0x2  }
0x39: {  	s0 =	rddreg [dreg:$0x0];
	s2 =	stileid.u32  }
0x3a: {  	s1 =	rddreg [dreg:$0x1];
	p0 =	sne.s32 s2, $0x0  }
0x3b: {  	s3 =	rddreg [dreg:$0x2];
	[bflag:$0x3] =	sbarrier.arrive $0xFFFF;
	s2 =	simm.s32 @!p0 $0x1C01  }
0x3c: {  	[timem:s3], [sflag:s2] =	dma.local @!p0 [hbm:s0], s1  }
0x3d: {  	s0 =	simm.s32 @!p0 $0x1  }
0x3e: {  	_ =	swait.ge @!p0 [sflag:s0], s1  }
0x3f: {  	s1 =	ssub.s32 @!p0 $0x0, s1;
	[sflag:s0] =	ssyncset.done @!p0 $0x0  }
0x40: {  	[sflag:s0] =	ssyncadd.s32 @!p0 s1  }
0x41: {  	[bflag:$0x3] =	sbarrier.arrive $0xFFFF  }
0x42: {  	_ =	shalt  }

</sc_bundles>
